<compile_context>
chip_gen: v7x
topology: tpu7x:2x2x1
jax: 0.10.2.dev20260603
libtpu: 0.0.44.dev20260713+nightly
codegen_flags: <defaults>
</compile_context>

<pallas_src>
import functools

import jax
import jax.numpy as jnp
from jax import lax
from jax.experimental import pallas as pl
from jax.experimental.pallas import tpu as pltpu
from jax.experimental.pallas import tpu_sc as plsc

N = 10000
E = 320000
D = 128

NC = 2
NS = 16
NW = NC * NS

K = 120
CH = 84
E_PAD = NW * CH * K
PAD_ROWS = 112
N_PAD = N + PAD_ROWS
ROWS_PER_TILE = N_PAD // NS
OUT_ROWS_PER_TILE = 624
NBUF = 3
NDST = NBUF + 1


def _sc_body(h_hbm, src_hbm, dst_hbm, zeros_hbm, out_hbm,
             idx_v, rows_v, acc_sh, gsem, ssem, isem):
    c = lax.axis_index("c")
    s = lax.axis_index("s")
    w = c * NS + s

    def fire_idx(chunk, src_slot, dst_slot):
        base = (w * CH + chunk) * K
        pltpu.async_copy(src_hbm.at[pl.ds(base, K)], idx_v.at[src_slot],
                         isem)
        pltpu.async_copy(dst_hbm.at[pl.ds(base, K)], idx_v.at[NBUF + dst_slot],
                         isem)

    def wait_idx(src_slot, dst_slot):
        pltpu.make_async_copy(src_hbm.at[pl.ds(0, K)], idx_v.at[src_slot],
                              isem).wait()
        pltpu.make_async_copy(dst_hbm.at[pl.ds(0, K)],
                              idx_v.at[NBUF + dst_slot], isem).wait()

    def scatter_desc(buf, dst_slot):
        return pltpu.make_async_copy(rows_v.at[buf],
                                     acc_sh.at[idx_v.at[NBUF + dst_slot]],
                                     ssem)

    for t in range(NBUF):
        fire_idx(t, t, t)
    for t in range(NBUF - 1):
        wait_idx(t, t)
        pltpu.async_copy(h_hbm.at[idx_v.at[t]], rows_v.at[t], gsem)
    pltpu.sync_copy(zeros_hbm.at[pl.ds(s * ROWS_PER_TILE, ROWS_PER_TILE)],
                    acc_sh.at[pl.ds(s * ROWS_PER_TILE, ROWS_PER_TILE)])
    plsc.subcore_barrier()

    @pl.loop(0, CH, step=NBUF)
    def _chunks(j0):
        for i in range(NBUF):
            j = j0 + i
            b = i
            @pl.when(j > 0)
            def _():
                scatter_desc((b + 2) % NBUF, (j + NDST - 1) % NDST).wait()
            @pl.when(j + 2 < CH)
            def _():
                wait_idx((b + 2) % NBUF, (j + 2) % NDST)
                pltpu.async_copy(h_hbm.at[idx_v.at[(b + 2) % NBUF]],
                                 rows_v.at[(b + 2) % NBUF], gsem)
            pltpu.make_async_copy(h_hbm.at[idx_v.at[b]], rows_v.at[b],
                                  gsem).wait()
            @pl.when(j + NBUF < CH)
            def _():
                fire_idx(j + NBUF, b, (j + NBUF) % NDST)
            pltpu.async_copy(rows_v.at[b], acc_sh.at[idx_v.at[NBUF + j % NDST]],
                             ssem, add=True)

    scatter_desc((CH - 1) % NBUF, (CH - 1) % NDST).wait()

    plsc.subcore_barrier()
    base = s * OUT_ROWS_PER_TILE
    pltpu.sync_copy(acc_sh.at[pl.ds(base, OUT_ROWS_PER_TILE)],
                    out_hbm.at[pl.ds(c * N + base, OUT_ROWS_PER_TILE)])
    tail = NS * OUT_ROWS_PER_TILE
    @pl.when(s == NS - 1)
    def _():
        pltpu.sync_copy(acc_sh.at[pl.ds(tail, N - tail)],
                        out_hbm.at[pl.ds(c * N + tail, N - tail)])


_sc_aggregate = pl.kernel(
    _sc_body,
    out_type=jax.ShapeDtypeStruct((NC * N, D), jnp.float32),
    mesh=plsc.VectorSubcoreMesh(core_axis_name="c", subcore_axis_name="s"),
    scratch_types=[
        pltpu.VMEM((NBUF + NDST, K), jnp.int32),
        pltpu.VMEM((NBUF, K, D), jnp.float32),
        pltpu.VMEM_SHARED((N_PAD, D), jnp.float32),
        pltpu.SemaphoreType.DMA,
        pltpu.SemaphoreType.DMA,
        pltpu.SemaphoreType.DMA,
    ],
)


R = 1000
_row_spec = pl.BlockSpec((R, D), lambda i: (i, 0))
_full_spec = pl.BlockSpec((D, D), lambda i: (0, 0))


def _tc_combine_body(relu, p0_ref, p1_ref, h_ref, wl_ref, b_ref, wr_ref,
                     o_ref):
    aggr = p0_ref[...] + p1_ref[...]
    out = jnp.dot(aggr, wl_ref[...], preferred_element_type=jnp.float32)
    out = out + jnp.dot(h_ref[...], wr_ref[...],
                        preferred_element_type=jnp.float32)
    out = out + b_ref[...]
    if relu:
        out = jnp.maximum(out, 0.0)
    o_ref[...] = out


def _tc_combine(p, h, Wl, b, Wr, relu):
    p1_spec = pl.BlockSpec((R, D), lambda i: (i + N // R, 0))
    return pl.pallas_call(
        functools.partial(_tc_combine_body, relu),
        grid=(N // R,),
        in_specs=[_row_spec, p1_spec, _row_spec, _full_spec,
                  pl.BlockSpec((1, D), lambda i: (0, 0)), _full_spec],
        out_specs=_row_spec,
        out_shape=jax.ShapeDtypeStruct((N, D), jnp.float32),
    )(p, p, h, Wl, b.reshape(1, D), Wr)


def kernel(in_feat, edge_index, Wl0, b0, Wr0, Wl1, b1, Wr1, Wl2, b2, Wr2):
    src = edge_index[0].astype(jnp.int32)
    dst = edge_index[1].astype(jnp.int32)
    npad = E_PAD - E
    pad_ids = jnp.arange(npad, dtype=jnp.int32)
    src_p = jnp.concatenate([src, (pad_ids * 37) % N])
    dst_p = jnp.concatenate([dst, N + (pad_ids % PAD_ROWS)])
    zeros = jnp.zeros((N_PAD, D), jnp.float32)

    h = in_feat
    for Wl, b, Wr, relu in ((Wl0, b0, Wr0, True), (Wl1, b1, Wr1, True),
                            (Wl2, b2, Wr2, False)):
        p = _sc_aggregate(h, src_p, dst_p, zeros)
        h = _tc_combine(p, h, Wl, b, Wr, relu)
    return h

# --- scband reference (transcript-rebuilt; emitter-appended) ---
"""Pipeline reference for scband-gnnconv-36610301231260 (READ-ONLY COPY).

The authoritative reference and input builder live on the scoring server;
editing this copy changes nothing except your own understanding.
"""

import jax, jax.numpy as jnp
import numpy as np

N = 10000
E = 320000
D = 128

def setup_inputs(seed: int = 0) -> dict:
    key = jax.random.key(seed)
    kx, ke, kp = jax.random.split(key, 3)
    inp = {}
    inp["in_feat"] = jax.random.normal(kx, (N, D), dtype=jnp.float32)
    inp["edge_index"] = jax.random.randint(ke, (2, E), 0, N).astype(jnp.int64)
    pk = jax.random.split(kp, 9)
    # SAGEConv layer l: out = aggr @ Wl + bl + x @ Wr  (lin_l has bias, lin_r has no bias)
    for i in range(3):
        inp[f"Wl{i}"] = jax.random.normal(pk[3*i + 0], (D, D), dtype=jnp.float32) * 0.05
        inp[f"b{i}"] = jnp.zeros((D,), dtype=jnp.float32)
        inp[f"Wr{i}"] = jax.random.normal(pk[3*i + 2], (D, D), dtype=jnp.float32) * 0.05
    return inp

def _sage_layer(h, src, dst, Wl, bl, Wr):
    # message passing: gather source features, scatter-add (sum aggregation) onto destinations
    msgs = jnp.take(h, src, axis=0)
    aggr = jax.ops.segment_sum(msgs, dst, num_segments=N)
    return aggr @ Wl + bl + h @ Wr

def reference(in_feat, edge_index, Wl0, b0, Wr0, Wl1, b1, Wr1, Wl2, b2, Wr2):
    src = edge_index[0]
    dst = edge_index[1]
    # layer 0 + ReLU (dropout is identity in eval mode; no layer norm, no residual)
    h = jax.nn.relu(_sage_layer(in_feat, src, dst, Wl0, b0, Wr0))
    # middle layer + ReLU
    h = jax.nn.relu(_sage_layer(h, src, dst, Wl1, b1, Wr1))
    # output layer (no activation)
    h = _sage_layer(h, src, dst, Wl2, b2, Wr2)
    return h

if __name__ == "__main__":
    import jax
    _d = setup_inputs()
    print(jax.jit(kernel)(*tuple(_d.values())))

</pallas_src>

<mosaic_0001>
#map = affine_map<(d0, d1) -> (0, 0)>
#map1 = affine_map<(d0, d1) -> (0)>
module attributes {stable_mosaic.version = 14 : i64} {
  func.func @_sc_body(%arg0: i32, %arg1: i32, %arg2: memref<10000x128xf32, #tpu.memory_space<hbm>>, %arg3: memref<322560xi32, #tpu.memory_space<hbm>>, %arg4: memref<322560xi32, #tpu.memory_space<hbm>>, %arg5: memref<10112x128xf32, #tpu.memory_space<hbm>>, %arg6: memref<20000x128xf32, #tpu.memory_space<hbm>>, %arg7: memref<7x120xi32, #tpu.memory_space<vmem>>, %arg8: memref<3x120x128xf32, #tpu.memory_space<vmem>>, %arg9: memref<10112x128xf32, #tpu.memory_space<vmem_shared>>, %arg10: memref<!tpu.dma_semaphore, #tpu.memory_space<semaphore_mem>>, %arg11: memref<!tpu.dma_semaphore, #tpu.memory_space<semaphore_mem>>, %arg12: memref<!tpu.dma_semaphore, #tpu.memory_space<semaphore_mem>>) attributes {dimension_semantics = [#tpu.dimension_semantics<core_parallel>, #tpu.dimension_semantics<subcore_parallel>], iteration_bounds = array<i64: 2, 16>, scalar_prefetch = 0 : i64, scratch_operands = 6 : i64, tpu.core_type = #tpu.core_type<sc_vector_subcore>, window_params = [{transform_indices = #map}, {transform_indices = #map1}, {transform_indices = #map1}, {transform_indices = #map}, {transform_indices = #map}]} {
    %mul3A = arith.constant 16 : i32
    %mul3A_0 = arith.muli %arg0, %mul3A : i32
    %add3A = arith.addi %mul3A_0, %arg1 : i32
    %mul3A_1 = arith.constant 84 : i32
    %mul3A_2 = arith.muli %add3A, %mul3A_1 : i32
    %add3A_3 = arith.constant 0 : i32
    %add3A_4 = arith.addi %mul3A_2, %add3A_3 : i32
    %mul3A_5 = arith.constant 120 : i32
    %mul3A_6 = arith.muli %add3A_4, %mul3A_5 : i32
    %dma_start3A = arith.constant 0 : i32
    %dma_start3A_7 = arith.constant 0 : i32
    %dma_start3A_8 = tpu.memref_slice %arg7[%dma_start3A, %dma_start3A_7] : memref<7x120xi32, #tpu.memory_space<vmem>> -> memref<1x120xi32, #tpu.memory_space<vmem>>
    %dma_start3A_9 = tpu.memref_squeeze %dma_start3A_8 : memref<1x120xi32, #tpu.memory_space<vmem>> -> memref<120xi32, #tpu.memory_space<vmem>>
    %dma_start3A_10 = tpu.memref_slice %arg3[%mul3A_6] : memref<322560xi32, #tpu.memory_space<hbm>> -> memref<120xi32, #tpu.memory_space<hbm>>
    %dma_start3A_11 = arith.constant 0 : i32
    %dma_start3A_12 = tpu.memref_slice %arg7[%dma_start3A, %dma_start3A_11] : memref<7x120xi32, #tpu.memory_space<vmem>> -> memref<1x120xi32, #tpu.memory_space<vmem>>
    %dma_start3A_13 = tpu.memref_squeeze %dma_start3A_12 : memref<1x120xi32, #tpu.memory_space<vmem>> -> memref<120xi32, #tpu.memory_space<vmem>>
    %dma_start3A_14 = tpu.memref_slice %arg3[%mul3A_6] : memref<322560xi32, #tpu.memory_space<hbm>> -> memref<120xi32, #tpu.memory_space<hbm>>
    tpu.enqueue_dma source(%dma_start3A_14 : memref<120xi32, #tpu.memory_space<hbm>>) target(%dma_start3A_13 : memref<120xi32, #tpu.memory_space<vmem>>) target_semaphore(%arg12 : memref<!tpu.dma_semaphore, #tpu.memory_space<semaphore_mem>>)
    %dma_start3A_15 = arith.constant 3 : i32
    %dma_start3A_16 = arith.constant 0 : i32
    %dma_start3A_17 = tpu.memref_slice %arg7[%dma_start3A_15, %dma_start3A_16] : memref<7x120xi32, #tpu.memory_space<vmem>> -> memref<1x120xi32, #tpu.memory_space<vmem>>
    %dma_start3A_18 = tpu.memref_squeeze %dma_start3A_17 : memref<1x120xi32, #tpu.memory_space<vmem>> -> memref<120xi32, #tpu.memory_space<vmem>>
    %dma_start3A_19 = tpu.memref_slice %arg4[%mul3A_6] : memref<322560xi32, #tpu.memory_space<hbm>> -> memref<120xi32, #tpu.memory_space<hbm>>
    %dma_start3A_20 = arith.constant 0 : i32
    %dma_start3A_21 = tpu.memref_slice %arg7[%dma_start3A_15, %dma_start3A_20] : memref<7x120xi32, #tpu.memory_space<vmem>> -> memref<1x120xi32, #tpu.memory_space<vmem>>
    %dma_start3A_22 = tpu.memref_squeeze %dma_start3A_21 : memref<1x120xi32, #tpu.memory_space<vmem>> -> memref<120xi32, #tpu.memory_space<vmem>>
    %dma_start3A_23 = tpu.memref_slice %arg4[%mul3A_6] : memref<322560xi32, #tpu.memory_space<hbm>> -> memref<120xi32, #tpu.memory_space<hbm>>
    tpu.enqueue_dma source(%dma_start3A_23 : memref<120xi32, #tpu.memory_space<hbm>>) target(%dma_start3A_22 : memref<120xi32, #tpu.memory_space<vmem>>) target_semaphore(%arg12 : memref<!tpu.dma_semaphore, #tpu.memory_space<semaphore_mem>>)
    %mul3A_24 = arith.constant 84 : i32
    %mul3A_25 = arith.muli %add3A, %mul3A_24 : i32
    %add3A_26 = arith.constant 1 : i32
    %add3A_27 = arith.addi %mul3A_25, %add3A_26 : i32
    %mul3A_28 = arith.constant 120 : i32
    %mul3A_29 = arith.muli %add3A_27, %mul3A_28 : i32
    %dma_start3A_30 = arith.constant 1 : i32
    %dma_start3A_31 = arith.constant 0 : i32
    %dma_start3A_32 = tpu.memref_slice %arg7[%dma_start3A_30, %dma_start3A_31] : memref<7x120xi32, #tpu.memory_space<vmem>> -> memref<1x120xi32, #tpu.memory_space<vmem>>
    %dma_start3A_33 = tpu.memref_squeeze %dma_start3A_32 : memref<1x120xi32, #tpu.memory_space<vmem>> -> memref<120xi32, #tpu.memory_space<vmem>>
    %dma_start3A_34 = tpu.memref_slice %arg3[%mul3A_29] : memref<322560xi32, #tpu.memory_space<hbm>> -> memref<120xi32, #tpu.memory_space<hbm>>
    %dma_start3A_35 = arith.constant 0 : i32
    %dma_start3A_36 = tpu.memref_slice %arg7[%dma_start3A_30, %dma_start3A_35] : memref<7x120xi32, #tpu.memory_space<vmem>> -> memref<1x120xi32, #tpu.memory_space<vmem>>
    %dma_start3A_37 = tpu.memref_squeeze %dma_start3A_36 : memref<1x120xi32, #tpu.memory_space<vmem>> -> memref<120xi32, #tpu.memory_space<vmem>>
    %dma_start3A_38 = tpu.memref_slice %arg3[%mul3A_29] : memref<322560xi32, #tpu.memory_space<hbm>> -> memref<120xi32, #tpu.memory_space<hbm>>
    tpu.enqueue_dma source(%dma_start3A_38 : memref<120xi32, #tpu.memory_space<hbm>>) target(%dma_start3A_37 : memref<120xi32, #tpu.memory_space<vmem>>) target_semaphore(%arg12 : memref<!tpu.dma_semaphore, #tpu.memory_space<semaphore_mem>>)
    %dma_start3A_39 = arith.constant 4 : i32
    %dma_start3A_40 = arith.constant 0 : i32
    %dma_start3A_41 = tpu.memref_slice %arg7[%dma_start3A_39, %dma_start3A_40] : memref<7x120xi32, #tpu.memory_space<vmem>> -> memref<1x120xi32, #tpu.memory_space<vmem>>
    %dma_start3A_42 = tpu.memref_squeeze %dma_start3A_41 : memref<1x120xi32, #tpu.memory_space<vmem>> -> memref<120xi32, #tpu.memory_space<vmem>>
    %dma_start3A_43 = tpu.memref_slice %arg4[%mul3A_29] : memref<322560xi32, #tpu.memory_space<hbm>> -> memref<120xi32, #tpu.memory_space<hbm>>
    %dma_start3A_44 = arith.constant 0 : i32
    %dma_start3A_45 = tpu.memref_slice %arg7[%dma_start3A_39, %dma_start3A_44] : memref<7x120xi32, #tpu.memory_space<vmem>> -> memref<1x120xi32, #tpu.memory_space<vmem>>
    %dma_start3A_46 = tpu.memref_squeeze %dma_start3A_45 : memref<1x120xi32, #tpu.memory_space<vmem>> -> memref<120xi32, #tpu.memory_space<vmem>>
    %dma_start3A_47 = tpu.memref_slice %arg4[%mul3A_29] : memref<322560xi32, #tpu.memory_space<hbm>> -> memref<120xi32, #tpu.memory_space<hbm>>
    tpu.enqueue_dma source(%dma_start3A_47 : memref<120xi32, #tpu.memory_space<hbm>>) target(%dma_start3A_46 : memref<120xi32, #tpu.memory_space<vmem>>) target_semaphore(%arg12 : memref<!tpu.dma_semaphore, #tpu.memory_space<semaphore_mem>>)
    %mul3A_48 = arith.constant 84 : i32
    %mul3A_49 = arith.muli %add3A, %mul3A_48 : i32
    %add3A_50 = arith.constant 2 : i32
    %add3A_51 = arith.addi %mul3A_49, %add3A_50 : i32
    %mul3A_52 = arith.constant 120 : i32
    %mul3A_53 = arith.muli %add3A_51, %mul3A_52 : i32
    %dma_start3A_54 = arith.constant 2 : i32
    %dma_start3A_55 = arith.constant 0 : i32
    %dma_start3A_56 = tpu.memref_slice %arg7[%dma_start3A_54, %dma_start3A_55] : memref<7x120xi32, #tpu.memory_space<vmem>> -> memref<1x120xi32, #tpu.memory_space<vmem>>
    %dma_start3A_57 = tpu.memref_squeeze %dma_start3A_56 : memref<1x120xi32, #tpu.memory_space<vmem>> -> memref<120xi32, #tpu.memory_space<vmem>>
    %dma_start3A_58 = tpu.memref_slice %arg3[%mul3A_53] : memref<322560xi32, #tpu.memory_space<hbm>> -> memref<120xi32, #tpu.memory_space<hbm>>
    %dma_start3A_59 = arith.constant 0 : i32
    %dma_start3A_60 = tpu.memref_slice %arg7[%dma_start3A_54, %dma_start3A_59] : memref<7x120xi32, #tpu.memory_space<vmem>> -> memref<1x120xi32, #tpu.memory_space<vmem>>
    %dma_start3A_61 = tpu.memref_squeeze %dma_start3A_60 : memref<1x120xi32, #tpu.memory_space<vmem>> -> memref<120xi32, #tpu.memory_space<vmem>>
    %dma_start3A_62 = tpu.memref_slice %arg3[%mul3A_53] : memref<322560xi32, #tpu.memory_space<hbm>> -> memref<120xi32, #tpu.memory_space<hbm>>
    tpu.enqueue_dma source(%dma_start3A_62 : memref<120xi32, #tpu.memory_space<hbm>>) target(%dma_start3A_61 : memref<120xi32, #tpu.memory_space<vmem>>) target_semaphore(%arg12 : memref<!tpu.dma_semaphore, #tpu.memory_space<semaphore_mem>>)
    %dma_start3A_63 = arith.constant 5 : i32
    %dma_start3A_64 = arith.constant 0 : i32
    %dma_start3A_65 = tpu.memref_slice %arg7[%dma_start3A_63, %dma_start3A_64] : memref<7x120xi32, #tpu.memory_space<vmem>> -> memref<1x120xi32, #tpu.memory_space<vmem>>
    %dma_start3A_66 = tpu.memref_squeeze %dma_start3A_65 : memref<1x120xi32, #tpu.memory_space<vmem>> -> memref<120xi32, #tpu.memory_space<vmem>>
    %dma_start3A_67 = tpu.memref_slice %arg4[%mul3A_53] : memref<322560xi32, #tpu.memory_space<hbm>> -> memref<120xi32, #tpu.memory_space<hbm>>
    %dma_start3A_68 = arith.constant 0 : i32
    %dma_start3A_69 = tpu.memref_slice %arg7[%dma_start3A_63, %dma_start3A_68] : memref<7x120xi32, #tpu.memory_space<vmem>> -> memref<1x120xi32, #tpu.memory_space<vmem>>
    %dma_start3A_70 = tpu.memref_squeeze %dma_start3A_69 : memref<1x120xi32, #tpu.memory_space<vmem>> -> memref<120xi32, #tpu.memory_space<vmem>>
    %dma_start3A_71 = tpu.memref_slice %arg4[%mul3A_53] : memref<322560xi32, #tpu.memory_space<hbm>> -> memref<120xi32, #tpu.memory_space<hbm>>
    tpu.enqueue_dma source(%dma_start3A_71 : memref<120xi32, #tpu.memory_space<hbm>>) target(%dma_start3A_70 : memref<120xi32, #tpu.memory_space<vmem>>) target_semaphore(%arg12 : memref<!tpu.dma_semaphore, #tpu.memory_space<semaphore_mem>>)
    %dma_wait3A = arith.constant 0 : i32
    %dma_wait3A_72 = arith.constant 0 : i32
    %dma_wait3A_73 = tpu.memref_slice %arg7[%dma_wait3A, %dma_wait3A_72] : memref<7x120xi32, #tpu.memory_space<vmem>> -> memref<1x120xi32, #tpu.memory_space<vmem>>
    %dma_wait3A_74 = tpu.memref_squeeze %dma_wait3A_73 : memref<1x120xi32, #tpu.memory_space<vmem>> -> memref<120xi32, #tpu.memory_space<vmem>>
    %dma_wait3A_75 = arith.constant 0 : i32
    %dma_wait3A_76 = tpu.memref_slice %arg3[%dma_wait3A_75] : memref<322560xi32, #tpu.memory_space<hbm>> -> memref<120xi32, #tpu.memory_space<hbm>>
    %dma_wait3A_77 = arith.constant 0 : i32
    %dma_wait3A_78 = tpu.memref_slice %arg7[%dma_wait3A, %dma_wait3A_77] : memref<7x120xi32, #tpu.memory_space<vmem>> -> memref<1x120xi32, #tpu.memory_space<vmem>>
    %dma_wait3A_79 = tpu.memref_squeeze %dma_wait3A_78 : memref<1x120xi32, #tpu.memory_space<vmem>> -> memref<120xi32, #tpu.memory_space<vmem>>
    %dma_wait3A_80 = arith.constant 0 : i32
    %dma_wait3A_81 = tpu.memref_slice %arg3[%dma_wait3A_80] : memref<322560xi32, #tpu.memory_space<hbm>> -> memref<120xi32, #tpu.memory_space<hbm>>
    tpu.wait_dma2 semaphore(%arg12 : memref<!tpu.dma_semaphore, #tpu.memory_space<semaphore_mem>>) src(%dma_wait3A_81 : memref<120xi32, #tpu.memory_space<hbm>>) dst(%dma_wait3A_79 : memref<120xi32, #tpu.memory_space<vmem>>)
    %dma_wait3A_82 = arith.constant 3 : i32
    %dma_wait3A_83 = arith.constant 0 : i32
    %dma_wait3A_84 = tpu.memref_slice %arg7[%dma_wait3A_82, %dma_wait3A_83] : memref<7x120xi32, #tpu.memory_space<vmem>> -> memref<1x120xi32, #tpu.memory_space<vmem>>
    %dma_wait3A_85 = tpu.memref_squeeze %dma_wait3A_84 : memref<1x120xi32, #tpu.memory_space<vmem>> -> memref<120xi32, #tpu.memory_space<vmem>>
    %dma_wait3A_86 = arith.constant 0 : i32
    %dma_wait3A_87 = tpu.memref_slice %arg4[%dma_wait3A_86] : memref<322560xi32, #tpu.memory_space<hbm>> -> memref<120xi32, #tpu.memory_space<hbm>>
    %dma_wait3A_88 = arith.constant 0 : i32
    %dma_wait3A_89 = tpu.memref_slice %arg7[%dma_wait3A_82, %dma_wait3A_88] : memref<7x120xi32, #tpu.memory_space<vmem>> -> memref<1x120xi32, #tpu.memory_space<vmem>>
    %dma_wait3A_90 = tpu.memref_squeeze %dma_wait3A_89 : memref<1x120xi32, #tpu.memory_space<vmem>> -> memref<120xi32, #tpu.memory_space<vmem>>
    %dma_wait3A_91 = arith.constant 0 : i32
    %dma_wait3A_92 = tpu.memref_slice %arg4[%dma_wait3A_91] : memref<322560xi32, #tpu.memory_space<hbm>> -> memref<120xi32, #tpu.memory_space<hbm>>
    tpu.wait_dma2 semaphore(%arg12 : memref<!tpu.dma_semaphore, #tpu.memory_space<semaphore_mem>>) src(%dma_wait3A_92 : memref<120xi32, #tpu.memory_space<hbm>>) dst(%dma_wait3A_90 : memref<120xi32, #tpu.memory_space<vmem>>)
    %dma_start3A_93 = arith.constant 0 : i32
    %dma_start3A_94 = arith.constant 0 : i32
    %dma_start3A_95 = arith.constant 0 : i32
    %dma_start3A_96 = arith.constant 0 : i32
    %dma_start3A_97 = tpu.memref_slice %arg8[%dma_start3A_94, %dma_start3A_95, %dma_start3A_96] : memref<3x120x128xf32, #tpu.memory_space<vmem>> -> memref<1x120x128xf32, #tpu.memory_space<vmem>>
    %dma_start3A_98 = tpu.memref_squeeze %dma_start3A_97 : memref<1x120x128xf32, #tpu.memory_space<vmem>> -> memref<120x128xf32, #tpu.memory_space<vmem>>
    %dma_start3A_99 = arith.constant 0 : i32
    %dma_start3A_100 = tpu.memref_slice %arg7[%dma_start3A_93, %dma_start3A_99] : memref<7x120xi32, #tpu.memory_space<vmem>> -> memref<1x120xi32, #tpu.memory_space<vmem>>
    %dma_start3A_101 = tpu.memref_squeeze %dma_start3A_100 : memref<1x120xi32, #tpu.memory_space<vmem>> -> memref<120xi32, #tpu.memory_space<vmem>>
    %dma_start3A_102 = arith.constant 0 : i32
    %dma_start3A_103 = arith.constant 0 : i32
    %dma_start3A_104 = tpu.memref_slice %arg2[%dma_start3A_102, %dma_start3A_103] : memref<10000x128xf32, #tpu.memory_space<hbm>> -> memref<10000x128xf32, #tpu.memory_space<hbm>>
    tpu.enqueue_indirect_dma source(%dma_start3A_104 : memref<10000x128xf32, #tpu.memory_space<hbm>>) target(%dma_start3A_98 : memref<120x128xf32, #tpu.memory_space<vmem>>) offsets(%dma_start3A_101 : memref<120xi32, #tpu.memory_space<vmem>>) semaphore(%arg10 : memref<!tpu.dma_semaphore, #tpu.memory_space<semaphore_mem>>)
    %dma_wait3A_105 = arith.constant 1 : i32
    %dma_wait3A_106 = arith.constant 0 : i32
    %dma_wait3A_107 = tpu.memref_slice %arg7[%dma_wait3A_105, %dma_wait3A_106] : memref<7x120xi32, #tpu.memory_space<vmem>> -> memref<1x120xi32, #tpu.memory_space<vmem>>
    %dma_wait3A_108 = tpu.memref_squeeze %dma_wait3A_107 : memref<1x120xi32, #tpu.memory_space<vmem>> -> memref<120xi32, #tpu.memory_space<vmem>>
    %dma_wait3A_109 = arith.constant 0 : i32
    %dma_wait3A_110 = tpu.memref_slice %arg3[%dma_wait3A_109] : memref<322560xi32, #tpu.memory_space<hbm>> -> memref<120xi32, #tpu.memory_space<hbm>>
    %dma_wait3A_111 = arith.constant 0 : i32
    %dma_wait3A_112 = tpu.memref_slice %arg7[%dma_wait3A_105, %dma_wait3A_111] : memref<7x120xi32, #tpu.memory_space<vmem>> -> memref<1x120xi32, #tpu.memory_space<vmem>>
    %dma_wait3A_113 = tpu.memref_squeeze %dma_wait3A_112 : memref<1x120xi32, #tpu.memory_space<vmem>> -> memref<120xi32, #tpu.memory_space<vmem>>
    %dma_wait3A_114 = arith.constant 0 : i32
    %dma_wait3A_115 = tpu.memref_slice %arg3[%dma_wait3A_114] : memref<322560xi32, #tpu.memory_space<hbm>> -> memref<120xi32, #tpu.memory_space<hbm>>
    tpu.wait_dma2 semaphore(%arg12 : memref<!tpu.dma_semaphore, #tpu.memory_space<semaphore_mem>>) src(%dma_wait3A_115 : memref<120xi32, #tpu.memory_space<hbm>>) dst(%dma_wait3A_113 : memref<120xi32, #tpu.memory_space<vmem>>)
    %dma_wait3A_116 = arith.constant 4 : i32
    %dma_wait3A_117 = arith.constant 0 : i32
    %dma_wait3A_118 = tpu.memref_slice %arg7[%dma_wait3A_116, %dma_wait3A_117] : memref<7x120xi32, #tpu.memory_space<vmem>> -> memref<1x120xi32, #tpu.memory_space<vmem>>
    %dma_wait3A_119 = tpu.memref_squeeze %dma_wait3A_118 : memref<1x120xi32, #tpu.memory_space<vmem>> -> memref<120xi32, #tpu.memory_space<vmem>>
    %dma_wait3A_120 = arith.constant 0 : i32
    %dma_wait3A_121 = tpu.memref_slice %arg4[%dma_wait3A_120] : memref<322560xi32, #tpu.memory_space<hbm>> -> memref<120xi32, #tpu.memory_space<hbm>>
    %dma_wait3A_122 = arith.constant 0 : i32
    %dma_wait3A_123 = tpu.memref_slice %arg7[%dma_wait3A_116, %dma_wait3A_122] : memref<7x120xi32, #tpu.memory_space<vmem>> -> memref<1x120xi32, #tpu.memory_space<vmem>>
    %dma_wait3A_124 = tpu.memref_squeeze %dma_wait3A_123 : memref<1x120xi32, #tpu.memory_space<vmem>> -> memref<120xi32, #tpu.memory_space<vmem>>
    %dma_wait3A_125 = arith.constant 0 : i32
    %dma_wait3A_126 = tpu.memref_slice %arg4[%dma_wait3A_125] : memref<322560xi32, #tpu.memory_space<hbm>> -> memref<120xi32, #tpu.memory_space<hbm>>
    tpu.wait_dma2 semaphore(%arg12 : memref<!tpu.dma_semaphore, #tpu.memory_space<semaphore_mem>>) src(%dma_wait3A_126 : memref<120xi32, #tpu.memory_space<hbm>>) dst(%dma_wait3A_124 : memref<120xi32, #tpu.memory_space<vmem>>)
    %dma_start3A_127 = arith.constant 1 : i32
    %dma_start3A_128 = arith.constant 1 : i32
    %dma_start3A_129 = arith.constant 0 : i32
    %dma_start3A_130 = arith.constant 0 : i32
    %dma_start3A_131 = tpu.memref_slice %arg8[%dma_start3A_128, %dma_start3A_129, %dma_start3A_130] : memref<3x120x128xf32, #tpu.memory_space<vmem>> -> memref<1x120x128xf32, #tpu.memory_space<vmem>>
    %dma_start3A_132 = tpu.memref_squeeze %dma_start3A_131 : memref<1x120x128xf32, #tpu.memory_space<vmem>> -> memref<120x128xf32, #tpu.memory_space<vmem>>
    %dma_start3A_133 = arith.constant 0 : i32
    %dma_start3A_134 = tpu.memref_slice %arg7[%dma_start3A_127, %dma_start3A_133] : memref<7x120xi32, #tpu.memory_space<vmem>> -> memref<1x120xi32, #tpu.memory_space<vmem>>
    %dma_start3A_135 = tpu.memref_squeeze %dma_start3A_134 : memref<1x120xi32, #tpu.memory_space<vmem>> -> memref<120xi32, #tpu.memory_space<vmem>>
    %dma_start3A_136 = arith.constant 0 : i32
    %dma_start3A_137 = arith.constant 0 : i32
    %dma_start3A_138 = tpu.memref_slice %arg2[%dma_start3A_136, %dma_start3A_137] : memref<10000x128xf32, #tpu.memory_space<hbm>> -> memref<10000x128xf32, #tpu.memory_space<hbm>>
    tpu.enqueue_indirect_dma source(%dma_start3A_138 : memref<10000x128xf32, #tpu.memory_space<hbm>>) target(%dma_start3A_132 : memref<120x128xf32, #tpu.memory_space<vmem>>) offsets(%dma_start3A_135 : memref<120xi32, #tpu.memory_space<vmem>>) semaphore(%arg10 : memref<!tpu.dma_semaphore, #tpu.memory_space<semaphore_mem>>)
    %mul3A_139 = arith.constant 632 : i32
    %mul3A_140 = arith.muli %arg1, %mul3A_139 : i32
    %mul3A_141 = arith.constant 632 : i32
    %mul3A_142 = arith.muli %arg1, %mul3A_141 : i32
    "tpu.region"() ({
      %run_scoped3A = tpu.sem_alloc : memref<!tpu.dma_semaphore, #tpu.memory_space<semaphore_mem>>
      %dma_start3A_167 = arith.constant 0 : i32
      %dma_start3A_168 = tpu.memref_slice %arg9[%mul3A_142, %dma_start3A_167] : memref<10112x128xf32, #tpu.memory_space<vmem_shared>> -> memref<632x128xf32, #tpu.memory_space<vmem_shared>>
      %dma_start3A_169 = arith.constant 0 : i32
      %dma_start3A_170 = tpu.memref_slice %arg5[%mul3A_140, %dma_start3A_169] : memref<10112x128xf32, #tpu.memory_space<hbm>> -> memref<632x128xf32, #tpu.memory_space<hbm>>
      tpu.enqueue_dma source(%dma_start3A_170 : memref<632x128xf32, #tpu.memory_space<hbm>>) target(%dma_start3A_168 : memref<632x128xf32, #tpu.memory_space<vmem_shared>>) target_semaphore(%run_scoped3A : memref<!tpu.dma_semaphore, #tpu.memory_space<semaphore_mem>>)
      %dma_wait3A_171 = arith.constant 0 : i32
      %dma_wait3A_172 = tpu.memref_slice %arg9[%mul3A_142, %dma_wait3A_171] : memref<10112x128xf32, #tpu.memory_space<vmem_shared>> -> memref<632x128xf32, #tpu.memory_space<vmem_shared>>
      %dma_wait3A_173 = arith.constant 0 : i32
      %dma_wait3A_174 = tpu.memref_slice %arg5[%mul3A_140, %dma_wait3A_173] : memref<10112x128xf32, #tpu.memory_space<hbm>> -> memref<632x128xf32, #tpu.memory_space<hbm>>
      tpu.wait_dma2 semaphore(%run_scoped3A : memref<!tpu.dma_semaphore, #tpu.memory_space<semaphore_mem>>) src(%dma_wait3A_174 : memref<632x128xf32, #tpu.memory_space<hbm>>) dst(%dma_wait3A_172 : memref<632x128xf32, #tpu.memory_space<vmem_shared>>)
      tpu.yield
    }) : () -> ()
    %barrier3A = arith.constant 0 : index
    tpu.barrier barrier_id(%barrier3A)
    %scan3A = arith.constant 0 : i32
    %scan3A_143 = arith.constant 28 : i32
    %scan3A_144 = arith.addi %scan3A, %scan3A_143 : i32
    %scan3A_145 = arith.constant 1 : i32
    scf.for %scan3A_167 = %scan3A to %scan3A_144 step %scan3A_145  : i32 {
      %mul3A_168 = arith.constant 3 : i32
      %mul3A_169 = arith.muli %scan3A_167, %mul3A_168 : i32
      %add3A_170 = arith.constant 0 : i32
      %add3A_171 = arith.addi %add3A_170, %mul3A_169 : i32
      %add3A_172 = arith.constant 0 : i32
      %add3A_173 = arith.addi %add3A_171, %add3A_172 : i32
      %gt3A = arith.constant 0 : i32
      %gt3A_174 = arith.cmpi sgt, %add3A_173, %gt3A : i32
      %convert_element_type3A_175 = arith.extui %gt3A_174 : i1 to i32
      %cond3A_176 = arith.constant 0 : i32
      %cond3A_177 = arith.cmpi ne, %convert_element_type3A_175, %cond3A_176 : i32
      scf.if %cond3A_177 {
        %add3A_351 = arith.constant 4 : i32
        %add3A_352 = arith.addi %add3A_173, %add3A_351 : i32
        %sub3A = arith.constant 1 : i32
        %sub3A_353 = arith.subi %add3A_352, %sub3A : i32
        %jit3A_354 = arith.constant 4 : i32
        %eq3A_355 = arith.constant 0 : i32
        %eq3A_356 = arith.cmpi eq, %jit3A_354, %eq3A_355 : i32
        %jit3A_357 = arith.constant 1 : i32
        %select_n3A_358 = arith.select %eq3A_356, %jit3A_357, %jit3A_354 : i32
        %rem3A_359 = arith.remsi %sub3A_353, %select_n3A_358 : i32
        %ne3A_360 = arith.constant 0 : i32
        %ne3A_361 = arith.cmpi ne, %rem3A_359, %ne3A_360 : i32
        %lt3A_362 = arith.constant 0 : i32
        %lt3A_363 = arith.cmpi slt, %rem3A_359, %lt3A_362 : i32
        %lt3A_364 = arith.constant 0 : i32
        %lt3A_365 = arith.cmpi slt, %select_n3A_358, %lt3A_364 : i32
        %ne3A_366 = arith.xori %lt3A_363, %lt3A_365 : i1
        %and3A_367 = arith.andi %ne3A_366, %ne3A_361 : i1
        %add3A_368 = arith.addi %rem3A_359, %select_n3A_358 : i32
        %select_n3A_369 = arith.select %and3A_367, %add3A_368, %rem3A_359 : i32
        %add3A_370 = arith.constant 3 : i32
        %add3A_371 = arith.addi %add3A_370, %select_n3A_369 : i32
        %dma_wait3A_372 = arith.constant 2 : i32
        %dma_wait3A_373 = arith.constant 0 : i32
        %dma_wait3A_374 = arith.constant 0 : i32
        %dma_wait3A_375 = tpu.memref_slice %arg8[%dma_wait3A_372, %dma_wait3A_373, %dma_wait3A_374] : memref<3x120x128xf32, #tpu.memory_space<vmem>> -> memref<1x120x128xf32, #tpu.memory_space<vmem>>
        %dma_wait3A_376 = tpu.memref_squeeze %dma_wait3A_375 : memref<1x120x128xf32, #tpu.memory_space<vmem>> -> memref<120x128xf32, #tpu.memory_space<vmem>>
        %dma_wait3A_377 = arith.constant 0 : i32
        %dma_wait3A_378 = tpu.memref_slice %arg7[%add3A_371, %dma_wait3A_377] : memref<7x120xi32, #tpu.memory_space<vmem>> -> memref<1x120xi32, #tpu.memory_space<vmem>>
        %dma_wait3A_379 = tpu.memref_squeeze %dma_wait3A_378 : memref<1x120xi32, #tpu.memory_space<vmem>> -> memref<120xi32, #tpu.memory_space<vmem>>
        %dma_wait3A_380 = arith.constant 0 : i32
        %dma_wait3A_381 = arith.constant 0 : i32
        %dma_wait3A_382 = tpu.memref_slice %arg9[%dma_wait3A_380, %dma_wait3A_381] : memref<10112x128xf32, #tpu.memory_space<vmem_shared>> -> memref<10112x128xf32, #tpu.memory_space<vmem_shared>>
        tpu.wait_indirect_dma semaphore(%arg11 : memref<!tpu.dma_semaphore, #tpu.memory_space<semaphore_mem>>) src(%dma_wait3A_376 : memref<120x128xf32, #tpu.memory_space<vmem>>) dst(%dma_wait3A_382 : memref<10112x128xf32, #tpu.memory_space<vmem_shared>>)
      } else {
      }
      %add3A_178 = arith.constant 2 : i32
      %add3A_179 = arith.addi %add3A_173, %add3A_178 : i32
      %lt3A = arith.constant 84 : i32
      %lt3A_180 = arith.cmpi slt, %add3A_179, %lt3A : i32
      %convert_element_type3A_181 = arith.extui %lt3A_180 : i1 to i32
      %cond3A_182 = arith.constant 0 : i32
      %cond3A_183 = arith.cmpi ne, %convert_element_type3A_181, %cond3A_182 : i32
      scf.if %cond3A_183 {
        %add3A_351 = arith.constant 2 : i32
        %add3A_352 = arith.addi %add3A_173, %add3A_351 : i32
        %jit3A_353 = arith.constant 4 : i32
        %eq3A_354 = arith.constant 0 : i32
        %eq3A_355 = arith.cmpi eq, %jit3A_353, %eq3A_354 : i32
        %jit3A_356 = arith.constant 1 : i32
        %select_n3A_357 = arith.select %eq3A_355, %jit3A_356, %jit3A_353 : i32
        %rem3A_358 = arith.remsi %add3A_352, %select_n3A_357 : i32
        %ne3A_359 = arith.constant 0 : i32
        %ne3A_360 = arith.cmpi ne, %rem3A_358, %ne3A_359 : i32
        %lt3A_361 = arith.constant 0 : i32
        %lt3A_362 = arith.cmpi slt, %rem3A_358, %lt3A_361 : i32
        %lt3A_363 = arith.constant 0 : i32
        %lt3A_364 = arith.cmpi slt, %select_n3A_357, %lt3A_363 : i32
        %ne3A_365 = arith.xori %lt3A_362, %lt3A_364 : i1
        %and3A_366 = arith.andi %ne3A_365, %ne3A_360 : i1
        %add3A_367 = arith.addi %rem3A_358, %select_n3A_357 : i32
        %select_n3A_368 = arith.select %and3A_366, %add3A_367, %rem3A_358 : i32
        %dma_wait3A_369 = arith.constant 2 : i32
        %dma_wait3A_370 = arith.constant 0 : i32
        %dma_wait3A_371 = tpu.memref_slice %arg7[%dma_wait3A_369, %dma_wait3A_370] : memref<7x120xi32, #tpu.memory_space<vmem>> -> memref<1x120xi32, #tpu.memory_space<vmem>>
        %dma_wait3A_372 = tpu.memref_squeeze %dma_wait3A_371 : memref<1x120xi32, #tpu.memory_space<vmem>> -> memref<120xi32, #tpu.memory_space<vmem>>
        %dma_wait3A_373 = arith.constant 0 : i32
        %dma_wait3A_374 = tpu.memref_slice %arg3[%dma_wait3A_373] : memref<322560xi32, #tpu.memory_space<hbm>> -> memref<120xi32, #tpu.memory_space<hbm>>
        %dma_wait3A_375 = arith.constant 0 : i32
        %dma_wait3A_376 = tpu.memref_slice %arg7[%dma_wait3A_369, %dma_wait3A_375] : memref<7x120xi32, #tpu.memory_space<vmem>> -> memref<1x120xi32, #tpu.memory_space<vmem>>
        %dma_wait3A_377 = tpu.memref_squeeze %dma_wait3A_376 : memref<1x120xi32, #tpu.memory_space<vmem>> -> memref<120xi32, #tpu.memory_space<vmem>>
        %dma_wait3A_378 = arith.constant 0 : i32
        %dma_wait3A_379 = tpu.memref_slice %arg3[%dma_wait3A_378] : memref<322560xi32, #tpu.memory_space<hbm>> -> memref<120xi32, #tpu.memory_space<hbm>>
        tpu.wait_dma2 semaphore(%arg12 : memref<!tpu.dma_semaphore, #tpu.memory_space<semaphore_mem>>) src(%dma_wait3A_379 : memref<120xi32, #tpu.memory_space<hbm>>) dst(%dma_wait3A_377 : memref<120xi32, #tpu.memory_space<vmem>>)
        %add3A_380 = arith.constant 3 : i32
        %add3A_381 = arith.addi %add3A_380, %select_n3A_368 : i32
        %dma_wait3A_382 = arith.constant 0 : i32
        %dma_wait3A_383 = tpu.memref_slice %arg7[%add3A_381, %dma_wait3A_382] : memref<7x120xi32, #tpu.memory_space<vmem>> -> memref<1x120xi32, #tpu.memory_space<vmem>>
        %dma_wait3A_384 = tpu.memref_squeeze %dma_wait3A_383 : memref<1x120xi32, #tpu.memory_space<vmem>> -> memref<120xi32, #tpu.memory_space<vmem>>
        %dma_wait3A_385 = arith.constant 0 : i32
        %dma_wait3A_386 = tpu.memref_slice %arg4[%dma_wait3A_385] : memref<322560xi32, #tpu.memory_space<hbm>> -> memref<120xi32, #tpu.memory_space<hbm>>
        %dma_wait3A_387 = arith.constant 0 : i32
        %dma_wait3A_388 = tpu.memref_slice %arg7[%add3A_381, %dma_wait3A_387] : memref<7x120xi32, #tpu.memory_space<vmem>> -> memref<1x120xi32, #tpu.memory_space<vmem>>
        %dma_wait3A_389 = tpu.memref_squeeze %dma_wait3A_388 : memref<1x120xi32, #tpu.memory_space<vmem>> -> memref<120xi32, #tpu.memory_space<vmem>>
        %dma_wait3A_390 = arith.constant 0 : i32
        %dma_wait3A_391 = tpu.memref_slice %arg4[%dma_wait3A_390] : memref<322560xi32, #tpu.memory_space<hbm>> -> memref<120xi32, #tpu.memory_space<hbm>>
        tpu.wait_dma2 semaphore(%arg12 : memref<!tpu.dma_semaphore, #tpu.memory_space<semaphore_mem>>) src(%dma_wait3A_391 : memref<120xi32, #tpu.memory_space<hbm>>) dst(%dma_wait3A_389 : memref<120xi32, #tpu.memory_space<vmem>>)
        %dma_start3A_392 = arith.constant 2 : i32
        %dma_start3A_393 = arith.constant 2 : i32
        %dma_start3A_394 = arith.constant 0 : i32
        %dma_start3A_395 = arith.constant 0 : i32
        %dma_start3A_396 = tpu.memref_slice %arg8[%dma_start3A_393, %dma_start3A_394, %dma_start3A_395] : memref<3x120x128xf32, #tpu.memory_space<vmem>> -> memref<1x120x128xf32, #tpu.memory_space<vmem>>
        %dma_start3A_397 = tpu.memref_squeeze %dma_start3A_396 : memref<1x120x128xf32, #tpu.memory_space<vmem>> -> memref<120x128xf32, #tpu.memory_space<vmem>>
        %dma_start3A_398 = arith.constant 0 : i32
        %dma_start3A_399 = tpu.memref_slice %arg7[%dma_start3A_392, %dma_start3A_398] : memref<7x120xi32, #tpu.memory_space<vmem>> -> memref<1x120xi32, #tpu.memory_space<vmem>>
        %dma_start3A_400 = tpu.memref_squeeze %dma_start3A_399 : memref<1x120xi32, #tpu.memory_space<vmem>> -> memref<120xi32, #tpu.memory_space<vmem>>
        %dma_start3A_401 = arith.constant 0 : i32
        %dma_start3A_402 = arith.constant 0 : i32
        %dma_start3A_403 = tpu.memref_slice %arg2[%dma_start3A_401, %dma_start3A_402] : memref<10000x128xf32, #tpu.memory_space<hbm>> -> memref<10000x128xf32, #tpu.memory_space<hbm>>
        tpu.enqueue_indirect_dma source(%dma_start3A_403 : memref<10000x128xf32, #tpu.memory_space<hbm>>) target(%dma_start3A_397 : memref<120x128xf32, #tpu.memory_space<vmem>>) offsets(%dma_start3A_400 : memref<120xi32, #tpu.memory_space<vmem>>) semaphore(%arg10 : memref<!tpu.dma_semaphore, #tpu.memory_space<semaphore_mem>>)
      } else {
      }
      %dma_wait3A_184 = arith.constant 0 : i32
      %dma_wait3A_185 = arith.constant 0 : i32
      %dma_wait3A_186 = arith.constant 0 : i32
      %dma_wait3A_187 = arith.constant 0 : i32
      %dma_wait3A_188 = tpu.memref_slice %arg8[%dma_wait3A_185, %dma_wait3A_186, %dma_wait3A_187] : memref<3x120x128xf32, #tpu.memory_space<vmem>> -> memref<1x120x128xf32, #tpu.memory_space<vmem>>
      %dma_wait3A_189 = tpu.memref_squeeze %dma_wait3A_188 : memref<1x120x128xf32, #tpu.memory_space<vmem>> -> memref<120x128xf32, #tpu.memory_space<vmem>>
      %dma_wait3A_190 = arith.constant 0 : i32
      %dma_wait3A_191 = tpu.memref_slice %arg7[%dma_wait3A_184, %dma_wait3A_190] : memref<7x120xi32, #tpu.memory_space<vmem>> -> memref<1x120xi32, #tpu.memory_space<vmem>>
      %dma_wait3A_192 = tpu.memref_squeeze %dma_wait3A_191 : memref<1x120xi32, #tpu.memory_space<vmem>> -> memref<120xi32, #tpu.memory_space<vmem>>
      %dma_wait3A_193 = arith.constant 0 : i32
      %dma_wait3A_194 = arith.constant 0 : i32
      %dma_wait3A_195 = tpu.memref_slice %arg2[%dma_wait3A_193, %dma_wait3A_194] : memref<10000x128xf32, #tpu.memory_space<hbm>> -> memref<10000x128xf32, #tpu.memory_space<hbm>>
      tpu.wait_indirect_dma semaphore(%arg10 : memref<!tpu.dma_semaphore, #tpu.memory_space<semaphore_mem>>) src(%dma_wait3A_195 : memref<10000x128xf32, #tpu.memory_space<hbm>>) dst(%dma_wait3A_189 : memref<120x128xf32, #tpu.memory_space<vmem>>)
      %add3A_196 = arith.constant 3 : i32
      %add3A_197 = arith.addi %add3A_173, %add3A_196 : i32
      %lt3A_198 = arith.constant 84 : i32
      %lt3A_199 = arith.cmpi slt, %add3A_197, %lt3A_198 : i32
      %convert_element_type3A_200 = arith.extui %lt3A_199 : i1 to i32
      %cond3A_201 = arith.constant 0 : i32
      %cond3A_202 = arith.cmpi ne, %convert_element_type3A_200, %cond3A_201 : i32
      scf.if %cond3A_202 {
        %add3A_351 = arith.constant 3 : i32
        %add3A_352 = arith.addi %add3A_173, %add3A_351 : i32
        %add3A_353 = arith.constant 3 : i32
        %add3A_354 = arith.addi %add3A_173, %add3A_353 : i32
        %jit3A_355 = arith.constant 4 : i32
        %eq3A_356 = arith.constant 0 : i32
        %eq3A_357 = arith.cmpi eq, %jit3A_355, %eq3A_356 : i32
        %jit3A_358 = arith.constant 1 : i32
        %select_n3A_359 = arith.select %eq3A_357, %jit3A_358, %jit3A_355 : i32
        %rem3A_360 = arith.remsi %add3A_354, %select_n3A_359 : i32
        %ne3A_361 = arith.constant 0 : i32
        %ne3A_362 = arith.cmpi ne, %rem3A_360, %ne3A_361 : i32
        %lt3A_363 = arith.constant 0 : i32
        %lt3A_364 = arith.cmpi slt, %rem3A_360, %lt3A_363 : i32
        %lt3A_365 = arith.constant 0 : i32
        %lt3A_366 = arith.cmpi slt, %select_n3A_359, %lt3A_365 : i32
        %ne3A_367 = arith.xori %lt3A_364, %lt3A_366 : i1
        %and3A_368 = arith.andi %ne3A_367, %ne3A_362 : i1
        %add3A_369 = arith.addi %rem3A_360, %select_n3A_359 : i32
        %select_n3A_370 = arith.select %and3A_368, %add3A_369, %rem3A_360 : i32
        %mul3A_371 = arith.constant 84 : i32
        %mul3A_372 = arith.muli %add3A, %mul3A_371 : i32
        %add3A_373 = arith.addi %mul3A_372, %add3A_352 : i32
        %mul3A_374 = arith.constant 120 : i32
        %mul3A_375 = arith.muli %add3A_373, %mul3A_374 : i32
        %dma_start3A_376 = arith.constant 0 : i32
        %dma_start3A_377 = arith.constant 0 : i32
        %dma_start3A_378 = tpu.memref_slice %arg7[%dma_start3A_376, %dma_start3A_377] : memref<7x120xi32, #tpu.memory_space<vmem>> -> memref<1x120xi32, #tpu.memory_space<vmem>>
        %dma_start3A_379 = tpu.memref_squeeze %dma_start3A_378 : memref<1x120xi32, #tpu.memory_space<vmem>> -> memref<120xi32, #tpu.memory_space<vmem>>
        %dma_start3A_380 = tpu.memref_slice %arg3[%mul3A_375] : memref<322560xi32, #tpu.memory_space<hbm>> -> memref<120xi32, #tpu.memory_space<hbm>>
        %dma_start3A_381 = arith.constant 0 : i32
        %dma_start3A_382 = tpu.memref_slice %arg7[%dma_start3A_376, %dma_start3A_381] : memref<7x120xi32, #tpu.memory_space<vmem>> -> memref<1x120xi32, #tpu.memory_space<vmem>>
        %dma_start3A_383 = tpu.memref_squeeze %dma_start3A_382 : memref<1x120xi32, #tpu.memory_space<vmem>> -> memref<120xi32, #tpu.memory_space<vmem>>
        %dma_start3A_384 = tpu.memref_slice %arg3[%mul3A_375] : memref<322560xi32, #tpu.memory_space<hbm>> -> memref<120xi32, #tpu.memory_space<hbm>>
        tpu.enqueue_dma source(%dma_start3A_384 : memref<120xi32, #tpu.memory_space<hbm>>) target(%dma_start3A_383 : memref<120xi32, #tpu.memory_space<vmem>>) target_semaphore(%arg12 : memref<!tpu.dma_semaphore, #tpu.memory_space<semaphore_mem>>)
        %add3A_385 = arith.constant 3 : i32
        %add3A_386 = arith.addi %add3A_385, %select_n3A_370 : i32
        %dma_start3A_387 = arith.constant 0 : i32
        %dma_start3A_388 = tpu.memref_slice %arg7[%add3A_386, %dma_start3A_387] : memref<7x120xi32, #tpu.memory_space<vmem>> -> memref<1x120xi32, #tpu.memory_space<vmem>>
        %dma_start3A_389 = tpu.memref_squeeze %dma_start3A_388 : memref<1x120xi32, #tpu.memory_space<vmem>> -> memref<120xi32, #tpu.memory_space<vmem>>
        %dma_start3A_390 = tpu.memref_slice %arg4[%mul3A_375] : memref<322560xi32, #tpu.memory_space<hbm>> -> memref<120xi32, #tpu.memory_space<hbm>>
        %dma_start3A_391 = arith.constant 0 : i32
        %dma_start3A_392 = tpu.memref_slice %arg7[%add3A_386, %dma_start3A_391] : memref<7x120xi32, #tpu.memory_space<vmem>> -> memref<1x120xi32, #tpu.memory_space<vmem>>
        %dma_start3A_393 = tpu.memref_squeeze %dma_start3A_392 : memref<1x120xi32, #tpu.memory_space<vmem>> -> memref<120xi32, #tpu.memory_space<vmem>>
        %dma_start3A_394 = tpu.memref_slice %arg4[%mul3A_375] : memref<322560xi32, #tpu.memory_space<hbm>> -> memref<120xi32, #tpu.memory_space<hbm>>
        tpu.enqueue_dma source(%dma_start3A_394 : memref<120xi32, #tpu.memory_space<hbm>>) target(%dma_start3A_393 : memref<120xi32, #tpu.memory_space<vmem>>) target_semaphore(%arg12 : memref<!tpu.dma_semaphore, #tpu.memory_space<semaphore_mem>>)
      } else {
      }
      %jit3A = arith.constant 4 : i32
      %eq3A_203 = arith.constant 0 : i32
      %eq3A_204 = arith.cmpi eq, %jit3A, %eq3A_203 : i32
      %jit3A_205 = arith.constant 1 : i32
      %select_n3A = arith.select %eq3A_204, %jit3A_205, %jit3A : i32
      %rem3A = arith.remsi %add3A_173, %select_n3A : i32
      %ne3A = arith.constant 0 : i32
      %ne3A_206 = arith.cmpi ne, %rem3A, %ne3A : i32
      %lt3A_207 = arith.constant 0 : i32
      %lt3A_208 = arith.cmpi slt, %rem3A, %lt3A_207 : i32
      %lt3A_209 = arith.constant 0 : i32
      %lt3A_210 = arith.cmpi slt, %select_n3A, %lt3A_209 : i32
      %ne3A_211 = arith.xori %lt3A_208, %lt3A_210 : i1
      %and3A = arith.andi %ne3A_211, %ne3A_206 : i1
      %add3A_212 = arith.addi %rem3A, %select_n3A : i32
      %select_n3A_213 = arith.select %and3A, %add3A_212, %rem3A : i32
      %add3A_214 = arith.constant 3 : i32
      %add3A_215 = arith.addi %add3A_214, %select_n3A_213 : i32
      %dma_start3A_216 = arith.constant 0 : i32
      %dma_start3A_217 = arith.constant 0 : i32
      %dma_start3A_218 = arith.constant 0 : i32
      %dma_start3A_219 = tpu.memref_slice %arg8[%dma_start3A_216, %dma_start3A_217, %dma_start3A_218] : memref<3x120x128xf32, #tpu.memory_space<vmem>> -> memref<1x120x128xf32, #tpu.memory_space<vmem>>
      %dma_start3A_220 = tpu.memref_squeeze %dma_start3A_219 : memref<1x120x128xf32, #tpu.memory_space<vmem>> -> memref<120x128xf32, #tpu.memory_space<vmem>>
      %dma_start3A_221 = arith.constant 0 : i32
      %dma_start3A_222 = tpu.memref_slice %arg7[%add3A_215, %dma_start3A_221] : memref<7x120xi32, #tpu.memory_space<vmem>> -> memref<1x120xi32, #tpu.memory_space<vmem>>
      %dma_start3A_223 = tpu.memref_squeeze %dma_start3A_222 : memref<1x120xi32, #tpu.memory_space<vmem>> -> memref<120xi32, #tpu.memory_space<vmem>>
      %dma_start3A_224 = arith.constant 0 : i32
      %dma_start3A_225 = arith.constant 0 : i32
      %dma_start3A_226 = tpu.memref_slice %arg9[%dma_start3A_224, %dma_start3A_225] : memref<10112x128xf32, #tpu.memory_space<vmem_shared>> -> memref<10112x128xf32, #tpu.memory_space<vmem_shared>>
      tpu.enqueue_indirect_dma source(%dma_start3A_220 : memref<120x128xf32, #tpu.memory_space<vmem>>) target(%dma_start3A_226 : memref<10112x128xf32, #tpu.memory_space<vmem_shared>>) offsets(%dma_start3A_223 : memref<120xi32, #tpu.memory_space<vmem>>) semaphore(%arg11 : memref<!tpu.dma_semaphore, #tpu.memory_space<semaphore_mem>>) {add = true}
      %add3A_227 = arith.constant 1 : i32
      %add3A_228 = arith.addi %add3A_171, %add3A_227 : i32
      %gt3A_229 = arith.constant 0 : i32
      %gt3A_230 = arith.cmpi sgt, %add3A_228, %gt3A_229 : i32
      %convert_element_type3A_231 = arith.extui %gt3A_230 : i1 to i32
      %cond3A_232 = arith.constant 0 : i32
      %cond3A_233 = arith.cmpi ne, %convert_element_type3A_231, %cond3A_232 : i32
      scf.if %cond3A_233 {
        %add3A_351 = arith.constant 4 : i32
        %add3A_352 = arith.addi %add3A_228, %add3A_351 : i32
        %sub3A = arith.constant 1 : i32
        %sub3A_353 = arith.subi %add3A_352, %sub3A : i32
        %jit3A_354 = arith.constant 4 : i32
        %eq3A_355 = arith.constant 0 : i32
        %eq3A_356 = arith.cmpi eq, %jit3A_354, %eq3A_355 : i32
        %jit3A_357 = arith.constant 1 : i32
        %select_n3A_358 = arith.select %eq3A_356, %jit3A_357, %jit3A_354 : i32
        %rem3A_359 = arith.remsi %sub3A_353, %select_n3A_358 : i32
        %ne3A_360 = arith.constant 0 : i32
        %ne3A_361 = arith.cmpi ne, %rem3A_359, %ne3A_360 : i32
        %lt3A_362 = arith.constant 0 : i32
        %lt3A_363 = arith.cmpi slt, %rem3A_359, %lt3A_362 : i32
        %lt3A_364 = arith.constant 0 : i32
        %lt3A_365 = arith.cmpi slt, %select_n3A_358, %lt3A_364 : i32
        %ne3A_366 = arith.xori %lt3A_363, %lt3A_365 : i1
        %and3A_367 = arith.andi %ne3A_366, %ne3A_361 : i1
        %add3A_368 = arith.addi %rem3A_359, %select_n3A_358 : i32
        %select_n3A_369 = arith.select %and3A_367, %add3A_368, %rem3A_359 : i32
        %add3A_370 = arith.constant 3 : i32
        %add3A_371 = arith.addi %add3A_370, %select_n3A_369 : i32
        %dma_wait3A_372 = arith.constant 0 : i32
        %dma_wait3A_373 = arith.constant 0 : i32
        %dma_wait3A_374 = arith.constant 0 : i32
        %dma_wait3A_375 = tpu.memref_slice %arg8[%dma_wait3A_372, %dma_wait3A_373, %dma_wait3A_374] : memref<3x120x128xf32, #tpu.memory_space<vmem>> -> memref<1x120x128xf32, #tpu.memory_space<vmem>>
        %dma_wait3A_376 = tpu.memref_squeeze %dma_wait3A_375 : memref<1x120x128xf32, #tpu.memory_space<vmem>> -> memref<120x128xf32, #tpu.memory_space<vmem>>
        %dma_wait3A_377 = arith.constant 0 : i32
        %dma_wait3A_378 = tpu.memref_slice %arg7[%add3A_371, %dma_wait3A_377] : memref<7x120xi32, #tpu.memory_space<vmem>> -> memref<1x120xi32, #tpu.memory_space<vmem>>
        %dma_wait3A_379 = tpu.memref_squeeze %dma_wait3A_378 : memref<1x120xi32, #tpu.memory_space<vmem>> -> memref<120xi32, #tpu.memory_space<vmem>>
        %dma_wait3A_380 = arith.constant 0 : i32
        %dma_wait3A_381 = arith.constant 0 : i32
        %dma_wait3A_382 = tpu.memref_slice %arg9[%dma_wait3A_380, %dma_wait3A_381] : memref<10112x128xf32, #tpu.memory_space<vmem_shared>> -> memref<10112x128xf32, #tpu.memory_space<vmem_shared>>
        tpu.wait_indirect_dma semaphore(%arg11 : memref<!tpu.dma_semaphore, #tpu.memory_space<semaphore_mem>>) src(%dma_wait3A_376 : memref<120x128xf32, #tpu.memory_space<vmem>>) dst(%dma_wait3A_382 : memref<10112x128xf32, #tpu.memory_space<vmem_shared>>)
      } else {
      }
      %add3A_234 = arith.constant 2 : i32
      %add3A_235 = arith.addi %add3A_228, %add3A_234 : i32
      %lt3A_236 = arith.constant 84 : i32
      %lt3A_237 = arith.cmpi slt, %add3A_235, %lt3A_236 : i32
      %convert_element_type3A_238 = arith.extui %lt3A_237 : i1 to i32
      %cond3A_239 = arith.constant 0 : i32
      %cond3A_240 = arith.cmpi ne, %convert_element_type3A_238, %cond3A_239 : i32
      scf.if %cond3A_240 {
        %add3A_351 = arith.constant 2 : i32
        %add3A_352 = arith.addi %add3A_228, %add3A_351 : i32
        %jit3A_353 = arith.constant 4 : i32
        %eq3A_354 = arith.constant 0 : i32
        %eq3A_355 = arith.cmpi eq, %jit3A_353, %eq3A_354 : i32
        %jit3A_356 = arith.constant 1 : i32
        %select_n3A_357 = arith.select %eq3A_355, %jit3A_356, %jit3A_353 : i32
        %rem3A_358 = arith.remsi %add3A_352, %select_n3A_357 : i32
        %ne3A_359 = arith.constant 0 : i32
        %ne3A_360 = arith.cmpi ne, %rem3A_358, %ne3A_359 : i32
        %lt3A_361 = arith.constant 0 : i32
        %lt3A_362 = arith.cmpi slt, %rem3A_358, %lt3A_361 : i32
        %lt3A_363 = arith.constant 0 : i32
        %lt3A_364 = arith.cmpi slt, %select_n3A_357, %lt3A_363 : i32
        %ne3A_365 = arith.xori %lt3A_362, %lt3A_364 : i1
        %and3A_366 = arith.andi %ne3A_365, %ne3A_360 : i1
        %add3A_367 = arith.addi %rem3A_358, %select_n3A_357 : i32
        %select_n3A_368 = arith.select %and3A_366, %add3A_367, %rem3A_358 : i32
        %dma_wait3A_369 = arith.constant 0 : i32
        %dma_wait3A_370 = arith.constant 0 : i32
        %dma_wait3A_371 = tpu.memref_slice %arg7[%dma_wait3A_369, %dma_wait3A_370] : memref<7x120xi32, #tpu.memory_space<vmem>> -> memref<1x120xi32, #tpu.memory_space<vmem>>
        %dma_wait3A_372 = tpu.memref_squeeze %dma_wait3A_371 : memref<1x120xi32, #tpu.memory_space<vmem>> -> memref<120xi32, #tpu.memory_space<vmem>>
        %dma_wait3A_373 = arith.constant 0 : i32
        %dma_wait3A_374 = tpu.memref_slice %arg3[%dma_wait3A_373] : memref<322560xi32, #tpu.memory_space<hbm>> -> memref<120xi32, #tpu.memory_space<hbm>>
        %dma_wait3A_375 = arith.constant 0 : i32
        %dma_wait3A_376 = tpu.memref_slice %arg7[%dma_wait3A_369, %dma_wait3A_375] : memref<7x120xi32, #tpu.memory_space<vmem>> -> memref<1x120xi32, #tpu.memory_space<vmem>>
        %dma_wait3A_377 = tpu.memref_squeeze %dma_wait3A_376 : memref<1x120xi32, #tpu.memory_space<vmem>> -> memref<120xi32, #tpu.memory_space<vmem>>
        %dma_wait3A_378 = arith.constant 0 : i32
        %dma_wait3A_379 = tpu.memref_slice %arg3[%dma_wait3A_378] : memref<322560xi32, #tpu.memory_space<hbm>> -> memref<120xi32, #tpu.memory_space<hbm>>
        tpu.wait_dma2 semaphore(%arg12 : memref<!tpu.dma_semaphore, #tpu.memory_space<semaphore_mem>>) src(%dma_wait3A_379 : memref<120xi32, #tpu.memory_space<hbm>>) dst(%dma_wait3A_377 : memref<120xi32, #tpu.memory_space<vmem>>)
        %add3A_380 = arith.constant 3 : i32
        %add3A_381 = arith.addi %add3A_380, %select_n3A_368 : i32
        %dma_wait3A_382 = arith.constant 0 : i32
        %dma_wait3A_383 = tpu.memref_slice %arg7[%add3A_381, %dma_wait3A_382] : memref<7x120xi32, #tpu.memory_space<vmem>> -> memref<1x120xi32, #tpu.memory_space<vmem>>
        %dma_wait3A_384 = tpu.memref_squeeze %dma_wait3A_383 : memref<1x120xi32, #tpu.memory_space<vmem>> -> memref<120xi32, #tpu.memory_space<vmem>>
        %dma_wait3A_385 = arith.constant 0 : i32
        %dma_wait3A_386 = tpu.memref_slice %arg4[%dma_wait3A_385] : memref<322560xi32, #tpu.memory_space<hbm>> -> memref<120xi32, #tpu.memory_space<hbm>>
        %dma_wait3A_387 = arith.constant 0 : i32
        %dma_wait3A_388 = tpu.memref_slice %arg7[%add3A_381, %dma_wait3A_387] : memref<7x120xi32, #tpu.memory_space<vmem>> -> memref<1x120xi32, #tpu.memory_space<vmem>>
        %dma_wait3A_389 = tpu.memref_squeeze %dma_wait3A_388 : memref<1x120xi32, #tpu.memory_space<vmem>> -> memref<120xi32, #tpu.memory_space<vmem>>
        %dma_wait3A_390 = arith.constant 0 : i32
        %dma_wait3A_391 = tpu.memref_slice %arg4[%dma_wait3A_390] : memref<322560xi32, #tpu.memory_space<hbm>> -> memref<120xi32, #tpu.memory_space<hbm>>
        tpu.wait_dma2 semaphore(%arg12 : memref<!tpu.dma_semaphore, #tpu.memory_space<semaphore_mem>>) src(%dma_wait3A_391 : memref<120xi32, #tpu.memory_space<hbm>>) dst(%dma_wait3A_389 : memref<120xi32, #tpu.memory_space<vmem>>)
        %dma_start3A_392 = arith.constant 0 : i32
        %dma_start3A_393 = arith.constant 0 : i32
        %dma_start3A_394 = arith.constant 0 : i32
        %dma_start3A_395 = arith.constant 0 : i32
        %dma_start3A_396 = tpu.memref_slice %arg8[%dma_start3A_393, %dma_start3A_394, %dma_start3A_395] : memref<3x120x128xf32, #tpu.memory_space<vmem>> -> memref<1x120x128xf32, #tpu.memory_space<vmem>>
        %dma_start3A_397 = tpu.memref_squeeze %dma_start3A_396 : memref<1x120x128xf32, #tpu.memory_space<vmem>> -> memref<120x128xf32, #tpu.memory_space<vmem>>
        %dma_start3A_398 = arith.constant 0 : i32
        %dma_start3A_399 = tpu.memref_slice %arg7[%dma_start3A_392, %dma_start3A_398] : memref<7x120xi32, #tpu.memory_space<vmem>> -> memref<1x120xi32, #tpu.memory_space<vmem>>
        %dma_start3A_400 = tpu.memref_squeeze %dma_start3A_399 : memref<1x120xi32, #tpu.memory_space<vmem>> -> memref<120xi32, #tpu.memory_space<vmem>>
        %dma_start3A_401 = arith.constant 0 : i32
        %dma_start3A_402 = arith.constant 0 : i32
        %dma_start3A_403 = tpu.memref_slice %arg2[%dma_start3A_401, %dma_start3A_402] : memref<10000x128xf32, #tpu.memory_space<hbm>> -> memref<10000x128xf32, #tpu.memory_space<hbm>>
        tpu.enqueue_indirect_dma source(%dma_start3A_403 : memref<10000x128xf32, #tpu.memory_space<hbm>>) target(%dma_start3A_397 : memref<120x128xf32, #tpu.memory_space<vmem>>) offsets(%dma_start3A_400 : memref<120xi32, #tpu.memory_space<vmem>>) semaphore(%arg10 : memref<!tpu.dma_semaphore, #tpu.memory_space<semaphore_mem>>)
      } else {
      }
      %dma_wait3A_241 = arith.constant 1 : i32
      %dma_wait3A_242 = arith.constant 1 : i32
      %dma_wait3A_243 = arith.constant 0 : i32
      %dma_wait3A_244 = arith.constant 0 : i32
      %dma_wait3A_245 = tpu.memref_slice %arg8[%dma_wait3A_242, %dma_wait3A_243, %dma_wait3A_244] : memref<3x120x128xf32, #tpu.memory_space<vmem>> -> memref<1x120x128xf32, #tpu.memory_space<vmem>>
      %dma_wait3A_246 = tpu.memref_squeeze %dma_wait3A_245 : memref<1x120x128xf32, #tpu.memory_space<vmem>> -> memref<120x128xf32, #tpu.memory_space<vmem>>
      %dma_wait3A_247 = arith.constant 0 : i32
      %dma_wait3A_248 = tpu.memref_slice %arg7[%dma_wait3A_241, %dma_wait3A_247] : memref<7x120xi32, #tpu.memory_space<vmem>> -> memref<1x120xi32, #tpu.memory_space<vmem>>
      %dma_wait3A_249 = tpu.memref_squeeze %dma_wait3A_248 : memref<1x120xi32, #tpu.memory_space<vmem>> -> memref<120xi32, #tpu.memory_space<vmem>>
      %dma_wait3A_250 = arith.constant 0 : i32
      %dma_wait3A_251 = arith.constant 0 : i32
      %dma_wait3A_252 = tpu.memref_slice %arg2[%dma_wait3A_250, %dma_wait3A_251] : memref<10000x128xf32, #tpu.memory_space<hbm>> -> memref<10000x128xf32, #tpu.memory_space<hbm>>
      tpu.wait_indirect_dma semaphore(%arg10 : memref<!tpu.dma_semaphore, #tpu.memory_space<semaphore_mem>>) src(%dma_wait3A_252 : memref<10000x128xf32, #tpu.memory_space<hbm>>) dst(%dma_wait3A_246 : memref<120x128xf32, #tpu.memory_space<vmem>>)
      %add3A_253 = arith.constant 3 : i32
      %add3A_254 = arith.addi %add3A_228, %add3A_253 : i32
      %lt3A_255 = arith.constant 84 : i32
      %lt3A_256 = arith.cmpi slt, %add3A_254, %lt3A_255 : i32
      %convert_element_type3A_257 = arith.extui %lt3A_256 : i1 to i32
      %cond3A_258 = arith.constant 0 : i32
      %cond3A_259 = arith.cmpi ne, %convert_element_type3A_257, %cond3A_258 : i32
      scf.if %cond3A_259 {
        %add3A_351 = arith.constant 3 : i32
        %add3A_352 = arith.addi %add3A_228, %add3A_351 : i32
        %add3A_353 = arith.constant 3 : i32
        %add3A_354 = arith.addi %add3A_228, %add3A_353 : i32
        %jit3A_355 = arith.constant 4 : i32
        %eq3A_356 = arith.constant 0 : i32
        %eq3A_357 = arith.cmpi eq, %jit3A_355, %eq3A_356 : i32
        %jit3A_358 = arith.constant 1 : i32
        %select_n3A_359 = arith.select %eq3A_357, %jit3A_358, %jit3A_355 : i32
        %rem3A_360 = arith.remsi %add3A_354, %select_n3A_359 : i32
        %ne3A_361 = arith.constant 0 : i32
        %ne3A_362 = arith.cmpi ne, %rem3A_360, %ne3A_361 : i32
        %lt3A_363 = arith.constant 0 : i32
        %lt3A_364 = arith.cmpi slt, %rem3A_360, %lt3A_363 : i32
        %lt3A_365 = arith.constant 0 : i32
        %lt3A_366 = arith.cmpi slt, %select_n3A_359, %lt3A_365 : i32
        %ne3A_367 = arith.xori %lt3A_364, %lt3A_366 : i1
        %and3A_368 = arith.andi %ne3A_367, %ne3A_362 : i1
        %add3A_369 = arith.addi %rem3A_360, %select_n3A_359 : i32
        %select_n3A_370 = arith.select %and3A_368, %add3A_369, %rem3A_360 : i32
        %mul3A_371 = arith.constant 84 : i32
        %mul3A_372 = arith.muli %add3A, %mul3A_371 : i32
        %add3A_373 = arith.addi %mul3A_372, %add3A_352 : i32
        %mul3A_374 = arith.constant 120 : i32
        %mul3A_375 = arith.muli %add3A_373, %mul3A_374 : i32
        %dma_start3A_376 = arith.constant 1 : i32
        %dma_start3A_377 = arith.constant 0 : i32
        %dma_start3A_378 = tpu.memref_slice %arg7[%dma_start3A_376, %dma_start3A_377] : memref<7x120xi32, #tpu.memory_space<vmem>> -> memref<1x120xi32, #tpu.memory_space<vmem>>
        %dma_start3A_379 = tpu.memref_squeeze %dma_start3A_378 : memref<1x120xi32, #tpu.memory_space<vmem>> -> memref<120xi32, #tpu.memory_space<vmem>>
        %dma_start3A_380 = tpu.memref_slice %arg3[%mul3A_375] : memref<322560xi32, #tpu.memory_space<hbm>> -> memref<120xi32, #tpu.memory_space<hbm>>
        %dma_start3A_381 = arith.constant 0 : i32
        %dma_start3A_382 = tpu.memref_slice %arg7[%dma_start3A_376, %dma_start3A_381] : memref<7x120xi32, #tpu.memory_space<vmem>> -> memref<1x120xi32, #tpu.memory_space<vmem>>
        %dma_start3A_383 = tpu.memref_squeeze %dma_start3A_382 : memref<1x120xi32, #tpu.memory_space<vmem>> -> memref<120xi32, #tpu.memory_space<vmem>>
        %dma_start3A_384 = tpu.memref_slice %arg3[%mul3A_375] : memref<322560xi32, #tpu.memory_space<hbm>> -> memref<120xi32, #tpu.memory_space<hbm>>
        tpu.enqueue_dma source(%dma_start3A_384 : memref<120xi32, #tpu.memory_space<hbm>>) target(%dma_start3A_383 : memref<120xi32, #tpu.memory_space<vmem>>) target_semaphore(%arg12 : memref<!tpu.dma_semaphore, #tpu.memory_space<semaphore_mem>>)
        %add3A_385 = arith.constant 3 : i32
        %add3A_386 = arith.addi %add3A_385, %select_n3A_370 : i32
        %dma_start3A_387 = arith.constant 0 : i32
        %dma_start3A_388 = tpu.memref_slice %arg7[%add3A_386, %dma_start3A_387] : memref<7x120xi32, #tpu.memory_space<vmem>> -> memref<1x120xi32, #tpu.memory_space<vmem>>
        %dma_start3A_389 = tpu.memref_squeeze %dma_start3A_388 : memref<1x120xi32, #tpu.memory_space<vmem>> -> memref<120xi32, #tpu.memory_space<vmem>>
        %dma_start3A_390 = tpu.memref_slice %arg4[%mul3A_375] : memref<322560xi32, #tpu.memory_space<hbm>> -> memref<120xi32, #tpu.memory_space<hbm>>
        %dma_start3A_391 = arith.constant 0 : i32
        %dma_start3A_392 = tpu.memref_slice %arg7[%add3A_386, %dma_start3A_391] : memref<7x120xi32, #tpu.memory_space<vmem>> -> memref<1x120xi32, #tpu.memory_space<vmem>>
        %dma_start3A_393 = tpu.memref_squeeze %dma_start3A_392 : memref<1x120xi32, #tpu.memory_space<vmem>> -> memref<120xi32, #tpu.memory_space<vmem>>
        %dma_start3A_394 = tpu.memref_slice %arg4[%mul3A_375] : memref<322560xi32, #tpu.memory_space<hbm>> -> memref<120xi32, #tpu.memory_space<hbm>>
        tpu.enqueue_dma source(%dma_start3A_394 : memref<120xi32, #tpu.memory_space<hbm>>) target(%dma_start3A_393 : memref<120xi32, #tpu.memory_space<vmem>>) target_semaphore(%arg12 : memref<!tpu.dma_semaphore, #tpu.memory_space<semaphore_mem>>)
      } else {
      }
      %jit3A_260 = arith.constant 4 : i32
      %eq3A_261 = arith.constant 0 : i32
      %eq3A_262 = arith.cmpi eq, %jit3A_260, %eq3A_261 : i32
      %jit3A_263 = arith.constant 1 : i32
      %select_n3A_264 = arith.select %eq3A_262, %jit3A_263, %jit3A_260 : i32
      %rem3A_265 = arith.remsi %add3A_228, %select_n3A_264 : i32
      %ne3A_266 = arith.constant 0 : i32
      %ne3A_267 = arith.cmpi ne, %rem3A_265, %ne3A_266 : i32
      %lt3A_268 = arith.constant 0 : i32
      %lt3A_269 = arith.cmpi slt, %rem3A_265, %lt3A_268 : i32
      %lt3A_270 = arith.constant 0 : i32
      %lt3A_271 = arith.cmpi slt, %select_n3A_264, %lt3A_270 : i32
      %ne3A_272 = arith.xori %lt3A_269, %lt3A_271 : i1
      %and3A_273 = arith.andi %ne3A_272, %ne3A_267 : i1
      %add3A_274 = arith.addi %rem3A_265, %select_n3A_264 : i32
      %select_n3A_275 = arith.select %and3A_273, %add3A_274, %rem3A_265 : i32
      %add3A_276 = arith.constant 3 : i32
      %add3A_277 = arith.addi %add3A_276, %select_n3A_275 : i32
      %dma_start3A_278 = arith.constant 1 : i32
      %dma_start3A_279 = arith.constant 0 : i32
      %dma_start3A_280 = arith.constant 0 : i32
      %dma_start3A_281 = tpu.memref_slice %arg8[%dma_start3A_278, %dma_start3A_279, %dma_start3A_280] : memref<3x120x128xf32, #tpu.memory_space<vmem>> -> memref<1x120x128xf32, #tpu.memory_space<vmem>>
      %dma_start3A_282 = tpu.memref_squeeze %dma_start3A_281 : memref<1x120x128xf32, #tpu.memory_space<vmem>> -> memref<120x128xf32, #tpu.memory_space<vmem>>
      %dma_start3A_283 = arith.constant 0 : i32
      %dma_start3A_284 = tpu.memref_slice %arg7[%add3A_277, %dma_start3A_283] : memref<7x120xi32, #tpu.memory_space<vmem>> -> memref<1x120xi32, #tpu.memory_space<vmem>>
      %dma_start3A_285 = tpu.memref_squeeze %dma_start3A_284 : memref<1x120xi32, #tpu.memory_space<vmem>> -> memref<120xi32, #tpu.memory_space<vmem>>
      %dma_start3A_286 = arith.constant 0 : i32
      %dma_start3A_287 = arith.constant 0 : i32
      %dma_start3A_288 = tpu.memref_slice %arg9[%dma_start3A_286, %dma_start3A_287] : memref<10112x128xf32, #tpu.memory_space<vmem_shared>> -> memref<10112x128xf32, #tpu.memory_space<vmem_shared>>
      tpu.enqueue_indirect_dma source(%dma_start3A_282 : memref<120x128xf32, #tpu.memory_space<vmem>>) target(%dma_start3A_288 : memref<10112x128xf32, #tpu.memory_space<vmem_shared>>) offsets(%dma_start3A_285 : memref<120xi32, #tpu.memory_space<vmem>>) semaphore(%arg11 : memref<!tpu.dma_semaphore, #tpu.memory_space<semaphore_mem>>) {add = true}
      %add3A_289 = arith.constant 2 : i32
      %add3A_290 = arith.addi %add3A_171, %add3A_289 : i32
      %gt3A_291 = arith.constant 0 : i32
      %gt3A_292 = arith.cmpi sgt, %add3A_290, %gt3A_291 : i32
      %convert_element_type3A_293 = arith.extui %gt3A_292 : i1 to i32
      %cond3A_294 = arith.constant 0 : i32
      %cond3A_295 = arith.cmpi ne, %convert_element_type3A_293, %cond3A_294 : i32
      scf.if %cond3A_295 {
        %add3A_351 = arith.constant 4 : i32
        %add3A_352 = arith.addi %add3A_290, %add3A_351 : i32
        %sub3A = arith.constant 1 : i32
        %sub3A_353 = arith.subi %add3A_352, %sub3A : i32
        %jit3A_354 = arith.constant 4 : i32
        %eq3A_355 = arith.constant 0 : i32
        %eq3A_356 = arith.cmpi eq, %jit3A_354, %eq3A_355 : i32
        %jit3A_357 = arith.constant 1 : i32
        %select_n3A_358 = arith.select %eq3A_356, %jit3A_357, %jit3A_354 : i32
        %rem3A_359 = arith.remsi %sub3A_353, %select_n3A_358 : i32
        %ne3A_360 = arith.constant 0 : i32
        %ne3A_361 = arith.cmpi ne, %rem3A_359, %ne3A_360 : i32
        %lt3A_362 = arith.constant 0 : i32
        %lt3A_363 = arith.cmpi slt, %rem3A_359, %lt3A_362 : i32
        %lt3A_364 = arith.constant 0 : i32
        %lt3A_365 = arith.cmpi slt, %select_n3A_358, %lt3A_364 : i32
        %ne3A_366 = arith.xori %lt3A_363, %lt3A_365 : i1
        %and3A_367 = arith.andi %ne3A_366, %ne3A_361 : i1
        %add3A_368 = arith.addi %rem3A_359, %select_n3A_358 : i32
        %select_n3A_369 = arith.select %and3A_367, %add3A_368, %rem3A_359 : i32
        %add3A_370 = arith.constant 3 : i32
        %add3A_371 = arith.addi %add3A_370, %select_n3A_369 : i32
        %dma_wait3A_372 = arith.constant 1 : i32
        %dma_wait3A_373 = arith.constant 0 : i32
        %dma_wait3A_374 = arith.constant 0 : i32
        %dma_wait3A_375 = tpu.memref_slice %arg8[%dma_wait3A_372, %dma_wait3A_373, %dma_wait3A_374] : memref<3x120x128xf32, #tpu.memory_space<vmem>> -> memref<1x120x128xf32, #tpu.memory_space<vmem>>
        %dma_wait3A_376 = tpu.memref_squeeze %dma_wait3A_375 : memref<1x120x128xf32, #tpu.memory_space<vmem>> -> memref<120x128xf32, #tpu.memory_space<vmem>>
        %dma_wait3A_377 = arith.constant 0 : i32
        %dma_wait3A_378 = tpu.memref_slice %arg7[%add3A_371, %dma_wait3A_377] : memref<7x120xi32, #tpu.memory_space<vmem>> -> memref<1x120xi32, #tpu.memory_space<vmem>>
        %dma_wait3A_379 = tpu.memref_squeeze %dma_wait3A_378 : memref<1x120xi32, #tpu.memory_space<vmem>> -> memref<120xi32, #tpu.memory_space<vmem>>
        %dma_wait3A_380 = arith.constant 0 : i32
        %dma_wait3A_381 = arith.constant 0 : i32
        %dma_wait3A_382 = tpu.memref_slice %arg9[%dma_wait3A_380, %dma_wait3A_381] : memref<10112x128xf32, #tpu.memory_space<vmem_shared>> -> memref<10112x128xf32, #tpu.memory_space<vmem_shared>>
        tpu.wait_indirect_dma semaphore(%arg11 : memref<!tpu.dma_semaphore, #tpu.memory_space<semaphore_mem>>) src(%dma_wait3A_376 : memref<120x128xf32, #tpu.memory_space<vmem>>) dst(%dma_wait3A_382 : memref<10112x128xf32, #tpu.memory_space<vmem_shared>>)
      } else {
      }
      %add3A_296 = arith.constant 2 : i32
      %add3A_297 = arith.addi %add3A_290, %add3A_296 : i32
      %lt3A_298 = arith.constant 84 : i32
      %lt3A_299 = arith.cmpi slt, %add3A_297, %lt3A_298 : i32
      %convert_element_type3A_300 = arith.extui %lt3A_299 : i1 to i32
      %cond3A_301 = arith.constant 0 : i32
      %cond3A_302 = arith.cmpi ne, %convert_element_type3A_300, %cond3A_301 : i32
      scf.if %cond3A_302 {
        %add3A_351 = arith.constant 2 : i32
        %add3A_352 = arith.addi %add3A_290, %add3A_351 : i32
        %jit3A_353 = arith.constant 4 : i32
        %eq3A_354 = arith.constant 0 : i32
        %eq3A_355 = arith.cmpi eq, %jit3A_353, %eq3A_354 : i32
        %jit3A_356 = arith.constant 1 : i32
        %select_n3A_357 = arith.select %eq3A_355, %jit3A_356, %jit3A_353 : i32
        %rem3A_358 = arith.remsi %add3A_352, %select_n3A_357 : i32
        %ne3A_359 = arith.constant 0 : i32
        %ne3A_360 = arith.cmpi ne, %rem3A_358, %ne3A_359 : i32
        %lt3A_361 = arith.constant 0 : i32
        %lt3A_362 = arith.cmpi slt, %rem3A_358, %lt3A_361 : i32
        %lt3A_363 = arith.constant 0 : i32
        %lt3A_364 = arith.cmpi slt, %select_n3A_357, %lt3A_363 : i32
        %ne3A_365 = arith.xori %lt3A_362, %lt3A_364 : i1
        %and3A_366 = arith.andi %ne3A_365, %ne3A_360 : i1
        %add3A_367 = arith.addi %rem3A_358, %select_n3A_357 : i32
        %select_n3A_368 = arith.select %and3A_366, %add3A_367, %rem3A_358 : i32
        %dma_wait3A_369 = arith.constant 1 : i32
        %dma_wait3A_370 = arith.constant 0 : i32
        %dma_wait3A_371 = tpu.memref_slice %arg7[%dma_wait3A_369, %dma_wait3A_370] : memref<7x120xi32, #tpu.memory_space<vmem>> -> memref<1x120xi32, #tpu.memory_space<vmem>>
        %dma_wait3A_372 = tpu.memref_squeeze %dma_wait3A_371 : memref<1x120xi32, #tpu.memory_space<vmem>> -> memref<120xi32, #tpu.memory_space<vmem>>
        %dma_wait3A_373 = arith.constant 0 : i32
        %dma_wait3A_374 = tpu.memref_slice %arg3[%dma_wait3A_373] : memref<322560xi32, #tpu.memory_space<hbm>> -> memref<120xi32, #tpu.memory_space<hbm>>
        %dma_wait3A_375 = arith.constant 0 : i32
        %dma_wait3A_376 = tpu.memref_slice %arg7[%dma_wait3A_369, %dma_wait3A_375] : memref<7x120xi32, #tpu.memory_space<vmem>> -> memref<1x120xi32, #tpu.memory_space<vmem>>
        %dma_wait3A_377 = tpu.memref_squeeze %dma_wait3A_376 : memref<1x120xi32, #tpu.memory_space<vmem>> -> memref<120xi32, #tpu.memory_space<vmem>>
        %dma_wait3A_378 = arith.constant 0 : i32
        %dma_wait3A_379 = tpu.memref_slice %arg3[%dma_wait3A_378] : memref<322560xi32, #tpu.memory_space<hbm>> -> memref<120xi32, #tpu.memory_space<hbm>>
        tpu.wait_dma2 semaphore(%arg12 : memref<!tpu.dma_semaphore, #tpu.memory_space<semaphore_mem>>) src(%dma_wait3A_379 : memref<120xi32, #tpu.memory_space<hbm>>) dst(%dma_wait3A_377 : memref<120xi32, #tpu.memory_space<vmem>>)
        %add3A_380 = arith.constant 3 : i32
        %add3A_381 = arith.addi %add3A_380, %select_n3A_368 : i32
        %dma_wait3A_382 = arith.constant 0 : i32
        %dma_wait3A_383 = tpu.memref_slice %arg7[%add3A_381, %dma_wait3A_382] : memref<7x120xi32, #tpu.memory_space<vmem>> -> memref<1x120xi32, #tpu.memory_space<vmem>>
        %dma_wait3A_384 = tpu.memref_squeeze %dma_wait3A_383 : memref<1x120xi32, #tpu.memory_space<vmem>> -> memref<120xi32, #tpu.memory_space<vmem>>
        %dma_wait3A_385 = arith.constant 0 : i32
        %dma_wait3A_386 = tpu.memref_slice %arg4[%dma_wait3A_385] : memref<322560xi32, #tpu.memory_space<hbm>> -> memref<120xi32, #tpu.memory_space<hbm>>
        %dma_wait3A_387 = arith.constant 0 : i32
        %dma_wait3A_388 = tpu.memref_slice %arg7[%add3A_381, %dma_wait3A_387] : memref<7x120xi32, #tpu.memory_space<vmem>> -> memref<1x120xi32, #tpu.memory_space<vmem>>
        %dma_wait3A_389 = tpu.memref_squeeze %dma_wait3A_388 : memref<1x120xi32, #tpu.memory_space<vmem>> -> memref<120xi32, #tpu.memory_space<vmem>>
        %dma_wait3A_390 = arith.constant 0 : i32
        %dma_wait3A_391 = tpu.memref_slice %arg4[%dma_wait3A_390] : memref<322560xi32, #tpu.memory_space<hbm>> -> memref<120xi32, #tpu.memory_space<hbm>>
        tpu.wait_dma2 semaphore(%arg12 : memref<!tpu.dma_semaphore, #tpu.memory_space<semaphore_mem>>) src(%dma_wait3A_391 : memref<120xi32, #tpu.memory_space<hbm>>) dst(%dma_wait3A_389 : memref<120xi32, #tpu.memory_space<vmem>>)
        %dma_start3A_392 = arith.constant 1 : i32
        %dma_start3A_393 = arith.constant 1 : i32
        %dma_start3A_394 = arith.constant 0 : i32
        %dma_start3A_395 = arith.constant 0 : i32
        %dma_start3A_396 = tpu.memref_slice %arg8[%dma_start3A_393, %dma_start3A_394, %dma_start3A_395] : memref<3x120x128xf32, #tpu.memory_space<vmem>> -> memref<1x120x128xf32, #tpu.memory_space<vmem>>
        %dma_start3A_397 = tpu.memref_squeeze %dma_start3A_396 : memref<1x120x128xf32, #tpu.memory_space<vmem>> -> memref<120x128xf32, #tpu.memory_space<vmem>>
        %dma_start3A_398 = arith.constant 0 : i32
        %dma_start3A_399 = tpu.memref_slice %arg7[%dma_start3A_392, %dma_start3A_398] : memref<7x120xi32, #tpu.memory_space<vmem>> -> memref<1x120xi32, #tpu.memory_space<vmem>>
        %dma_start3A_400 = tpu.memref_squeeze %dma_start3A_399 : memref<1x120xi32, #tpu.memory_space<vmem>> -> memref<120xi32, #tpu.memory_space<vmem>>
        %dma_start3A_401 = arith.constant 0 : i32
        %dma_start3A_402 = arith.constant 0 : i32
        %dma_start3A_403 = tpu.memref_slice %arg2[%dma_start3A_401, %dma_start3A_402] : memref<10000x128xf32, #tpu.memory_space<hbm>> -> memref<10000x128xf32, #tpu.memory_space<hbm>>
        tpu.enqueue_indirect_dma source(%dma_start3A_403 : memref<10000x128xf32, #tpu.memory_space<hbm>>) target(%dma_start3A_397 : memref<120x128xf32, #tpu.memory_space<vmem>>) offsets(%dma_start3A_400 : memref<120xi32, #tpu.memory_space<vmem>>) semaphore(%arg10 : memref<!tpu.dma_semaphore, #tpu.memory_space<semaphore_mem>>)
      } else {
      }
      %dma_wait3A_303 = arith.constant 2 : i32
      %dma_wait3A_304 = arith.constant 2 : i32
      %dma_wait3A_305 = arith.constant 0 : i32
      %dma_wait3A_306 = arith.constant 0 : i32
      %dma_wait3A_307 = tpu.memref_slice %arg8[%dma_wait3A_304, %dma_wait3A_305, %dma_wait3A_306] : memref<3x120x128xf32, #tpu.memory_space<vmem>> -> memref<1x120x128xf32, #tpu.memory_space<vmem>>
      %dma_wait3A_308 = tpu.memref_squeeze %dma_wait3A_307 : memref<1x120x128xf32, #tpu.memory_space<vmem>> -> memref<120x128xf32, #tpu.memory_space<vmem>>
      %dma_wait3A_309 = arith.constant 0 : i32
      %dma_wait3A_310 = tpu.memref_slice %arg7[%dma_wait3A_303, %dma_wait3A_309] : memref<7x120xi32, #tpu.memory_space<vmem>> -> memref<1x120xi32, #tpu.memory_space<vmem>>
      %dma_wait3A_311 = tpu.memref_squeeze %dma_wait3A_310 : memref<1x120xi32, #tpu.memory_space<vmem>> -> memref<120xi32, #tpu.memory_space<vmem>>
      %dma_wait3A_312 = arith.constant 0 : i32
      %dma_wait3A_313 = arith.constant 0 : i32
      %dma_wait3A_314 = tpu.memref_slice %arg2[%dma_wait3A_312, %dma_wait3A_313] : memref<10000x128xf32, #tpu.memory_space<hbm>> -> memref<10000x128xf32, #tpu.memory_space<hbm>>
      tpu.wait_indirect_dma semaphore(%arg10 : memref<!tpu.dma_semaphore, #tpu.memory_space<semaphore_mem>>) src(%dma_wait3A_314 : memref<10000x128xf32, #tpu.memory_space<hbm>>) dst(%dma_wait3A_308 : memref<120x128xf32, #tpu.memory_space<vmem>>)
      %add3A_315 = arith.constant 3 : i32
      %add3A_316 = arith.addi %add3A_290, %add3A_315 : i32
      %lt3A_317 = arith.constant 84 : i32
      %lt3A_318 = arith.cmpi slt, %add3A_316, %lt3A_317 : i32
      %convert_element_type3A_319 = arith.extui %lt3A_318 : i1 to i32
      %cond3A_320 = arith.constant 0 : i32
      %cond3A_321 = arith.cmpi ne, %convert_element_type3A_319, %cond3A_320 : i32
      scf.if %cond3A_321 {
        %add3A_351 = arith.constant 3 : i32
        %add3A_352 = arith.addi %add3A_290, %add3A_351 : i32
        %add3A_353 = arith.constant 3 : i32
        %add3A_354 = arith.addi %add3A_290, %add3A_353 : i32
        %jit3A_355 = arith.constant 4 : i32
        %eq3A_356 = arith.constant 0 : i32
        %eq3A_357 = arith.cmpi eq, %jit3A_355, %eq3A_356 : i32
        %jit3A_358 = arith.constant 1 : i32
        %select_n3A_359 = arith.select %eq3A_357, %jit3A_358, %jit3A_355 : i32
        %rem3A_360 = arith.remsi %add3A_354, %select_n3A_359 : i32
        %ne3A_361 = arith.constant 0 : i32
        %ne3A_362 = arith.cmpi ne, %rem3A_360, %ne3A_361 : i32
        %lt3A_363 = arith.constant 0 : i32
        %lt3A_364 = arith.cmpi slt, %rem3A_360, %lt3A_363 : i32
        %lt3A_365 = arith.constant 0 : i32
        %lt3A_366 = arith.cmpi slt, %select_n3A_359, %lt3A_365 : i32
        %ne3A_367 = arith.xori %lt3A_364, %lt3A_366 : i1
        %and3A_368 = arith.andi %ne3A_367, %ne3A_362 : i1
        %add3A_369 = arith.addi %rem3A_360, %select_n3A_359 : i32
        %select_n3A_370 = arith.select %and3A_368, %add3A_369, %rem3A_360 : i32
        %mul3A_371 = arith.constant 84 : i32
        %mul3A_372 = arith.muli %add3A, %mul3A_371 : i32
        %add3A_373 = arith.addi %mul3A_372, %add3A_352 : i32
        %mul3A_374 = arith.constant 120 : i32
        %mul3A_375 = arith.muli %add3A_373, %mul3A_374 : i32
        %dma_start3A_376 = arith.constant 2 : i32
        %dma_start3A_377 = arith.constant 0 : i32
        %dma_start3A_378 = tpu.memref_slice %arg7[%dma_start3A_376, %dma_start3A_377] : memref<7x120xi32, #tpu.memory_space<vmem>> -> memref<1x120xi32, #tpu.memory_space<vmem>>
        %dma_start3A_379 = tpu.memref_squeeze %dma_start3A_378 : memref<1x120xi32, #tpu.memory_space<vmem>> -> memref<120xi32, #tpu.memory_space<vmem>>
        %dma_start3A_380 = tpu.memref_slice %arg3[%mul3A_375] : memref<322560xi32, #tpu.memory_space<hbm>> -> memref<120xi32, #tpu.memory_space<hbm>>
        %dma_start3A_381 = arith.constant 0 : i32
        %dma_start3A_382 = tpu.memref_slice %arg7[%dma_start3A_376, %dma_start3A_381] : memref<7x120xi32, #tpu.memory_space<vmem>> -> memref<1x120xi32, #tpu.memory_space<vmem>>
        %dma_start3A_383 = tpu.memref_squeeze %dma_start3A_382 : memref<1x120xi32, #tpu.memory_space<vmem>> -> memref<120xi32, #tpu.memory_space<vmem>>
        %dma_start3A_384 = tpu.memref_slice %arg3[%mul3A_375] : memref<322560xi32, #tpu.memory_space<hbm>> -> memref<120xi32, #tpu.memory_space<hbm>>
        tpu.enqueue_dma source(%dma_start3A_384 : memref<120xi32, #tpu.memory_space<hbm>>) target(%dma_start3A_383 : memref<120xi32, #tpu.memory_space<vmem>>) target_semaphore(%arg12 : memref<!tpu.dma_semaphore, #tpu.memory_space<semaphore_mem>>)
        %add3A_385 = arith.constant 3 : i32
        %add3A_386 = arith.addi %add3A_385, %select_n3A_370 : i32
        %dma_start3A_387 = arith.constant 0 : i32
        %dma_start3A_388 = tpu.memref_slice %arg7[%add3A_386, %dma_start3A_387] : memref<7x120xi32, #tpu.memory_space<vmem>> -> memref<1x120xi32, #tpu.memory_space<vmem>>
        %dma_start3A_389 = tpu.memref_squeeze %dma_start3A_388 : memref<1x120xi32, #tpu.memory_space<vmem>> -> memref<120xi32, #tpu.memory_space<vmem>>
        %dma_start3A_390 = tpu.memref_slice %arg4[%mul3A_375] : memref<322560xi32, #tpu.memory_space<hbm>> -> memref<120xi32, #tpu.memory_space<hbm>>
        %dma_start3A_391 = arith.constant 0 : i32
        %dma_start3A_392 = tpu.memref_slice %arg7[%add3A_386, %dma_start3A_391] : memref<7x120xi32, #tpu.memory_space<vmem>> -> memref<1x120xi32, #tpu.memory_space<vmem>>
        %dma_start3A_393 = tpu.memref_squeeze %dma_start3A_392 : memref<1x120xi32, #tpu.memory_space<vmem>> -> memref<120xi32, #tpu.memory_space<vmem>>
        %dma_start3A_394 = tpu.memref_slice %arg4[%mul3A_375] : memref<322560xi32, #tpu.memory_space<hbm>> -> memref<120xi32, #tpu.memory_space<hbm>>
        tpu.enqueue_dma source(%dma_start3A_394 : memref<120xi32, #tpu.memory_space<hbm>>) target(%dma_start3A_393 : memref<120xi32, #tpu.memory_space<vmem>>) target_semaphore(%arg12 : memref<!tpu.dma_semaphore, #tpu.memory_space<semaphore_mem>>)
      } else {
      }
      %jit3A_322 = arith.constant 4 : i32
      %eq3A_323 = arith.constant 0 : i32
      %eq3A_324 = arith.cmpi eq, %jit3A_322, %eq3A_323 : i32
      %jit3A_325 = arith.constant 1 : i32
      %select_n3A_326 = arith.select %eq3A_324, %jit3A_325, %jit3A_322 : i32
      %rem3A_327 = arith.remsi %add3A_290, %select_n3A_326 : i32
      %ne3A_328 = arith.constant 0 : i32
      %ne3A_329 = arith.cmpi ne, %rem3A_327, %ne3A_328 : i32
      %lt3A_330 = arith.constant 0 : i32
      %lt3A_331 = arith.cmpi slt, %rem3A_327, %lt3A_330 : i32
      %lt3A_332 = arith.constant 0 : i32
      %lt3A_333 = arith.cmpi slt, %select_n3A_326, %lt3A_332 : i32
      %ne3A_334 = arith.xori %lt3A_331, %lt3A_333 : i1
      %and3A_335 = arith.andi %ne3A_334, %ne3A_329 : i1
      %add3A_336 = arith.addi %rem3A_327, %select_n3A_326 : i32
      %select_n3A_337 = arith.select %and3A_335, %add3A_336, %rem3A_327 : i32
      %add3A_338 = arith.constant 3 : i32
      %add3A_339 = arith.addi %add3A_338, %select_n3A_337 : i32
      %dma_start3A_340 = arith.constant 2 : i32
      %dma_start3A_341 = arith.constant 0 : i32
      %dma_start3A_342 = arith.constant 0 : i32
      %dma_start3A_343 = tpu.memref_slice %arg8[%dma_start3A_340, %dma_start3A_341, %dma_start3A_342] : memref<3x120x128xf32, #tpu.memory_space<vmem>> -> memref<1x120x128xf32, #tpu.memory_space<vmem>>
      %dma_start3A_344 = tpu.memref_squeeze %dma_start3A_343 : memref<1x120x128xf32, #tpu.memory_space<vmem>> -> memref<120x128xf32, #tpu.memory_space<vmem>>
      %dma_start3A_345 = arith.constant 0 : i32
      %dma_start3A_346 = tpu.memref_slice %arg7[%add3A_339, %dma_start3A_345] : memref<7x120xi32, #tpu.memory_space<vmem>> -> memref<1x120xi32, #tpu.memory_space<vmem>>
      %dma_start3A_347 = tpu.memref_squeeze %dma_start3A_346 : memref<1x120xi32, #tpu.memory_space<vmem>> -> memref<120xi32, #tpu.memory_space<vmem>>
      %dma_start3A_348 = arith.constant 0 : i32
      %dma_start3A_349 = arith.constant 0 : i32
      %dma_start3A_350 = tpu.memref_slice %arg9[%dma_start3A_348, %dma_start3A_349] : memref<10112x128xf32, #tpu.memory_space<vmem_shared>> -> memref<10112x128xf32, #tpu.memory_space<vmem_shared>>
      tpu.enqueue_indirect_dma source(%dma_start3A_344 : memref<120x128xf32, #tpu.memory_space<vmem>>) target(%dma_start3A_350 : memref<10112x128xf32, #tpu.memory_space<vmem_shared>>) offsets(%dma_start3A_347 : memref<120xi32, #tpu.memory_space<vmem>>) semaphore(%arg11 : memref<!tpu.dma_semaphore, #tpu.memory_space<semaphore_mem>>) {add = true}
    }
    %scan3A_146 = arith.constant 28 : i32
    %dma_wait3A_147 = arith.constant 2 : i32
    %dma_wait3A_148 = arith.constant 6 : i32
    %dma_wait3A_149 = arith.constant 0 : i32
    %dma_wait3A_150 = arith.constant 0 : i32
    %dma_wait3A_151 = tpu.memref_slice %arg8[%dma_wait3A_147, %dma_wait3A_149, %dma_wait3A_150] : memref<3x120x128xf32, #tpu.memory_space<vmem>> -> memref<1x120x128xf32, #tpu.memory_space<vmem>>
    %dma_wait3A_152 = tpu.memref_squeeze %dma_wait3A_151 : memref<1x120x128xf32, #tpu.memory_space<vmem>> -> memref<120x128xf32, #tpu.memory_space<vmem>>
    %dma_wait3A_153 = arith.constant 0 : i32
    %dma_wait3A_154 = tpu.memref_slice %arg7[%dma_wait3A_148, %dma_wait3A_153] : memref<7x120xi32, #tpu.memory_space<vmem>> -> memref<1x120xi32, #tpu.memory_space<vmem>>
    %dma_wait3A_155 = tpu.memref_squeeze %dma_wait3A_154 : memref<1x120xi32, #tpu.memory_space<vmem>> -> memref<120xi32, #tpu.memory_space<vmem>>
    %dma_wait3A_156 = arith.constant 0 : i32
    %dma_wait3A_157 = arith.constant 0 : i32
    %dma_wait3A_158 = tpu.memref_slice %arg9[%dma_wait3A_156, %dma_wait3A_157] : memref<10112x128xf32, #tpu.memory_space<vmem_shared>> -> memref<10112x128xf32, #tpu.memory_space<vmem_shared>>
    tpu.wait_indirect_dma semaphore(%arg11 : memref<!tpu.dma_semaphore, #tpu.memory_space<semaphore_mem>>) src(%dma_wait3A_152 : memref<120x128xf32, #tpu.memory_space<vmem>>) dst(%dma_wait3A_158 : memref<10112x128xf32, #tpu.memory_space<vmem_shared>>)
    %barrier3A_159 = arith.constant 0 : index
    tpu.barrier barrier_id(%barrier3A_159)
    %mul3A_160 = arith.constant 624 : i32
    %mul3A_161 = arith.muli %arg1, %mul3A_160 : i32
    %mul3A_162 = arith.constant 10000 : i32
    %mul3A_163 = arith.muli %arg0, %mul3A_162 : i32
    %add3A_164 = arith.addi %mul3A_163, %mul3A_161 : i32
    "tpu.region"() ({
      %run_scoped3A = tpu.sem_alloc : memref<!tpu.dma_semaphore, #tpu.memory_space<semaphore_mem>>
      %dma_start3A_167 = arith.constant 0 : i32
      %dma_start3A_168 = tpu.memref_slice %arg6[%add3A_164, %dma_start3A_167] : memref<20000x128xf32, #tpu.memory_space<hbm>> -> memref<624x128xf32, #tpu.memory_space<hbm>>
      %dma_start3A_169 = arith.constant 0 : i32
      %dma_start3A_170 = tpu.memref_slice %arg9[%mul3A_161, %dma_start3A_169] : memref<10112x128xf32, #tpu.memory_space<vmem_shared>> -> memref<624x128xf32, #tpu.memory_space<vmem_shared>>
      tpu.enqueue_dma source(%dma_start3A_170 : memref<624x128xf32, #tpu.memory_space<vmem_shared>>) target(%dma_start3A_168 : memref<624x128xf32, #tpu.memory_space<hbm>>) target_semaphore(%run_scoped3A : memref<!tpu.dma_semaphore, #tpu.memory_space<semaphore_mem>>)
      %dma_wait3A_171 = arith.constant 0 : i32
      %dma_wait3A_172 = tpu.memref_slice %arg6[%add3A_164, %dma_wait3A_171] : memref<20000x128xf32, #tpu.memory_space<hbm>> -> memref<624x128xf32, #tpu.memory_space<hbm>>
      %dma_wait3A_173 = arith.constant 0 : i32
      %dma_wait3A_174 = tpu.memref_slice %arg9[%mul3A_161, %dma_wait3A_173] : memref<10112x128xf32, #tpu.memory_space<vmem_shared>> -> memref<624x128xf32, #tpu.memory_space<vmem_shared>>
      tpu.wait_dma2 semaphore(%run_scoped3A : memref<!tpu.dma_semaphore, #tpu.memory_space<semaphore_mem>>) src(%dma_wait3A_174 : memref<624x128xf32, #tpu.memory_space<vmem_shared>>) dst(%dma_wait3A_172 : memref<624x128xf32, #tpu.memory_space<hbm>>)
      tpu.yield
    }) : () -> ()
    %eq3A = arith.constant 15 : i32
    %eq3A_165 = arith.cmpi eq, %arg1, %eq3A : i32
    %convert_element_type3A = arith.extui %eq3A_165 : i1 to i32
    %cond3A = arith.constant 0 : i32
    %cond3A_166 = arith.cmpi ne, %convert_element_type3A, %cond3A : i32
    scf.if %cond3A_166 {
      %mul3A_167 = arith.constant 10000 : i32
      %mul3A_168 = arith.muli %arg0, %mul3A_167 : i32
      %add3A_169 = arith.constant 9984 : i32
      %add3A_170 = arith.addi %mul3A_168, %add3A_169 : i32
      "tpu.region"() ({
        %run_scoped3A = tpu.sem_alloc : memref<!tpu.dma_semaphore, #tpu.memory_space<semaphore_mem>>
        %dma_start3A_171 = arith.constant 0 : i32
        %dma_start3A_172 = tpu.memref_slice %arg6[%add3A_170, %dma_start3A_171] : memref<20000x128xf32, #tpu.memory_space<hbm>> -> memref<16x128xf32, #tpu.memory_space<hbm>>
        %dma_start3A_173 = arith.constant 9984 : i32
        %dma_start3A_174 = arith.constant 0 : i32
        %dma_start3A_175 = tpu.memref_slice %arg9[%dma_start3A_173, %dma_start3A_174] : memref<10112x128xf32, #tpu.memory_space<vmem_shared>> -> memref<16x128xf32, #tpu.memory_space<vmem_shared>>
        tpu.enqueue_dma source(%dma_start3A_175 : memref<16x128xf32, #tpu.memory_space<vmem_shared>>) target(%dma_start3A_172 : memref<16x128xf32, #tpu.memory_space<hbm>>) target_semaphore(%run_scoped3A : memref<!tpu.dma_semaphore, #tpu.memory_space<semaphore_mem>>)
        %dma_wait3A_176 = arith.constant 0 : i32
        %dma_wait3A_177 = tpu.memref_slice %arg6[%add3A_170, %dma_wait3A_176] : memref<20000x128xf32, #tpu.memory_space<hbm>> -> memref<16x128xf32, #tpu.memory_space<hbm>>
        %dma_wait3A_178 = arith.constant 9984 : i32
        %dma_wait3A_179 = arith.constant 0 : i32
        %dma_wait3A_180 = tpu.memref_slice %arg9[%dma_wait3A_178, %dma_wait3A_179] : memref<10112x128xf32, #tpu.memory_space<vmem_shared>> -> memref<16x128xf32, #tpu.memory_space<vmem_shared>>
        tpu.wait_dma2 semaphore(%run_scoped3A : memref<!tpu.dma_semaphore, #tpu.memory_space<semaphore_mem>>) src(%dma_wait3A_180 : memref<16x128xf32, #tpu.memory_space<vmem_shared>>) dst(%dma_wait3A_177 : memref<16x128xf32, #tpu.memory_space<hbm>>)
        tpu.yield
      }) : () -> ()
    } else {
    }
    return
  }
}

#map = affine_map<(d0, d1) -> (0, 0)>
#map1 = affine_map<(d0, d1) -> (0)>
module attributes {stable_mosaic.version = 14 : i64} {
  func.func @_sc_body(%arg0: i32, %arg1: i32, %arg2: memref<10000x128xf32, #tpu.memory_space<hbm>>, %arg3: memref<322560xi32, #tpu.memory_space<hbm>>, %arg4: memref<322560xi32, #tpu.memory_space<hbm>>, %arg5: memref<10112x128xf32, #tpu.memory_space<hbm>>, %arg6: memref<20000x128xf32, #tpu.memory_space<hbm>>, %arg7: memref<7x120xi32, #tpu.memory_space<vmem>>, %arg8: memref<3x120x128xf32, #tpu.memory_space<vmem>>, %arg9: memref<10112x128xf32, #tpu.memory_space<vmem_shared>>, %arg10: memref<!tpu.dma_semaphore, #tpu.memory_space<semaphore_mem>>, %arg11: memref<!tpu.dma_semaphore, #tpu.memory_space<semaphore_mem>>, %arg12: memref<!tpu.dma_semaphore, #tpu.memory_space<semaphore_mem>>) attributes {dimension_semantics = [#tpu.dimension_semantics<core_parallel>, #tpu.dimension_semantics<subcore_parallel>], iteration_bounds = array<i64: 2, 16>, scalar_prefetch = 0 : i64, scratch_operands = 6 : i64, tpu.core_type = #tpu.core_type<sc_vector_subcore>, window_params = [{transform_indices = #map}, {transform_indices = #map1}, {transform_indices = #map1}, {transform_indices = #map}, {transform_indices = #map}]} {
    %mul3A = arith.constant 16 : i32
    %mul3A_0 = arith.muli %arg0, %mul3A : i32
    %add3A = arith.addi %mul3A_0, %arg1 : i32
    %mul3A_1 = arith.constant 84 : i32
    %mul3A_2 = arith.muli %add3A, %mul3A_1 : i32
    %add3A_3 = arith.constant 0 : i32
    %add3A_4 = arith.addi %mul3A_2, %add3A_3 : i32
    %mul3A_5 = arith.constant 120 : i32
    %mul3A_6 = arith.muli %add3A_4, %mul3A_5 : i32
    %dma_start3A = arith.constant 0 : i32
    %dma_start3A_7 = arith.constant 0 : i32
    %dma_start3A_8 = tpu.memref_slice %arg7[%dma_start3A, %dma_start3A_7] : memref<7x120xi32, #tpu.memory_space<vmem>> -> memref<1x120xi32, #tpu.memory_space<vmem>>
    %dma_start3A_9 = tpu.memref_squeeze %dma_start3A_8 : memref<1x120xi32, #tpu.memory_space<vmem>> -> memref<120xi32, #tpu.memory_space<vmem>>
    %dma_start3A_10 = tpu.memref_slice %arg3[%mul3A_6] : memref<322560xi32, #tpu.memory_space<hbm>> -> memref<120xi32, #tpu.memory_space<hbm>>
    %dma_start3A_11 = arith.constant 0 : i32
    %dma_start3A_12 = tpu.memref_slice %arg7[%dma_start3A, %dma_start3A_11] : memref<7x120xi32, #tpu.memory_space<vmem>> -> memref<1x120xi32, #tpu.memory_space<vmem>>
    %dma_start3A_13 = tpu.memref_squeeze %dma_start3A_12 : memref<1x120xi32, #tpu.memory_space<vmem>> -> memref<120xi32, #tpu.memory_space<vmem>>
    %dma_start3A_14 = tpu.memref_slice %arg3[%mul3A_6] : memref<322560xi32, #tpu.memory_space<hbm>> -> memref<120xi32, #tpu.memory_space<hbm>>
    tpu.enqueue_dma source(%dma_start3A_14 : memref<120xi32, #tpu.memory_space<hbm>>) target(%dma_start3A_13 : memref<120xi32, #tpu.memory_space<vmem>>) target_semaphore(%arg12 : memref<!tpu.dma_semaphore, #tpu.memory_space<semaphore_mem>>)
    %dma_start3A_15 = arith.constant 3 : i32
    %dma_start3A_16 = arith.constant 0 : i32
    %dma_start3A_17 = tpu.memref_slice %arg7[%dma_start3A_15, %dma_start3A_16] : memref<7x120xi32, #tpu.memory_space<vmem>> -> memref<1x120xi32, #tpu.memory_space<vmem>>
    %dma_start3A_18 = tpu.memref_squeeze %dma_start3A_17 : memref<1x120xi32, #tpu.memory_space<vmem>> -> memref<120xi32, #tpu.memory_space<vmem>>
    %dma_start3A_19 = tpu.memref_slice %arg4[%mul3A_6] : memref<322560xi32, #tpu.memory_space<hbm>> -> memref<120xi32, #tpu.memory_space<hbm>>
    %dma_start3A_20 = arith.constant 0 : i32
    %dma_start3A_21 = tpu.memref_slice %arg7[%dma_start3A_15, %dma_start3A_20] : memref<7x120xi32, #tpu.memory_space<vmem>> -> memref<1x120xi32, #tpu.memory_space<vmem>>
    %dma_start3A_22 = tpu.memref_squeeze %dma_start3A_21 : memref<1x120xi32, #tpu.memory_space<vmem>> -> memref<120xi32, #tpu.memory_space<vmem>>
    %dma_start3A_23 = tpu.memref_slice %arg4[%mul3A_6] : memref<322560xi32, #tpu.memory_space<hbm>> -> memref<120xi32, #tpu.memory_space<hbm>>
    tpu.enqueue_dma source(%dma_start3A_23 : memref<120xi32, #tpu.memory_space<hbm>>) target(%dma_start3A_22 : memref<120xi32, #tpu.memory_space<vmem>>) target_semaphore(%arg12 : memref<!tpu.dma_semaphore, #tpu.memory_space<semaphore_mem>>)
    %mul3A_24 = arith.constant 84 : i32
    %mul3A_25 = arith.muli %add3A, %mul3A_24 : i32
    %add3A_26 = arith.constant 1 : i32
    %add3A_27 = arith.addi %mul3A_25, %add3A_26 : i32
    %mul3A_28 = arith.constant 120 : i32
    %mul3A_29 = arith.muli %add3A_27, %mul3A_28 : i32
    %dma_start3A_30 = arith.constant 1 : i32
    %dma_start3A_31 = arith.constant 0 : i32
    %dma_start3A_32 = tpu.memref_slice %arg7[%dma_start3A_30, %dma_start3A_31] : memref<7x120xi32, #tpu.memory_space<vmem>> -> memref<1x120xi32, #tpu.memory_space<vmem>>
    %dma_start3A_33 = tpu.memref_squeeze %dma_start3A_32 : memref<1x120xi32, #tpu.memory_space<vmem>> -> memref<120xi32, #tpu.memory_space<vmem>>
    %dma_start3A_34 = tpu.memref_slice %arg3[%mul3A_29] : memref<322560xi32, #tpu.memory_space<hbm>> -> memref<120xi32, #tpu.memory_space<hbm>>
    %dma_start3A_35 = arith.constant 0 : i32
    %dma_start3A_36 = tpu.memref_slice %arg7[%dma_start3A_30, %dma_start3A_35] : memref<7x120xi32, #tpu.memory_space<vmem>> -> memref<1x120xi32, #tpu.memory_space<vmem>>
    %dma_start3A_37 = tpu.memref_squeeze %dma_start3A_36 : memref<1x120xi32, #tpu.memory_space<vmem>> -> memref<120xi32, #tpu.memory_space<vmem>>
    %dma_start3A_38 = tpu.memref_slice %arg3[%mul3A_29] : memref<322560xi32, #tpu.memory_space<hbm>> -> memref<120xi32, #tpu.memory_space<hbm>>
    tpu.enqueue_dma source(%dma_start3A_38 : memref<120xi32, #tpu.memory_space<hbm>>) target(%dma_start3A_37 : memref<120xi32, #tpu.memory_space<vmem>>) target_semaphore(%arg12 : memref<!tpu.dma_semaphore, #tpu.memory_space<semaphore_mem>>)
    %dma_start3A_39 = arith.constant 4 : i32
    %dma_start3A_40 = arith.constant 0 : i32
    %dma_start3A_41 = tpu.memref_slice %arg7[%dma_start3A_39, %dma_start3A_40] : memref<7x120xi32, #tpu.memory_space<vmem>> -> memref<1x120xi32, #tpu.memory_space<vmem>>
    %dma_start3A_42 = tpu.memref_squeeze %dma_start3A_41 : memref<1x120xi32, #tpu.memory_space<vmem>> -> memref<120xi32, #tpu.memory_space<vmem>>
    %dma_start3A_43 = tpu.memref_slice %arg4[%mul3A_29] : memref<322560xi32, #tpu.memory_space<hbm>> -> memref<120xi32, #tpu.memory_space<hbm>>
    %dma_start3A_44 = arith.constant 0 : i32
    %dma_start3A_45 = tpu.memref_slice %arg7[%dma_start3A_39, %dma_start3A_44] : memref<7x120xi32, #tpu.memory_space<vmem>> -> memref<1x120xi32, #tpu.memory_space<vmem>>
    %dma_start3A_46 = tpu.memref_squeeze %dma_start3A_45 : memref<1x120xi32, #tpu.memory_space<vmem>> -> memref<120xi32, #tpu.memory_space<vmem>>
    %dma_start3A_47 = tpu.memref_slice %arg4[%mul3A_29] : memref<322560xi32, #tpu.memory_space<hbm>> -> memref<120xi32, #tpu.memory_space<hbm>>
    tpu.enqueue_dma source(%dma_start3A_47 : memref<120xi32, #tpu.memory_space<hbm>>) target(%dma_start3A_46 : memref<120xi32, #tpu.memory_space<vmem>>) target_semaphore(%arg12 : memref<!tpu.dma_semaphore, #tpu.memory_space<semaphore_mem>>)
    %mul3A_48 = arith.constant 84 : i32
    %mul3A_49 = arith.muli %add3A, %mul3A_48 : i32
    %add3A_50 = arith.constant 2 : i32
    %add3A_51 = arith.addi %mul3A_49, %add3A_50 : i32
    %mul3A_52 = arith.constant 120 : i32
    %mul3A_53 = arith.muli %add3A_51, %mul3A_52 : i32
    %dma_start3A_54 = arith.constant 2 : i32
    %dma_start3A_55 = arith.constant 0 : i32
    %dma_start3A_56 = tpu.memref_slice %arg7[%dma_start3A_54, %dma_start3A_55] : memref<7x120xi32, #tpu.memory_space<vmem>> -> memref<1x120xi32, #tpu.memory_space<vmem>>
    %dma_start3A_57 = tpu.memref_squeeze %dma_start3A_56 : memref<1x120xi32, #tpu.memory_space<vmem>> -> memref<120xi32, #tpu.memory_space<vmem>>
    %dma_start3A_58 = tpu.memref_slice %arg3[%mul3A_53] : memref<322560xi32, #tpu.memory_space<hbm>> -> memref<120xi32, #tpu.memory_space<hbm>>
    %dma_start3A_59 = arith.constant 0 : i32
    %dma_start3A_60 = tpu.memref_slice %arg7[%dma_start3A_54, %dma_start3A_59] : memref<7x120xi32, #tpu.memory_space<vmem>> -> memref<1x120xi32, #tpu.memory_space<vmem>>
    %dma_start3A_61 = tpu.memref_squeeze %dma_start3A_60 : memref<1x120xi32, #tpu.memory_space<vmem>> -> memref<120xi32, #tpu.memory_space<vmem>>
    %dma_start3A_62 = tpu.memref_slice %arg3[%mul3A_53] : memref<322560xi32, #tpu.memory_space<hbm>> -> memref<120xi32, #tpu.memory_space<hbm>>
    tpu.enqueue_dma source(%dma_start3A_62 : memref<120xi32, #tpu.memory_space<hbm>>) target(%dma_start3A_61 : memref<120xi32, #tpu.memory_space<vmem>>) target_semaphore(%arg12 : memref<!tpu.dma_semaphore, #tpu.memory_space<semaphore_mem>>)
    %dma_start3A_63 = arith.constant 5 : i32
    %dma_start3A_64 = arith.constant 0 : i32
    %dma_start3A_65 = tpu.memref_slice %arg7[%dma_start3A_63, %dma_start3A_64] : memref<7x120xi32, #tpu.memory_space<vmem>> -> memref<1x120xi32, #tpu.memory_space<vmem>>
    %dma_start3A_66 = tpu.memref_squeeze %dma_start3A_65 : memref<1x120xi32, #tpu.memory_space<vmem>> -> memref<120xi32, #tpu.memory_space<vmem>>
    %dma_start3A_67 = tpu.memref_slice %arg4[%mul3A_53] : memref<322560xi32, #tpu.memory_space<hbm>> -> memref<120xi32, #tpu.memory_space<hbm>>
    %dma_start3A_68 = arith.constant 0 : i32
    %dma_start3A_69 = tpu.memref_slice %arg7[%dma_start3A_63, %dma_start3A_68] : memref<7x120xi32, #tpu.memory_space<vmem>> -> memref<1x120xi32, #tpu.memory_space<vmem>>
    %dma_start3A_70 = tpu.memref_squeeze %dma_start3A_69 : memref<1x120xi32, #tpu.memory_space<vmem>> -> memref<120xi32, #tpu.memory_space<vmem>>
    %dma_start3A_71 = tpu.memref_slice %arg4[%mul3A_53] : memref<322560xi32, #tpu.memory_space<hbm>> -> memref<120xi32, #tpu.memory_space<hbm>>
    tpu.enqueue_dma source(%dma_start3A_71 : memref<120xi32, #tpu.memory_space<hbm>>) target(%dma_start3A_70 : memref<120xi32, #tpu.memory_space<vmem>>) target_semaphore(%arg12 : memref<!tpu.dma_semaphore, #tpu.memory_space<semaphore_mem>>)
    %dma_wait3A = arith.constant 0 : i32
    %dma_wait3A_72 = arith.constant 0 : i32
    %dma_wait3A_73 = tpu.memref_slice %arg7[%dma_wait3A, %dma_wait3A_72] : memref<7x120xi32, #tpu.memory_space<vmem>> -> memref<1x120xi32, #tpu.memory_space<vmem>>
    %dma_wait3A_74 = tpu.memref_squeeze %dma_wait3A_73 : memref<1x120xi32, #tpu.memory_space<vmem>> -> memref<120xi32, #tpu.memory_space<vmem>>
    %dma_wait3A_75 = arith.constant 0 : i32
    %dma_wait3A_76 = tpu.memref_slice %arg3[%dma_wait3A_75] : memref<322560xi32, #tpu.memory_space<hbm>> -> memref<120xi32, #tpu.memory_space<hbm>>
    %dma_wait3A_77 = arith.constant 0 : i32
    %dma_wait3A_78 = tpu.memref_slice %arg7[%dma_wait3A, %dma_wait3A_77] : memref<7x120xi32, #tpu.memory_space<vmem>> -> memref<1x120xi32, #tpu.memory_space<vmem>>
    %dma_wait3A_79 = tpu.memref_squeeze %dma_wait3A_78 : memref<1x120xi32, #tpu.memory_space<vmem>> -> memref<120xi32, #tpu.memory_space<vmem>>
    %dma_wait3A_80 = arith.constant 0 : i32
    %dma_wait3A_81 = tpu.memref_slice %arg3[%dma_wait3A_80] : memref<322560xi32, #tpu.memory_space<hbm>> -> memref<120xi32, #tpu.memory_space<hbm>>
    tpu.wait_dma2 semaphore(%arg12 : memref<!tpu.dma_semaphore, #tpu.memory_space<semaphore_mem>>) src(%dma_wait3A_81 : memref<120xi32, #tpu.memory_space<hbm>>) dst(%dma_wait3A_79 : memref<120xi32, #tpu.memory_space<vmem>>)
    %dma_wait3A_82 = arith.constant 3 : i32
    %dma_wait3A_83 = arith.constant 0 : i32
    %dma_wait3A_84 = tpu.memref_slice %arg7[%dma_wait3A_82, %dma_wait3A_83] : memref<7x120xi32, #tpu.memory_space<vmem>> -> memref<1x120xi32, #tpu.memory_space<vmem>>
    %dma_wait3A_85 = tpu.memref_squeeze %dma_wait3A_84 : memref<1x120xi32, #tpu.memory_space<vmem>> -> memref<120xi32, #tpu.memory_space<vmem>>
    %dma_wait3A_86 = arith.constant 0 : i32
    %dma_wait3A_87 = tpu.memref_slice %arg4[%dma_wait3A_86] : memref<322560xi32, #tpu.memory_space<hbm>> -> memref<120xi32, #tpu.memory_space<hbm>>
    %dma_wait3A_88 = arith.constant 0 : i32
    %dma_wait3A_89 = tpu.memref_slice %arg7[%dma_wait3A_82, %dma_wait3A_88] : memref<7x120xi32, #tpu.memory_space<vmem>> -> memref<1x120xi32, #tpu.memory_space<vmem>>
    %dma_wait3A_90 = tpu.memref_squeeze %dma_wait3A_89 : memref<1x120xi32, #tpu.memory_space<vmem>> -> memref<120xi32, #tpu.memory_space<vmem>>
    %dma_wait3A_91 = arith.constant 0 : i32
    %dma_wait3A_92 = tpu.memref_slice %arg4[%dma_wait3A_91] : memref<322560xi32, #tpu.memory_space<hbm>> -> memref<120xi32, #tpu.memory_space<hbm>>
    tpu.wait_dma2 semaphore(%arg12 : memref<!tpu.dma_semaphore, #tpu.memory_space<semaphore_mem>>) src(%dma_wait3A_92 : memref<120xi32, #tpu.memory_space<hbm>>) dst(%dma_wait3A_90 : memref<120xi32, #tpu.memory_space<vmem>>)
    %dma_start3A_93 = arith.constant 0 : i32
    %dma_start3A_94 = arith.constant 0 : i32
    %dma_start3A_95 = arith.constant 0 : i32
    %dma_start3A_96 = arith.constant 0 : i32
    %dma_start3A_97 = tpu.memref_slice %arg8[%dma_start3A_94, %dma_start3A_95, %dma_start3A_96] : memref<3x120x128xf32, #tpu.memory_space<vmem>> -> memref<1x120x128xf32, #tpu.memory_space<vmem>>
    %dma_start3A_98 = tpu.memref_squeeze %dma_start3A_97 : memref<1x120x128xf32, #tpu.memory_space<vmem>> -> memref<120x128xf32, #tpu.memory_space<vmem>>
    %dma_start3A_99 = arith.constant 0 : i32
    %dma_start3A_100 = tpu.memref_slice %arg7[%dma_start3A_93, %dma_start3A_99] : memref<7x120xi32, #tpu.memory_space<vmem>> -> memref<1x120xi32, #tpu.memory_space<vmem>>
    %dma_start3A_101 = tpu.memref_squeeze %dma_start3A_100 : memref<1x120xi32, #tpu.memory_space<vmem>> -> memref<120xi32, #tpu.memory_space<vmem>>
    %dma_start3A_102 = arith.constant 0 : i32
    %dma_start3A_103 = arith.constant 0 : i32
    %dma_start3A_104 = tpu.memref_slice %arg2[%dma_start3A_102, %dma_start3A_103] : memref<10000x128xf32, #tpu.memory_space<hbm>> -> memref<10000x128xf32, #tpu.memory_space<hbm>>
    tpu.enqueue_indirect_dma source(%dma_start3A_104 : memref<10000x128xf32, #tpu.memory_space<hbm>>) target(%dma_start3A_98 : memref<120x128xf32, #tpu.memory_space<vmem>>) offsets(%dma_start3A_101 : memref<120xi32, #tpu.memory_space<vmem>>) semaphore(%arg10 : memref<!tpu.dma_semaphore, #tpu.memory_space<semaphore_mem>>)
    %dma_wait3A_105 = arith.constant 1 : i32
    %dma_wait3A_106 = arith.constant 0 : i32
    %dma_wait3A_107 = tpu.memref_slice %arg7[%dma_wait3A_105, %dma_wait3A_106] : memref<7x120xi32, #tpu.memory_space<vmem>> -> memref<1x120xi32, #tpu.memory_space<vmem>>
    %dma_wait3A_108 = tpu.memref_squeeze %dma_wait3A_107 : memref<1x120xi32, #tpu.memory_space<vmem>> -> memref<120xi32, #tpu.memory_space<vmem>>
    %dma_wait3A_109 = arith.constant 0 : i32
    %dma_wait3A_110 = tpu.memref_slice %arg3[%dma_wait3A_109] : memref<322560xi32, #tpu.memory_space<hbm>> -> memref<120xi32, #tpu.memory_space<hbm>>
    %dma_wait3A_111 = arith.constant 0 : i32
    %dma_wait3A_112 = tpu.memref_slice %arg7[%dma_wait3A_105, %dma_wait3A_111] : memref<7x120xi32, #tpu.memory_space<vmem>> -> memref<1x120xi32, #tpu.memory_space<vmem>>
    %dma_wait3A_113 = tpu.memref_squeeze %dma_wait3A_112 : memref<1x120xi32, #tpu.memory_space<vmem>> -> memref<120xi32, #tpu.memory_space<vmem>>
    %dma_wait3A_114 = arith.constant 0 : i32
    %dma_wait3A_115 = tpu.memref_slice %arg3[%dma_wait3A_114] : memref<322560xi32, #tpu.memory_space<hbm>> -> memref<120xi32, #tpu.memory_space<hbm>>
    tpu.wait_dma2 semaphore(%arg12 : memref<!tpu.dma_semaphore, #tpu.memory_space<semaphore_mem>>) src(%dma_wait3A_115 : memref<120xi32, #tpu.memory_space<hbm>>) dst(%dma_wait3A_113 : memref<120xi32, #tpu.memory_space<vmem>>)
    %dma_wait3A_116 = arith.constant 4 : i32
    %dma_wait3A_117 = arith.constant 0 : i32
    %dma_wait3A_118 = tpu.memref_slice %arg7[%dma_wait3A_116, %dma_wait3A_117] : memref<7x120xi32, #tpu.memory_space<vmem>> -> memref<1x120xi32, #tpu.memory_space<vmem>>
    %dma_wait3A_119 = tpu.memref_squeeze %dma_wait3A_118 : memref<1x120xi32, #tpu.memory_space<vmem>> -> memref<120xi32, #tpu.memory_space<vmem>>
    %dma_wait3A_120 = arith.constant 0 : i32
    %dma_wait3A_121 = tpu.memref_slice %arg4[%dma_wait3A_120] : memref<322560xi32, #tpu.memory_space<hbm>> -> memref<120xi32, #tpu.memory_space<hbm>>
    %dma_wait3A_122 = arith.constant 0 : i32
    %dma_wait3A_123 = tpu.memref_slice %arg7[%dma_wait3A_116, %dma_wait3A_122] : memref<7x120xi32, #tpu.memory_space<vmem>> -> memref<1x120xi32, #tpu.memory_space<vmem>>
    %dma_wait3A_124 = tpu.memref_squeeze %dma_wait3A_123 : memref<1x120xi32, #tpu.memory_space<vmem>> -> memref<120xi32, #tpu.memory_space<vmem>>
    %dma_wait3A_125 = arith.constant 0 : i32
    %dma_wait3A_126 = tpu.memref_slice %arg4[%dma_wait3A_125] : memref<322560xi32, #tpu.memory_space<hbm>> -> memref<120xi32, #tpu.memory_space<hbm>>
    tpu.wait_dma2 semaphore(%arg12 : memref<!tpu.dma_semaphore, #tpu.memory_space<semaphore_mem>>) src(%dma_wait3A_126 : memref<120xi32, #tpu.memory_space<hbm>>) dst(%dma_wait3A_124 : memref<120xi32, #tpu.memory_space<vmem>>)
    %dma_start3A_127 = arith.constant 1 : i32
    %dma_start3A_128 = arith.constant 1 : i32
    %dma_start3A_129 = arith.constant 0 : i32
    %dma_start3A_130 = arith.constant 0 : i32
    %dma_start3A_131 = tpu.memref_slice %arg8[%dma_start3A_128, %dma_start3A_129, %dma_start3A_130] : memref<3x120x128xf32, #tpu.memory_space<vmem>> -> memref<1x120x128xf32, #tpu.memory_space<vmem>>
    %dma_start3A_132 = tpu.memref_squeeze %dma_start3A_131 : memref<1x120x128xf32, #tpu.memory_space<vmem>> -> memref<120x128xf32, #tpu.memory_space<vmem>>
    %dma_start3A_133 = arith.constant 0 : i32
    %dma_start3A_134 = tpu.memref_slice %arg7[%dma_start3A_127, %dma_start3A_133] : memref<7x120xi32, #tpu.memory_space<vmem>> -> memref<1x120xi32, #tpu.memory_space<vmem>>
    %dma_start3A_135 = tpu.memref_squeeze %dma_start3A_134 : memref<1x120xi32, #tpu.memory_space<vmem>> -> memref<120xi32, #tpu.memory_space<vmem>>
    %dma_start3A_136 = arith.constant 0 : i32
    %dma_start3A_137 = arith.constant 0 : i32
    %dma_start3A_138 = tpu.memref_slice %arg2[%dma_start3A_136, %dma_start3A_137] : memref<10000x128xf32, #tpu.memory_space<hbm>> -> memref<10000x128xf32, #tpu.memory_space<hbm>>
    tpu.enqueue_indirect_dma source(%dma_start3A_138 : memref<10000x128xf32, #tpu.memory_space<hbm>>) target(%dma_start3A_132 : memref<120x128xf32, #tpu.memory_space<vmem>>) offsets(%dma_start3A_135 : memref<120xi32, #tpu.memory_space<vmem>>) semaphore(%arg10 : memref<!tpu.dma_semaphore, #tpu.memory_space<semaphore_mem>>)
    %mul3A_139 = arith.constant 632 : i32
    %mul3A_140 = arith.muli %arg1, %mul3A_139 : i32
    %mul3A_141 = arith.constant 632 : i32
    %mul3A_142 = arith.muli %arg1, %mul3A_141 : i32
    "tpu.region"() ({
      %run_scoped3A = tpu.sem_alloc : memref<!tpu.dma_semaphore, #tpu.memory_space<semaphore_mem>>
      %dma_start3A_167 = arith.constant 0 : i32
      %dma_start3A_168 = tpu.memref_slice %arg9[%mul3A_142, %dma_start3A_167] : memref<10112x128xf32, #tpu.memory_space<vmem_shared>> -> memref<632x128xf32, #tpu.memory_space<vmem_shared>>
      %dma_start3A_169 = arith.constant 0 : i32
      %dma_start3A_170 = tpu.memref_slice %arg5[%mul3A_140, %dma_start3A_169] : memref<10112x128xf32, #tpu.memory_space<hbm>> -> memref<632x128xf32, #tpu.memory_space<hbm>>
      tpu.enqueue_dma source(%dma_start3A_170 : memref<632x128xf32, #tpu.memory_space<hbm>>) target(%dma_start3A_168 : memref<632x128xf32, #tpu.memory_space<vmem_shared>>) target_semaphore(%run_scoped3A : memref<!tpu.dma_semaphore, #tpu.memory_space<semaphore_mem>>)
      %dma_wait3A_171 = arith.constant 0 : i32
      %dma_wait3A_172 = tpu.memref_slice %arg9[%mul3A_142, %dma_wait3A_171] : memref<10112x128xf32, #tpu.memory_space<vmem_shared>> -> memref<632x128xf32, #tpu.memory_space<vmem_shared>>
      %dma_wait3A_173 = arith.constant 0 : i32
      %dma_wait3A_174 = tpu.memref_slice %arg5[%mul3A_140, %dma_wait3A_173] : memref<10112x128xf32, #tpu.memory_space<hbm>> -> memref<632x128xf32, #tpu.memory_space<hbm>>
      tpu.wait_dma2 semaphore(%run_scoped3A : memref<!tpu.dma_semaphore, #tpu.memory_space<semaphore_mem>>) src(%dma_wait3A_174 : memref<632x128xf32, #tpu.memory_space<hbm>>) dst(%dma_wait3A_172 : memref<632x128xf32, #tpu.memory_space<vmem_shared>>)
      tpu.yield
    }) : () -> ()
    %barrier3A = arith.constant 0 : index
    tpu.barrier barrier_id(%barrier3A)
    %scan3A = arith.constant 0 : i32
    %scan3A_143 = arith.constant 28 : i32
    %scan3A_144 = arith.addi %scan3A, %scan3A_143 : i32
    %scan3A_145 = arith.constant 1 : i32
    scf.for %scan3A_167 = %scan3A to %scan3A_144 step %scan3A_145  : i32 {
      %mul3A_168 = arith.constant 3 : i32
      %mul3A_169 = arith.muli %scan3A_167, %mul3A_168 : i32
      %add3A_170 = arith.constant 0 : i32
      %add3A_171 = arith.addi %add3A_170, %mul3A_169 : i32
      %add3A_172 = arith.constant 0 : i32
      %add3A_173 = arith.addi %add3A_171, %add3A_172 : i32
      %gt3A = arith.constant 0 : i32
      %gt3A_174 = arith.cmpi sgt, %add3A_173, %gt3A : i32
      %convert_element_type3A_175 = arith.extui %gt3A_174 : i1 to i32
      %cond3A_176 = arith.constant 0 : i32
      %cond3A_177 = arith.cmpi ne, %convert_element_type3A_175, %cond3A_176 : i32
      scf.if %cond3A_177 {
        %add3A_351 = arith.constant 4 : i32
        %add3A_352 = arith.addi %add3A_173, %add3A_351 : i32
        %sub3A = arith.constant 1 : i32
        %sub3A_353 = arith.subi %add3A_352, %sub3A : i32
        %jit3A_354 = arith.constant 4 : i32
        %eq3A_355 = arith.constant 0 : i32
        %eq3A_356 = arith.cmpi eq, %jit3A_354, %eq3A_355 : i32
        %jit3A_357 = arith.constant 1 : i32
        %select_n3A_358 = arith.select %eq3A_356, %jit3A_357, %jit3A_354 : i32
        %rem3A_359 = arith.remsi %sub3A_353, %select_n3A_358 : i32
        %ne3A_360 = arith.constant 0 : i32
        %ne3A_361 = arith.cmpi ne, %rem3A_359, %ne3A_360 : i32
        %lt3A_362 = arith.constant 0 : i32
        %lt3A_363 = arith.cmpi slt, %rem3A_359, %lt3A_362 : i32
        %lt3A_364 = arith.constant 0 : i32
        %lt3A_365 = arith.cmpi slt, %select_n3A_358, %lt3A_364 : i32
        %ne3A_366 = arith.xori %lt3A_363, %lt3A_365 : i1
        %and3A_367 = arith.andi %ne3A_366, %ne3A_361 : i1
        %add3A_368 = arith.addi %rem3A_359, %select_n3A_358 : i32
        %select_n3A_369 = arith.select %and3A_367, %add3A_368, %rem3A_359 : i32
        %add3A_370 = arith.constant 3 : i32
        %add3A_371 = arith.addi %add3A_370, %select_n3A_369 : i32
        %dma_wait3A_372 = arith.constant 2 : i32
        %dma_wait3A_373 = arith.constant 0 : i32
        %dma_wait3A_374 = arith.constant 0 : i32
        %dma_wait3A_375 = tpu.memref_slice %arg8[%dma_wait3A_372, %dma_wait3A_373, %dma_wait3A_374] : memref<3x120x128xf32, #tpu.memory_space<vmem>> -> memref<1x120x128xf32, #tpu.memory_space<vmem>>
        %dma_wait3A_376 = tpu.memref_squeeze %dma_wait3A_375 : memref<1x120x128xf32, #tpu.memory_space<vmem>> -> memref<120x128xf32, #tpu.memory_space<vmem>>
        %dma_wait3A_377 = arith.constant 0 : i32
        %dma_wait3A_378 = tpu.memref_slice %arg7[%add3A_371, %dma_wait3A_377] : memref<7x120xi32, #tpu.memory_space<vmem>> -> memref<1x120xi32, #tpu.memory_space<vmem>>
        %dma_wait3A_379 = tpu.memref_squeeze %dma_wait3A_378 : memref<1x120xi32, #tpu.memory_space<vmem>> -> memref<120xi32, #tpu.memory_space<vmem>>
        %dma_wait3A_380 = arith.constant 0 : i32
        %dma_wait3A_381 = arith.constant 0 : i32
        %dma_wait3A_382 = tpu.memref_slice %arg9[%dma_wait3A_380, %dma_wait3A_381] : memref<10112x128xf32, #tpu.memory_space<vmem_shared>> -> memref<10112x128xf32, #tpu.memory_space<vmem_shared>>
        tpu.wait_indirect_dma semaphore(%arg11 : memref<!tpu.dma_semaphore, #tpu.memory_space<semaphore_mem>>) src(%dma_wait3A_376 : memref<120x128xf32, #tpu.memory_space<vmem>>) dst(%dma_wait3A_382 : memref<10112x128xf32, #tpu.memory_space<vmem_shared>>)
      } else {
      }
      %add3A_178 = arith.constant 2 : i32
      %add3A_179 = arith.addi %add3A_173, %add3A_178 : i32
      %lt3A = arith.constant 84 : i32
      %lt3A_180 = arith.cmpi slt, %add3A_179, %lt3A : i32
      %convert_element_type3A_181 = arith.extui %lt3A_180 : i1 to i32
      %cond3A_182 = arith.constant 0 : i32
      %cond3A_183 = arith.cmpi ne, %convert_element_type3A_181, %cond3A_182 : i32
      scf.if %cond3A_183 {
        %add3A_351 = arith.constant 2 : i32
        %add3A_352 = arith.addi %add3A_173, %add3A_351 : i32
        %jit3A_353 = arith.constant 4 : i32
        %eq3A_354 = arith.constant 0 : i32
        %eq3A_355 = arith.cmpi eq, %jit3A_353, %eq3A_354 : i32
        %jit3A_356 = arith.constant 1 : i32
        %select_n3A_357 = arith.select %eq3A_355, %jit3A_356, %jit3A_353 : i32
        %rem3A_358 = arith.remsi %add3A_352, %select_n3A_357 : i32
        %ne3A_359 = arith.constant 0 : i32
        %ne3A_360 = arith.cmpi ne, %rem3A_358, %ne3A_359 : i32
        %lt3A_361 = arith.constant 0 : i32
        %lt3A_362 = arith.cmpi slt, %rem3A_358, %lt3A_361 : i32
        %lt3A_363 = arith.constant 0 : i32
        %lt3A_364 = arith.cmpi slt, %select_n3A_357, %lt3A_363 : i32
        %ne3A_365 = arith.xori %lt3A_362, %lt3A_364 : i1
        %and3A_366 = arith.andi %ne3A_365, %ne3A_360 : i1
        %add3A_367 = arith.addi %rem3A_358, %select_n3A_357 : i32
        %select_n3A_368 = arith.select %and3A_366, %add3A_367, %rem3A_358 : i32
        %dma_wait3A_369 = arith.constant 2 : i32
        %dma_wait3A_370 = arith.constant 0 : i32
        %dma_wait3A_371 = tpu.memref_slice %arg7[%dma_wait3A_369, %dma_wait3A_370] : memref<7x120xi32, #tpu.memory_space<vmem>> -> memref<1x120xi32, #tpu.memory_space<vmem>>
        %dma_wait3A_372 = tpu.memref_squeeze %dma_wait3A_371 : memref<1x120xi32, #tpu.memory_space<vmem>> -> memref<120xi32, #tpu.memory_space<vmem>>
        %dma_wait3A_373 = arith.constant 0 : i32
        %dma_wait3A_374 = tpu.memref_slice %arg3[%dma_wait3A_373] : memref<322560xi32, #tpu.memory_space<hbm>> -> memref<120xi32, #tpu.memory_space<hbm>>
        %dma_wait3A_375 = arith.constant 0 : i32
        %dma_wait3A_376 = tpu.memref_slice %arg7[%dma_wait3A_369, %dma_wait3A_375] : memref<7x120xi32, #tpu.memory_space<vmem>> -> memref<1x120xi32, #tpu.memory_space<vmem>>
        %dma_wait3A_377 = tpu.memref_squeeze %dma_wait3A_376 : memref<1x120xi32, #tpu.memory_space<vmem>> -> memref<120xi32, #tpu.memory_space<vmem>>
        %dma_wait3A_378 = arith.constant 0 : i32
        %dma_wait3A_379 = tpu.memref_slice %arg3[%dma_wait3A_378] : memref<322560xi32, #tpu.memory_space<hbm>> -> memref<120xi32, #tpu.memory_space<hbm>>
        tpu.wait_dma2 semaphore(%arg12 : memref<!tpu.dma_semaphore, #tpu.memory_space<semaphore_mem>>) src(%dma_wait3A_379 : memref<120xi32, #tpu.memory_space<hbm>>) dst(%dma_wait3A_377 : memref<120xi32, #tpu.memory_space<vmem>>)
        %add3A_380 = arith.constant 3 : i32
        %add3A_381 = arith.addi %add3A_380, %select_n3A_368 : i32
        %dma_wait3A_382 = arith.constant 0 : i32
        %dma_wait3A_383 = tpu.memref_slice %arg7[%add3A_381, %dma_wait3A_382] : memref<7x120xi32, #tpu.memory_space<vmem>> -> memref<1x120xi32, #tpu.memory_space<vmem>>
        %dma_wait3A_384 = tpu.memref_squeeze %dma_wait3A_383 : memref<1x120xi32, #tpu.memory_space<vmem>> -> memref<120xi32, #tpu.memory_space<vmem>>
        %dma_wait3A_385 = arith.constant 0 : i32
        %dma_wait3A_386 = tpu.memref_slice %arg4[%dma_wait3A_385] : memref<322560xi32, #tpu.memory_space<hbm>> -> memref<120xi32, #tpu.memory_space<hbm>>
        %dma_wait3A_387 = arith.constant 0 : i32
        %dma_wait3A_388 = tpu.memref_slice %arg7[%add3A_381, %dma_wait3A_387] : memref<7x120xi32, #tpu.memory_space<vmem>> -> memref<1x120xi32, #tpu.memory_space<vmem>>
        %dma_wait3A_389 = tpu.memref_squeeze %dma_wait3A_388 : memref<1x120xi32, #tpu.memory_space<vmem>> -> memref<120xi32, #tpu.memory_space<vmem>>
        %dma_wait3A_390 = arith.constant 0 : i32
        %dma_wait3A_391 = tpu.memref_slice %arg4[%dma_wait3A_390] : memref<322560xi32, #tpu.memory_space<hbm>> -> memref<120xi32, #tpu.memory_space<hbm>>
        tpu.wait_dma2 semaphore(%arg12 : memref<!tpu.dma_semaphore, #tpu.memory_space<semaphore_mem>>) src(%dma_wait3A_391 : memref<120xi32, #tpu.memory_space<hbm>>) dst(%dma_wait3A_389 : memref<120xi32, #tpu.memory_space<vmem>>)
        %dma_start3A_392 = arith.constant 2 : i32
        %dma_start3A_393 = arith.constant 2 : i32
        %dma_start3A_394 = arith.constant 0 : i32
        %dma_start3A_395 = arith.constant 0 : i32
        %dma_start3A_396 = tpu.memref_slice %arg8[%dma_start3A_393, %dma_start3A_394, %dma_start3A_395] : memref<3x120x128xf32, #tpu.memory_space<vmem>> -> memref<1x120x128xf32, #tpu.memory_space<vmem>>
        %dma_start3A_397 = tpu.memref_squeeze %dma_start3A_396 : memref<1x120x128xf32, #tpu.memory_space<vmem>> -> memref<120x128xf32, #tpu.memory_space<vmem>>
        %dma_start3A_398 = arith.constant 0 : i32
        %dma_start3A_399 = tpu.memref_slice %arg7[%dma_start3A_392, %dma_start3A_398] : memref<7x120xi32, #tpu.memory_space<vmem>> -> memref<1x120xi32, #tpu.memory_space<vmem>>
        %dma_start3A_400 = tpu.memref_squeeze %dma_start3A_399 : memref<1x120xi32, #tpu.memory_space<vmem>> -> memref<120xi32, #tpu.memory_space<vmem>>
        %dma_start3A_401 = arith.constant 0 : i32
        %dma_start3A_402 = arith.constant 0 : i32
        %dma_start3A_403 = tpu.memref_slice %arg2[%dma_start3A_401, %dma_start3A_402] : memref<10000x128xf32, #tpu.memory_space<hbm>> -> memref<10000x128xf32, #tpu.memory_space<hbm>>
        tpu.enqueue_indirect_dma source(%dma_start3A_403 : memref<10000x128xf32, #tpu.memory_space<hbm>>) target(%dma_start3A_397 : memref<120x128xf32, #tpu.memory_space<vmem>>) offsets(%dma_start3A_400 : memref<120xi32, #tpu.memory_space<vmem>>) semaphore(%arg10 : memref<!tpu.dma_semaphore, #tpu.memory_space<semaphore_mem>>)
      } else {
      }
      %dma_wait3A_184 = arith.constant 0 : i32
      %dma_wait3A_185 = arith.constant 0 : i32
      %dma_wait3A_186 = arith.constant 0 : i32
      %dma_wait3A_187 = arith.constant 0 : i32
      %dma_wait3A_188 = tpu.memref_slice %arg8[%dma_wait3A_185, %dma_wait3A_186, %dma_wait3A_187] : memref<3x120x128xf32, #tpu.memory_space<vmem>> -> memref<1x120x128xf32, #tpu.memory_space<vmem>>
      %dma_wait3A_189 = tpu.memref_squeeze %dma_wait3A_188 : memref<1x120x128xf32, #tpu.memory_space<vmem>> -> memref<120x128xf32, #tpu.memory_space<vmem>>
      %dma_wait3A_190 = arith.constant 0 : i32
      %dma_wait3A_191 = tpu.memref_slice %arg7[%dma_wait3A_184, %dma_wait3A_190] : memref<7x120xi32, #tpu.memory_space<vmem>> -> memref<1x120xi32, #tpu.memory_space<vmem>>
      %dma_wait3A_192 = tpu.memref_squeeze %dma_wait3A_191 : memref<1x120xi32, #tpu.memory_space<vmem>> -> memref<120xi32, #tpu.memory_space<vmem>>
      %dma_wait3A_193 = arith.constant 0 : i32
      %dma_wait3A_194 = arith.constant 0 : i32
      %dma_wait3A_195 = tpu.memref_slice %arg2[%dma_wait3A_193, %dma_wait3A_194] : memref<10000x128xf32, #tpu.memory_space<hbm>> -> memref<10000x128xf32, #tpu.memory_space<hbm>>
      tpu.wait_indirect_dma semaphore(%arg10 : memref<!tpu.dma_semaphore, #tpu.memory_space<semaphore_mem>>) src(%dma_wait3A_195 : memref<10000x128xf32, #tpu.memory_space<hbm>>) dst(%dma_wait3A_189 : memref<120x128xf32, #tpu.memory_space<vmem>>)
      %add3A_196 = arith.constant 3 : i32
      %add3A_197 = arith.addi %add3A_173, %add3A_196 : i32
      %lt3A_198 = arith.constant 84 : i32
      %lt3A_199 = arith.cmpi slt, %add3A_197, %lt3A_198 : i32
      %convert_element_type3A_200 = arith.extui %lt3A_199 : i1 to i32
      %cond3A_201 = arith.constant 0 : i32
      %cond3A_202 = arith.cmpi ne, %convert_element_type3A_200, %cond3A_201 : i32
      scf.if %cond3A_202 {
        %add3A_351 = arith.constant 3 : i32
        %add3A_352 = arith.addi %add3A_173, %add3A_351 : i32
        %add3A_353 = arith.constant 3 : i32
        %add3A_354 = arith.addi %add3A_173, %add3A_353 : i32
        %jit3A_355 = arith.constant 4 : i32
        %eq3A_356 = arith.constant 0 : i32
        %eq3A_357 = arith.cmpi eq, %jit3A_355, %eq3A_356 : i32
        %jit3A_358 = arith.constant 1 : i32
        %select_n3A_359 = arith.select %eq3A_357, %jit3A_358, %jit3A_355 : i32
        %rem3A_360 = arith.remsi %add3A_354, %select_n3A_359 : i32
        %ne3A_361 = arith.constant 0 : i32
        %ne3A_362 = arith.cmpi ne, %rem3A_360, %ne3A_361 : i32
        %lt3A_363 = arith.constant 0 : i32
        %lt3A_364 = arith.cmpi slt, %rem3A_360, %lt3A_363 : i32
        %lt3A_365 = arith.constant 0 : i32
        %lt3A_366 = arith.cmpi slt, %select_n3A_359, %lt3A_365 : i32
        %ne3A_367 = arith.xori %lt3A_364, %lt3A_366 : i1
        %and3A_368 = arith.andi %ne3A_367, %ne3A_362 : i1
        %add3A_369 = arith.addi %rem3A_360, %select_n3A_359 : i32
        %select_n3A_370 = arith.select %and3A_368, %add3A_369, %rem3A_360 : i32
        %mul3A_371 = arith.constant 84 : i32
        %mul3A_372 = arith.muli %add3A, %mul3A_371 : i32
        %add3A_373 = arith.addi %mul3A_372, %add3A_352 : i32
        %mul3A_374 = arith.constant 120 : i32
        %mul3A_375 = arith.muli %add3A_373, %mul3A_374 : i32
        %dma_start3A_376 = arith.constant 0 : i32
        %dma_start3A_377 = arith.constant 0 : i32
        %dma_start3A_378 = tpu.memref_slice %arg7[%dma_start3A_376, %dma_start3A_377] : memref<7x120xi32, #tpu.memory_space<vmem>> -> memref<1x120xi32, #tpu.memory_space<vmem>>
        %dma_start3A_379 = tpu.memref_squeeze %dma_start3A_378 : memref<1x120xi32, #tpu.memory_space<vmem>> -> memref<120xi32, #tpu.memory_space<vmem>>
        %dma_start3A_380 = tpu.memref_slice %arg3[%mul3A_375] : memref<322560xi32, #tpu.memory_space<hbm>> -> memref<120xi32, #tpu.memory_space<hbm>>
        %dma_start3A_381 = arith.constant 0 : i32
        %dma_start3A_382 = tpu.memref_slice %arg7[%dma_start3A_376, %dma_start3A_381] : memref<7x120xi32, #tpu.memory_space<vmem>> -> memref<1x120xi32, #tpu.memory_space<vmem>>
        %dma_start3A_383 = tpu.memref_squeeze %dma_start3A_382 : memref<1x120xi32, #tpu.memory_space<vmem>> -> memref<120xi32, #tpu.memory_space<vmem>>
        %dma_start3A_384 = tpu.memref_slice %arg3[%mul3A_375] : memref<322560xi32, #tpu.memory_space<hbm>> -> memref<120xi32, #tpu.memory_space<hbm>>
        tpu.enqueue_dma source(%dma_start3A_384 : memref<120xi32, #tpu.memory_space<hbm>>) target(%dma_start3A_383 : memref<120xi32, #tpu.memory_space<vmem>>) target_semaphore(%arg12 : memref<!tpu.dma_semaphore, #tpu.memory_space<semaphore_mem>>)
        %add3A_385 = arith.constant 3 : i32
        %add3A_386 = arith.addi %add3A_385, %select_n3A_370 : i32
        %dma_start3A_387 = arith.constant 0 : i32
        %dma_start3A_388 = tpu.memref_slice %arg7[%add3A_386, %dma_start3A_387] : memref<7x120xi32, #tpu.memory_space<vmem>> -> memref<1x120xi32, #tpu.memory_space<vmem>>
        %dma_start3A_389 = tpu.memref_squeeze %dma_start3A_388 : memref<1x120xi32, #tpu.memory_space<vmem>> -> memref<120xi32, #tpu.memory_space<vmem>>
        %dma_start3A_390 = tpu.memref_slice %arg4[%mul3A_375] : memref<322560xi32, #tpu.memory_space<hbm>> -> memref<120xi32, #tpu.memory_space<hbm>>
        %dma_start3A_391 = arith.constant 0 : i32
        %dma_start3A_392 = tpu.memref_slice %arg7[%add3A_386, %dma_start3A_391] : memref<7x120xi32, #tpu.memory_space<vmem>> -> memref<1x120xi32, #tpu.memory_space<vmem>>
        %dma_start3A_393 = tpu.memref_squeeze %dma_start3A_392 : memref<1x120xi32, #tpu.memory_space<vmem>> -> memref<120xi32, #tpu.memory_space<vmem>>
        %dma_start3A_394 = tpu.memref_slice %arg4[%mul3A_375] : memref<322560xi32, #tpu.memory_space<hbm>> -> memref<120xi32, #tpu.memory_space<hbm>>
        tpu.enqueue_dma source(%dma_start3A_394 : memref<120xi32, #tpu.memory_space<hbm>>) target(%dma_start3A_393 : memref<120xi32, #tpu.memory_space<vmem>>) target_semaphore(%arg12 : memref<!tpu.dma_semaphore, #tpu.memory_space<semaphore_mem>>)
      } else {
      }
      %jit3A = arith.constant 4 : i32
      %eq3A_203 = arith.constant 0 : i32
      %eq3A_204 = arith.cmpi eq, %jit3A, %eq3A_203 : i32
      %jit3A_205 = arith.constant 1 : i32
      %select_n3A = arith.select %eq3A_204, %jit3A_205, %jit3A : i32
      %rem3A = arith.remsi %add3A_173, %select_n3A : i32
      %ne3A = arith.constant 0 : i32
      %ne3A_206 = arith.cmpi ne, %rem3A, %ne3A : i32
      %lt3A_207 = arith.constant 0 : i32
      %lt3A_208 = arith.cmpi slt, %rem3A, %lt3A_207 : i32
      %lt3A_209 = arith.constant 0 : i32
      %lt3A_210 = arith.cmpi slt, %select_n3A, %lt3A_209 : i32
      %ne3A_211 = arith.xori %lt3A_208, %lt3A_210 : i1
      %and3A = arith.andi %ne3A_211, %ne3A_206 : i1
      %add3A_212 = arith.addi %rem3A, %select_n3A : i32
      %select_n3A_213 = arith.select %and3A, %add3A_212, %rem3A : i32
      %add3A_214 = arith.constant 3 : i32
      %add3A_215 = arith.addi %add3A_214, %select_n3A_213 : i32
      %dma_start3A_216 = arith.constant 0 : i32
      %dma_start3A_217 = arith.constant 0 : i32
      %dma_start3A_218 = arith.constant 0 : i32
      %dma_start3A_219 = tpu.memref_slice %arg8[%dma_start3A_216, %dma_start3A_217, %dma_start3A_218] : memref<3x120x128xf32, #tpu.memory_space<vmem>> -> memref<1x120x128xf32, #tpu.memory_space<vmem>>
      %dma_start3A_220 = tpu.memref_squeeze %dma_start3A_219 : memref<1x120x128xf32, #tpu.memory_space<vmem>> -> memref<120x128xf32, #tpu.memory_space<vmem>>
      %dma_start3A_221 = arith.constant 0 : i32
      %dma_start3A_222 = tpu.memref_slice %arg7[%add3A_215, %dma_start3A_221] : memref<7x120xi32, #tpu.memory_space<vmem>> -> memref<1x120xi32, #tpu.memory_space<vmem>>
      %dma_start3A_223 = tpu.memref_squeeze %dma_start3A_222 : memref<1x120xi32, #tpu.memory_space<vmem>> -> memref<120xi32, #tpu.memory_space<vmem>>
      %dma_start3A_224 = arith.constant 0 : i32
      %dma_start3A_225 = arith.constant 0 : i32
      %dma_start3A_226 = tpu.memref_slice %arg9[%dma_start3A_224, %dma_start3A_225] : memref<10112x128xf32, #tpu.memory_space<vmem_shared>> -> memref<10112x128xf32, #tpu.memory_space<vmem_shared>>
      tpu.enqueue_indirect_dma source(%dma_start3A_220 : memref<120x128xf32, #tpu.memory_space<vmem>>) target(%dma_start3A_226 : memref<10112x128xf32, #tpu.memory_space<vmem_shared>>) offsets(%dma_start3A_223 : memref<120xi32, #tpu.memory_space<vmem>>) semaphore(%arg11 : memref<!tpu.dma_semaphore, #tpu.memory_space<semaphore_mem>>) {add = true}
      %add3A_227 = arith.constant 1 : i32
      %add3A_228 = arith.addi %add3A_171, %add3A_227 : i32
      %gt3A_229 = arith.constant 0 : i32
      %gt3A_230 = arith.cmpi sgt, %add3A_228, %gt3A_229 : i32
      %convert_element_type3A_231 = arith.extui %gt3A_230 : i1 to i32
      %cond3A_232 = arith.constant 0 : i32
      %cond3A_233 = arith.cmpi ne, %convert_element_type3A_231, %cond3A_232 : i32
      scf.if %cond3A_233 {
        %add3A_351 = arith.constant 4 : i32
        %add3A_352 = arith.addi %add3A_228, %add3A_351 : i32
        %sub3A = arith.constant 1 : i32
        %sub3A_353 = arith.subi %add3A_352, %sub3A : i32
        %jit3A_354 = arith.constant 4 : i32
        %eq3A_355 = arith.constant 0 : i32
        %eq3A_356 = arith.cmpi eq, %jit3A_354, %eq3A_355 : i32
        %jit3A_357 = arith.constant 1 : i32
        %select_n3A_358 = arith.select %eq3A_356, %jit3A_357, %jit3A_354 : i32
        %rem3A_359 = arith.remsi %sub3A_353, %select_n3A_358 : i32
        %ne3A_360 = arith.constant 0 : i32
        %ne3A_361 = arith.cmpi ne, %rem3A_359, %ne3A_360 : i32
        %lt3A_362 = arith.constant 0 : i32
        %lt3A_363 = arith.cmpi slt, %rem3A_359, %lt3A_362 : i32
        %lt3A_364 = arith.constant 0 : i32
        %lt3A_365 = arith.cmpi slt, %select_n3A_358, %lt3A_364 : i32
        %ne3A_366 = arith.xori %lt3A_363, %lt3A_365 : i1
        %and3A_367 = arith.andi %ne3A_366, %ne3A_361 : i1
        %add3A_368 = arith.addi %rem3A_359, %select_n3A_358 : i32
        %select_n3A_369 = arith.select %and3A_367, %add3A_368, %rem3A_359 : i32
        %add3A_370 = arith.constant 3 : i32
        %add3A_371 = arith.addi %add3A_370, %select_n3A_369 : i32
        %dma_wait3A_372 = arith.constant 0 : i32
        %dma_wait3A_373 = arith.constant 0 : i32
        %dma_wait3A_374 = arith.constant 0 : i32
        %dma_wait3A_375 = tpu.memref_slice %arg8[%dma_wait3A_372, %dma_wait3A_373, %dma_wait3A_374] : memref<3x120x128xf32, #tpu.memory_space<vmem>> -> memref<1x120x128xf32, #tpu.memory_space<vmem>>
        %dma_wait3A_376 = tpu.memref_squeeze %dma_wait3A_375 : memref<1x120x128xf32, #tpu.memory_space<vmem>> -> memref<120x128xf32, #tpu.memory_space<vmem>>
        %dma_wait3A_377 = arith.constant 0 : i32
        %dma_wait3A_378 = tpu.memref_slice %arg7[%add3A_371, %dma_wait3A_377] : memref<7x120xi32, #tpu.memory_space<vmem>> -> memref<1x120xi32, #tpu.memory_space<vmem>>
        %dma_wait3A_379 = tpu.memref_squeeze %dma_wait3A_378 : memref<1x120xi32, #tpu.memory_space<vmem>> -> memref<120xi32, #tpu.memory_space<vmem>>
        %dma_wait3A_380 = arith.constant 0 : i32
        %dma_wait3A_381 = arith.constant 0 : i32
        %dma_wait3A_382 = tpu.memref_slice %arg9[%dma_wait3A_380, %dma_wait3A_381] : memref<10112x128xf32, #tpu.memory_space<vmem_shared>> -> memref<10112x128xf32, #tpu.memory_space<vmem_shared>>
        tpu.wait_indirect_dma semaphore(%arg11 : memref<!tpu.dma_semaphore, #tpu.memory_space<semaphore_mem>>) src(%dma_wait3A_376 : memref<120x128xf32, #tpu.memory_space<vmem>>) dst(%dma_wait3A_382 : memref<10112x128xf32, #tpu.memory_space<vmem_shared>>)
      } else {
      }
      %add3A_234 = arith.constant 2 : i32
      %add3A_235 = arith.addi %add3A_228, %add3A_234 : i32
      %lt3A_236 = arith.constant 84 : i32
      %lt3A_237 = arith.cmpi slt, %add3A_235, %lt3A_236 : i32
      %convert_element_type3A_238 = arith.extui %lt3A_237 : i1 to i32
      %cond3A_239 = arith.constant 0 : i32
      %cond3A_240 = arith.cmpi ne, %convert_element_type3A_238, %cond3A_239 : i32
      scf.if %cond3A_240 {
        %add3A_351 = arith.constant 2 : i32
        %add3A_352 = arith.addi %add3A_228, %add3A_351 : i32
        %jit3A_353 = arith.constant 4 : i32
        %eq3A_354 = arith.constant 0 : i32
        %eq3A_355 = arith.cmpi eq, %jit3A_353, %eq3A_354 : i32
        %jit3A_356 = arith.constant 1 : i32
        %select_n3A_357 = arith.select %eq3A_355, %jit3A_356, %jit3A_353 : i32
        %rem3A_358 = arith.remsi %add3A_352, %select_n3A_357 : i32
        %ne3A_359 = arith.constant 0 : i32
        %ne3A_360 = arith.cmpi ne, %rem3A_358, %ne3A_359 : i32
        %lt3A_361 = arith.constant 0 : i32
        %lt3A_362 = arith.cmpi slt, %rem3A_358, %lt3A_361 : i32
        %lt3A_363 = arith.constant 0 : i32
        %lt3A_364 = arith.cmpi slt, %select_n3A_357, %lt3A_363 : i32
        %ne3A_365 = arith.xori %lt3A_362, %lt3A_364 : i1
        %and3A_366 = arith.andi %ne3A_365, %ne3A_360 : i1
        %add3A_367 = arith.addi %rem3A_358, %select_n3A_357 : i32
        %select_n3A_368 = arith.select %and3A_366, %add3A_367, %rem3A_358 : i32
        %dma_wait3A_369 = arith.constant 0 : i32
        %dma_wait3A_370 = arith.constant 0 : i32
        %dma_wait3A_371 = tpu.memref_slice %arg7[%dma_wait3A_369, %dma_wait3A_370] : memref<7x120xi32, #tpu.memory_space<vmem>> -> memref<1x120xi32, #tpu.memory_space<vmem>>
        %dma_wait3A_372 = tpu.memref_squeeze %dma_wait3A_371 : memref<1x120xi32, #tpu.memory_space<vmem>> -> memref<120xi32, #tpu.memory_space<vmem>>
        %dma_wait3A_373 = arith.constant 0 : i32
        %dma_wait3A_374 = tpu.memref_slice %arg3[%dma_wait3A_373] : memref<322560xi32, #tpu.memory_space<hbm>> -> memref<120xi32, #tpu.memory_space<hbm>>
        %dma_wait3A_375 = arith.constant 0 : i32
        %dma_wait3A_376 = tpu.memref_slice %arg7[%dma_wait3A_369, %dma_wait3A_375] : memref<7x120xi32, #tpu.memory_space<vmem>> -> memref<1x120xi32, #tpu.memory_space<vmem>>
        %dma_wait3A_377 = tpu.memref_squeeze %dma_wait3A_376 : memref<1x120xi32, #tpu.memory_space<vmem>> -> memref<120xi32, #tpu.memory_space<vmem>>
        %dma_wait3A_378 = arith.constant 0 : i32
        %dma_wait3A_379 = tpu.memref_slice %arg3[%dma_wait3A_378] : memref<322560xi32, #tpu.memory_space<hbm>> -> memref<120xi32, #tpu.memory_space<hbm>>
        tpu.wait_dma2 semaphore(%arg12 : memref<!tpu.dma_semaphore, #tpu.memory_space<semaphore_mem>>) src(%dma_wait3A_379 : memref<120xi32, #tpu.memory_space<hbm>>) dst(%dma_wait3A_377 : memref<120xi32, #tpu.memory_space<vmem>>)
        %add3A_380 = arith.constant 3 : i32
        %add3A_381 = arith.addi %add3A_380, %select_n3A_368 : i32
        %dma_wait3A_382 = arith.constant 0 : i32
        %dma_wait3A_383 = tpu.memref_slice %arg7[%add3A_381, %dma_wait3A_382] : memref<7x120xi32, #tpu.memory_space<vmem>> -> memref<1x120xi32, #tpu.memory_space<vmem>>
        %dma_wait3A_384 = tpu.memref_squeeze %dma_wait3A_383 : memref<1x120xi32, #tpu.memory_space<vmem>> -> memref<120xi32, #tpu.memory_space<vmem>>
        %dma_wait3A_385 = arith.constant 0 : i32
        %dma_wait3A_386 = tpu.memref_slice %arg4[%dma_wait3A_385] : memref<322560xi32, #tpu.memory_space<hbm>> -> memref<120xi32, #tpu.memory_space<hbm>>
        %dma_wait3A_387 = arith.constant 0 : i32
        %dma_wait3A_388 = tpu.memref_slice %arg7[%add3A_381, %dma_wait3A_387] : memref<7x120xi32, #tpu.memory_space<vmem>> -> memref<1x120xi32, #tpu.memory_space<vmem>>
        %dma_wait3A_389 = tpu.memref_squeeze %dma_wait3A_388 : memref<1x120xi32, #tpu.memory_space<vmem>> -> memref<120xi32, #tpu.memory_space<vmem>>
        %dma_wait3A_390 = arith.constant 0 : i32
        %dma_wait3A_391 = tpu.memref_slice %arg4[%dma_wait3A_390] : memref<322560xi32, #tpu.memory_space<hbm>> -> memref<120xi32, #tpu.memory_space<hbm>>
        tpu.wait_dma2 semaphore(%arg12 : memref<!tpu.dma_semaphore, #tpu.memory_space<semaphore_mem>>) src(%dma_wait3A_391 : memref<120xi32, #tpu.memory_space<hbm>>) dst(%dma_wait3A_389 : memref<120xi32, #tpu.memory_space<vmem>>)
        %dma_start3A_392 = arith.constant 0 : i32
        %dma_start3A_393 = arith.constant 0 : i32
        %dma_start3A_394 = arith.constant 0 : i32
        %dma_start3A_395 = arith.constant 0 : i32
        %dma_start3A_396 = tpu.memref_slice %arg8[%dma_start3A_393, %dma_start3A_394, %dma_start3A_395] : memref<3x120x128xf32, #tpu.memory_space<vmem>> -> memref<1x120x128xf32, #tpu.memory_space<vmem>>
        %dma_start3A_397 = tpu.memref_squeeze %dma_start3A_396 : memref<1x120x128xf32, #tpu.memory_space<vmem>> -> memref<120x128xf32, #tpu.memory_space<vmem>>
        %dma_start3A_398 = arith.constant 0 : i32
        %dma_start3A_399 = tpu.memref_slice %arg7[%dma_start3A_392, %dma_start3A_398] : memref<7x120xi32, #tpu.memory_space<vmem>> -> memref<1x120xi32, #tpu.memory_space<vmem>>
        %dma_start3A_400 = tpu.memref_squeeze %dma_start3A_399 : memref<1x120xi32, #tpu.memory_space<vmem>> -> memref<120xi32, #tpu.memory_space<vmem>>
        %dma_start3A_401 = arith.constant 0 : i32
        %dma_start3A_402 = arith.constant 0 : i32
        %dma_start3A_403 = tpu.memref_slice %arg2[%dma_start3A_401, %dma_start3A_402] : memref<10000x128xf32, #tpu.memory_space<hbm>> -> memref<10000x128xf32, #tpu.memory_space<hbm>>
        tpu.enqueue_indirect_dma source(%dma_start3A_403 : memref<10000x128xf32, #tpu.memory_space<hbm>>) target(%dma_start3A_397 : memref<120x128xf32, #tpu.memory_space<vmem>>) offsets(%dma_start3A_400 : memref<120xi32, #tpu.memory_space<vmem>>) semaphore(%arg10 : memref<!tpu.dma_semaphore, #tpu.memory_space<semaphore_mem>>)
      } else {
      }
      %dma_wait3A_241 = arith.constant 1 : i32
      %dma_wait3A_242 = arith.constant 1 : i32
      %dma_wait3A_243 = arith.constant 0 : i32
      %dma_wait3A_244 = arith.constant 0 : i32
      %dma_wait3A_245 = tpu.memref_slice %arg8[%dma_wait3A_242, %dma_wait3A_243, %dma_wait3A_244] : memref<3x120x128xf32, #tpu.memory_space<vmem>> -> memref<1x120x128xf32, #tpu.memory_space<vmem>>
      %dma_wait3A_246 = tpu.memref_squeeze %dma_wait3A_245 : memref<1x120x128xf32, #tpu.memory_space<vmem>> -> memref<120x128xf32, #tpu.memory_space<vmem>>
      %dma_wait3A_247 = arith.constant 0 : i32
      %dma_wait3A_248 = tpu.memref_slice %arg7[%dma_wait3A_241, %dma_wait3A_247] : memref<7x120xi32, #tpu.memory_space<vmem>> -> memref<1x120xi32, #tpu.memory_space<vmem>>
      %dma_wait3A_249 = tpu.memref_squeeze %dma_wait3A_248 : memref<1x120xi32, #tpu.memory_space<vmem>> -> memref<120xi32, #tpu.memory_space<vmem>>
      %dma_wait3A_250 = arith.constant 0 : i32
      %dma_wait3A_251 = arith.constant 0 : i32
      %dma_wait3A_252 = tpu.memref_slice %arg2[%dma_wait3A_250, %dma_wait3A_251] : memref<10000x128xf32, #tpu.memory_space<hbm>> -> memref<10000x128xf32, #tpu.memory_space<hbm>>
      tpu.wait_indirect_dma semaphore(%arg10 : memref<!tpu.dma_semaphore, #tpu.memory_space<semaphore_mem>>) src(%dma_wait3A_252 : memref<10000x128xf32, #tpu.memory_space<hbm>>) dst(%dma_wait3A_246 : memref<120x128xf32, #tpu.memory_space<vmem>>)
      %add3A_253 = arith.constant 3 : i32
      %add3A_254 = arith.addi %add3A_228, %add3A_253 : i32
      %lt3A_255 = arith.constant 84 : i32
      %lt3A_256 = arith.cmpi slt, %add3A_254, %lt3A_255 : i32
      %convert_element_type3A_257 = arith.extui %lt3A_256 : i1 to i32
      %cond3A_258 = arith.constant 0 : i32
      %cond3A_259 = arith.cmpi ne, %convert_element_type3A_257, %cond3A_258 : i32
      scf.if %cond3A_259 {
        %add3A_351 = arith.constant 3 : i32
        %add3A_352 = arith.addi %add3A_228, %add3A_351 : i32
        %add3A_353 = arith.constant 3 : i32
        %add3A_354 = arith.addi %add3A_228, %add3A_353 : i32
        %jit3A_355 = arith.constant 4 : i32
        %eq3A_356 = arith.constant 0 : i32
        %eq3A_357 = arith.cmpi eq, %jit3A_355, %eq3A_356 : i32
        %jit3A_358 = arith.constant 1 : i32
        %select_n3A_359 = arith.select %eq3A_357, %jit3A_358, %jit3A_355 : i32
        %rem3A_360 = arith.remsi %add3A_354, %select_n3A_359 : i32
        %ne3A_361 = arith.constant 0 : i32
        %ne3A_362 = arith.cmpi ne, %rem3A_360, %ne3A_361 : i32
        %lt3A_363 = arith.constant 0 : i32
        %lt3A_364 = arith.cmpi slt, %rem3A_360, %lt3A_363 : i32
        %lt3A_365 = arith.constant 0 : i32
        %lt3A_366 = arith.cmpi slt, %select_n3A_359, %lt3A_365 : i32
        %ne3A_367 = arith.xori %lt3A_364, %lt3A_366 : i1
        %and3A_368 = arith.andi %ne3A_367, %ne3A_362 : i1
        %add3A_369 = arith.addi %rem3A_360, %select_n3A_359 : i32
        %select_n3A_370 = arith.select %and3A_368, %add3A_369, %rem3A_360 : i32
        %mul3A_371 = arith.constant 84 : i32
        %mul3A_372 = arith.muli %add3A, %mul3A_371 : i32
        %add3A_373 = arith.addi %mul3A_372, %add3A_352 : i32
        %mul3A_374 = arith.constant 120 : i32
        %mul3A_375 = arith.muli %add3A_373, %mul3A_374 : i32
        %dma_start3A_376 = arith.constant 1 : i32
        %dma_start3A_377 = arith.constant 0 : i32
        %dma_start3A_378 = tpu.memref_slice %arg7[%dma_start3A_376, %dma_start3A_377] : memref<7x120xi32, #tpu.memory_space<vmem>> -> memref<1x120xi32, #tpu.memory_space<vmem>>
        %dma_start3A_379 = tpu.memref_squeeze %dma_start3A_378 : memref<1x120xi32, #tpu.memory_space<vmem>> -> memref<120xi32, #tpu.memory_space<vmem>>
        %dma_start3A_380 = tpu.memref_slice %arg3[%mul3A_375] : memref<322560xi32, #tpu.memory_space<hbm>> -> memref<120xi32, #tpu.memory_space<hbm>>
        %dma_start3A_381 = arith.constant 0 : i32
        %dma_start3A_382 = tpu.memref_slice %arg7[%dma_start3A_376, %dma_start3A_381] : memref<7x120xi32, #tpu.memory_space<vmem>> -> memref<1x120xi32, #tpu.memory_space<vmem>>
        %dma_start3A_383 = tpu.memref_squeeze %dma_start3A_382 : memref<1x120xi32, #tpu.memory_space<vmem>> -> memref<120xi32, #tpu.memory_space<vmem>>
        %dma_start3A_384 = tpu.memref_slice %arg3[%mul3A_375] : memref<322560xi32, #tpu.memory_space<hbm>> -> memref<120xi32, #tpu.memory_space<hbm>>
        tpu.enqueue_dma source(%dma_start3A_384 : memref<120xi32, #tpu.memory_space<hbm>>) target(%dma_start3A_383 : memref<120xi32, #tpu.memory_space<vmem>>) target_semaphore(%arg12 : memref<!tpu.dma_semaphore, #tpu.memory_space<semaphore_mem>>)
        %add3A_385 = arith.constant 3 : i32
        %add3A_386 = arith.addi %add3A_385, %select_n3A_370 : i32
        %dma_start3A_387 = arith.constant 0 : i32
        %dma_start3A_388 = tpu.memref_slice %arg7[%add3A_386, %dma_start3A_387] : memref<7x120xi32, #tpu.memory_space<vmem>> -> memref<1x120xi32, #tpu.memory_space<vmem>>
        %dma_start3A_389 = tpu.memref_squeeze %dma_start3A_388 : memref<1x120xi32, #tpu.memory_space<vmem>> -> memref<120xi32, #tpu.memory_space<vmem>>
        %dma_start3A_390 = tpu.memref_slice %arg4[%mul3A_375] : memref<322560xi32, #tpu.memory_space<hbm>> -> memref<120xi32, #tpu.memory_space<hbm>>
        %dma_start3A_391 = arith.constant 0 : i32
        %dma_start3A_392 = tpu.memref_slice %arg7[%add3A_386, %dma_start3A_391] : memref<7x120xi32, #tpu.memory_space<vmem>> -> memref<1x120xi32, #tpu.memory_space<vmem>>
        %dma_start3A_393 = tpu.memref_squeeze %dma_start3A_392 : memref<1x120xi32, #tpu.memory_space<vmem>> -> memref<120xi32, #tpu.memory_space<vmem>>
        %dma_start3A_394 = tpu.memref_slice %arg4[%mul3A_375] : memref<322560xi32, #tpu.memory_space<hbm>> -> memref<120xi32, #tpu.memory_space<hbm>>
        tpu.enqueue_dma source(%dma_start3A_394 : memref<120xi32, #tpu.memory_space<hbm>>) target(%dma_start3A_393 : memref<120xi32, #tpu.memory_space<vmem>>) target_semaphore(%arg12 : memref<!tpu.dma_semaphore, #tpu.memory_space<semaphore_mem>>)
      } else {
      }
      %jit3A_260 = arith.constant 4 : i32
      %eq3A_261 = arith.constant 0 : i32
      %eq3A_262 = arith.cmpi eq, %jit3A_260, %eq3A_261 : i32
      %jit3A_263 = arith.constant 1 : i32
      %select_n3A_264 = arith.select %eq3A_262, %jit3A_263, %jit3A_260 : i32
      %rem3A_265 = arith.remsi %add3A_228, %select_n3A_264 : i32
      %ne3A_266 = arith.constant 0 : i32
      %ne3A_267 = arith.cmpi ne, %rem3A_265, %ne3A_266 : i32
      %lt3A_268 = arith.constant 0 : i32
      %lt3A_269 = arith.cmpi slt, %rem3A_265, %lt3A_268 : i32
      %lt3A_270 = arith.constant 0 : i32
      %lt3A_271 = arith.cmpi slt, %select_n3A_264, %lt3A_270 : i32
      %ne3A_272 = arith.xori %lt3A_269, %lt3A_271 : i1
      %and3A_273 = arith.andi %ne3A_272, %ne3A_267 : i1
      %add3A_274 = arith.addi %rem3A_265, %select_n3A_264 : i32
      %select_n3A_275 = arith.select %and3A_273, %add3A_274, %rem3A_265 : i32
      %add3A_276 = arith.constant 3 : i32
      %add3A_277 = arith.addi %add3A_276, %select_n3A_275 : i32
      %dma_start3A_278 = arith.constant 1 : i32
      %dma_start3A_279 = arith.constant 0 : i32
      %dma_start3A_280 = arith.constant 0 : i32
      %dma_start3A_281 = tpu.memref_slice %arg8[%dma_start3A_278, %dma_start3A_279, %dma_start3A_280] : memref<3x120x128xf32, #tpu.memory_space<vmem>> -> memref<1x120x128xf32, #tpu.memory_space<vmem>>
      %dma_start3A_282 = tpu.memref_squeeze %dma_start3A_281 : memref<1x120x128xf32, #tpu.memory_space<vmem>> -> memref<120x128xf32, #tpu.memory_space<vmem>>
      %dma_start3A_283 = arith.constant 0 : i32
      %dma_start3A_284 = tpu.memref_slice %arg7[%add3A_277, %dma_start3A_283] : memref<7x120xi32, #tpu.memory_space<vmem>> -> memref<1x120xi32, #tpu.memory_space<vmem>>
      %dma_start3A_285 = tpu.memref_squeeze %dma_start3A_284 : memref<1x120xi32, #tpu.memory_space<vmem>> -> memref<120xi32, #tpu.memory_space<vmem>>
      %dma_start3A_286 = arith.constant 0 : i32
      %dma_start3A_287 = arith.constant 0 : i32
      %dma_start3A_288 = tpu.memref_slice %arg9[%dma_start3A_286, %dma_start3A_287] : memref<10112x128xf32, #tpu.memory_space<vmem_shared>> -> memref<10112x128xf32, #tpu.memory_space<vmem_shared>>
      tpu.enqueue_indirect_dma source(%dma_start3A_282 : memref<120x128xf32, #tpu.memory_space<vmem>>) target(%dma_start3A_288 : memref<10112x128xf32, #tpu.memory_space<vmem_shared>>) offsets(%dma_start3A_285 : memref<120xi32, #tpu.memory_space<vmem>>) semaphore(%arg11 : memref<!tpu.dma_semaphore, #tpu.memory_space<semaphore_mem>>) {add = true}
      %add3A_289 = arith.constant 2 : i32
      %add3A_290 = arith.addi %add3A_171, %add3A_289 : i32
      %gt3A_291 = arith.constant 0 : i32
      %gt3A_292 = arith.cmpi sgt, %add3A_290, %gt3A_291 : i32
      %convert_element_type3A_293 = arith.extui %gt3A_292 : i1 to i32
      %cond3A_294 = arith.constant 0 : i32
      %cond3A_295 = arith.cmpi ne, %convert_element_type3A_293, %cond3A_294 : i32
      scf.if %cond3A_295 {
        %add3A_351 = arith.constant 4 : i32
        %add3A_352 = arith.addi %add3A_290, %add3A_351 : i32
        %sub3A = arith.constant 1 : i32
        %sub3A_353 = arith.subi %add3A_352, %sub3A : i32
        %jit3A_354 = arith.constant 4 : i32
        %eq3A_355 = arith.constant 0 : i32
        %eq3A_356 = arith.cmpi eq, %jit3A_354, %eq3A_355 : i32
        %jit3A_357 = arith.constant 1 : i32
        %select_n3A_358 = arith.select %eq3A_356, %jit3A_357, %jit3A_354 : i32
        %rem3A_359 = arith.remsi %sub3A_353, %select_n3A_358 : i32
        %ne3A_360 = arith.constant 0 : i32
        %ne3A_361 = arith.cmpi ne, %rem3A_359, %ne3A_360 : i32
        %lt3A_362 = arith.constant 0 : i32
        %lt3A_363 = arith.cmpi slt, %rem3A_359, %lt3A_362 : i32
        %lt3A_364 = arith.constant 0 : i32
        %lt3A_365 = arith.cmpi slt, %select_n3A_358, %lt3A_364 : i32
        %ne3A_366 = arith.xori %lt3A_363, %lt3A_365 : i1
        %and3A_367 = arith.andi %ne3A_366, %ne3A_361 : i1
        %add3A_368 = arith.addi %rem3A_359, %select_n3A_358 : i32
        %select_n3A_369 = arith.select %and3A_367, %add3A_368, %rem3A_359 : i32
        %add3A_370 = arith.constant 3 : i32
        %add3A_371 = arith.addi %add3A_370, %select_n3A_369 : i32
        %dma_wait3A_372 = arith.constant 1 : i32
        %dma_wait3A_373 = arith.constant 0 : i32
        %dma_wait3A_374 = arith.constant 0 : i32
        %dma_wait3A_375 = tpu.memref_slice %arg8[%dma_wait3A_372, %dma_wait3A_373, %dma_wait3A_374] : memref<3x120x128xf32, #tpu.memory_space<vmem>> -> memref<1x120x128xf32, #tpu.memory_space<vmem>>
        %dma_wait3A_376 = tpu.memref_squeeze %dma_wait3A_375 : memref<1x120x128xf32, #tpu.memory_space<vmem>> -> memref<120x128xf32, #tpu.memory_space<vmem>>
        %dma_wait3A_377 = arith.constant 0 : i32
        %dma_wait3A_378 = tpu.memref_slice %arg7[%add3A_371, %dma_wait3A_377] : memref<7x120xi32, #tpu.memory_space<vmem>> -> memref<1x120xi32, #tpu.memory_space<vmem>>
        %dma_wait3A_379 = tpu.memref_squeeze %dma_wait3A_378 : memref<1x120xi32, #tpu.memory_space<vmem>> -> memref<120xi32, #tpu.memory_space<vmem>>
        %dma_wait3A_380 = arith.constant 0 : i32
        %dma_wait3A_381 = arith.constant 0 : i32
        %dma_wait3A_382 = tpu.memref_slice %arg9[%dma_wait3A_380, %dma_wait3A_381] : memref<10112x128xf32, #tpu.memory_space<vmem_shared>> -> memref<10112x128xf32, #tpu.memory_space<vmem_shared>>
        tpu.wait_indirect_dma semaphore(%arg11 : memref<!tpu.dma_semaphore, #tpu.memory_space<semaphore_mem>>) src(%dma_wait3A_376 : memref<120x128xf32, #tpu.memory_space<vmem>>) dst(%dma_wait3A_382 : memref<10112x128xf32, #tpu.memory_space<vmem_shared>>)
      } else {
      }
      %add3A_296 = arith.constant 2 : i32
      %add3A_297 = arith.addi %add3A_290, %add3A_296 : i32
      %lt3A_298 = arith.constant 84 : i32
      %lt3A_299 = arith.cmpi slt, %add3A_297, %lt3A_298 : i32
      %convert_element_type3A_300 = arith.extui %lt3A_299 : i1 to i32
      %cond3A_301 = arith.constant 0 : i32
      %cond3A_302 = arith.cmpi ne, %convert_element_type3A_300, %cond3A_301 : i32
      scf.if %cond3A_302 {
        %add3A_351 = arith.constant 2 : i32
        %add3A_352 = arith.addi %add3A_290, %add3A_351 : i32
        %jit3A_353 = arith.constant 4 : i32
        %eq3A_354 = arith.constant 0 : i32
        %eq3A_355 = arith.cmpi eq, %jit3A_353, %eq3A_354 : i32
        %jit3A_356 = arith.constant 1 : i32
        %select_n3A_357 = arith.select %eq3A_355, %jit3A_356, %jit3A_353 : i32
        %rem3A_358 = arith.remsi %add3A_352, %select_n3A_357 : i32
        %ne3A_359 = arith.constant 0 : i32
        %ne3A_360 = arith.cmpi ne, %rem3A_358, %ne3A_359 : i32
        %lt3A_361 = arith.constant 0 : i32
        %lt3A_362 = arith.cmpi slt, %rem3A_358, %lt3A_361 : i32
        %lt3A_363 = arith.constant 0 : i32
        %lt3A_364 = arith.cmpi slt, %select_n3A_357, %lt3A_363 : i32
        %ne3A_365 = arith.xori %lt3A_362, %lt3A_364 : i1
        %and3A_366 = arith.andi %ne3A_365, %ne3A_360 : i1
        %add3A_367 = arith.addi %rem3A_358, %select_n3A_357 : i32
        %select_n3A_368 = arith.select %and3A_366, %add3A_367, %rem3A_358 : i32
        %dma_wait3A_369 = arith.constant 1 : i32
        %dma_wait3A_370 = arith.constant 0 : i32
        %dma_wait3A_371 = tpu.memref_slice %arg7[%dma_wait3A_369, %dma_wait3A_370] : memref<7x120xi32, #tpu.memory_space<vmem>> -> memref<1x120xi32, #tpu.memory_space<vmem>>
        %dma_wait3A_372 = tpu.memref_squeeze %dma_wait3A_371 : memref<1x120xi32, #tpu.memory_space<vmem>> -> memref<120xi32, #tpu.memory_space<vmem>>
        %dma_wait3A_373 = arith.constant 0 : i32
        %dma_wait3A_374 = tpu.memref_slice %arg3[%dma_wait3A_373] : memref<322560xi32, #tpu.memory_space<hbm>> -> memref<120xi32, #tpu.memory_space<hbm>>
        %dma_wait3A_375 = arith.constant 0 : i32
        %dma_wait3A_376 = tpu.memref_slice %arg7[%dma_wait3A_369, %dma_wait3A_375] : memref<7x120xi32, #tpu.memory_space<vmem>> -> memref<1x120xi32, #tpu.memory_space<vmem>>
        %dma_wait3A_377 = tpu.memref_squeeze %dma_wait3A_376 : memref<1x120xi32, #tpu.memory_space<vmem>> -> memref<120xi32, #tpu.memory_space<vmem>>
        %dma_wait3A_378 = arith.constant 0 : i32
        %dma_wait3A_379 = tpu.memref_slice %arg3[%dma_wait3A_378] : memref<322560xi32, #tpu.memory_space<hbm>> -> memref<120xi32, #tpu.memory_space<hbm>>
        tpu.wait_dma2 semaphore(%arg12 : memref<!tpu.dma_semaphore, #tpu.memory_space<semaphore_mem>>) src(%dma_wait3A_379 : memref<120xi32, #tpu.memory_space<hbm>>) dst(%dma_wait3A_377 : memref<120xi32, #tpu.memory_space<vmem>>)
        %add3A_380 = arith.constant 3 : i32
        %add3A_381 = arith.addi %add3A_380, %select_n3A_368 : i32
        %dma_wait3A_382 = arith.constant 0 : i32
        %dma_wait3A_383 = tpu.memref_slice %arg7[%add3A_381, %dma_wait3A_382] : memref<7x120xi32, #tpu.memory_space<vmem>> -> memref<1x120xi32, #tpu.memory_space<vmem>>
        %dma_wait3A_384 = tpu.memref_squeeze %dma_wait3A_383 : memref<1x120xi32, #tpu.memory_space<vmem>> -> memref<120xi32, #tpu.memory_space<vmem>>
        %dma_wait3A_385 = arith.constant 0 : i32
        %dma_wait3A_386 = tpu.memref_slice %arg4[%dma_wait3A_385] : memref<322560xi32, #tpu.memory_space<hbm>> -> memref<120xi32, #tpu.memory_space<hbm>>
        %dma_wait3A_387 = arith.constant 0 : i32
        %dma_wait3A_388 = tpu.memref_slice %arg7[%add3A_381, %dma_wait3A_387] : memref<7x120xi32, #tpu.memory_space<vmem>> -> memref<1x120xi32, #tpu.memory_space<vmem>>
        %dma_wait3A_389 = tpu.memref_squeeze %dma_wait3A_388 : memref<1x120xi32, #tpu.memory_space<vmem>> -> memref<120xi32, #tpu.memory_space<vmem>>
        %dma_wait3A_390 = arith.constant 0 : i32
        %dma_wait3A_391 = tpu.memref_slice %arg4[%dma_wait3A_390] : memref<322560xi32, #tpu.memory_space<hbm>> -> memref<120xi32, #tpu.memory_space<hbm>>
        tpu.wait_dma2 semaphore(%arg12 : memref<!tpu.dma_semaphore, #tpu.memory_space<semaphore_mem>>) src(%dma_wait3A_391 : memref<120xi32, #tpu.memory_space<hbm>>) dst(%dma_wait3A_389 : memref<120xi32, #tpu.memory_space<vmem>>)
        %dma_start3A_392 = arith.constant 1 : i32
        %dma_start3A_393 = arith.constant 1 : i32
        %dma_start3A_394 = arith.constant 0 : i32
        %dma_start3A_395 = arith.constant 0 : i32
        %dma_start3A_396 = tpu.memref_slice %arg8[%dma_start3A_393, %dma_start3A_394, %dma_start3A_395] : memref<3x120x128xf32, #tpu.memory_space<vmem>> -> memref<1x120x128xf32, #tpu.memory_space<vmem>>
        %dma_start3A_397 = tpu.memref_squeeze %dma_start3A_396 : memref<1x120x128xf32, #tpu.memory_space<vmem>> -> memref<120x128xf32, #tpu.memory_space<vmem>>
        %dma_start3A_398 = arith.constant 0 : i32
        %dma_start3A_399 = tpu.memref_slice %arg7[%dma_start3A_392, %dma_start3A_398] : memref<7x120xi32, #tpu.memory_space<vmem>> -> memref<1x120xi32, #tpu.memory_space<vmem>>
        %dma_start3A_400 = tpu.memref_squeeze %dma_start3A_399 : memref<1x120xi32, #tpu.memory_space<vmem>> -> memref<120xi32, #tpu.memory_space<vmem>>
        %dma_start3A_401 = arith.constant 0 : i32
        %dma_start3A_402 = arith.constant 0 : i32
        %dma_start3A_403 = tpu.memref_slice %arg2[%dma_start3A_401, %dma_start3A_402] : memref<10000x128xf32, #tpu.memory_space<hbm>> -> memref<10000x128xf32, #tpu.memory_space<hbm>>
        tpu.enqueue_indirect_dma source(%dma_start3A_403 : memref<10000x128xf32, #tpu.memory_space<hbm>>) target(%dma_start3A_397 : memref<120x128xf32, #tpu.memory_space<vmem>>) offsets(%dma_start3A_400 : memref<120xi32, #tpu.memory_space<vmem>>) semaphore(%arg10 : memref<!tpu.dma_semaphore, #tpu.memory_space<semaphore_mem>>)
      } else {
      }
      %dma_wait3A_303 = arith.constant 2 : i32
      %dma_wait3A_304 = arith.constant 2 : i32
      %dma_wait3A_305 = arith.constant 0 : i32
      %dma_wait3A_306 = arith.constant 0 : i32
      %dma_wait3A_307 = tpu.memref_slice %arg8[%dma_wait3A_304, %dma_wait3A_305, %dma_wait3A_306] : memref<3x120x128xf32, #tpu.memory_space<vmem>> -> memref<1x120x128xf32, #tpu.memory_space<vmem>>
      %dma_wait3A_308 = tpu.memref_squeeze %dma_wait3A_307 : memref<1x120x128xf32, #tpu.memory_space<vmem>> -> memref<120x128xf32, #tpu.memory_space<vmem>>
      %dma_wait3A_309 = arith.constant 0 : i32
      %dma_wait3A_310 = tpu.memref_slice %arg7[%dma_wait3A_303, %dma_wait3A_309] : memref<7x120xi32, #tpu.memory_space<vmem>> -> memref<1x120xi32, #tpu.memory_space<vmem>>
      %dma_wait3A_311 = tpu.memref_squeeze %dma_wait3A_310 : memref<1x120xi32, #tpu.memory_space<vmem>> -> memref<120xi32, #tpu.memory_space<vmem>>
      %dma_wait3A_312 = arith.constant 0 : i32
      %dma_wait3A_313 = arith.constant 0 : i32
      %dma_wait3A_314 = tpu.memref_slice %arg2[%dma_wait3A_312, %dma_wait3A_313] : memref<10000x128xf32, #tpu.memory_space<hbm>> -> memref<10000x128xf32, #tpu.memory_space<hbm>>
      tpu.wait_indirect_dma semaphore(%arg10 : memref<!tpu.dma_semaphore, #tpu.memory_space<semaphore_mem>>) src(%dma_wait3A_314 : memref<10000x128xf32, #tpu.memory_space<hbm>>) dst(%dma_wait3A_308 : memref<120x128xf32, #tpu.memory_space<vmem>>)
      %add3A_315 = arith.constant 3 : i32
      %add3A_316 = arith.addi %add3A_290, %add3A_315 : i32
      %lt3A_317 = arith.constant 84 : i32
      %lt3A_318 = arith.cmpi slt, %add3A_316, %lt3A_317 : i32
      %convert_element_type3A_319 = arith.extui %lt3A_318 : i1 to i32
      %cond3A_320 = arith.constant 0 : i32
      %cond3A_321 = arith.cmpi ne, %convert_element_type3A_319, %cond3A_320 : i32
      scf.if %cond3A_321 {
        %add3A_351 = arith.constant 3 : i32
        %add3A_352 = arith.addi %add3A_290, %add3A_351 : i32
        %add3A_353 = arith.constant 3 : i32
        %add3A_354 = arith.addi %add3A_290, %add3A_353 : i32
        %jit3A_355 = arith.constant 4 : i32
        %eq3A_356 = arith.constant 0 : i32
        %eq3A_357 = arith.cmpi eq, %jit3A_355, %eq3A_356 : i32
        %jit3A_358 = arith.constant 1 : i32
        %select_n3A_359 = arith.select %eq3A_357, %jit3A_358, %jit3A_355 : i32
        %rem3A_360 = arith.remsi %add3A_354, %select_n3A_359 : i32
        %ne3A_361 = arith.constant 0 : i32
        %ne3A_362 = arith.cmpi ne, %rem3A_360, %ne3A_361 : i32
        %lt3A_363 = arith.constant 0 : i32
        %lt3A_364 = arith.cmpi slt, %rem3A_360, %lt3A_363 : i32
        %lt3A_365 = arith.constant 0 : i32
        %lt3A_366 = arith.cmpi slt, %select_n3A_359, %lt3A_365 : i32
        %ne3A_367 = arith.xori %lt3A_364, %lt3A_366 : i1
        %and3A_368 = arith.andi %ne3A_367, %ne3A_362 : i1
        %add3A_369 = arith.addi %rem3A_360, %select_n3A_359 : i32
        %select_n3A_370 = arith.select %and3A_368, %add3A_369, %rem3A_360 : i32
        %mul3A_371 = arith.constant 84 : i32
        %mul3A_372 = arith.muli %add3A, %mul3A_371 : i32
        %add3A_373 = arith.addi %mul3A_372, %add3A_352 : i32
        %mul3A_374 = arith.constant 120 : i32
        %mul3A_375 = arith.muli %add3A_373, %mul3A_374 : i32
        %dma_start3A_376 = arith.constant 2 : i32
        %dma_start3A_377 = arith.constant 0 : i32
        %dma_start3A_378 = tpu.memref_slice %arg7[%dma_start3A_376, %dma_start3A_377] : memref<7x120xi32, #tpu.memory_space<vmem>> -> memref<1x120xi32, #tpu.memory_space<vmem>>
        %dma_start3A_379 = tpu.memref_squeeze %dma_start3A_378 : memref<1x120xi32, #tpu.memory_space<vmem>> -> memref<120xi32, #tpu.memory_space<vmem>>
        %dma_start3A_380 = tpu.memref_slice %arg3[%mul3A_375] : memref<322560xi32, #tpu.memory_space<hbm>> -> memref<120xi32, #tpu.memory_space<hbm>>
        %dma_start3A_381 = arith.constant 0 : i32
        %dma_start3A_382 = tpu.memref_slice %arg7[%dma_start3A_376, %dma_start3A_381] : memref<7x120xi32, #tpu.memory_space<vmem>> -> memref<1x120xi32, #tpu.memory_space<vmem>>
        %dma_start3A_383 = tpu.memref_squeeze %dma_start3A_382 : memref<1x120xi32, #tpu.memory_space<vmem>> -> memref<120xi32, #tpu.memory_space<vmem>>
        %dma_start3A_384 = tpu.memref_slice %arg3[%mul3A_375] : memref<322560xi32, #tpu.memory_space<hbm>> -> memref<120xi32, #tpu.memory_space<hbm>>
        tpu.enqueue_dma source(%dma_start3A_384 : memref<120xi32, #tpu.memory_space<hbm>>) target(%dma_start3A_383 : memref<120xi32, #tpu.memory_space<vmem>>) target_semaphore(%arg12 : memref<!tpu.dma_semaphore, #tpu.memory_space<semaphore_mem>>)
        %add3A_385 = arith.constant 3 : i32
        %add3A_386 = arith.addi %add3A_385, %select_n3A_370 : i32
        %dma_start3A_387 = arith.constant 0 : i32
        %dma_start3A_388 = tpu.memref_slice %arg7[%add3A_386, %dma_start3A_387] : memref<7x120xi32, #tpu.memory_space<vmem>> -> memref<1x120xi32, #tpu.memory_space<vmem>>
        %dma_start3A_389 = tpu.memref_squeeze %dma_start3A_388 : memref<1x120xi32, #tpu.memory_space<vmem>> -> memref<120xi32, #tpu.memory_space<vmem>>
        %dma_start3A_390 = tpu.memref_slice %arg4[%mul3A_375] : memref<322560xi32, #tpu.memory_space<hbm>> -> memref<120xi32, #tpu.memory_space<hbm>>
        %dma_start3A_391 = arith.constant 0 : i32
        %dma_start3A_392 = tpu.memref_slice %arg7[%add3A_386, %dma_start3A_391] : memref<7x120xi32, #tpu.memory_space<vmem>> -> memref<1x120xi32, #tpu.memory_space<vmem>>
        %dma_start3A_393 = tpu.memref_squeeze %dma_start3A_392 : memref<1x120xi32, #tpu.memory_space<vmem>> -> memref<120xi32, #tpu.memory_space<vmem>>
        %dma_start3A_394 = tpu.memref_slice %arg4[%mul3A_375] : memref<322560xi32, #tpu.memory_space<hbm>> -> memref<120xi32, #tpu.memory_space<hbm>>
        tpu.enqueue_dma source(%dma_start3A_394 : memref<120xi32, #tpu.memory_space<hbm>>) target(%dma_start3A_393 : memref<120xi32, #tpu.memory_space<vmem>>) target_semaphore(%arg12 : memref<!tpu.dma_semaphore, #tpu.memory_space<semaphore_mem>>)
      } else {
      }
      %jit3A_322 = arith.constant 4 : i32
      %eq3A_323 = arith.constant 0 : i32
      %eq3A_324 = arith.cmpi eq, %jit3A_322, %eq3A_323 : i32
      %jit3A_325 = arith.constant 1 : i32
      %select_n3A_326 = arith.select %eq3A_324, %jit3A_325, %jit3A_322 : i32
      %rem3A_327 = arith.remsi %add3A_290, %select_n3A_326 : i32
      %ne3A_328 = arith.constant 0 : i32
      %ne3A_329 = arith.cmpi ne, %rem3A_327, %ne3A_328 : i32
      %lt3A_330 = arith.constant 0 : i32
      %lt3A_331 = arith.cmpi slt, %rem3A_327, %lt3A_330 : i32
      %lt3A_332 = arith.constant 0 : i32
      %lt3A_333 = arith.cmpi slt, %select_n3A_326, %lt3A_332 : i32
      %ne3A_334 = arith.xori %lt3A_331, %lt3A_333 : i1
      %and3A_335 = arith.andi %ne3A_334, %ne3A_329 : i1
      %add3A_336 = arith.addi %rem3A_327, %select_n3A_326 : i32
      %select_n3A_337 = arith.select %and3A_335, %add3A_336, %rem3A_327 : i32
      %add3A_338 = arith.constant 3 : i32
      %add3A_339 = arith.addi %add3A_338, %select_n3A_337 : i32
      %dma_start3A_340 = arith.constant 2 : i32
      %dma_start3A_341 = arith.constant 0 : i32
      %dma_start3A_342 = arith.constant 0 : i32
      %dma_start3A_343 = tpu.memref_slice %arg8[%dma_start3A_340, %dma_start3A_341, %dma_start3A_342] : memref<3x120x128xf32, #tpu.memory_space<vmem>> -> memref<1x120x128xf32, #tpu.memory_space<vmem>>
      %dma_start3A_344 = tpu.memref_squeeze %dma_start3A_343 : memref<1x120x128xf32, #tpu.memory_space<vmem>> -> memref<120x128xf32, #tpu.memory_space<vmem>>
      %dma_start3A_345 = arith.constant 0 : i32
      %dma_start3A_346 = tpu.memref_slice %arg7[%add3A_339, %dma_start3A_345] : memref<7x120xi32, #tpu.memory_space<vmem>> -> memref<1x120xi32, #tpu.memory_space<vmem>>
      %dma_start3A_347 = tpu.memref_squeeze %dma_start3A_346 : memref<1x120xi32, #tpu.memory_space<vmem>> -> memref<120xi32, #tpu.memory_space<vmem>>
      %dma_start3A_348 = arith.constant 0 : i32
      %dma_start3A_349 = arith.constant 0 : i32
      %dma_start3A_350 = tpu.memref_slice %arg9[%dma_start3A_348, %dma_start3A_349] : memref<10112x128xf32, #tpu.memory_space<vmem_shared>> -> memref<10112x128xf32, #tpu.memory_space<vmem_shared>>
      tpu.enqueue_indirect_dma source(%dma_start3A_344 : memref<120x128xf32, #tpu.memory_space<vmem>>) target(%dma_start3A_350 : memref<10112x128xf32, #tpu.memory_space<vmem_shared>>) offsets(%dma_start3A_347 : memref<120xi32, #tpu.memory_space<vmem>>) semaphore(%arg11 : memref<!tpu.dma_semaphore, #tpu.memory_space<semaphore_mem>>) {add = true}
    }
    %scan3A_146 = arith.constant 28 : i32
    %dma_wait3A_147 = arith.constant 2 : i32
    %dma_wait3A_148 = arith.constant 6 : i32
    %dma_wait3A_149 = arith.constant 0 : i32
    %dma_wait3A_150 = arith.constant 0 : i32
    %dma_wait3A_151 = tpu.memref_slice %arg8[%dma_wait3A_147, %dma_wait3A_149, %dma_wait3A_150] : memref<3x120x128xf32, #tpu.memory_space<vmem>> -> memref<1x120x128xf32, #tpu.memory_space<vmem>>
    %dma_wait3A_152 = tpu.memref_squeeze %dma_wait3A_151 : memref<1x120x128xf32, #tpu.memory_space<vmem>> -> memref<120x128xf32, #tpu.memory_space<vmem>>
    %dma_wait3A_153 = arith.constant 0 : i32
    %dma_wait3A_154 = tpu.memref_slice %arg7[%dma_wait3A_148, %dma_wait3A_153] : memref<7x120xi32, #tpu.memory_space<vmem>> -> memref<1x120xi32, #tpu.memory_space<vmem>>
    %dma_wait3A_155 = tpu.memref_squeeze %dma_wait3A_154 : memref<1x120xi32, #tpu.memory_space<vmem>> -> memref<120xi32, #tpu.memory_space<vmem>>
    %dma_wait3A_156 = arith.constant 0 : i32
    %dma_wait3A_157 = arith.constant 0 : i32
    %dma_wait3A_158 = tpu.memref_slice %arg9[%dma_wait3A_156, %dma_wait3A_157] : memref<10112x128xf32, #tpu.memory_space<vmem_shared>> -> memref<10112x128xf32, #tpu.memory_space<vmem_shared>>
    tpu.wait_indirect_dma semaphore(%arg11 : memref<!tpu.dma_semaphore, #tpu.memory_space<semaphore_mem>>) src(%dma_wait3A_152 : memref<120x128xf32, #tpu.memory_space<vmem>>) dst(%dma_wait3A_158 : memref<10112x128xf32, #tpu.memory_space<vmem_shared>>)
    %barrier3A_159 = arith.constant 0 : index
    tpu.barrier barrier_id(%barrier3A_159)
    %mul3A_160 = arith.constant 624 : i32
    %mul3A_161 = arith.muli %arg1, %mul3A_160 : i32
    %mul3A_162 = arith.constant 10000 : i32
    %mul3A_163 = arith.muli %arg0, %mul3A_162 : i32
    %add3A_164 = arith.addi %mul3A_163, %mul3A_161 : i32
    "tpu.region"() ({
      %run_scoped3A = tpu.sem_alloc : memref<!tpu.dma_semaphore, #tpu.memory_space<semaphore_mem>>
      %dma_start3A_167 = arith.constant 0 : i32
      %dma_start3A_168 = tpu.memref_slice %arg6[%add3A_164, %dma_start3A_167] : memref<20000x128xf32, #tpu.memory_space<hbm>> -> memref<624x128xf32, #tpu.memory_space<hbm>>
      %dma_start3A_169 = arith.constant 0 : i32
      %dma_start3A_170 = tpu.memref_slice %arg9[%mul3A_161, %dma_start3A_169] : memref<10112x128xf32, #tpu.memory_space<vmem_shared>> -> memref<624x128xf32, #tpu.memory_space<vmem_shared>>
      tpu.enqueue_dma source(%dma_start3A_170 : memref<624x128xf32, #tpu.memory_space<vmem_shared>>) target(%dma_start3A_168 : memref<624x128xf32, #tpu.memory_space<hbm>>) target_semaphore(%run_scoped3A : memref<!tpu.dma_semaphore, #tpu.memory_space<semaphore_mem>>)
      %dma_wait3A_171 = arith.constant 0 : i32
      %dma_wait3A_172 = tpu.memref_slice %arg6[%add3A_164, %dma_wait3A_171] : memref<20000x128xf32, #tpu.memory_space<hbm>> -> memref<624x128xf32, #tpu.memory_space<hbm>>
      %dma_wait3A_173 = arith.constant 0 : i32
      %dma_wait3A_174 = tpu.memref_slice %arg9[%mul3A_161, %dma_wait3A_173] : memref<10112x128xf32, #tpu.memory_space<vmem_shared>> -> memref<624x128xf32, #tpu.memory_space<vmem_shared>>
      tpu.wait_dma2 semaphore(%run_scoped3A : memref<!tpu.dma_semaphore, #tpu.memory_space<semaphore_mem>>) src(%dma_wait3A_174 : memref<624x128xf32, #tpu.memory_space<vmem_shared>>) dst(%dma_wait3A_172 : memref<624x128xf32, #tpu.memory_space<hbm>>)
      tpu.yield
    }) : () -> ()
    %eq3A = arith.constant 15 : i32
    %eq3A_165 = arith.cmpi eq, %arg1, %eq3A : i32
    %convert_element_type3A = arith.extui %eq3A_165 : i1 to i32
    %cond3A = arith.constant 0 : i32
    %cond3A_166 = arith.cmpi ne, %convert_element_type3A, %cond3A : i32
    scf.if %cond3A_166 {
      %mul3A_167 = arith.constant 10000 : i32
      %mul3A_168 = arith.muli %arg0, %mul3A_167 : i32
      %add3A_169 = arith.constant 9984 : i32
      %add3A_170 = arith.addi %mul3A_168, %add3A_169 : i32
      "tpu.region"() ({
        %run_scoped3A = tpu.sem_alloc : memref<!tpu.dma_semaphore, #tpu.memory_space<semaphore_mem>>
        %dma_start3A_171 = arith.constant 0 : i32
        %dma_start3A_172 = tpu.memref_slice %arg6[%add3A_170, %dma_start3A_171] : memref<20000x128xf32, #tpu.memory_space<hbm>> -> memref<16x128xf32, #tpu.memory_space<hbm>>
        %dma_start3A_173 = arith.constant 9984 : i32
        %dma_start3A_174 = arith.constant 0 : i32
        %dma_start3A_175 = tpu.memref_slice %arg9[%dma_start3A_173, %dma_start3A_174] : memref<10112x128xf32, #tpu.memory_space<vmem_shared>> -> memref<16x128xf32, #tpu.memory_space<vmem_shared>>
        tpu.enqueue_dma source(%dma_start3A_175 : memref<16x128xf32, #tpu.memory_space<vmem_shared>>) target(%dma_start3A_172 : memref<16x128xf32, #tpu.memory_space<hbm>>) target_semaphore(%run_scoped3A : memref<!tpu.dma_semaphore, #tpu.memory_space<semaphore_mem>>)
        %dma_wait3A_176 = arith.constant 0 : i32
        %dma_wait3A_177 = tpu.memref_slice %arg6[%add3A_170, %dma_wait3A_176] : memref<20000x128xf32, #tpu.memory_space<hbm>> -> memref<16x128xf32, #tpu.memory_space<hbm>>
        %dma_wait3A_178 = arith.constant 9984 : i32
        %dma_wait3A_179 = arith.constant 0 : i32
        %dma_wait3A_180 = tpu.memref_slice %arg9[%dma_wait3A_178, %dma_wait3A_179] : memref<10112x128xf32, #tpu.memory_space<vmem_shared>> -> memref<16x128xf32, #tpu.memory_space<vmem_shared>>
        tpu.wait_dma2 semaphore(%run_scoped3A : memref<!tpu.dma_semaphore, #tpu.memory_space<semaphore_mem>>) src(%dma_wait3A_180 : memref<16x128xf32, #tpu.memory_space<vmem_shared>>) dst(%dma_wait3A_177 : memref<16x128xf32, #tpu.memory_space<hbm>>)
        tpu.yield
      }) : () -> ()
    } else {
    }
    return
  }
}

#map = affine_map<(d0, d1) -> (0, 0)>
#map1 = affine_map<(d0, d1) -> (0)>
module attributes {stable_mosaic.version = 14 : i64} {
  func.func @_sc_body(%arg0: i32, %arg1: i32, %arg2: memref<10000x128xf32, #tpu.memory_space<hbm>>, %arg3: memref<322560xi32, #tpu.memory_space<hbm>>, %arg4: memref<322560xi32, #tpu.memory_space<hbm>>, %arg5: memref<10112x128xf32, #tpu.memory_space<hbm>>, %arg6: memref<20000x128xf32, #tpu.memory_space<hbm>>, %arg7: memref<7x120xi32, #tpu.memory_space<vmem>>, %arg8: memref<3x120x128xf32, #tpu.memory_space<vmem>>, %arg9: memref<10112x128xf32, #tpu.memory_space<vmem_shared>>, %arg10: memref<!tpu.dma_semaphore, #tpu.memory_space<semaphore_mem>>, %arg11: memref<!tpu.dma_semaphore, #tpu.memory_space<semaphore_mem>>, %arg12: memref<!tpu.dma_semaphore, #tpu.memory_space<semaphore_mem>>) attributes {dimension_semantics = [#tpu.dimension_semantics<core_parallel>, #tpu.dimension_semantics<subcore_parallel>], iteration_bounds = array<i64: 2, 16>, scalar_prefetch = 0 : i64, scratch_operands = 6 : i64, tpu.core_type = #tpu.core_type<sc_vector_subcore>, window_params = [{transform_indices = #map}, {transform_indices = #map1}, {transform_indices = #map1}, {transform_indices = #map}, {transform_indices = #map}]} {
    %mul3A = arith.constant 16 : i32
    %mul3A_0 = arith.muli %arg0, %mul3A : i32
    %add3A = arith.addi %mul3A_0, %arg1 : i32
    %mul3A_1 = arith.constant 84 : i32
    %mul3A_2 = arith.muli %add3A, %mul3A_1 : i32
    %add3A_3 = arith.constant 0 : i32
    %add3A_4 = arith.addi %mul3A_2, %add3A_3 : i32
    %mul3A_5 = arith.constant 120 : i32
    %mul3A_6 = arith.muli %add3A_4, %mul3A_5 : i32
    %dma_start3A = arith.constant 0 : i32
    %dma_start3A_7 = arith.constant 0 : i32
    %dma_start3A_8 = tpu.memref_slice %arg7[%dma_start3A, %dma_start3A_7] : memref<7x120xi32, #tpu.memory_space<vmem>> -> memref<1x120xi32, #tpu.memory_space<vmem>>
    %dma_start3A_9 = tpu.memref_squeeze %dma_start3A_8 : memref<1x120xi32, #tpu.memory_space<vmem>> -> memref<120xi32, #tpu.memory_space<vmem>>
    %dma_start3A_10 = tpu.memref_slice %arg3[%mul3A_6] : memref<322560xi32, #tpu.memory_space<hbm>> -> memref<120xi32, #tpu.memory_space<hbm>>
    %dma_start3A_11 = arith.constant 0 : i32
    %dma_start3A_12 = tpu.memref_slice %arg7[%dma_start3A, %dma_start3A_11] : memref<7x120xi32, #tpu.memory_space<vmem>> -> memref<1x120xi32, #tpu.memory_space<vmem>>
    %dma_start3A_13 = tpu.memref_squeeze %dma_start3A_12 : memref<1x120xi32, #tpu.memory_space<vmem>> -> memref<120xi32, #tpu.memory_space<vmem>>
    %dma_start3A_14 = tpu.memref_slice %arg3[%mul3A_6] : memref<322560xi32, #tpu.memory_space<hbm>> -> memref<120xi32, #tpu.memory_space<hbm>>
    tpu.enqueue_dma source(%dma_start3A_14 : memref<120xi32, #tpu.memory_space<hbm>>) target(%dma_start3A_13 : memref<120xi32, #tpu.memory_space<vmem>>) target_semaphore(%arg12 : memref<!tpu.dma_semaphore, #tpu.memory_space<semaphore_mem>>)
    %dma_start3A_15 = arith.constant 3 : i32
    %dma_start3A_16 = arith.constant 0 : i32
    %dma_start3A_17 = tpu.memref_slice %arg7[%dma_start3A_15, %dma_start3A_16] : memref<7x120xi32, #tpu.memory_space<vmem>> -> memref<1x120xi32, #tpu.memory_space<vmem>>
    %dma_start3A_18 = tpu.memref_squeeze %dma_start3A_17 : memref<1x120xi32, #tpu.memory_space<vmem>> -> memref<120xi32, #tpu.memory_space<vmem>>
    %dma_start3A_19 = tpu.memref_slice %arg4[%mul3A_6] : memref<322560xi32, #tpu.memory_space<hbm>> -> memref<120xi32, #tpu.memory_space<hbm>>
    %dma_start3A_20 = arith.constant 0 : i32
    %dma_start3A_21 = tpu.memref_slice %arg7[%dma_start3A_15, %dma_start3A_20] : memref<7x120xi32, #tpu.memory_space<vmem>> -> memref<1x120xi32, #tpu.memory_space<vmem>>
    %dma_start3A_22 = tpu.memref_squeeze %dma_start3A_21 : memref<1x120xi32, #tpu.memory_space<vmem>> -> memref<120xi32, #tpu.memory_space<vmem>>
    %dma_start3A_23 = tpu.memref_slice %arg4[%mul3A_6] : memref<322560xi32, #tpu.memory_space<hbm>> -> memref<120xi32, #tpu.memory_space<hbm>>
    tpu.enqueue_dma source(%dma_start3A_23 : memref<120xi32, #tpu.memory_space<hbm>>) target(%dma_start3A_22 : memref<120xi32, #tpu.memory_space<vmem>>) target_semaphore(%arg12 : memref<!tpu.dma_semaphore, #tpu.memory_space<semaphore_mem>>)
    %mul3A_24 = arith.constant 84 : i32
    %mul3A_25 = arith.muli %add3A, %mul3A_24 : i32
    %add3A_26 = arith.constant 1 : i32
    %add3A_27 = arith.addi %mul3A_25, %add3A_26 : i32
    %mul3A_28 = arith.constant 120 : i32
    %mul3A_29 = arith.muli %add3A_27, %mul3A_28 : i32
    %dma_start3A_30 = arith.constant 1 : i32
    %dma_start3A_31 = arith.constant 0 : i32
    %dma_start3A_32 = tpu.memref_slice %arg7[%dma_start3A_30, %dma_start3A_31] : memref<7x120xi32, #tpu.memory_space<vmem>> -> memref<1x120xi32, #tpu.memory_space<vmem>>
    %dma_start3A_33 = tpu.memref_squeeze %dma_start3A_32 : memref<1x120xi32, #tpu.memory_space<vmem>> -> memref<120xi32, #tpu.memory_space<vmem>>
    %dma_start3A_34 = tpu.memref_slice %arg3[%mul3A_29] : memref<322560xi32, #tpu.memory_space<hbm>> -> memref<120xi32, #tpu.memory_space<hbm>>
    %dma_start3A_35 = arith.constant 0 : i32
    %dma_start3A_36 = tpu.memref_slice %arg7[%dma_start3A_30, %dma_start3A_35] : memref<7x120xi32, #tpu.memory_space<vmem>> -> memref<1x120xi32, #tpu.memory_space<vmem>>
    %dma_start3A_37 = tpu.memref_squeeze %dma_start3A_36 : memref<1x120xi32, #tpu.memory_space<vmem>> -> memref<120xi32, #tpu.memory_space<vmem>>
    %dma_start3A_38 = tpu.memref_slice %arg3[%mul3A_29] : memref<322560xi32, #tpu.memory_space<hbm>> -> memref<120xi32, #tpu.memory_space<hbm>>
    tpu.enqueue_dma source(%dma_start3A_38 : memref<120xi32, #tpu.memory_space<hbm>>) target(%dma_start3A_37 : memref<120xi32, #tpu.memory_space<vmem>>) target_semaphore(%arg12 : memref<!tpu.dma_semaphore, #tpu.memory_space<semaphore_mem>>)
    %dma_start3A_39 = arith.constant 4 : i32
    %dma_start3A_40 = arith.constant 0 : i32
    %dma_start3A_41 = tpu.memref_slice %arg7[%dma_start3A_39, %dma_start3A_40] : memref<7x120xi32, #tpu.memory_space<vmem>> -> memref<1x120xi32, #tpu.memory_space<vmem>>
    %dma_start3A_42 = tpu.memref_squeeze %dma_start3A_41 : memref<1x120xi32, #tpu.memory_space<vmem>> -> memref<120xi32, #tpu.memory_space<vmem>>
    %dma_start3A_43 = tpu.memref_slice %arg4[%mul3A_29] : memref<322560xi32, #tpu.memory_space<hbm>> -> memref<120xi32, #tpu.memory_space<hbm>>
    %dma_start3A_44 = arith.constant 0 : i32
    %dma_start3A_45 = tpu.memref_slice %arg7[%dma_start3A_39, %dma_start3A_44] : memref<7x120xi32, #tpu.memory_space<vmem>> -> memref<1x120xi32, #tpu.memory_space<vmem>>
    %dma_start3A_46 = tpu.memref_squeeze %dma_start3A_45 : memref<1x120xi32, #tpu.memory_space<vmem>> -> memref<120xi32, #tpu.memory_space<vmem>>
    %dma_start3A_47 = tpu.memref_slice %arg4[%mul3A_29] : memref<322560xi32, #tpu.memory_space<hbm>> -> memref<120xi32, #tpu.memory_space<hbm>>
    tpu.enqueue_dma source(%dma_start3A_47 : memref<120xi32, #tpu.memory_space<hbm>>) target(%dma_start3A_46 : memref<120xi32, #tpu.memory_space<vmem>>) target_semaphore(%arg12 : memref<!tpu.dma_semaphore, #tpu.memory_space<semaphore_mem>>)
    %mul3A_48 = arith.constant 84 : i32
    %mul3A_49 = arith.muli %add3A, %mul3A_48 : i32
    %add3A_50 = arith.constant 2 : i32
    %add3A_51 = arith.addi %mul3A_49, %add3A_50 : i32
    %mul3A_52 = arith.constant 120 : i32
    %mul3A_53 = arith.muli %add3A_51, %mul3A_52 : i32
    %dma_start3A_54 = arith.constant 2 : i32
    %dma_start3A_55 = arith.constant 0 : i32
    %dma_start3A_56 = tpu.memref_slice %arg7[%dma_start3A_54, %dma_start3A_55] : memref<7x120xi32, #tpu.memory_space<vmem>> -> memref<1x120xi32, #tpu.memory_space<vmem>>
    %dma_start3A_57 = tpu.memref_squeeze %dma_start3A_56 : memref<1x120xi32, #tpu.memory_space<vmem>> -> memref<120xi32, #tpu.memory_space<vmem>>
    %dma_start3A_58 = tpu.memref_slice %arg3[%mul3A_53] : memref<322560xi32, #tpu.memory_space<hbm>> -> memref<120xi32, #tpu.memory_space<hbm>>
    %dma_start3A_59 = arith.constant 0 : i32
    %dma_start3A_60 = tpu.memref_slice %arg7[%dma_start3A_54, %dma_start3A_59] : memref<7x120xi32, #tpu.memory_space<vmem>> -> memref<1x120xi32, #tpu.memory_space<vmem>>
    %dma_start3A_61 = tpu.memref_squeeze %dma_start3A_60 : memref<1x120xi32, #tpu.memory_space<vmem>> -> memref<120xi32, #tpu.memory_space<vmem>>
    %dma_start3A_62 = tpu.memref_slice %arg3[%mul3A_53] : memref<322560xi32, #tpu.memory_space<hbm>> -> memref<120xi32, #tpu.memory_space<hbm>>
    tpu.enqueue_dma source(%dma_start3A_62 : memref<120xi32, #tpu.memory_space<hbm>>) target(%dma_start3A_61 : memref<120xi32, #tpu.memory_space<vmem>>) target_semaphore(%arg12 : memref<!tpu.dma_semaphore, #tpu.memory_space<semaphore_mem>>)
    %dma_start3A_63 = arith.constant 5 : i32
    %dma_start3A_64 = arith.constant 0 : i32
    %dma_start3A_65 = tpu.memref_slice %arg7[%dma_start3A_63, %dma_start3A_64] : memref<7x120xi32, #tpu.memory_space<vmem>> -> memref<1x120xi32, #tpu.memory_space<vmem>>
    %dma_start3A_66 = tpu.memref_squeeze %dma_start3A_65 : memref<1x120xi32, #tpu.memory_space<vmem>> -> memref<120xi32, #tpu.memory_space<vmem>>
    %dma_start3A_67 = tpu.memref_slice %arg4[%mul3A_53] : memref<322560xi32, #tpu.memory_space<hbm>> -> memref<120xi32, #tpu.memory_space<hbm>>
    %dma_start3A_68 = arith.constant 0 : i32
    %dma_start3A_69 = tpu.memref_slice %arg7[%dma_start3A_63, %dma_start3A_68] : memref<7x120xi32, #tpu.memory_space<vmem>> -> memref<1x120xi32, #tpu.memory_space<vmem>>
    %dma_start3A_70 = tpu.memref_squeeze %dma_start3A_69 : memref<1x120xi32, #tpu.memory_space<vmem>> -> memref<120xi32, #tpu.memory_space<vmem>>
    %dma_start3A_71 = tpu.memref_slice %arg4[%mul3A_53] : memref<322560xi32, #tpu.memory_space<hbm>> -> memref<120xi32, #tpu.memory_space<hbm>>
    tpu.enqueue_dma source(%dma_start3A_71 : memref<120xi32, #tpu.memory_space<hbm>>) target(%dma_start3A_70 : memref<120xi32, #tpu.memory_space<vmem>>) target_semaphore(%arg12 : memref<!tpu.dma_semaphore, #tpu.memory_space<semaphore_mem>>)
    %dma_wait3A = arith.constant 0 : i32
    %dma_wait3A_72 = arith.constant 0 : i32
    %dma_wait3A_73 = tpu.memref_slice %arg7[%dma_wait3A, %dma_wait3A_72] : memref<7x120xi32, #tpu.memory_space<vmem>> -> memref<1x120xi32, #tpu.memory_space<vmem>>
    %dma_wait3A_74 = tpu.memref_squeeze %dma_wait3A_73 : memref<1x120xi32, #tpu.memory_space<vmem>> -> memref<120xi32, #tpu.memory_space<vmem>>
    %dma_wait3A_75 = arith.constant 0 : i32
    %dma_wait3A_76 = tpu.memref_slice %arg3[%dma_wait3A_75] : memref<322560xi32, #tpu.memory_space<hbm>> -> memref<120xi32, #tpu.memory_space<hbm>>
    %dma_wait3A_77 = arith.constant 0 : i32
    %dma_wait3A_78 = tpu.memref_slice %arg7[%dma_wait3A, %dma_wait3A_77] : memref<7x120xi32, #tpu.memory_space<vmem>> -> memref<1x120xi32, #tpu.memory_space<vmem>>
    %dma_wait3A_79 = tpu.memref_squeeze %dma_wait3A_78 : memref<1x120xi32, #tpu.memory_space<vmem>> -> memref<120xi32, #tpu.memory_space<vmem>>
    %dma_wait3A_80 = arith.constant 0 : i32
    %dma_wait3A_81 = tpu.memref_slice %arg3[%dma_wait3A_80] : memref<322560xi32, #tpu.memory_space<hbm>> -> memref<120xi32, #tpu.memory_space<hbm>>
    tpu.wait_dma2 semaphore(%arg12 : memref<!tpu.dma_semaphore, #tpu.memory_space<semaphore_mem>>) src(%dma_wait3A_81 : memref<120xi32, #tpu.memory_space<hbm>>) dst(%dma_wait3A_79 : memref<120xi32, #tpu.memory_space<vmem>>)
    %dma_wait3A_82 = arith.constant 3 : i32
    %dma_wait3A_83 = arith.constant 0 : i32
    %dma_wait3A_84 = tpu.memref_slice %arg7[%dma_wait3A_82, %dma_wait3A_83] : memref<7x120xi32, #tpu.memory_space<vmem>> -> memref<1x120xi32, #tpu.memory_space<vmem>>
    %dma_wait3A_85 = tpu.memref_squeeze %dma_wait3A_84 : memref<1x120xi32, #tpu.memory_space<vmem>> -> memref<120xi32, #tpu.memory_space<vmem>>
    %dma_wait3A_86 = arith.constant 0 : i32
    %dma_wait3A_87 = tpu.memref_slice %arg4[%dma_wait3A_86] : memref<322560xi32, #tpu.memory_space<hbm>> -> memref<120xi32, #tpu.memory_space<hbm>>
    %dma_wait3A_88 = arith.constant 0 : i32
    %dma_wait3A_89 = tpu.memref_slice %arg7[%dma_wait3A_82, %dma_wait3A_88] : memref<7x120xi32, #tpu.memory_space<vmem>> -> memref<1x120xi32, #tpu.memory_space<vmem>>
    %dma_wait3A_90 = tpu.memref_squeeze %dma_wait3A_89 : memref<1x120xi32, #tpu.memory_space<vmem>> -> memref<120xi32, #tpu.memory_space<vmem>>
    %dma_wait3A_91 = arith.constant 0 : i32
    %dma_wait3A_92 = tpu.memref_slice %arg4[%dma_wait3A_91] : memref<322560xi32, #tpu.memory_space<hbm>> -> memref<120xi32, #tpu.memory_space<hbm>>
    tpu.wait_dma2 semaphore(%arg12 : memref<!tpu.dma_semaphore, #tpu.memory_space<semaphore_mem>>) src(%dma_wait3A_92 : memref<120xi32, #tpu.memory_space<hbm>>) dst(%dma_wait3A_90 : memref<120xi32, #tpu.memory_space<vmem>>)
    %dma_start3A_93 = arith.constant 0 : i32
    %dma_start3A_94 = arith.constant 0 : i32
    %dma_start3A_95 = arith.constant 0 : i32
    %dma_start3A_96 = arith.constant 0 : i32
    %dma_start3A_97 = tpu.memref_slice %arg8[%dma_start3A_94, %dma_start3A_95, %dma_start3A_96] : memref<3x120x128xf32, #tpu.memory_space<vmem>> -> memref<1x120x128xf32, #tpu.memory_space<vmem>>
    %dma_start3A_98 = tpu.memref_squeeze %dma_start3A_97 : memref<1x120x128xf32, #tpu.memory_space<vmem>> -> memref<120x128xf32, #tpu.memory_space<vmem>>
    %dma_start3A_99 = arith.constant 0 : i32
    %dma_start3A_100 = tpu.memref_slice %arg7[%dma_start3A_93, %dma_start3A_99] : memref<7x120xi32, #tpu.memory_space<vmem>> -> memref<1x120xi32, #tpu.memory_space<vmem>>
    %dma_start3A_101 = tpu.memref_squeeze %dma_start3A_100 : memref<1x120xi32, #tpu.memory_space<vmem>> -> memref<120xi32, #tpu.memory_space<vmem>>
    %dma_start3A_102 = arith.constant 0 : i32
    %dma_start3A_103 = arith.constant 0 : i32
    %dma_start3A_104 = tpu.memref_slice %arg2[%dma_start3A_102, %dma_start3A_103] : memref<10000x128xf32, #tpu.memory_space<hbm>> -> memref<10000x128xf32, #tpu.memory_space<hbm>>
    tpu.enqueue_indirect_dma source(%dma_start3A_104 : memref<10000x128xf32, #tpu.memory_space<hbm>>) target(%dma_start3A_98 : memref<120x128xf32, #tpu.memory_space<vmem>>) offsets(%dma_start3A_101 : memref<120xi32, #tpu.memory_space<vmem>>) semaphore(%arg10 : memref<!tpu.dma_semaphore, #tpu.memory_space<semaphore_mem>>)
    %dma_wait3A_105 = arith.constant 1 : i32
    %dma_wait3A_106 = arith.constant 0 : i32
    %dma_wait3A_107 = tpu.memref_slice %arg7[%dma_wait3A_105, %dma_wait3A_106] : memref<7x120xi32, #tpu.memory_space<vmem>> -> memref<1x120xi32, #tpu.memory_space<vmem>>
    %dma_wait3A_108 = tpu.memref_squeeze %dma_wait3A_107 : memref<1x120xi32, #tpu.memory_space<vmem>> -> memref<120xi32, #tpu.memory_space<vmem>>
    %dma_wait3A_109 = arith.constant 0 : i32
    %dma_wait3A_110 = tpu.memref_slice %arg3[%dma_wait3A_109] : memref<322560xi32, #tpu.memory_space<hbm>> -> memref<120xi32, #tpu.memory_space<hbm>>
    %dma_wait3A_111 = arith.constant 0 : i32
    %dma_wait3A_112 = tpu.memref_slice %arg7[%dma_wait3A_105, %dma_wait3A_111] : memref<7x120xi32, #tpu.memory_space<vmem>> -> memref<1x120xi32, #tpu.memory_space<vmem>>
    %dma_wait3A_113 = tpu.memref_squeeze %dma_wait3A_112 : memref<1x120xi32, #tpu.memory_space<vmem>> -> memref<120xi32, #tpu.memory_space<vmem>>
    %dma_wait3A_114 = arith.constant 0 : i32
    %dma_wait3A_115 = tpu.memref_slice %arg3[%dma_wait3A_114] : memref<322560xi32, #tpu.memory_space<hbm>> -> memref<120xi32, #tpu.memory_space<hbm>>
    tpu.wait_dma2 semaphore(%arg12 : memref<!tpu.dma_semaphore, #tpu.memory_space<semaphore_mem>>) src(%dma_wait3A_115 : memref<120xi32, #tpu.memory_space<hbm>>) dst(%dma_wait3A_113 : memref<120xi32, #tpu.memory_space<vmem>>)
    %dma_wait3A_116 = arith.constant 4 : i32
    %dma_wait3A_117 = arith.constant 0 : i32
    %dma_wait3A_118 = tpu.memref_slice %arg7[%dma_wait3A_116, %dma_wait3A_117] : memref<7x120xi32, #tpu.memory_space<vmem>> -> memref<1x120xi32, #tpu.memory_space<vmem>>
    %dma_wait3A_119 = tpu.memref_squeeze %dma_wait3A_118 : memref<1x120xi32, #tpu.memory_space<vmem>> -> memref<120xi32, #tpu.memory_space<vmem>>
    %dma_wait3A_120 = arith.constant 0 : i32
    %dma_wait3A_121 = tpu.memref_slice %arg4[%dma_wait3A_120] : memref<322560xi32, #tpu.memory_space<hbm>> -> memref<120xi32, #tpu.memory_space<hbm>>
    %dma_wait3A_122 = arith.constant 0 : i32
    %dma_wait3A_123 = tpu.memref_slice %arg7[%dma_wait3A_116, %dma_wait3A_122] : memref<7x120xi32, #tpu.memory_space<vmem>> -> memref<1x120xi32, #tpu.memory_space<vmem>>
    %dma_wait3A_124 = tpu.memref_squeeze %dma_wait3A_123 : memref<1x120xi32, #tpu.memory_space<vmem>> -> memref<120xi32, #tpu.memory_space<vmem>>
    %dma_wait3A_125 = arith.constant 0 : i32
    %dma_wait3A_126 = tpu.memref_slice %arg4[%dma_wait3A_125] : memref<322560xi32, #tpu.memory_space<hbm>> -> memref<120xi32, #tpu.memory_space<hbm>>
    tpu.wait_dma2 semaphore(%arg12 : memref<!tpu.dma_semaphore, #tpu.memory_space<semaphore_mem>>) src(%dma_wait3A_126 : memref<120xi32, #tpu.memory_space<hbm>>) dst(%dma_wait3A_124 : memref<120xi32, #tpu.memory_space<vmem>>)
    %dma_start3A_127 = arith.constant 1 : i32
    %dma_start3A_128 = arith.constant 1 : i32
    %dma_start3A_129 = arith.constant 0 : i32
    %dma_start3A_130 = arith.constant 0 : i32
    %dma_start3A_131 = tpu.memref_slice %arg8[%dma_start3A_128, %dma_start3A_129, %dma_start3A_130] : memref<3x120x128xf32, #tpu.memory_space<vmem>> -> memref<1x120x128xf32, #tpu.memory_space<vmem>>
    %dma_start3A_132 = tpu.memref_squeeze %dma_start3A_131 : memref<1x120x128xf32, #tpu.memory_space<vmem>> -> memref<120x128xf32, #tpu.memory_space<vmem>>
    %dma_start3A_133 = arith.constant 0 : i32
    %dma_start3A_134 = tpu.memref_slice %arg7[%dma_start3A_127, %dma_start3A_133] : memref<7x120xi32, #tpu.memory_space<vmem>> -> memref<1x120xi32, #tpu.memory_space<vmem>>
    %dma_start3A_135 = tpu.memref_squeeze %dma_start3A_134 : memref<1x120xi32, #tpu.memory_space<vmem>> -> memref<120xi32, #tpu.memory_space<vmem>>
    %dma_start3A_136 = arith.constant 0 : i32
    %dma_start3A_137 = arith.constant 0 : i32
    %dma_start3A_138 = tpu.memref_slice %arg2[%dma_start3A_136, %dma_start3A_137] : memref<10000x128xf32, #tpu.memory_space<hbm>> -> memref<10000x128xf32, #tpu.memory_space<hbm>>
    tpu.enqueue_indirect_dma source(%dma_start3A_138 : memref<10000x128xf32, #tpu.memory_space<hbm>>) target(%dma_start3A_132 : memref<120x128xf32, #tpu.memory_space<vmem>>) offsets(%dma_start3A_135 : memref<120xi32, #tpu.memory_space<vmem>>) semaphore(%arg10 : memref<!tpu.dma_semaphore, #tpu.memory_space<semaphore_mem>>)
    %mul3A_139 = arith.constant 632 : i32
    %mul3A_140 = arith.muli %arg1, %mul3A_139 : i32
    %mul3A_141 = arith.constant 632 : i32
    %mul3A_142 = arith.muli %arg1, %mul3A_141 : i32
    "tpu.region"() ({
      %run_scoped3A = tpu.sem_alloc : memref<!tpu.dma_semaphore, #tpu.memory_space<semaphore_mem>>
      %dma_start3A_167 = arith.constant 0 : i32
      %dma_start3A_168 = tpu.memref_slice %arg9[%mul3A_142, %dma_start3A_167] : memref<10112x128xf32, #tpu.memory_space<vmem_shared>> -> memref<632x128xf32, #tpu.memory_space<vmem_shared>>
      %dma_start3A_169 = arith.constant 0 : i32
      %dma_start3A_170 = tpu.memref_slice %arg5[%mul3A_140, %dma_start3A_169] : memref<10112x128xf32, #tpu.memory_space<hbm>> -> memref<632x128xf32, #tpu.memory_space<hbm>>
      tpu.enqueue_dma source(%dma_start3A_170 : memref<632x128xf32, #tpu.memory_space<hbm>>) target(%dma_start3A_168 : memref<632x128xf32, #tpu.memory_space<vmem_shared>>) target_semaphore(%run_scoped3A : memref<!tpu.dma_semaphore, #tpu.memory_space<semaphore_mem>>)
      %dma_wait3A_171 = arith.constant 0 : i32
      %dma_wait3A_172 = tpu.memref_slice %arg9[%mul3A_142, %dma_wait3A_171] : memref<10112x128xf32, #tpu.memory_space<vmem_shared>> -> memref<632x128xf32, #tpu.memory_space<vmem_shared>>
      %dma_wait3A_173 = arith.constant 0 : i32
      %dma_wait3A_174 = tpu.memref_slice %arg5[%mul3A_140, %dma_wait3A_173] : memref<10112x128xf32, #tpu.memory_space<hbm>> -> memref<632x128xf32, #tpu.memory_space<hbm>>
      tpu.wait_dma2 semaphore(%run_scoped3A : memref<!tpu.dma_semaphore, #tpu.memory_space<semaphore_mem>>) src(%dma_wait3A_174 : memref<632x128xf32, #tpu.memory_space<hbm>>) dst(%dma_wait3A_172 : memref<632x128xf32, #tpu.memory_space<vmem_shared>>)
      tpu.yield
    }) : () -> ()
    %barrier3A = arith.constant 0 : index
    tpu.barrier barrier_id(%barrier3A)
    %scan3A = arith.constant 0 : i32
    %scan3A_143 = arith.constant 28 : i32
    %scan3A_144 = arith.addi %scan3A, %scan3A_143 : i32
    %scan3A_145 = arith.constant 1 : i32
    scf.for %scan3A_167 = %scan3A to %scan3A_144 step %scan3A_145  : i32 {
      %mul3A_168 = arith.constant 3 : i32
      %mul3A_169 = arith.muli %scan3A_167, %mul3A_168 : i32
      %add3A_170 = arith.constant 0 : i32
      %add3A_171 = arith.addi %add3A_170, %mul3A_169 : i32
      %add3A_172 = arith.constant 0 : i32
      %add3A_173 = arith.addi %add3A_171, %add3A_172 : i32
      %gt3A = arith.constant 0 : i32
      %gt3A_174 = arith.cmpi sgt, %add3A_173, %gt3A : i32
      %convert_element_type3A_175 = arith.extui %gt3A_174 : i1 to i32
      %cond3A_176 = arith.constant 0 : i32
      %cond3A_177 = arith.cmpi ne, %convert_element_type3A_175, %cond3A_176 : i32
      scf.if %cond3A_177 {
        %add3A_351 = arith.constant 4 : i32
        %add3A_352 = arith.addi %add3A_173, %add3A_351 : i32
        %sub3A = arith.constant 1 : i32
        %sub3A_353 = arith.subi %add3A_352, %sub3A : i32
        %jit3A_354 = arith.constant 4 : i32
        %eq3A_355 = arith.constant 0 : i32
        %eq3A_356 = arith.cmpi eq, %jit3A_354, %eq3A_355 : i32
        %jit3A_357 = arith.constant 1 : i32
        %select_n3A_358 = arith.select %eq3A_356, %jit3A_357, %jit3A_354 : i32
        %rem3A_359 = arith.remsi %sub3A_353, %select_n3A_358 : i32
        %ne3A_360 = arith.constant 0 : i32
        %ne3A_361 = arith.cmpi ne, %rem3A_359, %ne3A_360 : i32
        %lt3A_362 = arith.constant 0 : i32
        %lt3A_363 = arith.cmpi slt, %rem3A_359, %lt3A_362 : i32
        %lt3A_364 = arith.constant 0 : i32
        %lt3A_365 = arith.cmpi slt, %select_n3A_358, %lt3A_364 : i32
        %ne3A_366 = arith.xori %lt3A_363, %lt3A_365 : i1
        %and3A_367 = arith.andi %ne3A_366, %ne3A_361 : i1
        %add3A_368 = arith.addi %rem3A_359, %select_n3A_358 : i32
        %select_n3A_369 = arith.select %and3A_367, %add3A_368, %rem3A_359 : i32
        %add3A_370 = arith.constant 3 : i32
        %add3A_371 = arith.addi %add3A_370, %select_n3A_369 : i32
        %dma_wait3A_372 = arith.constant 2 : i32
        %dma_wait3A_373 = arith.constant 0 : i32
        %dma_wait3A_374 = arith.constant 0 : i32
        %dma_wait3A_375 = tpu.memref_slice %arg8[%dma_wait3A_372, %dma_wait3A_373, %dma_wait3A_374] : memref<3x120x128xf32, #tpu.memory_space<vmem>> -> memref<1x120x128xf32, #tpu.memory_space<vmem>>
        %dma_wait3A_376 = tpu.memref_squeeze %dma_wait3A_375 : memref<1x120x128xf32, #tpu.memory_space<vmem>> -> memref<120x128xf32, #tpu.memory_space<vmem>>
        %dma_wait3A_377 = arith.constant 0 : i32
        %dma_wait3A_378 = tpu.memref_slice %arg7[%add3A_371, %dma_wait3A_377] : memref<7x120xi32, #tpu.memory_space<vmem>> -> memref<1x120xi32, #tpu.memory_space<vmem>>
        %dma_wait3A_379 = tpu.memref_squeeze %dma_wait3A_378 : memref<1x120xi32, #tpu.memory_space<vmem>> -> memref<120xi32, #tpu.memory_space<vmem>>
        %dma_wait3A_380 = arith.constant 0 : i32
        %dma_wait3A_381 = arith.constant 0 : i32
        %dma_wait3A_382 = tpu.memref_slice %arg9[%dma_wait3A_380, %dma_wait3A_381] : memref<10112x128xf32, #tpu.memory_space<vmem_shared>> -> memref<10112x128xf32, #tpu.memory_space<vmem_shared>>
        tpu.wait_indirect_dma semaphore(%arg11 : memref<!tpu.dma_semaphore, #tpu.memory_space<semaphore_mem>>) src(%dma_wait3A_376 : memref<120x128xf32, #tpu.memory_space<vmem>>) dst(%dma_wait3A_382 : memref<10112x128xf32, #tpu.memory_space<vmem_shared>>)
      } else {
      }
      %add3A_178 = arith.constant 2 : i32
      %add3A_179 = arith.addi %add3A_173, %add3A_178 : i32
      %lt3A = arith.constant 84 : i32
      %lt3A_180 = arith.cmpi slt, %add3A_179, %lt3A : i32
      %convert_element_type3A_181 = arith.extui %lt3A_180 : i1 to i32
      %cond3A_182 = arith.constant 0 : i32
      %cond3A_183 = arith.cmpi ne, %convert_element_type3A_181, %cond3A_182 : i32
      scf.if %cond3A_183 {
        %add3A_351 = arith.constant 2 : i32
        %add3A_352 = arith.addi %add3A_173, %add3A_351 : i32
        %jit3A_353 = arith.constant 4 : i32
        %eq3A_354 = arith.constant 0 : i32
        %eq3A_355 = arith.cmpi eq, %jit3A_353, %eq3A_354 : i32
        %jit3A_356 = arith.constant 1 : i32
        %select_n3A_357 = arith.select %eq3A_355, %jit3A_356, %jit3A_353 : i32
        %rem3A_358 = arith.remsi %add3A_352, %select_n3A_357 : i32
        %ne3A_359 = arith.constant 0 : i32
        %ne3A_360 = arith.cmpi ne, %rem3A_358, %ne3A_359 : i32
        %lt3A_361 = arith.constant 0 : i32
        %lt3A_362 = arith.cmpi slt, %rem3A_358, %lt3A_361 : i32
        %lt3A_363 = arith.constant 0 : i32
        %lt3A_364 = arith.cmpi slt, %select_n3A_357, %lt3A_363 : i32
        %ne3A_365 = arith.xori %lt3A_362, %lt3A_364 : i1
        %and3A_366 = arith.andi %ne3A_365, %ne3A_360 : i1
        %add3A_367 = arith.addi %rem3A_358, %select_n3A_357 : i32
        %select_n3A_368 = arith.select %and3A_366, %add3A_367, %rem3A_358 : i32
        %dma_wait3A_369 = arith.constant 2 : i32
        %dma_wait3A_370 = arith.constant 0 : i32
        %dma_wait3A_371 = tpu.memref_slice %arg7[%dma_wait3A_369, %dma_wait3A_370] : memref<7x120xi32, #tpu.memory_space<vmem>> -> memref<1x120xi32, #tpu.memory_space<vmem>>
        %dma_wait3A_372 = tpu.memref_squeeze %dma_wait3A_371 : memref<1x120xi32, #tpu.memory_space<vmem>> -> memref<120xi32, #tpu.memory_space<vmem>>
        %dma_wait3A_373 = arith.constant 0 : i32
        %dma_wait3A_374 = tpu.memref_slice %arg3[%dma_wait3A_373] : memref<322560xi32, #tpu.memory_space<hbm>> -> memref<120xi32, #tpu.memory_space<hbm>>
        %dma_wait3A_375 = arith.constant 0 : i32
        %dma_wait3A_376 = tpu.memref_slice %arg7[%dma_wait3A_369, %dma_wait3A_375] : memref<7x120xi32, #tpu.memory_space<vmem>> -> memref<1x120xi32, #tpu.memory_space<vmem>>
        %dma_wait3A_377 = tpu.memref_squeeze %dma_wait3A_376 : memref<1x120xi32, #tpu.memory_space<vmem>> -> memref<120xi32, #tpu.memory_space<vmem>>
        %dma_wait3A_378 = arith.constant 0 : i32
        %dma_wait3A_379 = tpu.memref_slice %arg3[%dma_wait3A_378] : memref<322560xi32, #tpu.memory_space<hbm>> -> memref<120xi32, #tpu.memory_space<hbm>>
        tpu.wait_dma2 semaphore(%arg12 : memref<!tpu.dma_semaphore, #tpu.memory_space<semaphore_mem>>) src(%dma_wait3A_379 : memref<120xi32, #tpu.memory_space<hbm>>) dst(%dma_wait3A_377 : memref<120xi32, #tpu.memory_space<vmem>>)
        %add3A_380 = arith.constant 3 : i32
        %add3A_381 = arith.addi %add3A_380, %select_n3A_368 : i32
        %dma_wait3A_382 = arith.constant 0 : i32
        %dma_wait3A_383 = tpu.memref_slice %arg7[%add3A_381, %dma_wait3A_382] : memref<7x120xi32, #tpu.memory_space<vmem>> -> memref<1x120xi32, #tpu.memory_space<vmem>>
        %dma_wait3A_384 = tpu.memref_squeeze %dma_wait3A_383 : memref<1x120xi32, #tpu.memory_space<vmem>> -> memref<120xi32, #tpu.memory_space<vmem>>
        %dma_wait3A_385 = arith.constant 0 : i32
        %dma_wait3A_386 = tpu.memref_slice %arg4[%dma_wait3A_385] : memref<322560xi32, #tpu.memory_space<hbm>> -> memref<120xi32, #tpu.memory_space<hbm>>
        %dma_wait3A_387 = arith.constant 0 : i32
        %dma_wait3A_388 = tpu.memref_slice %arg7[%add3A_381, %dma_wait3A_387] : memref<7x120xi32, #tpu.memory_space<vmem>> -> memref<1x120xi32, #tpu.memory_space<vmem>>
        %dma_wait3A_389 = tpu.memref_squeeze %dma_wait3A_388 : memref<1x120xi32, #tpu.memory_space<vmem>> -> memref<120xi32, #tpu.memory_space<vmem>>
        %dma_wait3A_390 = arith.constant 0 : i32
        %dma_wait3A_391 = tpu.memref_slice %arg4[%dma_wait3A_390] : memref<322560xi32, #tpu.memory_space<hbm>> -> memref<120xi32, #tpu.memory_space<hbm>>
        tpu.wait_dma2 semaphore(%arg12 : memref<!tpu.dma_semaphore, #tpu.memory_space<semaphore_mem>>) src(%dma_wait3A_391 : memref<120xi32, #tpu.memory_space<hbm>>) dst(%dma_wait3A_389 : memref<120xi32, #tpu.memory_space<vmem>>)
        %dma_start3A_392 = arith.constant 2 : i32
        %dma_start3A_393 = arith.constant 2 : i32
        %dma_start3A_394 = arith.constant 0 : i32
        %dma_start3A_395 = arith.constant 0 : i32
        %dma_start3A_396 = tpu.memref_slice %arg8[%dma_start3A_393, %dma_start3A_394, %dma_start3A_395] : memref<3x120x128xf32, #tpu.memory_space<vmem>> -> memref<1x120x128xf32, #tpu.memory_space<vmem>>
        %dma_start3A_397 = tpu.memref_squeeze %dma_start3A_396 : memref<1x120x128xf32, #tpu.memory_space<vmem>> -> memref<120x128xf32, #tpu.memory_space<vmem>>
        %dma_start3A_398 = arith.constant 0 : i32
        %dma_start3A_399 = tpu.memref_slice %arg7[%dma_start3A_392, %dma_start3A_398] : memref<7x120xi32, #tpu.memory_space<vmem>> -> memref<1x120xi32, #tpu.memory_space<vmem>>
        %dma_start3A_400 = tpu.memref_squeeze %dma_start3A_399 : memref<1x120xi32, #tpu.memory_space<vmem>> -> memref<120xi32, #tpu.memory_space<vmem>>
        %dma_start3A_401 = arith.constant 0 : i32
        %dma_start3A_402 = arith.constant 0 : i32
        %dma_start3A_403 = tpu.memref_slice %arg2[%dma_start3A_401, %dma_start3A_402] : memref<10000x128xf32, #tpu.memory_space<hbm>> -> memref<10000x128xf32, #tpu.memory_space<hbm>>
        tpu.enqueue_indirect_dma source(%dma_start3A_403 : memref<10000x128xf32, #tpu.memory_space<hbm>>) target(%dma_start3A_397 : memref<120x128xf32, #tpu.memory_space<vmem>>) offsets(%dma_start3A_400 : memref<120xi32, #tpu.memory_space<vmem>>) semaphore(%arg10 : memref<!tpu.dma_semaphore, #tpu.memory_space<semaphore_mem>>)
      } else {
      }
      %dma_wait3A_184 = arith.constant 0 : i32
      %dma_wait3A_185 = arith.constant 0 : i32
      %dma_wait3A_186 = arith.constant 0 : i32
      %dma_wait3A_187 = arith.constant 0 : i32
      %dma_wait3A_188 = tpu.memref_slice %arg8[%dma_wait3A_185, %dma_wait3A_186, %dma_wait3A_187] : memref<3x120x128xf32, #tpu.memory_space<vmem>> -> memref<1x120x128xf32, #tpu.memory_space<vmem>>
      %dma_wait3A_189 = tpu.memref_squeeze %dma_wait3A_188 : memref<1x120x128xf32, #tpu.memory_space<vmem>> -> memref<120x128xf32, #tpu.memory_space<vmem>>
      %dma_wait3A_190 = arith.constant 0 : i32
      %dma_wait3A_191 = tpu.memref_slice %arg7[%dma_wait3A_184, %dma_wait3A_190] : memref<7x120xi32, #tpu.memory_space<vmem>> -> memref<1x120xi32, #tpu.memory_space<vmem>>
      %dma_wait3A_192 = tpu.memref_squeeze %dma_wait3A_191 : memref<1x120xi32, #tpu.memory_space<vmem>> -> memref<120xi32, #tpu.memory_space<vmem>>
      %dma_wait3A_193 = arith.constant 0 : i32
      %dma_wait3A_194 = arith.constant 0 : i32
      %dma_wait3A_195 = tpu.memref_slice %arg2[%dma_wait3A_193, %dma_wait3A_194] : memref<10000x128xf32, #tpu.memory_space<hbm>> -> memref<10000x128xf32, #tpu.memory_space<hbm>>
      tpu.wait_indirect_dma semaphore(%arg10 : memref<!tpu.dma_semaphore, #tpu.memory_space<semaphore_mem>>) src(%dma_wait3A_195 : memref<10000x128xf32, #tpu.memory_space<hbm>>) dst(%dma_wait3A_189 : memref<120x128xf32, #tpu.memory_space<vmem>>)
      %add3A_196 = arith.constant 3 : i32
      %add3A_197 = arith.addi %add3A_173, %add3A_196 : i32
      %lt3A_198 = arith.constant 84 : i32
      %lt3A_199 = arith.cmpi slt, %add3A_197, %lt3A_198 : i32
      %convert_element_type3A_200 = arith.extui %lt3A_199 : i1 to i32
      %cond3A_201 = arith.constant 0 : i32
      %cond3A_202 = arith.cmpi ne, %convert_element_type3A_200, %cond3A_201 : i32
      scf.if %cond3A_202 {
        %add3A_351 = arith.constant 3 : i32
        %add3A_352 = arith.addi %add3A_173, %add3A_351 : i32
        %add3A_353 = arith.constant 3 : i32
        %add3A_354 = arith.addi %add3A_173, %add3A_353 : i32
        %jit3A_355 = arith.constant 4 : i32
        %eq3A_356 = arith.constant 0 : i32
        %eq3A_357 = arith.cmpi eq, %jit3A_355, %eq3A_356 : i32
        %jit3A_358 = arith.constant 1 : i32
        %select_n3A_359 = arith.select %eq3A_357, %jit3A_358, %jit3A_355 : i32
        %rem3A_360 = arith.remsi %add3A_354, %select_n3A_359 : i32
        %ne3A_361 = arith.constant 0 : i32
        %ne3A_362 = arith.cmpi ne, %rem3A_360, %ne3A_361 : i32
        %lt3A_363 = arith.constant 0 : i32
        %lt3A_364 = arith.cmpi slt, %rem3A_360, %lt3A_363 : i32
        %lt3A_365 = arith.constant 0 : i32
        %lt3A_366 = arith.cmpi slt, %select_n3A_359, %lt3A_365 : i32
        %ne3A_367 = arith.xori %lt3A_364, %lt3A_366 : i1
        %and3A_368 = arith.andi %ne3A_367, %ne3A_362 : i1
        %add3A_369 = arith.addi %rem3A_360, %select_n3A_359 : i32
        %select_n3A_370 = arith.select %and3A_368, %add3A_369, %rem3A_360 : i32
        %mul3A_371 = arith.constant 84 : i32
        %mul3A_372 = arith.muli %add3A, %mul3A_371 : i32
        %add3A_373 = arith.addi %mul3A_372, %add3A_352 : i32
        %mul3A_374 = arith.constant 120 : i32
        %mul3A_375 = arith.muli %add3A_373, %mul3A_374 : i32
        %dma_start3A_376 = arith.constant 0 : i32
        %dma_start3A_377 = arith.constant 0 : i32
        %dma_start3A_378 = tpu.memref_slice %arg7[%dma_start3A_376, %dma_start3A_377] : memref<7x120xi32, #tpu.memory_space<vmem>> -> memref<1x120xi32, #tpu.memory_space<vmem>>
        %dma_start3A_379 = tpu.memref_squeeze %dma_start3A_378 : memref<1x120xi32, #tpu.memory_space<vmem>> -> memref<120xi32, #tpu.memory_space<vmem>>
        %dma_start3A_380 = tpu.memref_slice %arg3[%mul3A_375] : memref<322560xi32, #tpu.memory_space<hbm>> -> memref<120xi32, #tpu.memory_space<hbm>>
        %dma_start3A_381 = arith.constant 0 : i32
        %dma_start3A_382 = tpu.memref_slice %arg7[%dma_start3A_376, %dma_start3A_381] : memref<7x120xi32, #tpu.memory_space<vmem>> -> memref<1x120xi32, #tpu.memory_space<vmem>>
        %dma_start3A_383 = tpu.memref_squeeze %dma_start3A_382 : memref<1x120xi32, #tpu.memory_space<vmem>> -> memref<120xi32, #tpu.memory_space<vmem>>
        %dma_start3A_384 = tpu.memref_slice %arg3[%mul3A_375] : memref<322560xi32, #tpu.memory_space<hbm>> -> memref<120xi32, #tpu.memory_space<hbm>>
        tpu.enqueue_dma source(%dma_start3A_384 : memref<120xi32, #tpu.memory_space<hbm>>) target(%dma_start3A_383 : memref<120xi32, #tpu.memory_space<vmem>>) target_semaphore(%arg12 : memref<!tpu.dma_semaphore, #tpu.memory_space<semaphore_mem>>)
        %add3A_385 = arith.constant 3 : i32
        %add3A_386 = arith.addi %add3A_385, %select_n3A_370 : i32
        %dma_start3A_387 = arith.constant 0 : i32
        %dma_start3A_388 = tpu.memref_slice %arg7[%add3A_386, %dma_start3A_387] : memref<7x120xi32, #tpu.memory_space<vmem>> -> memref<1x120xi32, #tpu.memory_space<vmem>>
        %dma_start3A_389 = tpu.memref_squeeze %dma_start3A_388 : memref<1x120xi32, #tpu.memory_space<vmem>> -> memref<120xi32, #tpu.memory_space<vmem>>
        %dma_start3A_390 = tpu.memref_slice %arg4[%mul3A_375] : memref<322560xi32, #tpu.memory_space<hbm>> -> memref<120xi32, #tpu.memory_space<hbm>>
        %dma_start3A_391 = arith.constant 0 : i32
        %dma_start3A_392 = tpu.memref_slice %arg7[%add3A_386, %dma_start3A_391] : memref<7x120xi32, #tpu.memory_space<vmem>> -> memref<1x120xi32, #tpu.memory_space<vmem>>
        %dma_start3A_393 = tpu.memref_squeeze %dma_start3A_392 : memref<1x120xi32, #tpu.memory_space<vmem>> -> memref<120xi32, #tpu.memory_space<vmem>>
        %dma_start3A_394 = tpu.memref_slice %arg4[%mul3A_375] : memref<322560xi32, #tpu.memory_space<hbm>> -> memref<120xi32, #tpu.memory_space<hbm>>
        tpu.enqueue_dma source(%dma_start3A_394 : memref<120xi32, #tpu.memory_space<hbm>>) target(%dma_start3A_393 : memref<120xi32, #tpu.memory_space<vmem>>) target_semaphore(%arg12 : memref<!tpu.dma_semaphore, #tpu.memory_space<semaphore_mem>>)
      } else {
      }
      %jit3A = arith.constant 4 : i32
      %eq3A_203 = arith.constant 0 : i32
      %eq3A_204 = arith.cmpi eq, %jit3A, %eq3A_203 : i32
      %jit3A_205 = arith.constant 1 : i32
      %select_n3A = arith.select %eq3A_204, %jit3A_205, %jit3A : i32
      %rem3A = arith.remsi %add3A_173, %select_n3A : i32
      %ne3A = arith.constant 0 : i32
      %ne3A_206 = arith.cmpi ne, %rem3A, %ne3A : i32
      %lt3A_207 = arith.constant 0 : i32
      %lt3A_208 = arith.cmpi slt, %rem3A, %lt3A_207 : i32
      %lt3A_209 = arith.constant 0 : i32
      %lt3A_210 = arith.cmpi slt, %select_n3A, %lt3A_209 : i32
      %ne3A_211 = arith.xori %lt3A_208, %lt3A_210 : i1
      %and3A = arith.andi %ne3A_211, %ne3A_206 : i1
      %add3A_212 = arith.addi %rem3A, %select_n3A : i32
      %select_n3A_213 = arith.select %and3A, %add3A_212, %rem3A : i32
      %add3A_214 = arith.constant 3 : i32
      %add3A_215 = arith.addi %add3A_214, %select_n3A_213 : i32
      %dma_start3A_216 = arith.constant 0 : i32
      %dma_start3A_217 = arith.constant 0 : i32
      %dma_start3A_218 = arith.constant 0 : i32
      %dma_start3A_219 = tpu.memref_slice %arg8[%dma_start3A_216, %dma_start3A_217, %dma_start3A_218] : memref<3x120x128xf32, #tpu.memory_space<vmem>> -> memref<1x120x128xf32, #tpu.memory_space<vmem>>
      %dma_start3A_220 = tpu.memref_squeeze %dma_start3A_219 : memref<1x120x128xf32, #tpu.memory_space<vmem>> -> memref<120x128xf32, #tpu.memory_space<vmem>>
      %dma_start3A_221 = arith.constant 0 : i32
      %dma_start3A_222 = tpu.memref_slice %arg7[%add3A_215, %dma_start3A_221] : memref<7x120xi32, #tpu.memory_space<vmem>> -> memref<1x120xi32, #tpu.memory_space<vmem>>
      %dma_start3A_223 = tpu.memref_squeeze %dma_start3A_222 : memref<1x120xi32, #tpu.memory_space<vmem>> -> memref<120xi32, #tpu.memory_space<vmem>>
      %dma_start3A_224 = arith.constant 0 : i32
      %dma_start3A_225 = arith.constant 0 : i32
      %dma_start3A_226 = tpu.memref_slice %arg9[%dma_start3A_224, %dma_start3A_225] : memref<10112x128xf32, #tpu.memory_space<vmem_shared>> -> memref<10112x128xf32, #tpu.memory_space<vmem_shared>>
      tpu.enqueue_indirect_dma source(%dma_start3A_220 : memref<120x128xf32, #tpu.memory_space<vmem>>) target(%dma_start3A_226 : memref<10112x128xf32, #tpu.memory_space<vmem_shared>>) offsets(%dma_start3A_223 : memref<120xi32, #tpu.memory_space<vmem>>) semaphore(%arg11 : memref<!tpu.dma_semaphore, #tpu.memory_space<semaphore_mem>>) {add = true}
      %add3A_227 = arith.constant 1 : i32
      %add3A_228 = arith.addi %add3A_171, %add3A_227 : i32
      %gt3A_229 = arith.constant 0 : i32
      %gt3A_230 = arith.cmpi sgt, %add3A_228, %gt3A_229 : i32
      %convert_element_type3A_231 = arith.extui %gt3A_230 : i1 to i32
      %cond3A_232 = arith.constant 0 : i32
      %cond3A_233 = arith.cmpi ne, %convert_element_type3A_231, %cond3A_232 : i32
      scf.if %cond3A_233 {
        %add3A_351 = arith.constant 4 : i32
        %add3A_352 = arith.addi %add3A_228, %add3A_351 : i32
        %sub3A = arith.constant 1 : i32
        %sub3A_353 = arith.subi %add3A_352, %sub3A : i32
        %jit3A_354 = arith.constant 4 : i32
        %eq3A_355 = arith.constant 0 : i32
        %eq3A_356 = arith.cmpi eq, %jit3A_354, %eq3A_355 : i32
        %jit3A_357 = arith.constant 1 : i32
        %select_n3A_358 = arith.select %eq3A_356, %jit3A_357, %jit3A_354 : i32
        %rem3A_359 = arith.remsi %sub3A_353, %select_n3A_358 : i32
        %ne3A_360 = arith.constant 0 : i32
        %ne3A_361 = arith.cmpi ne, %rem3A_359, %ne3A_360 : i32
        %lt3A_362 = arith.constant 0 : i32
        %lt3A_363 = arith.cmpi slt, %rem3A_359, %lt3A_362 : i32
        %lt3A_364 = arith.constant 0 : i32
        %lt3A_365 = arith.cmpi slt, %select_n3A_358, %lt3A_364 : i32
        %ne3A_366 = arith.xori %lt3A_363, %lt3A_365 : i1
        %and3A_367 = arith.andi %ne3A_366, %ne3A_361 : i1
        %add3A_368 = arith.addi %rem3A_359, %select_n3A_358 : i32
        %select_n3A_369 = arith.select %and3A_367, %add3A_368, %rem3A_359 : i32
        %add3A_370 = arith.constant 3 : i32
        %add3A_371 = arith.addi %add3A_370, %select_n3A_369 : i32
        %dma_wait3A_372 = arith.constant 0 : i32
        %dma_wait3A_373 = arith.constant 0 : i32
        %dma_wait3A_374 = arith.constant 0 : i32
        %dma_wait3A_375 = tpu.memref_slice %arg8[%dma_wait3A_372, %dma_wait3A_373, %dma_wait3A_374] : memref<3x120x128xf32, #tpu.memory_space<vmem>> -> memref<1x120x128xf32, #tpu.memory_space<vmem>>
        %dma_wait3A_376 = tpu.memref_squeeze %dma_wait3A_375 : memref<1x120x128xf32, #tpu.memory_space<vmem>> -> memref<120x128xf32, #tpu.memory_space<vmem>>
        %dma_wait3A_377 = arith.constant 0 : i32
        %dma_wait3A_378 = tpu.memref_slice %arg7[%add3A_371, %dma_wait3A_377] : memref<7x120xi32, #tpu.memory_space<vmem>> -> memref<1x120xi32, #tpu.memory_space<vmem>>
        %dma_wait3A_379 = tpu.memref_squeeze %dma_wait3A_378 : memref<1x120xi32, #tpu.memory_space<vmem>> -> memref<120xi32, #tpu.memory_space<vmem>>
        %dma_wait3A_380 = arith.constant 0 : i32
        %dma_wait3A_381 = arith.constant 0 : i32
        %dma_wait3A_382 = tpu.memref_slice %arg9[%dma_wait3A_380, %dma_wait3A_381] : memref<10112x128xf32, #tpu.memory_space<vmem_shared>> -> memref<10112x128xf32, #tpu.memory_space<vmem_shared>>
        tpu.wait_indirect_dma semaphore(%arg11 : memref<!tpu.dma_semaphore, #tpu.memory_space<semaphore_mem>>) src(%dma_wait3A_376 : memref<120x128xf32, #tpu.memory_space<vmem>>) dst(%dma_wait3A_382 : memref<10112x128xf32, #tpu.memory_space<vmem_shared>>)
      } else {
      }
      %add3A_234 = arith.constant 2 : i32
      %add3A_235 = arith.addi %add3A_228, %add3A_234 : i32
      %lt3A_236 = arith.constant 84 : i32
      %lt3A_237 = arith.cmpi slt, %add3A_235, %lt3A_236 : i32
      %convert_element_type3A_238 = arith.extui %lt3A_237 : i1 to i32
      %cond3A_239 = arith.constant 0 : i32
      %cond3A_240 = arith.cmpi ne, %convert_element_type3A_238, %cond3A_239 : i32
      scf.if %cond3A_240 {
        %add3A_351 = arith.constant 2 : i32
        %add3A_352 = arith.addi %add3A_228, %add3A_351 : i32
        %jit3A_353 = arith.constant 4 : i32
        %eq3A_354 = arith.constant 0 : i32
        %eq3A_355 = arith.cmpi eq, %jit3A_353, %eq3A_354 : i32
        %jit3A_356 = arith.constant 1 : i32
        %select_n3A_357 = arith.select %eq3A_355, %jit3A_356, %jit3A_353 : i32
        %rem3A_358 = arith.remsi %add3A_352, %select_n3A_357 : i32
        %ne3A_359 = arith.constant 0 : i32
        %ne3A_360 = arith.cmpi ne, %rem3A_358, %ne3A_359 : i32
        %lt3A_361 = arith.constant 0 : i32
        %lt3A_362 = arith.cmpi slt, %rem3A_358, %lt3A_361 : i32
        %lt3A_363 = arith.constant 0 : i32
        %lt3A_364 = arith.cmpi slt, %select_n3A_357, %lt3A_363 : i32
        %ne3A_365 = arith.xori %lt3A_362, %lt3A_364 : i1
        %and3A_366 = arith.andi %ne3A_365, %ne3A_360 : i1
        %add3A_367 = arith.addi %rem3A_358, %select_n3A_357 : i32
        %select_n3A_368 = arith.select %and3A_366, %add3A_367, %rem3A_358 : i32
        %dma_wait3A_369 = arith.constant 0 : i32
        %dma_wait3A_370 = arith.constant 0 : i32
        %dma_wait3A_371 = tpu.memref_slice %arg7[%dma_wait3A_369, %dma_wait3A_370] : memref<7x120xi32, #tpu.memory_space<vmem>> -> memref<1x120xi32, #tpu.memory_space<vmem>>
        %dma_wait3A_372 = tpu.memref_squeeze %dma_wait3A_371 : memref<1x120xi32, #tpu.memory_space<vmem>> -> memref<120xi32, #tpu.memory_space<vmem>>
        %dma_wait3A_373 = arith.constant 0 : i32
        %dma_wait3A_374 = tpu.memref_slice %arg3[%dma_wait3A_373] : memref<322560xi32, #tpu.memory_space<hbm>> -> memref<120xi32, #tpu.memory_space<hbm>>
        %dma_wait3A_375 = arith.constant 0 : i32
        %dma_wait3A_376 = tpu.memref_slice %arg7[%dma_wait3A_369, %dma_wait3A_375] : memref<7x120xi32, #tpu.memory_space<vmem>> -> memref<1x120xi32, #tpu.memory_space<vmem>>
        %dma_wait3A_377 = tpu.memref_squeeze %dma_wait3A_376 : memref<1x120xi32, #tpu.memory_space<vmem>> -> memref<120xi32, #tpu.memory_space<vmem>>
        %dma_wait3A_378 = arith.constant 0 : i32
        %dma_wait3A_379 = tpu.memref_slice %arg3[%dma_wait3A_378] : memref<322560xi32, #tpu.memory_space<hbm>> -> memref<120xi32, #tpu.memory_space<hbm>>
        tpu.wait_dma2 semaphore(%arg12 : memref<!tpu.dma_semaphore, #tpu.memory_space<semaphore_mem>>) src(%dma_wait3A_379 : memref<120xi32, #tpu.memory_space<hbm>>) dst(%dma_wait3A_377 : memref<120xi32, #tpu.memory_space<vmem>>)
        %add3A_380 = arith.constant 3 : i32
        %add3A_381 = arith.addi %add3A_380, %select_n3A_368 : i32
        %dma_wait3A_382 = arith.constant 0 : i32
        %dma_wait3A_383 = tpu.memref_slice %arg7[%add3A_381, %dma_wait3A_382] : memref<7x120xi32, #tpu.memory_space<vmem>> -> memref<1x120xi32, #tpu.memory_space<vmem>>
        %dma_wait3A_384 = tpu.memref_squeeze %dma_wait3A_383 : memref<1x120xi32, #tpu.memory_space<vmem>> -> memref<120xi32, #tpu.memory_space<vmem>>
        %dma_wait3A_385 = arith.constant 0 : i32
        %dma_wait3A_386 = tpu.memref_slice %arg4[%dma_wait3A_385] : memref<322560xi32, #tpu.memory_space<hbm>> -> memref<120xi32, #tpu.memory_space<hbm>>
        %dma_wait3A_387 = arith.constant 0 : i32
        %dma_wait3A_388 = tpu.memref_slice %arg7[%add3A_381, %dma_wait3A_387] : memref<7x120xi32, #tpu.memory_space<vmem>> -> memref<1x120xi32, #tpu.memory_space<vmem>>
        %dma_wait3A_389 = tpu.memref_squeeze %dma_wait3A_388 : memref<1x120xi32, #tpu.memory_space<vmem>> -> memref<120xi32, #tpu.memory_space<vmem>>
        %dma_wait3A_390 = arith.constant 0 : i32
        %dma_wait3A_391 = tpu.memref_slice %arg4[%dma_wait3A_390] : memref<322560xi32, #tpu.memory_space<hbm>> -> memref<120xi32, #tpu.memory_space<hbm>>
        tpu.wait_dma2 semaphore(%arg12 : memref<!tpu.dma_semaphore, #tpu.memory_space<semaphore_mem>>) src(%dma_wait3A_391 : memref<120xi32, #tpu.memory_space<hbm>>) dst(%dma_wait3A_389 : memref<120xi32, #tpu.memory_space<vmem>>)
        %dma_start3A_392 = arith.constant 0 : i32
        %dma_start3A_393 = arith.constant 0 : i32
        %dma_start3A_394 = arith.constant 0 : i32
        %dma_start3A_395 = arith.constant 0 : i32
        %dma_start3A_396 = tpu.memref_slice %arg8[%dma_start3A_393, %dma_start3A_394, %dma_start3A_395] : memref<3x120x128xf32, #tpu.memory_space<vmem>> -> memref<1x120x128xf32, #tpu.memory_space<vmem>>
        %dma_start3A_397 = tpu.memref_squeeze %dma_start3A_396 : memref<1x120x128xf32, #tpu.memory_space<vmem>> -> memref<120x128xf32, #tpu.memory_space<vmem>>
        %dma_start3A_398 = arith.constant 0 : i32
        %dma_start3A_399 = tpu.memref_slice %arg7[%dma_start3A_392, %dma_start3A_398] : memref<7x120xi32, #tpu.memory_space<vmem>> -> memref<1x120xi32, #tpu.memory_space<vmem>>
        %dma_start3A_400 = tpu.memref_squeeze %dma_start3A_399 : memref<1x120xi32, #tpu.memory_space<vmem>> -> memref<120xi32, #tpu.memory_space<vmem>>
        %dma_start3A_401 = arith.constant 0 : i32
        %dma_start3A_402 = arith.constant 0 : i32
        %dma_start3A_403 = tpu.memref_slice %arg2[%dma_start3A_401, %dma_start3A_402] : memref<10000x128xf32, #tpu.memory_space<hbm>> -> memref<10000x128xf32, #tpu.memory_space<hbm>>
        tpu.enqueue_indirect_dma source(%dma_start3A_403 : memref<10000x128xf32, #tpu.memory_space<hbm>>) target(%dma_start3A_397 : memref<120x128xf32, #tpu.memory_space<vmem>>) offsets(%dma_start3A_400 : memref<120xi32, #tpu.memory_space<vmem>>) semaphore(%arg10 : memref<!tpu.dma_semaphore, #tpu.memory_space<semaphore_mem>>)
      } else {
      }
      %dma_wait3A_241 = arith.constant 1 : i32
      %dma_wait3A_242 = arith.constant 1 : i32
      %dma_wait3A_243 = arith.constant 0 : i32
      %dma_wait3A_244 = arith.constant 0 : i32
      %dma_wait3A_245 = tpu.memref_slice %arg8[%dma_wait3A_242, %dma_wait3A_243, %dma_wait3A_244] : memref<3x120x128xf32, #tpu.memory_space<vmem>> -> memref<1x120x128xf32, #tpu.memory_space<vmem>>
      %dma_wait3A_246 = tpu.memref_squeeze %dma_wait3A_245 : memref<1x120x128xf32, #tpu.memory_space<vmem>> -> memref<120x128xf32, #tpu.memory_space<vmem>>
      %dma_wait3A_247 = arith.constant 0 : i32
      %dma_wait3A_248 = tpu.memref_slice %arg7[%dma_wait3A_241, %dma_wait3A_247] : memref<7x120xi32, #tpu.memory_space<vmem>> -> memref<1x120xi32, #tpu.memory_space<vmem>>
      %dma_wait3A_249 = tpu.memref_squeeze %dma_wait3A_248 : memref<1x120xi32, #tpu.memory_space<vmem>> -> memref<120xi32, #tpu.memory_space<vmem>>
      %dma_wait3A_250 = arith.constant 0 : i32
      %dma_wait3A_251 = arith.constant 0 : i32
      %dma_wait3A_252 = tpu.memref_slice %arg2[%dma_wait3A_250, %dma_wait3A_251] : memref<10000x128xf32, #tpu.memory_space<hbm>> -> memref<10000x128xf32, #tpu.memory_space<hbm>>
      tpu.wait_indirect_dma semaphore(%arg10 : memref<!tpu.dma_semaphore, #tpu.memory_space<semaphore_mem>>) src(%dma_wait3A_252 : memref<10000x128xf32, #tpu.memory_space<hbm>>) dst(%dma_wait3A_246 : memref<120x128xf32, #tpu.memory_space<vmem>>)
      %add3A_253 = arith.constant 3 : i32
      %add3A_254 = arith.addi %add3A_228, %add3A_253 : i32
      %lt3A_255 = arith.constant 84 : i32
      %lt3A_256 = arith.cmpi slt, %add3A_254, %lt3A_255 : i32
      %convert_element_type3A_257 = arith.extui %lt3A_256 : i1 to i32
      %cond3A_258 = arith.constant 0 : i32
      %cond3A_259 = arith.cmpi ne, %convert_element_type3A_257, %cond3A_258 : i32
      scf.if %cond3A_259 {
        %add3A_351 = arith.constant 3 : i32
        %add3A_352 = arith.addi %add3A_228, %add3A_351 : i32
        %add3A_353 = arith.constant 3 : i32
        %add3A_354 = arith.addi %add3A_228, %add3A_353 : i32
        %jit3A_355 = arith.constant 4 : i32
        %eq3A_356 = arith.constant 0 : i32
        %eq3A_357 = arith.cmpi eq, %jit3A_355, %eq3A_356 : i32
        %jit3A_358 = arith.constant 1 : i32
        %select_n3A_359 = arith.select %eq3A_357, %jit3A_358, %jit3A_355 : i32
        %rem3A_360 = arith.remsi %add3A_354, %select_n3A_359 : i32
        %ne3A_361 = arith.constant 0 : i32
        %ne3A_362 = arith.cmpi ne, %rem3A_360, %ne3A_361 : i32
        %lt3A_363 = arith.constant 0 : i32
        %lt3A_364 = arith.cmpi slt, %rem3A_360, %lt3A_363 : i32
        %lt3A_365 = arith.constant 0 : i32
        %lt3A_366 = arith.cmpi slt, %select_n3A_359, %lt3A_365 : i32
        %ne3A_367 = arith.xori %lt3A_364, %lt3A_366 : i1
        %and3A_368 = arith.andi %ne3A_367, %ne3A_362 : i1
        %add3A_369 = arith.addi %rem3A_360, %select_n3A_359 : i32
        %select_n3A_370 = arith.select %and3A_368, %add3A_369, %rem3A_360 : i32
        %mul3A_371 = arith.constant 84 : i32
        %mul3A_372 = arith.muli %add3A, %mul3A_371 : i32
        %add3A_373 = arith.addi %mul3A_372, %add3A_352 : i32
        %mul3A_374 = arith.constant 120 : i32
        %mul3A_375 = arith.muli %add3A_373, %mul3A_374 : i32
        %dma_start3A_376 = arith.constant 1 : i32
        %dma_start3A_377 = arith.constant 0 : i32
        %dma_start3A_378 = tpu.memref_slice %arg7[%dma_start3A_376, %dma_start3A_377] : memref<7x120xi32, #tpu.memory_space<vmem>> -> memref<1x120xi32, #tpu.memory_space<vmem>>
        %dma_start3A_379 = tpu.memref_squeeze %dma_start3A_378 : memref<1x120xi32, #tpu.memory_space<vmem>> -> memref<120xi32, #tpu.memory_space<vmem>>
        %dma_start3A_380 = tpu.memref_slice %arg3[%mul3A_375] : memref<322560xi32, #tpu.memory_space<hbm>> -> memref<120xi32, #tpu.memory_space<hbm>>
        %dma_start3A_381 = arith.constant 0 : i32
        %dma_start3A_382 = tpu.memref_slice %arg7[%dma_start3A_376, %dma_start3A_381] : memref<7x120xi32, #tpu.memory_space<vmem>> -> memref<1x120xi32, #tpu.memory_space<vmem>>
        %dma_start3A_383 = tpu.memref_squeeze %dma_start3A_382 : memref<1x120xi32, #tpu.memory_space<vmem>> -> memref<120xi32, #tpu.memory_space<vmem>>
        %dma_start3A_384 = tpu.memref_slice %arg3[%mul3A_375] : memref<322560xi32, #tpu.memory_space<hbm>> -> memref<120xi32, #tpu.memory_space<hbm>>
        tpu.enqueue_dma source(%dma_start3A_384 : memref<120xi32, #tpu.memory_space<hbm>>) target(%dma_start3A_383 : memref<120xi32, #tpu.memory_space<vmem>>) target_semaphore(%arg12 : memref<!tpu.dma_semaphore, #tpu.memory_space<semaphore_mem>>)
        %add3A_385 = arith.constant 3 : i32
        %add3A_386 = arith.addi %add3A_385, %select_n3A_370 : i32
        %dma_start3A_387 = arith.constant 0 : i32
        %dma_start3A_388 = tpu.memref_slice %arg7[%add3A_386, %dma_start3A_387] : memref<7x120xi32, #tpu.memory_space<vmem>> -> memref<1x120xi32, #tpu.memory_space<vmem>>
        %dma_start3A_389 = tpu.memref_squeeze %dma_start3A_388 : memref<1x120xi32, #tpu.memory_space<vmem>> -> memref<120xi32, #tpu.memory_space<vmem>>
        %dma_start3A_390 = tpu.memref_slice %arg4[%mul3A_375] : memref<322560xi32, #tpu.memory_space<hbm>> -> memref<120xi32, #tpu.memory_space<hbm>>
        %dma_start3A_391 = arith.constant 0 : i32
        %dma_start3A_392 = tpu.memref_slice %arg7[%add3A_386, %dma_start3A_391] : memref<7x120xi32, #tpu.memory_space<vmem>> -> memref<1x120xi32, #tpu.memory_space<vmem>>
        %dma_start3A_393 = tpu.memref_squeeze %dma_start3A_392 : memref<1x120xi32, #tpu.memory_space<vmem>> -> memref<120xi32, #tpu.memory_space<vmem>>
        %dma_start3A_394 = tpu.memref_slice %arg4[%mul3A_375] : memref<322560xi32, #tpu.memory_space<hbm>> -> memref<120xi32, #tpu.memory_space<hbm>>
        tpu.enqueue_dma source(%dma_start3A_394 : memref<120xi32, #tpu.memory_space<hbm>>) target(%dma_start3A_393 : memref<120xi32, #tpu.memory_space<vmem>>) target_semaphore(%arg12 : memref<!tpu.dma_semaphore, #tpu.memory_space<semaphore_mem>>)
      } else {
      }
      %jit3A_260 = arith.constant 4 : i32
      %eq3A_261 = arith.constant 0 : i32
      %eq3A_262 = arith.cmpi eq, %jit3A_260, %eq3A_261 : i32
      %jit3A_263 = arith.constant 1 : i32
      %select_n3A_264 = arith.select %eq3A_262, %jit3A_263, %jit3A_260 : i32
      %rem3A_265 = arith.remsi %add3A_228, %select_n3A_264 : i32
      %ne3A_266 = arith.constant 0 : i32
      %ne3A_267 = arith.cmpi ne, %rem3A_265, %ne3A_266 : i32
      %lt3A_268 = arith.constant 0 : i32
      %lt3A_269 = arith.cmpi slt, %rem3A_265, %lt3A_268 : i32
      %lt3A_270 = arith.constant 0 : i32
      %lt3A_271 = arith.cmpi slt, %select_n3A_264, %lt3A_270 : i32
      %ne3A_272 = arith.xori %lt3A_269, %lt3A_271 : i1
      %and3A_273 = arith.andi %ne3A_272, %ne3A_267 : i1
      %add3A_274 = arith.addi %rem3A_265, %select_n3A_264 : i32
      %select_n3A_275 = arith.select %and3A_273, %add3A_274, %rem3A_265 : i32
      %add3A_276 = arith.constant 3 : i32
      %add3A_277 = arith.addi %add3A_276, %select_n3A_275 : i32
      %dma_start3A_278 = arith.constant 1 : i32
      %dma_start3A_279 = arith.constant 0 : i32
      %dma_start3A_280 = arith.constant 0 : i32
      %dma_start3A_281 = tpu.memref_slice %arg8[%dma_start3A_278, %dma_start3A_279, %dma_start3A_280] : memref<3x120x128xf32, #tpu.memory_space<vmem>> -> memref<1x120x128xf32, #tpu.memory_space<vmem>>
      %dma_start3A_282 = tpu.memref_squeeze %dma_start3A_281 : memref<1x120x128xf32, #tpu.memory_space<vmem>> -> memref<120x128xf32, #tpu.memory_space<vmem>>
      %dma_start3A_283 = arith.constant 0 : i32
      %dma_start3A_284 = tpu.memref_slice %arg7[%add3A_277, %dma_start3A_283] : memref<7x120xi32, #tpu.memory_space<vmem>> -> memref<1x120xi32, #tpu.memory_space<vmem>>
      %dma_start3A_285 = tpu.memref_squeeze %dma_start3A_284 : memref<1x120xi32, #tpu.memory_space<vmem>> -> memref<120xi32, #tpu.memory_space<vmem>>
      %dma_start3A_286 = arith.constant 0 : i32
      %dma_start3A_287 = arith.constant 0 : i32
      %dma_start3A_288 = tpu.memref_slice %arg9[%dma_start3A_286, %dma_start3A_287] : memref<10112x128xf32, #tpu.memory_space<vmem_shared>> -> memref<10112x128xf32, #tpu.memory_space<vmem_shared>>
      tpu.enqueue_indirect_dma source(%dma_start3A_282 : memref<120x128xf32, #tpu.memory_space<vmem>>) target(%dma_start3A_288 : memref<10112x128xf32, #tpu.memory_space<vmem_shared>>) offsets(%dma_start3A_285 : memref<120xi32, #tpu.memory_space<vmem>>) semaphore(%arg11 : memref<!tpu.dma_semaphore, #tpu.memory_space<semaphore_mem>>) {add = true}
      %add3A_289 = arith.constant 2 : i32
      %add3A_290 = arith.addi %add3A_171, %add3A_289 : i32
      %gt3A_291 = arith.constant 0 : i32
      %gt3A_292 = arith.cmpi sgt, %add3A_290, %gt3A_291 : i32
      %convert_element_type3A_293 = arith.extui %gt3A_292 : i1 to i32
      %cond3A_294 = arith.constant 0 : i32
      %cond3A_295 = arith.cmpi ne, %convert_element_type3A_293, %cond3A_294 : i32
      scf.if %cond3A_295 {
        %add3A_351 = arith.constant 4 : i32
        %add3A_352 = arith.addi %add3A_290, %add3A_351 : i32
        %sub3A = arith.constant 1 : i32
        %sub3A_353 = arith.subi %add3A_352, %sub3A : i32
        %jit3A_354 = arith.constant 4 : i32
        %eq3A_355 = arith.constant 0 : i32
        %eq3A_356 = arith.cmpi eq, %jit3A_354, %eq3A_355 : i32
        %jit3A_357 = arith.constant 1 : i32
        %select_n3A_358 = arith.select %eq3A_356, %jit3A_357, %jit3A_354 : i32
        %rem3A_359 = arith.remsi %sub3A_353, %select_n3A_358 : i32
        %ne3A_360 = arith.constant 0 : i32
        %ne3A_361 = arith.cmpi ne, %rem3A_359, %ne3A_360 : i32
        %lt3A_362 = arith.constant 0 : i32
        %lt3A_363 = arith.cmpi slt, %rem3A_359, %lt3A_362 : i32
        %lt3A_364 = arith.constant 0 : i32
        %lt3A_365 = arith.cmpi slt, %select_n3A_358, %lt3A_364 : i32
        %ne3A_366 = arith.xori %lt3A_363, %lt3A_365 : i1
        %and3A_367 = arith.andi %ne3A_366, %ne3A_361 : i1
        %add3A_368 = arith.addi %rem3A_359, %select_n3A_358 : i32
        %select_n3A_369 = arith.select %and3A_367, %add3A_368, %rem3A_359 : i32
        %add3A_370 = arith.constant 3 : i32
        %add3A_371 = arith.addi %add3A_370, %select_n3A_369 : i32
        %dma_wait3A_372 = arith.constant 1 : i32
        %dma_wait3A_373 = arith.constant 0 : i32
        %dma_wait3A_374 = arith.constant 0 : i32
        %dma_wait3A_375 = tpu.memref_slice %arg8[%dma_wait3A_372, %dma_wait3A_373, %dma_wait3A_374] : memref<3x120x128xf32, #tpu.memory_space<vmem>> -> memref<1x120x128xf32, #tpu.memory_space<vmem>>
        %dma_wait3A_376 = tpu.memref_squeeze %dma_wait3A_375 : memref<1x120x128xf32, #tpu.memory_space<vmem>> -> memref<120x128xf32, #tpu.memory_space<vmem>>
        %dma_wait3A_377 = arith.constant 0 : i32
        %dma_wait3A_378 = tpu.memref_slice %arg7[%add3A_371, %dma_wait3A_377] : memref<7x120xi32, #tpu.memory_space<vmem>> -> memref<1x120xi32, #tpu.memory_space<vmem>>
        %dma_wait3A_379 = tpu.memref_squeeze %dma_wait3A_378 : memref<1x120xi32, #tpu.memory_space<vmem>> -> memref<120xi32, #tpu.memory_space<vmem>>
        %dma_wait3A_380 = arith.constant 0 : i32
        %dma_wait3A_381 = arith.constant 0 : i32
        %dma_wait3A_382 = tpu.memref_slice %arg9[%dma_wait3A_380, %dma_wait3A_381] : memref<10112x128xf32, #tpu.memory_space<vmem_shared>> -> memref<10112x128xf32, #tpu.memory_space<vmem_shared>>
        tpu.wait_indirect_dma semaphore(%arg11 : memref<!tpu.dma_semaphore, #tpu.memory_space<semaphore_mem>>) src(%dma_wait3A_376 : memref<120x128xf32, #tpu.memory_space<vmem>>) dst(%dma_wait3A_382 : memref<10112x128xf32, #tpu.memory_space<vmem_shared>>)
      } else {
      }
      %add3A_296 = arith.constant 2 : i32
      %add3A_297 = arith.addi %add3A_290, %add3A_296 : i32
      %lt3A_298 = arith.constant 84 : i32
      %lt3A_299 = arith.cmpi slt, %add3A_297, %lt3A_298 : i32
      %convert_element_type3A_300 = arith.extui %lt3A_299 : i1 to i32
      %cond3A_301 = arith.constant 0 : i32
      %cond3A_302 = arith.cmpi ne, %convert_element_type3A_300, %cond3A_301 : i32
      scf.if %cond3A_302 {
        %add3A_351 = arith.constant 2 : i32
        %add3A_352 = arith.addi %add3A_290, %add3A_351 : i32
        %jit3A_353 = arith.constant 4 : i32
        %eq3A_354 = arith.constant 0 : i32
        %eq3A_355 = arith.cmpi eq, %jit3A_353, %eq3A_354 : i32
        %jit3A_356 = arith.constant 1 : i32
        %select_n3A_357 = arith.select %eq3A_355, %jit3A_356, %jit3A_353 : i32
        %rem3A_358 = arith.remsi %add3A_352, %select_n3A_357 : i32
        %ne3A_359 = arith.constant 0 : i32
        %ne3A_360 = arith.cmpi ne, %rem3A_358, %ne3A_359 : i32
        %lt3A_361 = arith.constant 0 : i32
        %lt3A_362 = arith.cmpi slt, %rem3A_358, %lt3A_361 : i32
        %lt3A_363 = arith.constant 0 : i32
        %lt3A_364 = arith.cmpi slt, %select_n3A_357, %lt3A_363 : i32
        %ne3A_365 = arith.xori %lt3A_362, %lt3A_364 : i1
        %and3A_366 = arith.andi %ne3A_365, %ne3A_360 : i1
        %add3A_367 = arith.addi %rem3A_358, %select_n3A_357 : i32
        %select_n3A_368 = arith.select %and3A_366, %add3A_367, %rem3A_358 : i32
        %dma_wait3A_369 = arith.constant 1 : i32
        %dma_wait3A_370 = arith.constant 0 : i32
        %dma_wait3A_371 = tpu.memref_slice %arg7[%dma_wait3A_369, %dma_wait3A_370] : memref<7x120xi32, #tpu.memory_space<vmem>> -> memref<1x120xi32, #tpu.memory_space<vmem>>
        %dma_wait3A_372 = tpu.memref_squeeze %dma_wait3A_371 : memref<1x120xi32, #tpu.memory_space<vmem>> -> memref<120xi32, #tpu.memory_space<vmem>>
        %dma_wait3A_373 = arith.constant 0 : i32
        %dma_wait3A_374 = tpu.memref_slice %arg3[%dma_wait3A_373] : memref<322560xi32, #tpu.memory_space<hbm>> -> memref<120xi32, #tpu.memory_space<hbm>>
        %dma_wait3A_375 = arith.constant 0 : i32
        %dma_wait3A_376 = tpu.memref_slice %arg7[%dma_wait3A_369, %dma_wait3A_375] : memref<7x120xi32, #tpu.memory_space<vmem>> -> memref<1x120xi32, #tpu.memory_space<vmem>>
        %dma_wait3A_377 = tpu.memref_squeeze %dma_wait3A_376 : memref<1x120xi32, #tpu.memory_space<vmem>> -> memref<120xi32, #tpu.memory_space<vmem>>
        %dma_wait3A_378 = arith.constant 0 : i32
        %dma_wait3A_379 = tpu.memref_slice %arg3[%dma_wait3A_378] : memref<322560xi32, #tpu.memory_space<hbm>> -> memref<120xi32, #tpu.memory_space<hbm>>
        tpu.wait_dma2 semaphore(%arg12 : memref<!tpu.dma_semaphore, #tpu.memory_space<semaphore_mem>>) src(%dma_wait3A_379 : memref<120xi32, #tpu.memory_space<hbm>>) dst(%dma_wait3A_377 : memref<120xi32, #tpu.memory_space<vmem>>)
        %add3A_380 = arith.constant 3 : i32
        %add3A_381 = arith.addi %add3A_380, %select_n3A_368 : i32
        %dma_wait3A_382 = arith.constant 0 : i32
        %dma_wait3A_383 = tpu.memref_slice %arg7[%add3A_381, %dma_wait3A_382] : memref<7x120xi32, #tpu.memory_space<vmem>> -> memref<1x120xi32, #tpu.memory_space<vmem>>
        %dma_wait3A_384 = tpu.memref_squeeze %dma_wait3A_383 : memref<1x120xi32, #tpu.memory_space<vmem>> -> memref<120xi32, #tpu.memory_space<vmem>>
        %dma_wait3A_385 = arith.constant 0 : i32
        %dma_wait3A_386 = tpu.memref_slice %arg4[%dma_wait3A_385] : memref<322560xi32, #tpu.memory_space<hbm>> -> memref<120xi32, #tpu.memory_space<hbm>>
        %dma_wait3A_387 = arith.constant 0 : i32
        %dma_wait3A_388 = tpu.memref_slice %arg7[%add3A_381, %dma_wait3A_387] : memref<7x120xi32, #tpu.memory_space<vmem>> -> memref<1x120xi32, #tpu.memory_space<vmem>>
        %dma_wait3A_389 = tpu.memref_squeeze %dma_wait3A_388 : memref<1x120xi32, #tpu.memory_space<vmem>> -> memref<120xi32, #tpu.memory_space<vmem>>
        %dma_wait3A_390 = arith.constant 0 : i32
        %dma_wait3A_391 = tpu.memref_slice %arg4[%dma_wait3A_390] : memref<322560xi32, #tpu.memory_space<hbm>> -> memref<120xi32, #tpu.memory_space<hbm>>
        tpu.wait_dma2 semaphore(%arg12 : memref<!tpu.dma_semaphore, #tpu.memory_space<semaphore_mem>>) src(%dma_wait3A_391 : memref<120xi32, #tpu.memory_space<hbm>>) dst(%dma_wait3A_389 : memref<120xi32, #tpu.memory_space<vmem>>)
        %dma_start3A_392 = arith.constant 1 : i32
        %dma_start3A_393 = arith.constant 1 : i32
        %dma_start3A_394 = arith.constant 0 : i32
        %dma_start3A_395 = arith.constant 0 : i32
        %dma_start3A_396 = tpu.memref_slice %arg8[%dma_start3A_393, %dma_start3A_394, %dma_start3A_395] : memref<3x120x128xf32, #tpu.memory_space<vmem>> -> memref<1x120x128xf32, #tpu.memory_space<vmem>>
        %dma_start3A_397 = tpu.memref_squeeze %dma_start3A_396 : memref<1x120x128xf32, #tpu.memory_space<vmem>> -> memref<120x128xf32, #tpu.memory_space<vmem>>
        %dma_start3A_398 = arith.constant 0 : i32
        %dma_start3A_399 = tpu.memref_slice %arg7[%dma_start3A_392, %dma_start3A_398] : memref<7x120xi32, #tpu.memory_space<vmem>> -> memref<1x120xi32, #tpu.memory_space<vmem>>
        %dma_start3A_400 = tpu.memref_squeeze %dma_start3A_399 : memref<1x120xi32, #tpu.memory_space<vmem>> -> memref<120xi32, #tpu.memory_space<vmem>>
        %dma_start3A_401 = arith.constant 0 : i32
        %dma_start3A_402 = arith.constant 0 : i32
        %dma_start3A_403 = tpu.memref_slice %arg2[%dma_start3A_401, %dma_start3A_402] : memref<10000x128xf32, #tpu.memory_space<hbm>> -> memref<10000x128xf32, #tpu.memory_space<hbm>>
        tpu.enqueue_indirect_dma source(%dma_start3A_403 : memref<10000x128xf32, #tpu.memory_space<hbm>>) target(%dma_start3A_397 : memref<120x128xf32, #tpu.memory_space<vmem>>) offsets(%dma_start3A_400 : memref<120xi32, #tpu.memory_space<vmem>>) semaphore(%arg10 : memref<!tpu.dma_semaphore, #tpu.memory_space<semaphore_mem>>)
      } else {
      }
      %dma_wait3A_303 = arith.constant 2 : i32
      %dma_wait3A_304 = arith.constant 2 : i32
      %dma_wait3A_305 = arith.constant 0 : i32
      %dma_wait3A_306 = arith.constant 0 : i32
      %dma_wait3A_307 = tpu.memref_slice %arg8[%dma_wait3A_304, %dma_wait3A_305, %dma_wait3A_306] : memref<3x120x128xf32, #tpu.memory_space<vmem>> -> memref<1x120x128xf32, #tpu.memory_space<vmem>>
      %dma_wait3A_308 = tpu.memref_squeeze %dma_wait3A_307 : memref<1x120x128xf32, #tpu.memory_space<vmem>> -> memref<120x128xf32, #tpu.memory_space<vmem>>
      %dma_wait3A_309 = arith.constant 0 : i32
      %dma_wait3A_310 = tpu.memref_slice %arg7[%dma_wait3A_303, %dma_wait3A_309] : memref<7x120xi32, #tpu.memory_space<vmem>> -> memref<1x120xi32, #tpu.memory_space<vmem>>
      %dma_wait3A_311 = tpu.memref_squeeze %dma_wait3A_310 : memref<1x120xi32, #tpu.memory_space<vmem>> -> memref<120xi32, #tpu.memory_space<vmem>>
      %dma_wait3A_312 = arith.constant 0 : i32
      %dma_wait3A_313 = arith.constant 0 : i32
      %dma_wait3A_314 = tpu.memref_slice %arg2[%dma_wait3A_312, %dma_wait3A_313] : memref<10000x128xf32, #tpu.memory_space<hbm>> -> memref<10000x128xf32, #tpu.memory_space<hbm>>
      tpu.wait_indirect_dma semaphore(%arg10 : memref<!tpu.dma_semaphore, #tpu.memory_space<semaphore_mem>>) src(%dma_wait3A_314 : memref<10000x128xf32, #tpu.memory_space<hbm>>) dst(%dma_wait3A_308 : memref<120x128xf32, #tpu.memory_space<vmem>>)
      %add3A_315 = arith.constant 3 : i32
      %add3A_316 = arith.addi %add3A_290, %add3A_315 : i32
      %lt3A_317 = arith.constant 84 : i32
      %lt3A_318 = arith.cmpi slt, %add3A_316, %lt3A_317 : i32
      %convert_element_type3A_319 = arith.extui %lt3A_318 : i1 to i32
      %cond3A_320 = arith.constant 0 : i32
      %cond3A_321 = arith.cmpi ne, %convert_element_type3A_319, %cond3A_320 : i32
      scf.if %cond3A_321 {
        %add3A_351 = arith.constant 3 : i32
        %add3A_352 = arith.addi %add3A_290, %add3A_351 : i32
        %add3A_353 = arith.constant 3 : i32
        %add3A_354 = arith.addi %add3A_290, %add3A_353 : i32
        %jit3A_355 = arith.constant 4 : i32
        %eq3A_356 = arith.constant 0 : i32
        %eq3A_357 = arith.cmpi eq, %jit3A_355, %eq3A_356 : i32
        %jit3A_358 = arith.constant 1 : i32
        %select_n3A_359 = arith.select %eq3A_357, %jit3A_358, %jit3A_355 : i32
        %rem3A_360 = arith.remsi %add3A_354, %select_n3A_359 : i32
        %ne3A_361 = arith.constant 0 : i32
        %ne3A_362 = arith.cmpi ne, %rem3A_360, %ne3A_361 : i32
        %lt3A_363 = arith.constant 0 : i32
        %lt3A_364 = arith.cmpi slt, %rem3A_360, %lt3A_363 : i32
        %lt3A_365 = arith.constant 0 : i32
        %lt3A_366 = arith.cmpi slt, %select_n3A_359, %lt3A_365 : i32
        %ne3A_367 = arith.xori %lt3A_364, %lt3A_366 : i1
        %and3A_368 = arith.andi %ne3A_367, %ne3A_362 : i1
        %add3A_369 = arith.addi %rem3A_360, %select_n3A_359 : i32
        %select_n3A_370 = arith.select %and3A_368, %add3A_369, %rem3A_360 : i32
        %mul3A_371 = arith.constant 84 : i32
        %mul3A_372 = arith.muli %add3A, %mul3A_371 : i32
        %add3A_373 = arith.addi %mul3A_372, %add3A_352 : i32
        %mul3A_374 = arith.constant 120 : i32
        %mul3A_375 = arith.muli %add3A_373, %mul3A_374 : i32
        %dma_start3A_376 = arith.constant 2 : i32
        %dma_start3A_377 = arith.constant 0 : i32
        %dma_start3A_378 = tpu.memref_slice %arg7[%dma_start3A_376, %dma_start3A_377] : memref<7x120xi32, #tpu.memory_space<vmem>> -> memref<1x120xi32, #tpu.memory_space<vmem>>
        %dma_start3A_379 = tpu.memref_squeeze %dma_start3A_378 : memref<1x120xi32, #tpu.memory_space<vmem>> -> memref<120xi32, #tpu.memory_space<vmem>>
        %dma_start3A_380 = tpu.memref_slice %arg3[%mul3A_375] : memref<322560xi32, #tpu.memory_space<hbm>> -> memref<120xi32, #tpu.memory_space<hbm>>
        %dma_start3A_381 = arith.constant 0 : i32
        %dma_start3A_382 = tpu.memref_slice %arg7[%dma_start3A_376, %dma_start3A_381] : memref<7x120xi32, #tpu.memory_space<vmem>> -> memref<1x120xi32, #tpu.memory_space<vmem>>
        %dma_start3A_383 = tpu.memref_squeeze %dma_start3A_382 : memref<1x120xi32, #tpu.memory_space<vmem>> -> memref<120xi32, #tpu.memory_space<vmem>>
        %dma_start3A_384 = tpu.memref_slice %arg3[%mul3A_375] : memref<322560xi32, #tpu.memory_space<hbm>> -> memref<120xi32, #tpu.memory_space<hbm>>
        tpu.enqueue_dma source(%dma_start3A_384 : memref<120xi32, #tpu.memory_space<hbm>>) target(%dma_start3A_383 : memref<120xi32, #tpu.memory_space<vmem>>) target_semaphore(%arg12 : memref<!tpu.dma_semaphore, #tpu.memory_space<semaphore_mem>>)
        %add3A_385 = arith.constant 3 : i32
        %add3A_386 = arith.addi %add3A_385, %select_n3A_370 : i32
        %dma_start3A_387 = arith.constant 0 : i32
        %dma_start3A_388 = tpu.memref_slice %arg7[%add3A_386, %dma_start3A_387] : memref<7x120xi32, #tpu.memory_space<vmem>> -> memref<1x120xi32, #tpu.memory_space<vmem>>
        %dma_start3A_389 = tpu.memref_squeeze %dma_start3A_388 : memref<1x120xi32, #tpu.memory_space<vmem>> -> memref<120xi32, #tpu.memory_space<vmem>>
        %dma_start3A_390 = tpu.memref_slice %arg4[%mul3A_375] : memref<322560xi32, #tpu.memory_space<hbm>> -> memref<120xi32, #tpu.memory_space<hbm>>
        %dma_start3A_391 = arith.constant 0 : i32
        %dma_start3A_392 = tpu.memref_slice %arg7[%add3A_386, %dma_start3A_391] : memref<7x120xi32, #tpu.memory_space<vmem>> -> memref<1x120xi32, #tpu.memory_space<vmem>>
        %dma_start3A_393 = tpu.memref_squeeze %dma_start3A_392 : memref<1x120xi32, #tpu.memory_space<vmem>> -> memref<120xi32, #tpu.memory_space<vmem>>
        %dma_start3A_394 = tpu.memref_slice %arg4[%mul3A_375] : memref<322560xi32, #tpu.memory_space<hbm>> -> memref<120xi32, #tpu.memory_space<hbm>>
        tpu.enqueue_dma source(%dma_start3A_394 : memref<120xi32, #tpu.memory_space<hbm>>) target(%dma_start3A_393 : memref<120xi32, #tpu.memory_space<vmem>>) target_semaphore(%arg12 : memref<!tpu.dma_semaphore, #tpu.memory_space<semaphore_mem>>)
      } else {
      }
      %jit3A_322 = arith.constant 4 : i32
      %eq3A_323 = arith.constant 0 : i32
      %eq3A_324 = arith.cmpi eq, %jit3A_322, %eq3A_323 : i32
      %jit3A_325 = arith.constant 1 : i32
      %select_n3A_326 = arith.select %eq3A_324, %jit3A_325, %jit3A_322 : i32
      %rem3A_327 = arith.remsi %add3A_290, %select_n3A_326 : i32
      %ne3A_328 = arith.constant 0 : i32
      %ne3A_329 = arith.cmpi ne, %rem3A_327, %ne3A_328 : i32
      %lt3A_330 = arith.constant 0 : i32
      %lt3A_331 = arith.cmpi slt, %rem3A_327, %lt3A_330 : i32
      %lt3A_332 = arith.constant 0 : i32
      %lt3A_333 = arith.cmpi slt, %select_n3A_326, %lt3A_332 : i32
      %ne3A_334 = arith.xori %lt3A_331, %lt3A_333 : i1
      %and3A_335 = arith.andi %ne3A_334, %ne3A_329 : i1
      %add3A_336 = arith.addi %rem3A_327, %select_n3A_326 : i32
      %select_n3A_337 = arith.select %and3A_335, %add3A_336, %rem3A_327 : i32
      %add3A_338 = arith.constant 3 : i32
      %add3A_339 = arith.addi %add3A_338, %select_n3A_337 : i32
      %dma_start3A_340 = arith.constant 2 : i32
      %dma_start3A_341 = arith.constant 0 : i32
      %dma_start3A_342 = arith.constant 0 : i32
      %dma_start3A_343 = tpu.memref_slice %arg8[%dma_start3A_340, %dma_start3A_341, %dma_start3A_342] : memref<3x120x128xf32, #tpu.memory_space<vmem>> -> memref<1x120x128xf32, #tpu.memory_space<vmem>>
      %dma_start3A_344 = tpu.memref_squeeze %dma_start3A_343 : memref<1x120x128xf32, #tpu.memory_space<vmem>> -> memref<120x128xf32, #tpu.memory_space<vmem>>
      %dma_start3A_345 = arith.constant 0 : i32
      %dma_start3A_346 = tpu.memref_slice %arg7[%add3A_339, %dma_start3A_345] : memref<7x120xi32, #tpu.memory_space<vmem>> -> memref<1x120xi32, #tpu.memory_space<vmem>>
      %dma_start3A_347 = tpu.memref_squeeze %dma_start3A_346 : memref<1x120xi32, #tpu.memory_space<vmem>> -> memref<120xi32, #tpu.memory_space<vmem>>
      %dma_start3A_348 = arith.constant 0 : i32
      %dma_start3A_349 = arith.constant 0 : i32
      %dma_start3A_350 = tpu.memref_slice %arg9[%dma_start3A_348, %dma_start3A_349] : memref<10112x128xf32, #tpu.memory_space<vmem_shared>> -> memref<10112x128xf32, #tpu.memory_space<vmem_shared>>
      tpu.enqueue_indirect_dma source(%dma_start3A_344 : memref<120x128xf32, #tpu.memory_space<vmem>>) target(%dma_start3A_350 : memref<10112x128xf32, #tpu.memory_space<vmem_shared>>) offsets(%dma_start3A_347 : memref<120xi32, #tpu.memory_space<vmem>>) semaphore(%arg11 : memref<!tpu.dma_semaphore, #tpu.memory_space<semaphore_mem>>) {add = true}
    }
    %scan3A_146 = arith.constant 28 : i32
    %dma_wait3A_147 = arith.constant 2 : i32
    %dma_wait3A_148 = arith.constant 6 : i32
    %dma_wait3A_149 = arith.constant 0 : i32
    %dma_wait3A_150 = arith.constant 0 : i32
    %dma_wait3A_151 = tpu.memref_slice %arg8[%dma_wait3A_147, %dma_wait3A_149, %dma_wait3A_150] : memref<3x120x128xf32, #tpu.memory_space<vmem>> -> memref<1x120x128xf32, #tpu.memory_space<vmem>>
    %dma_wait3A_152 = tpu.memref_squeeze %dma_wait3A_151 : memref<1x120x128xf32, #tpu.memory_space<vmem>> -> memref<120x128xf32, #tpu.memory_space<vmem>>
    %dma_wait3A_153 = arith.constant 0 : i32
    %dma_wait3A_154 = tpu.memref_slice %arg7[%dma_wait3A_148, %dma_wait3A_153] : memref<7x120xi32, #tpu.memory_space<vmem>> -> memref<1x120xi32, #tpu.memory_space<vmem>>
    %dma_wait3A_155 = tpu.memref_squeeze %dma_wait3A_154 : memref<1x120xi32, #tpu.memory_space<vmem>> -> memref<120xi32, #tpu.memory_space<vmem>>
    %dma_wait3A_156 = arith.constant 0 : i32
    %dma_wait3A_157 = arith.constant 0 : i32
    %dma_wait3A_158 = tpu.memref_slice %arg9[%dma_wait3A_156, %dma_wait3A_157] : memref<10112x128xf32, #tpu.memory_space<vmem_shared>> -> memref<10112x128xf32, #tpu.memory_space<vmem_shared>>
    tpu.wait_indirect_dma semaphore(%arg11 : memref<!tpu.dma_semaphore, #tpu.memory_space<semaphore_mem>>) src(%dma_wait3A_152 : memref<120x128xf32, #tpu.memory_space<vmem>>) dst(%dma_wait3A_158 : memref<10112x128xf32, #tpu.memory_space<vmem_shared>>)
    %barrier3A_159 = arith.constant 0 : index
    tpu.barrier barrier_id(%barrier3A_159)
    %mul3A_160 = arith.constant 624 : i32
    %mul3A_161 = arith.muli %arg1, %mul3A_160 : i32
    %mul3A_162 = arith.constant 10000 : i32
    %mul3A_163 = arith.muli %arg0, %mul3A_162 : i32
    %add3A_164 = arith.addi %mul3A_163, %mul3A_161 : i32
    "tpu.region"() ({
      %run_scoped3A = tpu.sem_alloc : memref<!tpu.dma_semaphore, #tpu.memory_space<semaphore_mem>>
      %dma_start3A_167 = arith.constant 0 : i32
      %dma_start3A_168 = tpu.memref_slice %arg6[%add3A_164, %dma_start3A_167] : memref<20000x128xf32, #tpu.memory_space<hbm>> -> memref<624x128xf32, #tpu.memory_space<hbm>>
      %dma_start3A_169 = arith.constant 0 : i32
      %dma_start3A_170 = tpu.memref_slice %arg9[%mul3A_161, %dma_start3A_169] : memref<10112x128xf32, #tpu.memory_space<vmem_shared>> -> memref<624x128xf32, #tpu.memory_space<vmem_shared>>
      tpu.enqueue_dma source(%dma_start3A_170 : memref<624x128xf32, #tpu.memory_space<vmem_shared>>) target(%dma_start3A_168 : memref<624x128xf32, #tpu.memory_space<hbm>>) target_semaphore(%run_scoped3A : memref<!tpu.dma_semaphore, #tpu.memory_space<semaphore_mem>>)
      %dma_wait3A_171 = arith.constant 0 : i32
      %dma_wait3A_172 = tpu.memref_slice %arg6[%add3A_164, %dma_wait3A_171] : memref<20000x128xf32, #tpu.memory_space<hbm>> -> memref<624x128xf32, #tpu.memory_space<hbm>>
      %dma_wait3A_173 = arith.constant 0 : i32
      %dma_wait3A_174 = tpu.memref_slice %arg9[%mul3A_161, %dma_wait3A_173] : memref<10112x128xf32, #tpu.memory_space<vmem_shared>> -> memref<624x128xf32, #tpu.memory_space<vmem_shared>>
      tpu.wait_dma2 semaphore(%run_scoped3A : memref<!tpu.dma_semaphore, #tpu.memory_space<semaphore_mem>>) src(%dma_wait3A_174 : memref<624x128xf32, #tpu.memory_space<vmem_shared>>) dst(%dma_wait3A_172 : memref<624x128xf32, #tpu.memory_space<hbm>>)
      tpu.yield
    }) : () -> ()
    %eq3A = arith.constant 15 : i32
    %eq3A_165 = arith.cmpi eq, %arg1, %eq3A : i32
    %convert_element_type3A = arith.extui %eq3A_165 : i1 to i32
    %cond3A = arith.constant 0 : i32
    %cond3A_166 = arith.cmpi ne, %convert_element_type3A, %cond3A : i32
    scf.if %cond3A_166 {
      %mul3A_167 = arith.constant 10000 : i32
      %mul3A_168 = arith.muli %arg0, %mul3A_167 : i32
      %add3A_169 = arith.constant 9984 : i32
      %add3A_170 = arith.addi %mul3A_168, %add3A_169 : i32
      "tpu.region"() ({
        %run_scoped3A = tpu.sem_alloc : memref<!tpu.dma_semaphore, #tpu.memory_space<semaphore_mem>>
        %dma_start3A_171 = arith.constant 0 : i32
        %dma_start3A_172 = tpu.memref_slice %arg6[%add3A_170, %dma_start3A_171] : memref<20000x128xf32, #tpu.memory_space<hbm>> -> memref<16x128xf32, #tpu.memory_space<hbm>>
        %dma_start3A_173 = arith.constant 9984 : i32
        %dma_start3A_174 = arith.constant 0 : i32
        %dma_start3A_175 = tpu.memref_slice %arg9[%dma_start3A_173, %dma_start3A_174] : memref<10112x128xf32, #tpu.memory_space<vmem_shared>> -> memref<16x128xf32, #tpu.memory_space<vmem_shared>>
        tpu.enqueue_dma source(%dma_start3A_175 : memref<16x128xf32, #tpu.memory_space<vmem_shared>>) target(%dma_start3A_172 : memref<16x128xf32, #tpu.memory_space<hbm>>) target_semaphore(%run_scoped3A : memref<!tpu.dma_semaphore, #tpu.memory_space<semaphore_mem>>)
        %dma_wait3A_176 = arith.constant 0 : i32
        %dma_wait3A_177 = tpu.memref_slice %arg6[%add3A_170, %dma_wait3A_176] : memref<20000x128xf32, #tpu.memory_space<hbm>> -> memref<16x128xf32, #tpu.memory_space<hbm>>
        %dma_wait3A_178 = arith.constant 9984 : i32
        %dma_wait3A_179 = arith.constant 0 : i32
        %dma_wait3A_180 = tpu.memref_slice %arg9[%dma_wait3A_178, %dma_wait3A_179] : memref<10112x128xf32, #tpu.memory_space<vmem_shared>> -> memref<16x128xf32, #tpu.memory_space<vmem_shared>>
        tpu.wait_dma2 semaphore(%run_scoped3A : memref<!tpu.dma_semaphore, #tpu.memory_space<semaphore_mem>>) src(%dma_wait3A_180 : memref<16x128xf32, #tpu.memory_space<vmem_shared>>) dst(%dma_wait3A_177 : memref<16x128xf32, #tpu.memory_space<hbm>>)
        tpu.yield
      }) : () -> ()
    } else {
    }
    return
  }
}

module attributes {stable_mosaic.version = 14 : i64} {
  func.func @_tc_combine_body(%arg0: i32, %arg1: memref<1000x128xf32, #tpu.memory_space<vmem>>, %arg2: memref<1000x128xf32, #tpu.memory_space<vmem>>, %arg3: memref<1000x128xf32, #tpu.memory_space<vmem>>, %arg4: memref<128x128xf32, #tpu.memory_space<vmem>>, %arg5: memref<1x128xf32, #tpu.memory_space<vmem>>, %arg6: memref<128x128xf32, #tpu.memory_space<vmem>>, %arg7: memref<1000x128xf32, #tpu.memory_space<vmem>>) attributes {dimension_semantics = [#tpu.dimension_semantics<arbitrary>], iteration_bounds = array<i64: 10>, scalar_prefetch = 0 : i64, scratch_operands = 0 : i64, tpu.core_type = #tpu.core_type<tc>, window_params = [{transform_indices = @transform_0, window_bounds = array<i64: 1000, 128>}, {transform_indices = @transform_1, window_bounds = array<i64: 1000, 128>}, {transform_indices = @transform_2, window_bounds = array<i64: 1000, 128>}, {pipeline_mode = #tpu.pipeline_mode<synchronous>, transform_indices = @transform_3, window_bounds = array<i64: 128, 128>}, {pipeline_mode = #tpu.pipeline_mode<synchronous>, transform_indices = @transform_4, window_bounds = array<i64: 1, 128>}, {pipeline_mode = #tpu.pipeline_mode<synchronous>, transform_indices = @transform_5, window_bounds = array<i64: 128, 128>}, {transform_indices = @transform_6, window_bounds = array<i64: 1000, 128>}]} {
    %get3A = arith.constant 0 : index
    %get3A_0 = arith.constant 0 : index
    %get3A_1 = vector.load %arg1[%get3A, %get3A_0] : memref<1000x128xf32, #tpu.memory_space<vmem>>, vector<1000x128xf32>
    %get3A_2 = arith.constant 0 : index
    %get3A_3 = arith.constant 0 : index
    %get3A_4 = vector.load %arg2[%get3A_2, %get3A_3] : memref<1000x128xf32, #tpu.memory_space<vmem>>, vector<1000x128xf32>
    %add3A = arith.addf %get3A_1, %get3A_4 : vector<1000x128xf32>
    %get3A_5 = arith.constant 0 : index
    %get3A_6 = arith.constant 0 : index
    %get3A_7 = vector.load %arg4[%get3A_5, %get3A_6] : memref<128x128xf32, #tpu.memory_space<vmem>>, vector<128x128xf32>
    %dot_general3A = arith.constant dense<0.000000e+00> : vector<1000x128xf32>
    %dot_general3A_8 = tpu.matmul %add3A, %get3A_7, %dot_general3A {dimension_numbers = #tpu.dot_dimension_numbers<[1], [0], [0], [1], [0, 0, 1, 1], [], []>, transpose_lhs_hint = false} : vector<1000x128xf32>, vector<128x128xf32>, vector<1000x128xf32> -> vector<1000x128xf32>
    %get3A_9 = arith.constant 0 : index
    %get3A_10 = arith.constant 0 : index
    %get3A_11 = vector.load %arg3[%get3A_9, %get3A_10] : memref<1000x128xf32, #tpu.memory_space<vmem>>, vector<1000x128xf32>
    %get3A_12 = arith.constant 0 : index
    %get3A_13 = arith.constant 0 : index
    %get3A_14 = vector.load %arg6[%get3A_12, %get3A_13] : memref<128x128xf32, #tpu.memory_space<vmem>>, vector<128x128xf32>
    %dot_general3A_15 = arith.constant dense<0.000000e+00> : vector<1000x128xf32>
    %dot_general3A_16 = tpu.matmul %get3A_11, %get3A_14, %dot_general3A_15 {dimension_numbers = #tpu.dot_dimension_numbers<[1], [0], [0], [1], [0, 0, 1, 1], [], []>, transpose_lhs_hint = false} : vector<1000x128xf32>, vector<128x128xf32>, vector<1000x128xf32> -> vector<1000x128xf32>
    %add3A_17 = arith.addf %dot_general3A_8, %dot_general3A_16 : vector<1000x128xf32>
    %get3A_18 = arith.constant 0 : index
    %get3A_19 = arith.constant 0 : index
    %get3A_20 = vector.load %arg5[%get3A_18, %get3A_19] : memref<1x128xf32, #tpu.memory_space<vmem>>, vector<1x128xf32>
    %add3A_21 = vector.broadcast %get3A_20 : vector<1x128xf32> to vector<1000x128xf32>
    %add3A_22 = arith.addf %add3A_17, %add3A_21 : vector<1000x128xf32>
    %swap3A = arith.constant 0 : index
    %swap3A_23 = arith.constant 0 : index
    %swap3A_24 = vector.load %arg7[%swap3A, %swap3A_23] : memref<1000x128xf32, #tpu.memory_space<vmem>>, vector<1000x128xf32>
    tpu.vector_store %arg7[%swap3A, %swap3A_23], %add3A_22 {strides = array<i32>} : memref<1000x128xf32, #tpu.memory_space<vmem>>, vector<1000x128xf32>,
    return
  }
  func.func @transform_0(%arg0: i32) -> (i32, i32) {
    %c0_i32 = arith.constant 0 : i32
    %c0_i32_0 = arith.constant 0 : i32
    return %arg0, %c0_i32 : i32, i32
  }
  func.func @transform_1(%arg0: i32) -> (i32, i32) {
    %add3A = arith.constant 10 : i32
    %add3A_0 = arith.addi %arg0, %add3A : i32
    %c0_i32 = arith.constant 0 : i32
    %c0_i32_1 = arith.constant 0 : i32
    return %add3A_0, %c0_i32 : i32, i32
  }
  func.func @transform_2(%arg0: i32) -> (i32, i32) {
    %c0_i32 = arith.constant 0 : i32
    %c0_i32_0 = arith.constant 0 : i32
    return %arg0, %c0_i32 : i32, i32
  }
  func.func @transform_3(%arg0: i32) -> (i32, i32) {
    %c0_i32 = arith.constant 0 : i32
    %c0_i32_0 = arith.constant 0 : i32
    %c0_i32_1 = arith.constant 0 : i32
    return %c0_i32, %c0_i32_0 : i32, i32
  }
  func.func @transform_4(%arg0: i32) -> (i32, i32) {
    %c0_i32 = arith.constant 0 : i32
    %c0_i32_0 = arith.constant 0 : i32
    %c0_i32_1 = arith.constant 0 : i32
    return %c0_i32, %c0_i32_0 : i32, i32
  }
  func.func @transform_5(%arg0: i32) -> (i32, i32) {
    %c0_i32 = arith.constant 0 : i32
    %c0_i32_0 = arith.constant 0 : i32
    %c0_i32_1 = arith.constant 0 : i32
    return %c0_i32, %c0_i32_0 : i32, i32
  }
  func.func @transform_6(%arg0: i32) -> (i32, i32) {
    %c0_i32 = arith.constant 0 : i32
    %c0_i32_0 = arith.constant 0 : i32
    return %arg0, %c0_i32 : i32, i32
  }
}

module attributes {stable_mosaic.version = 14 : i64} {
  func.func @_tc_combine_body(%arg0: i32, %arg1: memref<1000x128xf32, #tpu.memory_space<vmem>>, %arg2: memref<1000x128xf32, #tpu.memory_space<vmem>>, %arg3: memref<1000x128xf32, #tpu.memory_space<vmem>>, %arg4: memref<128x128xf32, #tpu.memory_space<vmem>>, %arg5: memref<1x128xf32, #tpu.memory_space<vmem>>, %arg6: memref<128x128xf32, #tpu.memory_space<vmem>>, %arg7: memref<1000x128xf32, #tpu.memory_space<vmem>>) attributes {dimension_semantics = [#tpu.dimension_semantics<arbitrary>], iteration_bounds = array<i64: 10>, scalar_prefetch = 0 : i64, scratch_operands = 0 : i64, tpu.core_type = #tpu.core_type<tc>, window_params = [{transform_indices = @transform_0, window_bounds = array<i64: 1000, 128>}, {transform_indices = @transform_1, window_bounds = array<i64: 1000, 128>}, {transform_indices = @transform_2, window_bounds = array<i64: 1000, 128>}, {pipeline_mode = #tpu.pipeline_mode<synchronous>, transform_indices = @transform_3, window_bounds = array<i64: 128, 128>}, {pipeline_mode = #tpu.pipeline_mode<synchronous>, transform_indices = @transform_4, window_bounds = array<i64: 1, 128>}, {pipeline_mode = #tpu.pipeline_mode<synchronous>, transform_indices = @transform_5, window_bounds = array<i64: 128, 128>}, {transform_indices = @transform_6, window_bounds = array<i64: 1000, 128>}]} {
    %get3A = arith.constant 0 : index
    %get3A_0 = arith.constant 0 : index
    %get3A_1 = vector.load %arg1[%get3A, %get3A_0] : memref<1000x128xf32, #tpu.memory_space<vmem>>, vector<1000x128xf32>
    %get3A_2 = arith.constant 0 : index
    %get3A_3 = arith.constant 0 : index
    %get3A_4 = vector.load %arg2[%get3A_2, %get3A_3] : memref<1000x128xf32, #tpu.memory_space<vmem>>, vector<1000x128xf32>
    %add3A = arith.addf %get3A_1, %get3A_4 : vector<1000x128xf32>
    %get3A_5 = arith.constant 0 : index
    %get3A_6 = arith.constant 0 : index
    %get3A_7 = vector.load %arg4[%get3A_5, %get3A_6] : memref<128x128xf32, #tpu.memory_space<vmem>>, vector<128x128xf32>
    %dot_general3A = arith.constant dense<0.000000e+00> : vector<1000x128xf32>
    %dot_general3A_8 = tpu.matmul %add3A, %get3A_7, %dot_general3A {dimension_numbers = #tpu.dot_dimension_numbers<[1], [0], [0], [1], [0, 0, 1, 1], [], []>, transpose_lhs_hint = false} : vector<1000x128xf32>, vector<128x128xf32>, vector<1000x128xf32> -> vector<1000x128xf32>
    %get3A_9 = arith.constant 0 : index
    %get3A_10 = arith.constant 0 : index
    %get3A_11 = vector.load %arg3[%get3A_9, %get3A_10] : memref<1000x128xf32, #tpu.memory_space<vmem>>, vector<1000x128xf32>
    %get3A_12 = arith.constant 0 : index
    %get3A_13 = arith.constant 0 : index
    %get3A_14 = vector.load %arg6[%get3A_12, %get3A_13] : memref<128x128xf32, #tpu.memory_space<vmem>>, vector<128x128xf32>
    %dot_general3A_15 = arith.constant dense<0.000000e+00> : vector<1000x128xf32>
    %dot_general3A_16 = tpu.matmul %get3A_11, %get3A_14, %dot_general3A_15 {dimension_numbers = #tpu.dot_dimension_numbers<[1], [0], [0], [1], [0, 0, 1, 1], [], []>, transpose_lhs_hint = false} : vector<1000x128xf32>, vector<128x128xf32>, vector<1000x128xf32> -> vector<1000x128xf32>
    %add3A_17 = arith.addf %dot_general3A_8, %dot_general3A_16 : vector<1000x128xf32>
    %get3A_18 = arith.constant 0 : index
    %get3A_19 = arith.constant 0 : index
    %get3A_20 = vector.load %arg5[%get3A_18, %get3A_19] : memref<1x128xf32, #tpu.memory_space<vmem>>, vector<1x128xf32>
    %add3A_21 = vector.broadcast %get3A_20 : vector<1x128xf32> to vector<1000x128xf32>
    %add3A_22 = arith.addf %add3A_17, %add3A_21 : vector<1000x128xf32>
    %max3A = arith.constant 0.000000e+00 : f32
    %max3A_23 = vector.broadcast %max3A : f32 to vector<1000x128xf32>
    %max3A_24 = arith.maximumf %add3A_22, %max3A_23 : vector<1000x128xf32>
    %swap3A = arith.constant 0 : index
    %swap3A_25 = arith.constant 0 : index
    %swap3A_26 = vector.load %arg7[%swap3A, %swap3A_25] : memref<1000x128xf32, #tpu.memory_space<vmem>>, vector<1000x128xf32>
    tpu.vector_store %arg7[%swap3A, %swap3A_25], %max3A_24 {strides = array<i32>} : memref<1000x128xf32, #tpu.memory_space<vmem>>, vector<1000x128xf32>,
    return
  }
  func.func @transform_0(%arg0: i32) -> (i32, i32) {
    %c0_i32 = arith.constant 0 : i32
    %c0_i32_0 = arith.constant 0 : i32
    return %arg0, %c0_i32 : i32, i32
  }
  func.func @transform_1(%arg0: i32) -> (i32, i32) {
    %add3A = arith.constant 10 : i32
    %add3A_0 = arith.addi %arg0, %add3A : i32
    %c0_i32 = arith.constant 0 : i32
    %c0_i32_1 = arith.constant 0 : i32
    return %add3A_0, %c0_i32 : i32, i32
  }
  func.func @transform_2(%arg0: i32) -> (i32, i32) {
    %c0_i32 = arith.constant 0 : i32
    %c0_i32_0 = arith.constant 0 : i32
    return %arg0, %c0_i32 : i32, i32
  }
  func.func @transform_3(%arg0: i32) -> (i32, i32) {
    %c0_i32 = arith.constant 0 : i32
    %c0_i32_0 = arith.constant 0 : i32
    %c0_i32_1 = arith.constant 0 : i32
    return %c0_i32, %c0_i32_0 : i32, i32
  }
  func.func @transform_4(%arg0: i32) -> (i32, i32) {
    %c0_i32 = arith.constant 0 : i32
    %c0_i32_0 = arith.constant 0 : i32
    %c0_i32_1 = arith.constant 0 : i32
    return %c0_i32, %c0_i32_0 : i32, i32
  }
  func.func @transform_5(%arg0: i32) -> (i32, i32) {
    %c0_i32 = arith.constant 0 : i32
    %c0_i32_0 = arith.constant 0 : i32
    %c0_i32_1 = arith.constant 0 : i32
    return %c0_i32, %c0_i32_0 : i32, i32
  }
  func.func @transform_6(%arg0: i32) -> (i32, i32) {
    %c0_i32 = arith.constant 0 : i32
    %c0_i32_0 = arith.constant 0 : i32
    return %arg0, %c0_i32 : i32, i32
  }
}

</mosaic_0001>

<sc_bundles>
// kernel: kernel.11.cloned.1.call-start
scs
__scs_entry_jumppad:
0x0: {  	(pc) =	sbr.rel $0x88, $3  }
0x1: {  	(tag) =	ssettag $0x0;
	lr =	simm.s32 $0x1  }
0x2: {  	[smem:$0x3F96] =	sst lr;
	_ =	strace $0xD0000000  }
0x3: {  	_ = 	snop  }
0x4: {  	_ = 	snop  }
0x5: {  	_ = 	snop  }
0x6: {  	_ = 	snop  }
0x7: {  	_ = 	snop  }
__scs_overlays_trampoline_lowered:
0x8: {  	[smem:$0x3FA5] =	sst s0  }
0x9: {  	[smem:$0x3FA6] =	sst s1  }
0xa: {  	[smem:$0x3FA7] =	sst s2  }
0xb: {  	[smem:$0x3FA8] =	sst s3  }
0xc: {  	[smem:$0x3FA9] =	sst s4  }
0xd: {  	[smem:$0x3FAA] =	sst s5  }
0xe: {  	[smem:$0x3FAB] =	sst s6  }
0xf: {  	[smem:$0x3FAC] =	sst s7  }
0x10: {  	[smem:$0x3FAD] =	sst s8  }
0x11: {  	[smem:$0x3FAE] =	sst s9;
	s0 =	simm.s32 @!p0 $0x0  }
0x12: {  	s1 =	sld [smem:$0x3F94];
	s0 =	simm.s32 @p0 $0x1  }
0x13: {  	[smem:$0x3FAF] =	sst s0;
	s0 =	simm.s32 @!p1 $0x0  }
0x14: {  	s2 =	sld [smem:$0x3F93];
	s0 =	simm.s32 @p1 $0x1  }
0x15: {  	[smem:$0x3FB0] =	sst s0;
	s0 =	simm.s32 @!p2 $0x0  }
0x16: {  	s3 =	sld [smem:$0x3FDB];
	s0 =	simm.s32 @p2 $0x1  }
0x17: {  	s4 =	simm.s32 $0x1BF5;
	[smem:$0x3FB2] =	sst s0  }
0x18: {  	s0 =	sld [smem:$0x3F95];
	_ =	swait.ge [sflag:s4], $0x0  }
0x19: {  	s7 =	sld [smem:$0x3F96]  }
0x1a: {  	s8 =	sadd.s32 $0xFFFFE003, lr  }
0x1b: {  	s9 =	sadd.s32 $0xFFFFFEF7, lr;
	s5 =	simm.s32 $0xFFFFFFFF;
	p2 =	slt.u32 s8, $0xFFFFF086  }
0x1c: {  	p1 =	slt.u32 s9, $0xF7A;
	s5 =	simm.s32 @!p2 $0x0  }
0x1d: {  	s5 =	simm.s32 @p1 $0x1;
	p0 =	seq.s32 s7, s2  }
0x1e: {  	s7 =	smul.u32 @!p0 $0xF7A, s2;
	p2 =	seq.s32 @!p0 s5, $0x0  }
0x1f: {  	s9 =	smul.u32 $0xF7A, s1;
	s8 =	simm.s32 @!p0 $0x1BF5;
	p2 =	por !p2, p0  }
0x20: {  	[sflag:s8] =	ssyncset.s32 @!p0 $0xFFFFF086;
	s6 =	sadd.s32 @!p0 s3, s7;
	s7 =	simm.s32 @!p0 $0x108  }
0x21: {  	s3 =	sadd.s32 s3, s9;
	s6 =	sadd.s32 @!p0 $0x88, s6;
	s7 =	simm.s32 @p2 $0x1082  }
0x22: {  	[simem:s7], [sflag:s8] =	dma.local @!p0 [hbm:s6], $0xF7A  }
0x23: {  	s9 =	sor.u32 $0xD0000000, s2;
	s6 =	simm.s32 $0x108;
	_ =	swait.ge @!p0 [sflag:s8], $0x0  }
0x24: {  	s3 =	sadd.s32 $0x88, s3;
	s6 =	simm.s32 @!p1 $0x1082;
	[sflag:s4] =	ssyncset.s32 $0xFFFFF086  }
0x25: {  	[simem:s6], [sflag:s4] =	dma.local [hbm:s3], $0xF7A  }
0x26: {  	[smem:$0x3F96] =	sst s1;
	(tag) =	ssettag s2;
	_ =	strace s9  }
0x27: {  	s1 =	sld [smem:$0x3FA6]  }
0x28: {  	s2 =	sld [smem:$0x3FA7]  }
0x29: {  	s4 =	sld [smem:$0x3FA9]  }
0x2a: {  	p0 =	seq.s32 s5, $0x0;
	s5 =	sld [smem:$0x3FAA]  }
0x2b: {  	s6 =	sld [smem:$0x3FAB]  }
0x2c: {  	s7 =	sld [smem:$0x3FAC]  }
0x2d: {  	s3 =	simm.s32 $0x108;
	s8 =	sld [smem:$0x3FAD]  }
0x2e: {  	s3 =	simm.s32 @!p0 $0x1082;
	s9 =	sld [smem:$0x3FAE]  }
0x2f: {  	lr =	sadd.s32 s0, s3;
	s0 =	sld [smem:$0x3FA5]  }
0x30: {  	s3 =	sld [smem:$0x3FA8]  }
0x31: {  	[smem:$0x3FB1] =	sst s10  }
0x32: {  	s10 =	sld [smem:$0x3FAF];
	_ =	sdelay $0x3  }
0x33: {  	p0 =	seq.s32 s10, $0x1;
	s10 =	sld [smem:$0x3FB1];
	_ =	sdelay $0x3  }
0x34: {  	[smem:$0x3FB1] =	sst s10  }
0x35: {  	s10 =	sld [smem:$0x3FB0];
	_ =	sdelay $0x3  }
0x36: {  	p1 =	seq.s32 s10, $0x1;
	s10 =	sld [smem:$0x3FB1];
	_ =	sdelay $0x3  }
0x37: {  	[smem:$0x3FB1] =	sst s10  }
0x38: {  	s10 =	sld [smem:$0x3FB2]  }
0x39: {  	_ = 	snop;
	(pc) =	sbr.ind lr, $3  }
0x3a: {  	_ = 	snop  }
0x3b: {  	_ = 	snop  }
0x3c: {  	p2 =	seq.s32 s10, $0x1;
	s10 =	sld [smem:$0x3FB1]  }
0x3d: {  	_ =	shalt  }
0x3e: {  	_ =	shalt  }
0x3f: {  	_ =	shalt  }
0x40: {  	_ =	shalt  }
0x41: {  	_ =	shalt  }
0x42: {  	_ =	shalt  }
0x43: {  	_ =	shalt  }
0x44: {  	_ =	shalt  }
0x45: {  	_ =	shalt  }
0x46: {  	_ =	shalt  }
0x47: {  	_ =	shalt  }
0x48: {  	_ =	shalt  }
0x49: {  	_ =	shalt  }
0x4a: {  	_ =	shalt  }
0x4b: {  	_ =	shalt  }
0x4c: {  	_ =	shalt  }
0x4d: {  	_ =	shalt  }
0x4e: {  	_ =	shalt  }
0x4f: {  	_ =	shalt  }
0x50: {  	_ =	shalt  }
0x51: {  	_ =	shalt  }
0x52: {  	_ =	shalt  }
0x53: {  	_ =	shalt  }
0x54: {  	_ =	shalt  }
0x55: {  	_ =	shalt  }
0x56: {  	_ =	shalt  }
0x57: {  	_ =	shalt  }
0x58: {  	_ =	shalt  }
0x59: {  	_ =	shalt  }
0x5a: {  	_ =	shalt  }
0x5b: {  	_ =	shalt  }
0x5c: {  	_ =	shalt  }
0x5d: {  	_ =	shalt  }
0x5e: {  	_ =	shalt  }
0x5f: {  	_ =	shalt  }
0x60: {  	_ =	shalt  }
0x61: {  	_ =	shalt  }
0x62: {  	_ =	shalt  }
0x63: {  	_ =	shalt  }
0x64: {  	_ =	shalt  }
0x65: {  	_ =	shalt  }
0x66: {  	_ =	shalt  }
0x67: {  	_ =	shalt  }
0x68: {  	_ =	shalt  }
0x69: {  	_ =	shalt  }
0x6a: {  	_ =	shalt  }
0x6b: {  	_ =	shalt  }
0x6c: {  	_ =	shalt  }
0x6d: {  	_ =	shalt  }
0x6e: {  	_ =	shalt  }
0x6f: {  	_ =	shalt  }
0x70: {  	_ =	shalt  }
0x71: {  	_ =	shalt  }
0x72: {  	_ =	shalt  }
0x73: {  	_ =	shalt  }
0x74: {  	_ =	shalt  }
0x75: {  	_ =	shalt  }
0x76: {  	_ =	shalt  }
0x77: {  	_ =	shalt  }
0x78: {  	_ =	shalt  }
0x79: {  	_ =	shalt  }
0x7a: {  	_ =	shalt  }
0x7b: {  	_ =	shalt  }
0x7c: {  	_ =	shalt  }
0x7d: {  	_ =	shalt  }
0x7e: {  	_ =	shalt  }
0x7f: {  	_ =	shalt  }
0x80: {  	_ =	shalt  }
0x81: {  	_ =	shalt  }
0x82: {  	_ =	shalt  }
0x83: {  	_ =	shalt  }
0x84: {  	_ =	shalt  }
0x85: {  	_ =	shalt  }
0x86: {  	_ =	shalt  }
0x87: {  	_ =	shalt  }
.Lfunc_end0:
.L_simem_size_0:
called_computation.1_lowered:
.L_overlay_start_0:
0x88: {  	s2 =	sld [smem:$0x3FD9]  }
0x89: {  	s3 =	sld [smem:$0x3FFE];
	_ =	sdelay $0x1  }
0x8a: {  	s1 =	srdreg.scid  }
0x8b: {  	s0 =	sand.u32 $0x1, s1  }
0x8c: {  	s17 =	sshll.u32 s0, $0xA;
	s2 =	sadd.s32 s3, s2  }
0x8d: {  	s2 =	sadd.s32 s2, s17  }
0x8e: {  	[smem:$0x3FBD] =	sst s2  }
0x8f: {  	_ = 	snop  }
0x90: {  	s2 =	sld [smem:$0x3FD0];
	(tm) =	ssettm $0x1  }
0x91: {  	s18 =	sld [smem:$0x3FFB];
	_ =	sdelay $0x3  }
0x92: {  	_ =	strace s18  }
0x93: {  	s3 =	sld [smem:$0x3FFC];
	_ =	sdelay $0x3  }
0x94: {  	_ =	strace s3  }
0x95: {  	s3 =	sld [smem:$0x3FFD];
	_ =	sdelay $0x3  }
0x96: {  	_ =	strace s3  }
0x97: {  	_ =	strace $0x8FFFFFFF  }
0x98: {  	s19 =	sld [smem:$0x3FDB];
	_ =	sdelay $0x1  }
0x99: {  	s4 =	simm.s32 $_scs_section_size  }
0x9a: {  	s5 =	simm.s32 $_size__tile_overlayer_lowered;
	s6 =	simm.s32 $_tile_overlayer_lowered  }
0x9b: {  	s22 =	simm.s32 $0x1BFF;
	s21 =	sshll.u32 s6, $0x1;
	s3 =	sadd.s32 s4, s19  }
0x9c: {  	s7 =	simm.s32 $0x0;
	s20 =	sshll.u32 s5, $0x1;
	s5 =	sadd.s32 s21, s3  }
0x9d: {  	[timem:s7], [sflag:s22] =	dma.local [hbm:s5], s20  }
0x9e: {  	_ =	swait.ge [sflag:s22], s20  }
0x9f: {  	s4 =	ssub.s32 $0x0, s20;
	[sflag:s22] =	ssyncset.done $0x0  }
0xa0: {  	[sflag:s22] =	ssyncadd.s32 s4;
	_ =	sdelay $0x1  }
0xa1: {  	s23 =	simm.s32 $0x1B8B  }
0xa2: {  	_ =	swait.ge [sflag:s23], $0x1  }
0xa3: {  	[sflag:s23] =	ssyncset.done $0x0  }
0xa4: {  	s25 =	simm.s32 $0x1B8E;
	s24 =	sld [smem:$0x3FFE];
	[sflag:s23] =	ssyncadd.s32 $0xFFFFFFFF  }
0xa5: {  	s26 =	simm.s32 $execute0_lowered;
	[smem:$0x3FD2] =	sst s25  }
0xa6: {  	s5 =	sshll.u32 s26, $0x1;
	_ =	strace $0x80000049;
	[dreg:$0x1] =	wrdreg $0xFFFFFFFF  }
0xa7: {  	s28 =	simm.s32 $_size_execute0_lowered;
	s3 =	sadd.s32 s3, s5;
	[dreg:$0x0] =	wrdreg $0x0  }
0xa8: {  	s5 =	sshll.u32 s28, $0x1;
	[dreg:$0x2] =	wrdreg s3  }
0xa9: {  	[dreg:$0x3] =	wrdreg s5  }
0xaa: {  	[dreg:$0x4] =	wrdreg $0xC0  }
0xab: {  	_ =	task [dreg:s7], $0x5FFFF  }
0xac: {  	[dreg:$0x1] =	wrdreg $0xFFFFFFFF  }
0xad: {  	[dreg:$0x0] =	wrdreg $0x60  }
0xae: {  	[dreg:$0x2] =	wrdreg s2  }
0xaf: {  	[dreg:$0x3] =	wrdreg s24  }
0xb0: {  	[dreg:$0x4] =	wrdreg $0xB8000  }
0xb1: {  	[dreg:$0x5] =	wrdreg $0x9  }
0xb2: {  	_ =	task.clear_ibuf [dreg:s7], $0x6FFFF;
	_ =	strace $0x90000049  }
0xb3: {  	s29 =	simm.s32 $0x9;
	_ =	strace $0x8000004B  }
0xb4: {  	_ =	swait.ge [sflag:s29], $0x1  }
0xb5: {  	[sflag:s29] =	ssyncadd.s32 $0xFFFFFFFF  }
0xb6: {  	_ =	strace $0x9000004B  }
0xb7: {  	_ =	sfence  }
0xb8: {  	s30 =	sld [smem:$0x0];
	_ =	sdelay $0x2  }
0xb9: {  	s31 =	sshll.u32 s1, $0xD;
	s1 =	sshrl.u32 s1, $0x2  }
0xba: {  	s3 =	sand.u32 $0x4000, s31;
	s1 =	sadd.s32 s1, s30  }
0xbb: {  	s0 =	sor.u32 s3, s0;
	s1 =	sshll.u32 s1, $0x11  }
0xbc: {  	s0 =	sor.u32 s1, s0  }
0xbd: {  	s0 =	sadd.s32 $0x8F2B, s0  }
0xbe: {  	[sflag:s0] =	ssyncadd.remote.s32 $0x1  }
0xbf: {  	_ =	sfence.sel $0xFFFF  }
0xc0: {  	[dreg:$0x0] =	wrdreg $0xFFFFFFFF;
	(pc) =	sbr.abs _section_cstart, $3  }
0xc1: {  	[dreg:$0x1] =	wrdreg $0xFFFFFFFF  }
0xc2: {  	_ =	task.clear_ibuf [dreg:s7], $0x2FFFF;
	_ =	strace $0x9FFFFFFF  }
0xc3: {  	(tm) =	ssettm $0x7FFFFFFF  }
tec
execute0_lowered:
.L_overlay_start_1:
0x0: {  	(tag) =	ssettag $0x1  }
0x1: {  	s1 =	rddreg [dreg:$0x0]  }
0x2: {  	s0 =	rddreg [dreg:$0x1]  }
0x3: {  	s2 =	rddreg [dreg:$0x2];
	s3 =	srdreg.scid;
	s4 =	simm.s32 $0x0  }
0x4: {  	s17 =	stileid.u32;
	s20 =	simm.s32 $0x3;
	s21 =	simm.s32 $0x78  }
0x5: {  	s28 =	simm.s32 $0x4;
	s29 =	simm.s32 $0x7C00;
	s6 =	smul.u32 $0x2780, s17  }
0x6: {  	s30 =	simm.s32 $0x1;
	s31 =	simm.s32 $0x2;
	s25 =	smul.u32 $0x4F000, s17  }
0x7: {  	s3 =	sand.u32 $0x1, s3;
	[smem:$0x7FF] =	sst s4;
	s12 =	smul.u32 $0x4E000, s17  }
0x8: {  	s7 =	sadd.s32 $0x2E00, s0;
	s13 =	sadd.s32 $0xCC00, s0;
	s15 =	smul.u32 $0x2700, s17  }
0x9: {  	p0 =	sne.s32 s17, $0xF;
	s5 =	sshll.u32 s3, $0x4;
	s26 =	smul.u32 $0x27100, s3  }
0xa: {  	_ =	strace $0x8000004A;
	s9 =	ssub.s32 $0x2, s3;
	s16 =	smul.u32 $0x138800, s3  }
0xb: {  	s3 =	smul.u32 $0x4EC0, s3;
	s5 =	sor.u32 s17, s5;
	s6 =	sadd.s32 s6, s0  }
0xc: {  	s0 =	sadd.s32 $0x3E200, s0;
	s10 =	sshrl.u32 s9, $0x1;
	s8 =	smul.u32 $0x4EC, s5  }
0xd: {  	s11 =	sshrl.u32 s25, $0x2;
	s5 =	smul.u32 $0x2760, s5;
	s14 =	ssub.s32 s9, s10  }
0xe: {  	s19 =	sadd.s32 s11, s2;
	s6 =	sadd.s32 $0x16A00, s6;
	s16 =	sshrl.u32 s16, $0x3  }
0xf: {  	[dreg:$0xc] =	wrdreg s6;
	s25 =	sshrl.u32 s19, $0x3;
	s22 =	sadd.s32 s7, s8  }
0x10: {  	s23 =	sadd.s32 $0x78, s5;
	s8 =	sadd.s32 s13, s8;
	[dreg:$0x10] =	wrdreg s25  }
0x11: {  	s5 =	sshrl.u32 s5, $0x3;
	[dreg:$0x6] =	wrdreg s22;
	s24 =	sshrl.u32 s23, $0x3  }
0x12: {  	[dreg:$0x7] =	wrdreg s8;
	s5 =	sadd.s32 $0x1E, s5;
	s9 =	sadd.s32 s7, s24  }
0x13: {  	s22 =	sshrl.u32 s12, $0x2;
	s8 =	sadd.s32 s13, s24;
	[dreg:$0x8] =	wrdreg s9  }
0x14: {  	s23 =	smul.u32 $0x4EC, s17;
	s18 =	sadd.s32 s7, s5;
	[dreg:$0x9] =	wrdreg s8  }
0x15: {  	s5 =	sadd.s32 s13, s5;
	s6 =	sadd.s32 s22, s2;
	[dreg:$0xa] =	wrdreg s18  }
0x16: {  	s7 =	sadd.s32 s3, s7;
	s24 =	smax.u32 s14, $0x1;
	[dreg:$0xb] =	wrdreg s5  }
0x17: {  	s3 =	sadd.s32 s3, s13;
	s7 =	sadd.s32 s23, s7;
	[dreg:$0xf] =	wrdreg s24  }
0x18: {  	s8 =	sadd.s32 s15, s26;
	s3 =	sadd.s32 s23, s3;
	[dreg:$0x4] =	wrdreg s7  }
0x19: {  	s18 =	simm.s32 $0x100;
	s26 =	sshrl.u32 s6, $0x3;
	[dreg:$0x5] =	wrdreg s3  }
0x1a: {  	s8 =	sadd.s32 s0, s8;
	s0 =	sadd.s32 s0, s16;
	[dreg:$0x11] =	wrdreg s26  }
0x1b: {  	[dreg:$0xd] =	wrdreg s8;
	s8 =	sadd.s32 $0x138000, s2;
	s0 =	sadd.s32 $0x27000, s0  }
0x1c: {  	[dreg:$0xe] =	wrdreg s0;
	s25 =	sshrl.u32 @!p0 s8, $0x3;
	s0 =	simm.s32 $0x0  }
.LBB2_1:
0x1d: {  	s3 =	rddreg [dreg:$0x6]  }
0x1e: {  	[tilespmem:s4], [sflag:$0x3] =	stream.linear.gather [hbm4b:s3+s4], $0x78, $0x38;
	[tilespmem:$0x1F400] =	vst v63  }
0x1f: {  	s10 =	rddreg [dreg:$0x7];
	s5 =	simm.s32 $0x180  }
0x20: {  	[tilespmem:s5], [sflag:$0x3] =	stream.linear.gather [hbm4b:s10+s4], $0x78, $0x38;
	[tilespmem:$0x1F400] =	vst v63  }
0x21: {  	s11 =	rddreg [dreg:$0x8];
	s12 =	simm.s32 $0x80  }
0x22: {  	[tilespmem:s12], [sflag:$0x3] =	stream.linear.gather [hbm4b:s11+s4], $0x78, $0x38;
	[tilespmem:$0x1F400] =	vst v63  }
0x23: {  	s13 =	rddreg [dreg:$0x9];
	s6 =	simm.s32 $0x200  }
0x24: {  	[tilespmem:s6], [sflag:$0x3] =	stream.linear.gather [hbm4b:s13+s4], $0x78, $0x38;
	[tilespmem:$0x1F400] =	vst v63  }
0x25: {  	s14 =	rddreg [dreg:$0xa]  }
0x26: {  	[tilespmem:s18], [sflag:$0x3] =	stream.linear.gather [hbm4b:s14+s4], $0x78, $0x38;
	[tilespmem:$0x1F400] =	vst v63  }
0x27: {  	s15 =	rddreg [dreg:$0xb];
	s16 =	simm.s32 $0x280  }
0x28: {  	[tilespmem:s16], [sflag:$0x3] =	stream.linear.gather [hbm4b:s15+s4], $0x78, $0x38;
	[tilespmem:$0x1F400] =	vst v63  }
0x29: {  	_ =	swait.ge [sflag:s20], $0x78  }
0x2a: {  	[sflag:s20] =	ssyncset.done $0x0  }
0x2b: {  	[sflag:s20] =	ssyncadd.s32 $0xFFFFFF88  }
0x2c: {  	_ =	swait.ge [sflag:s20], $0x78  }
0x2d: {  	[sflag:s20] =	ssyncset.done $0x0  }
0x2e: {  	s17 =	simm.s32 $0x400;
	[sflag:s20] =	ssyncadd.s32 $0xFFFFFF88  }
0x2f: {  	[tilespmem:s17], [sflag:$0x1] =	stream.indirect.gather [hbm4b:s1+s21], $0x80, s4, s21, $0xb8;
	[tilespmem:$0x1F400] =	vst v63  }
0x30: {  	_ =	swait.ge [sflag:s20], $0x78  }
0x31: {  	[sflag:s20] =	ssyncset.done $0x0  }
0x32: {  	[sflag:s20] =	ssyncadd.s32 $0xFFFFFF88  }
0x33: {  	s19 =	simm.s32 $0x4000;
	s22 =	stileid.u32;
	_ =	swait.ge [sflag:s20], $0x78  }
0x34: {  	s3 =	sshll.u32 s22, $0x6;
	[sflag:s20] =	ssyncset.done $0x0;
	s23 =	rddreg [dreg:$0xc]  }
0x35: {  	s15 =	sor.u32 $0x1C04, s3;
	s24 =	rddreg [dreg:$0x10];
	[sflag:s20] =	ssyncadd.s32 $0xFFFFFF88  }
0x36: {  	[tilespmem:s19], [sflag:$0x1] =	stream.indirect.gather [hbm4b:s1+s21], $0x80, s12, s21, $0xb8;
	[tilespmem:$0x1F400] =	vst v63  }
0x37: {  	[spmem:s24], [sflag:s15] =	dma.local [hbm:s23], $0x2780  }
0x38: {  	_ =	swait.ge [sflag:s28], $0x2780  }
0x39: {  	p1 =	por $0x1, $0x1;
	[sflag:s28] =	ssyncset.done $0x0  }
0x3a: {  	p1 =	por p1, p1;
	[sflag:s28] =	ssyncadd.s32 $0xFFFFD880  }
0x3b: {  	s3 =	simm.s32 @!p1 $0x2;
	[bflag:$0x0] =	sbarrier.arrive $0xFFFF  }
0x3c: {  	_ =	swait.ge @!p1 [sflag:s3], $0x3C00  }
0x3d: {  	[sflag:s3] =	ssyncset.done @!p1 $0x0  }
0x3e: {  	[sflag:s3] =	ssyncadd.s32 @!p1 $0xFFFFC400  }
0x3f: {  	_ =	swait.ge [sflag:s20], $0x78  }
0x40: {  	[sflag:s20] =	ssyncset.done $0x0  }
0x41: {  	[sflag:s20] =	ssyncadd.s32 $0xFFFFFF88  }
0x42: {  	_ =	swait.ge [sflag:s20], $0x78  }
0x43: {  	[sflag:s20] =	ssyncset.done $0x0  }
0x44: {  	p1 =	por $0x1, $0x1;
	[sflag:s20] =	ssyncadd.s32 $0xFFFFFF88  }
0x45: {  	[tilespmem:s29], [sflag:$0x1] =	stream.indirect.gather [hbm4b:s1+s21], $0x80, s18, s21, $0xb8;
	[tilespmem:$0x1F400] =	vst v63  }
0x46: {  	s6 =	simm.s32 @p1 $0x400;
	s8 =	simm.s32 @p1 $0x180;
	_ =	swait.ge [sflag:s30], $0x3C00  }
0x47: {  	s7 =	simm.s32 @p1 $0x0;
	s8 =	sand.u32 @p1 $0x180, s8;
	s5 =	rddreg [dreg:$0x4]  }
0x48: {  	s3 =	rddreg [dreg:$0x5];
	[sflag:s30] =	ssyncset.done $0x0;
	s5 =	sadd.s32 @p1 $0x0, s5  }
0x49: {  	s3 =	sadd.s32 @p1 $0x0, s3;
	[sflag:s30] =	ssyncadd.s32 $0xFFFFC400;
	s17 =	sadd.s32 @p1 $0x2D, s5  }
0x4a: {  	[tilespmem:s7], [sflag:$0x3] =	stream.linear.gather @p1 [hbm4b:s17+s7], $0x78, $0x38;
	[tilespmem:$0x1F400] =	vst v63  }
0x4b: {  	s8 =	sadd.s32 @p1 $0x180, s8;
	s19 =	sadd.s32 @p1 $0x2D, s3;
	s17 =	sand.u32 @p1 $0x180, s4  }
0x4c: {  	[tilespmem:s8], [sflag:$0x3] =	stream.linear.gather @p1 [hbm4b:s19+s7], $0x78, $0x38;
	[tilespmem:$0x1F400] =	vst v63  }
0x4d: {  	s8 =	sadd.s32 @p1 $0x180, s17;
	s17 =	simm.s32 @p1 $0x78;
	s19 =	simm.s32 @p1 $0x2  }
0x4e: {  	[spmem:s2] =	stream.indirect.scatter.add.f32 @p1 [tilespmem:s6], [sflag:$0x2], $0x80, s8, s17, $0xb8;
	[tilespmem:$0x1F400] =	vst v63  }
0x4f: {  	_ =	swait.ge @p1 [sflag:s19], $0x3C00  }
0x50: {  	[sflag:s19] =	ssyncset.done @p1 $0x0  }
0x51: {  	s22 =	simm.s32 @p1 $0x3;
	[sflag:s19] =	ssyncadd.s32 @p1 $0xFFFFC400  }
0x52: {  	_ =	swait.ge @p1 [sflag:s22], $0x78  }
0x53: {  	[sflag:s22] =	ssyncset.done @p1 $0x0  }
0x54: {  	[sflag:s22] =	ssyncadd.s32 @p1 $0xFFFFFF88  }
0x55: {  	_ =	swait.ge @p1 [sflag:s22], $0x78  }
0x56: {  	[sflag:s22] =	ssyncset.done @p1 $0x0  }
0x57: {  	s26 =	simm.s32 @p1 $0x1;
	[sflag:s22] =	ssyncadd.s32 @p1 $0xFFFFFF88  }
0x58: {  	[tilespmem:s6], [sflag:$0x1] =	stream.indirect.gather @p1 [hbm4b:s1+s17], $0x80, s7, s17, $0xb8;
	[tilespmem:$0x1F400] =	vst v63  }
0x59: {  	_ =	swait.ge @p1 [sflag:s26], $0x3C00  }
0x5a: {  	[sflag:s26] =	ssyncset.done @p1 $0x0  }
0x5b: {  	s9 =	simm.s32 @p1 $0x80;
	s6 =	sadd.s32 @p1 $0x3C, s5;
	[sflag:s26] =	ssyncadd.s32 @p1 $0xFFFFC400  }
0x5c: {  	[tilespmem:s9], [sflag:$0x3] =	stream.linear.gather @p1 [hbm4b:s6+s7], $0x78, $0x38;
	[tilespmem:$0x1F400] =	vst v63  }
0x5d: {  	s6 =	sadd.s32 @p1 $0x3C, s3  }
0x5e: {  	[tilespmem:s8], [sflag:$0x3] =	stream.linear.gather @p1 [hbm4b:s6+s7], $0x78, $0x38;
	[tilespmem:$0x1F400] =	vst v63  }
0x5f: {  	s6 =	simm.s32 @p1 $0x80  }
0x60: {  	s6 =	sand.u32 @p1 $0x180, s6  }
0x61: {  	s8 =	simm.s32 @p1 $0x4000;
	s6 =	sadd.s32 @p1 $0x180, s6  }
0x62: {  	[spmem:s2] =	stream.indirect.scatter.add.f32 @p1 [tilespmem:s8], [sflag:$0x2], $0x80, s6, s17, $0xb8;
	[tilespmem:$0x1F400] =	vst v63  }
0x63: {  	_ =	swait.ge @p1 [sflag:s19], $0x3C00  }
0x64: {  	[sflag:s19] =	ssyncset.done @p1 $0x0  }
0x65: {  	[sflag:s19] =	ssyncadd.s32 @p1 $0xFFFFC400  }
0x66: {  	_ =	swait.ge @p1 [sflag:s22], $0x78  }
0x67: {  	[sflag:s22] =	ssyncset.done @p1 $0x0  }
0x68: {  	[sflag:s22] =	ssyncadd.s32 @p1 $0xFFFFFF88  }
0x69: {  	_ =	swait.ge @p1 [sflag:s22], $0x78  }
0x6a: {  	[sflag:s22] =	ssyncset.done @p1 $0x0  }
0x6b: {  	[sflag:s22] =	ssyncadd.s32 @p1 $0xFFFFFF88  }
0x6c: {  	[tilespmem:s8], [sflag:$0x1] =	stream.indirect.gather @p1 [hbm4b:s1+s17], $0x80, s9, s17, $0xb8;
	[tilespmem:$0x1F400] =	vst v63  }
0x6d: {  	_ =	swait.ge @p1 [sflag:s26], $0x3C00  }
0x6e: {  	s5 =	sadd.s32 @p1 $0x4B, s5;
	s6 =	simm.s32 @p1 $0x280;
	[sflag:s26] =	ssyncset.done @p1 $0x0  }
0x6f: {  	s6 =	sand.u32 @p1 $0x180, s6;
	s8 =	simm.s32 @p1 $0x100;
	[sflag:s26] =	ssyncadd.s32 @p1 $0xFFFFC400  }
0x70: {  	[tilespmem:s8], [sflag:$0x3] =	stream.linear.gather @p1 [hbm4b:s5+s7], $0x78, $0x38;
	[tilespmem:$0x1F400] =	vst v63  }
0x71: {  	s3 =	sadd.s32 @p1 $0x4B, s3;
	s5 =	sadd.s32 @p1 $0x180, s6;
	s6 =	simm.s32 @!p1 $0x2  }
0x72: {  	[tilespmem:s5], [sflag:$0x3] =	stream.linear.gather @p1 [hbm4b:s3+s7], $0x78, $0x38;
	[tilespmem:$0x1F400] =	vst v63  }
0x73: {  	s3 =	simm.s32 @!p1 $0x78;
	s5 =	simm.s32 @!p1 $0x200;
	s7 =	simm.s32 @!p1 $0x400  }
0x74: {  	[spmem:s2] =	stream.indirect.scatter.add.f32 @!p1 [tilespmem:s7], [sflag:$0x2], $0x80, s5, s3, $0xb8;
	[tilespmem:$0x1F400] =	vst v63  }
0x75: {  	_ =	swait.ge @!p1 [sflag:s6], $0x3C00  }
0x76: {  	[sflag:s6] =	ssyncset.done @!p1 $0x0  }
0x77: {  	s5 =	simm.s32 @!p1 $0x1;
	[sflag:s6] =	ssyncadd.s32 @!p1 $0xFFFFC400  }
0x78: {  	_ =	swait.ge @!p1 [sflag:s5], $0x3C00  }
0x79: {  	p2 =	por $0x0, $0x0;
	[sflag:s5] =	ssyncset.done @!p1 $0x0  }
0x7a: {  	s8 =	simm.s32 @!p1 $0x4000;
	s7 =	simm.s32 @!p1 $0x280;
	[sflag:s5] =	ssyncadd.s32 @!p1 $0xFFFFC400  }
0x7b: {  	[spmem:s2] =	stream.indirect.scatter.add.f32 @!p1 [tilespmem:s8], [sflag:$0x2], $0x80, s7, s3, $0xb8;
	[tilespmem:$0x1F400] =	vst v63  }
0x7c: {  	p2 =	por p2, p2;
	s19 =	simm.s32 $0x5A;
	_ =	swait.ge @!p1 [sflag:s6], $0x3C00  }
0x7d: {  	s22 =	simm.s32 $0x2D;
	s26 =	sand.u32 $0x180, s4;
	[sflag:s6] =	ssyncset.done @!p1 $0x0  }
0x7e: {  	s17 =	simm.s32 $0x180;
	[sflag:s6] =	ssyncadd.s32 @!p1 $0xFFFFC400;
	s6 =	sxor.u32 $0x100, s26  }
.LBB2_2:
0x7f: {  	_ =	swait.ge @!p1 [sflag:s5], $0x3C00  }
0x80: {  	[sflag:s5] =	ssyncset.done @!p1 $0x0  }
0x81: {  	s7 =	simm.s32 @!p2 $0x2;
	s24 =	sadd.s32 $0x180, s6;
	[sflag:s5] =	ssyncadd.s32 @!p1 $0xFFFFC400  }
0x82: {  	[spmem:s2] =	stream.indirect.scatter.add.f32 [tilespmem:s29], [sflag:$0x2], $0x80, s24, s21, $0xb8;
	[tilespmem:$0x1F400] =	vst v63  }
0x83: {  	_ =	swait.ge @!p2 [sflag:s7], $0x3C00  }
0x84: {  	[sflag:s7] =	ssyncset.done @!p2 $0x0  }
0x85: {  	[sflag:s7] =	ssyncadd.s32 @!p2 $0xFFFFC400  }
0x86: {  	_ =	swait.ge [sflag:s20], $0x78  }
0x87: {  	[sflag:s20] =	ssyncset.done $0x0  }
0x88: {  	[sflag:s20] =	ssyncadd.s32 $0xFFFFFF88  }
0x89: {  	_ =	swait.ge [sflag:s20], $0x78  }
0x8a: {  	[sflag:s20] =	ssyncset.done $0x0  }
0x8b: {  	[sflag:s20] =	ssyncadd.s32 $0xFFFFFF88  }
0x8c: {  	[tilespmem:s29], [sflag:$0x1] =	stream.indirect.gather [hbm4b:s1+s21], $0x80, s18, s21, $0xb8;
	[tilespmem:$0x1F400] =	vst v63  }
0x8d: {  	p1 =	sne.s32 s22, $0x4BF;
	_ =	swait.ge [sflag:s30], $0x3C00  }
0x8e: {  	s9 =	simm.s32 @p1 $0x400;
	s5 =	rddreg [dreg:$0x5]  }
0x8f: {  	s26 =	simm.s32 @p1 $0x0;
	s11 =	sadd.s32 @p1 $0x180, s17;
	s6 =	rddreg [dreg:$0x4]  }
0x90: {  	[sflag:s30] =	ssyncset.done $0x0;
	s12 =	sadd.s32 @p1 s22, s5;
	s6 =	sadd.s32 @p1 s22, s6  }
0x91: {  	[sflag:s30] =	ssyncadd.s32 $0xFFFFC400;
	s5 =	sand.u32 @p1 $0x180, s11;
	s11 =	sadd.s32 @p1 $0x2D, s6  }
0x92: {  	[tilespmem:s26], [sflag:$0x3] =	stream.linear.gather @p1 [hbm4b:s11+s26], $0x78, $0x38;
	[tilespmem:$0x1F400] =	vst v63  }
0x93: {  	s7 =	sand.u32 @p1 $0x180, s17;
	s22 =	sadd.s32 @p1 $0x180, s5;
	s16 =	sadd.s32 @p1 $0x2D, s12  }
0x94: {  	[tilespmem:s22], [sflag:$0x3] =	stream.linear.gather @p1 [hbm4b:s16+s26], $0x78, $0x38;
	[tilespmem:$0x1F400] =	vst v63  }
0x95: {  	s13 =	simm.s32 @p1 $0x2;
	s5 =	simm.s32 @p1 $0x78;
	s11 =	sadd.s32 @p1 $0x180, s7  }
0x96: {  	[spmem:s2] =	stream.indirect.scatter.add.f32 @p1 [tilespmem:s9], [sflag:$0x2], $0x80, s11, s5, $0xb8;
	[tilespmem:$0x1F400] =	vst v63  }
0x97: {  	_ =	swait.ge @p1 [sflag:s13], $0x3C00  }
0x98: {  	[sflag:s13] =	ssyncset.done @p1 $0x0  }
0x99: {  	s23 =	simm.s32 @p1 $0x3;
	[sflag:s13] =	ssyncadd.s32 @p1 $0xFFFFC400  }
0x9a: {  	_ =	swait.ge @p1 [sflag:s23], $0x78  }
0x9b: {  	[sflag:s23] =	ssyncset.done @p1 $0x0  }
0x9c: {  	[sflag:s23] =	ssyncadd.s32 @p1 $0xFFFFFF88  }
0x9d: {  	_ =	swait.ge @p1 [sflag:s23], $0x78  }
0x9e: {  	s3 =	smov.u32 s19;
	[sflag:s23] =	ssyncset.done @p1 $0x0  }
0x9f: {  	s22 =	smov.u32 s3;
	s3 =	simm.s32 @p1 $0x1;
	[sflag:s23] =	ssyncadd.s32 @p1 $0xFFFFFF88  }
0xa0: {  	[tilespmem:s9], [sflag:$0x1] =	stream.indirect.gather @p1 [hbm4b:s1+s5], $0x80, s26, s5, $0xb8;
	[tilespmem:$0x1F400] =	vst v63  }
0xa1: {  	_ =	swait.ge @p1 [sflag:s3], $0x3C00  }
0xa2: {  	s8 =	sadd.s32 @p1 $0x80, s17;
	s10 =	sadd.s32 @p1 $0x280, s17;
	[sflag:s3] =	ssyncset.done @p1 $0x0  }
0xa3: {  	s16 =	sadd.s32 @p1 $0x3C, s6;
	s9 =	simm.s32 @p1 $0x80;
	[sflag:s3] =	ssyncadd.s32 @p1 $0xFFFFC400  }
0xa4: {  	[tilespmem:s9], [sflag:$0x3] =	stream.linear.gather @p1 [hbm4b:s16+s26], $0x78, $0x38;
	[tilespmem:$0x1F400] =	vst v63  }
0xa5: {  	s14 =	sadd.s32 @p1 $0x3C, s12;
	s7 =	sand.u32 @p1 $0x180, s8;
	s8 =	sadd.s32 @p1 $0x4B, s6  }
0xa6: {  	[tilespmem:s11], [sflag:$0x3] =	stream.linear.gather @p1 [hbm4b:s14+s26], $0x78, $0x38;
	[tilespmem:$0x1F400] =	vst v63  }
0xa7: {  	s24 =	sadd.s32 @p1 $0x180, s7;
	s6 =	sand.u32 @p1 $0x180, s10;
	s10 =	simm.s32 @p1 $0x4000  }
0xa8: {  	[spmem:s2] =	stream.indirect.scatter.add.f32 @p1 [tilespmem:s10], [sflag:$0x2], $0x80, s24, s5, $0xb8;
	[tilespmem:$0x1F400] =	vst v63  }
0xa9: {  	_ =	swait.ge @p1 [sflag:s13], $0x3C00  }
0xaa: {  	[sflag:s13] =	ssyncset.done @p1 $0x0  }
0xab: {  	[sflag:s13] =	ssyncadd.s32 @p1 $0xFFFFC400  }
0xac: {  	_ =	swait.ge @p1 [sflag:s23], $0x78  }
0xad: {  	[sflag:s23] =	ssyncset.done @p1 $0x0  }
0xae: {  	[sflag:s23] =	ssyncadd.s32 @p1 $0xFFFFFF88  }
0xaf: {  	_ =	swait.ge @p1 [sflag:s23], $0x78  }
0xb0: {  	[sflag:s23] =	ssyncset.done @p1 $0x0  }
0xb1: {  	[sflag:s23] =	ssyncadd.s32 @p1 $0xFFFFFF88  }
0xb2: {  	[tilespmem:s10], [sflag:$0x1] =	stream.indirect.gather @p1 [hbm4b:s1+s5], $0x80, s9, s5, $0xb8;
	[tilespmem:$0x1F400] =	vst v63  }
0xb3: {  	_ =	swait.ge @p1 [sflag:s3], $0x3C00  }
0xb4: {  	[sflag:s3] =	ssyncset.done @p1 $0x0  }
0xb5: {  	s5 =	simm.s32 @p1 $0x100;
	[sflag:s3] =	ssyncadd.s32 @p1 $0xFFFFC400  }
0xb6: {  	[tilespmem:s5], [sflag:$0x3] =	stream.linear.gather @p1 [hbm4b:s8+s26], $0x78, $0x38;
	[tilespmem:$0x1F400] =	vst v63  }
0xb7: {  	s7 =	sadd.s32 @p1 $0x4B, s12;
	s6 =	sadd.s32 @p1 $0x180, s6;
	s9 =	simm.s32 @!p1 $0x400  }
0xb8: {  	[tilespmem:s6], [sflag:$0x3] =	stream.linear.gather @p1 [hbm4b:s7+s26], $0x78, $0x38;
	[tilespmem:$0x1F400] =	vst v63  }
0xb9: {  	s3 =	simm.s32 @!p1 $0x2;
	s8 =	simm.s32 @!p1 $0x78;
	s5 =	simm.s32 @!p1 $0x200  }
0xba: {  	[spmem:s2] =	stream.indirect.scatter.add.f32 @!p1 [tilespmem:s9], [sflag:$0x2], $0x80, s5, s8, $0xb8;
	[tilespmem:$0x1F400] =	vst v63  }
0xbb: {  	_ =	swait.ge @!p1 [sflag:s3], $0x3C00  }
0xbc: {  	[sflag:s3] =	ssyncset.done @!p1 $0x0  }
0xbd: {  	s5 =	simm.s32 @!p1 $0x1;
	[sflag:s3] =	ssyncadd.s32 @!p1 $0xFFFFC400  }
0xbe: {  	p4 =	seq.s32 s19, $0x0;
	s19 =	sadd.s32 $0x2D, s19;
	_ =	swait.ge @!p1 [sflag:s5], $0x3C00  }
0xbf: {  	p3 =	sne.s32 s19, $0x4EC;
	s6 =	simm.s32 @!p1 $0x280;
	[sflag:s5] =	ssyncset.done @!p1 $0x0  }
.Ltmp0:
0xc0: {  	s7 =	simm.s32 @!p1 $0x4000;
	[sflag:s5] =	ssyncadd.s32 @!p1 $0xFFFFC400;
	(pc) =	sbr.rel @p3 .LBB2_2-.Ltmp0, $4  }
0xc1: {  	[spmem:s2] =	stream.indirect.scatter.add.f32 @!p1 [tilespmem:s7], [sflag:$0x2], $0x80, s6, s8, $0xb8;
	[tilespmem:$0x1F400] =	vst v63  }
0xc2: {  	_ =	swait.ge @!p1 [sflag:s3], $0x3C00  }
0xc3: {  	p2 =	por p4, p4;
	s26 =	sand.u32 $0x180, s17;
	[sflag:s3] =	ssyncset.done @!p1 $0x0  }
0xc4: {  	s17 =	sadd.s32 $0x180, s17;
	s6 =	sxor.u32 $0x100, s26;
	[sflag:s3] =	ssyncadd.s32 @!p1 $0xFFFFC400  }
0xc5: {  	_ =	swait.ge @!p1 [sflag:s5], $0x3C00  }
0xc6: {  	[sflag:s5] =	ssyncset.done @!p1 $0x0  }
0xc7: {  	s3 =	simm.s32 @!p2 $0x2;
	s19 =	sadd.s32 $0x180, s6;
	[sflag:s5] =	ssyncadd.s32 @!p1 $0xFFFFC400  }
0xc8: {  	[spmem:s2] =	stream.indirect.scatter.add.f32 [tilespmem:s29], [sflag:$0x2], $0x80, s19, s21, $0xb8;
	[tilespmem:$0x1F400] =	vst v63  }
0xc9: {  	_ =	swait.ge @!p2 [sflag:s3], $0x3C00  }
0xca: {  	[sflag:s3] =	ssyncset.done @!p2 $0x0  }
0xcb: {  	[sflag:s3] =	ssyncadd.s32 @!p2 $0xFFFFC400  }
0xcc: {  	_ =	swait.ge [sflag:s20], $0x78  }
0xcd: {  	[sflag:s20] =	ssyncset.done $0x0  }
0xce: {  	[sflag:s20] =	ssyncadd.s32 $0xFFFFFF88  }
0xcf: {  	_ =	swait.ge [sflag:s20], $0x78  }
0xd0: {  	[sflag:s20] =	ssyncset.done $0x0  }
0xd1: {  	p1 =	sne.s32 s22, $0x4BF;
	[sflag:s20] =	ssyncadd.s32 $0xFFFFFF88  }
0xd2: {  	[tilespmem:s29], [sflag:$0x1] =	stream.indirect.gather [hbm4b:s1+s21], $0x80, s18, s21, $0xb8;
	[tilespmem:$0x1F400] =	vst v63  }
0xd3: {  	s6 =	simm.s32 @p1 $0x400;
	s8 =	sadd.s32 @p1 $0x180, s17;
	_ =	swait.ge [sflag:s30], $0x3C00  }
0xd4: {  	s7 =	simm.s32 @p1 $0x0;
	s8 =	sand.u32 @p1 $0x180, s8;
	s5 =	rddreg [dreg:$0x4]  }
0xd5: {  	s3 =	rddreg [dreg:$0x5];
	[sflag:s30] =	ssyncset.done $0x0;
	s5 =	sadd.s32 @p1 s22, s5  }
0xd6: {  	s3 =	sadd.s32 @p1 s22, s3;
	[sflag:s30] =	ssyncadd.s32 $0xFFFFC400;
	s9 =	sadd.s32 @p1 $0x2D, s5  }
0xd7: {  	[tilespmem:s7], [sflag:$0x3] =	stream.linear.gather @p1 [hbm4b:s9+s7], $0x78, $0x38;
	[tilespmem:$0x1F400] =	vst v63  }
0xd8: {  	s8 =	sadd.s32 @p1 $0x180, s8;
	s10 =	sadd.s32 @p1 $0x2D, s3;
	s9 =	sand.u32 @p1 $0x180, s17  }
0xd9: {  	[tilespmem:s8], [sflag:$0x3] =	stream.linear.gather @p1 [hbm4b:s10+s7], $0x78, $0x38;
	[tilespmem:$0x1F400] =	vst v63  }
0xda: {  	s8 =	sadd.s32 @p1 $0x180, s9;
	s9 =	simm.s32 @p1 $0x78;
	s10 =	simm.s32 @p1 $0x2  }
0xdb: {  	[spmem:s2] =	stream.indirect.scatter.add.f32 @p1 [tilespmem:s6], [sflag:$0x2], $0x80, s8, s9, $0xb8;
	[tilespmem:$0x1F400] =	vst v63  }
0xdc: {  	_ =	swait.ge @p1 [sflag:s10], $0x3C00  }
0xdd: {  	[sflag:s10] =	ssyncset.done @p1 $0x0  }
0xde: {  	s11 =	simm.s32 @p1 $0x3;
	[sflag:s10] =	ssyncadd.s32 @p1 $0xFFFFC400  }
0xdf: {  	_ =	swait.ge @p1 [sflag:s11], $0x78  }
0xe0: {  	[sflag:s11] =	ssyncset.done @p1 $0x0  }
0xe1: {  	[sflag:s11] =	ssyncadd.s32 @p1 $0xFFFFFF88  }
0xe2: {  	_ =	swait.ge @p1 [sflag:s11], $0x78  }
0xe3: {  	[sflag:s11] =	ssyncset.done @p1 $0x0  }
0xe4: {  	s12 =	simm.s32 @p1 $0x1;
	[sflag:s11] =	ssyncadd.s32 @p1 $0xFFFFFF88  }
0xe5: {  	[tilespmem:s6], [sflag:$0x1] =	stream.indirect.gather @p1 [hbm4b:s1+s9], $0x80, s7, s9, $0xb8;
	[tilespmem:$0x1F400] =	vst v63  }
0xe6: {  	_ =	swait.ge @p1 [sflag:s12], $0x3C00  }
0xe7: {  	[sflag:s12] =	ssyncset.done @p1 $0x0  }
0xe8: {  	s13 =	simm.s32 @p1 $0x80;
	s6 =	sadd.s32 @p1 $0x3C, s5;
	[sflag:s12] =	ssyncadd.s32 @p1 $0xFFFFC400  }
0xe9: {  	[tilespmem:s13], [sflag:$0x3] =	stream.linear.gather @p1 [hbm4b:s6+s7], $0x78, $0x38;
	[tilespmem:$0x1F400] =	vst v63  }
0xea: {  	s6 =	sadd.s32 @p1 $0x3C, s3  }
0xeb: {  	[tilespmem:s8], [sflag:$0x3] =	stream.linear.gather @p1 [hbm4b:s6+s7], $0x78, $0x38;
	[tilespmem:$0x1F400] =	vst v63  }
0xec: {  	s6 =	sadd.s32 @p1 $0x80, s17  }
0xed: {  	s6 =	sand.u32 @p1 $0x180, s6  }
0xee: {  	s8 =	simm.s32 @p1 $0x4000;
	s6 =	sadd.s32 @p1 $0x180, s6  }
0xef: {  	[spmem:s2] =	stream.indirect.scatter.add.f32 @p1 [tilespmem:s8], [sflag:$0x2], $0x80, s6, s9, $0xb8;
	[tilespmem:$0x1F400] =	vst v63  }
0xf0: {  	_ =	swait.ge @p1 [sflag:s10], $0x3C00  }
0xf1: {  	[sflag:s10] =	ssyncset.done @p1 $0x0  }
0xf2: {  	[sflag:s10] =	ssyncadd.s32 @p1 $0xFFFFC400  }
0xf3: {  	_ =	swait.ge @p1 [sflag:s11], $0x78  }
0xf4: {  	[sflag:s11] =	ssyncset.done @p1 $0x0  }
0xf5: {  	[sflag:s11] =	ssyncadd.s32 @p1 $0xFFFFFF88  }
0xf6: {  	_ =	swait.ge @p1 [sflag:s11], $0x78  }
0xf7: {  	[sflag:s11] =	ssyncset.done @p1 $0x0  }
0xf8: {  	[sflag:s11] =	ssyncadd.s32 @p1 $0xFFFFFF88  }
0xf9: {  	[tilespmem:s8], [sflag:$0x1] =	stream.indirect.gather @p1 [hbm4b:s1+s9], $0x80, s13, s9, $0xb8;
	[tilespmem:$0x1F400] =	vst v63  }
0xfa: {  	_ =	swait.ge @p1 [sflag:s12], $0x3C00  }
0xfb: {  	s5 =	sadd.s32 @p1 $0x4B, s5;
	s6 =	sadd.s32 @p1 $0x280, s17;
	[sflag:s12] =	ssyncset.done @p1 $0x0  }
0xfc: {  	s6 =	sand.u32 @p1 $0x180, s6;
	s8 =	simm.s32 @p1 $0x100;
	[sflag:s12] =	ssyncadd.s32 @p1 $0xFFFFC400  }
0xfd: {  	[tilespmem:s8], [sflag:$0x3] =	stream.linear.gather @p1 [hbm4b:s5+s7], $0x78, $0x38;
	[tilespmem:$0x1F400] =	vst v63  }
0xfe: {  	s3 =	sadd.s32 @p1 $0x4B, s3;
	s5 =	sadd.s32 @p1 $0x180, s6;
	s6 =	simm.s32 @!p1 $0x2  }
0xff: {  	[tilespmem:s5], [sflag:$0x3] =	stream.linear.gather @p1 [hbm4b:s3+s7], $0x78, $0x38;
	[tilespmem:$0x1F400] =	vst v63  }
0x100: {  	s3 =	simm.s32 @!p1 $0x78;
	s5 =	simm.s32 @!p1 $0x200;
	s7 =	simm.s32 @!p1 $0x400  }
0x101: {  	[spmem:s2] =	stream.indirect.scatter.add.f32 @!p1 [tilespmem:s7], [sflag:$0x2], $0x80, s5, s3, $0xb8;
	[tilespmem:$0x1F400] =	vst v63  }
0x102: {  	_ =	swait.ge @!p1 [sflag:s6], $0x3C00  }
0x103: {  	[sflag:s6] =	ssyncset.done @!p1 $0x0  }
0x104: {  	s5 =	simm.s32 @!p1 $0x1;
	[sflag:s6] =	ssyncadd.s32 @!p1 $0xFFFFC400  }
0x105: {  	_ =	swait.ge @!p1 [sflag:s5], $0x3C00  }
0x106: {  	[sflag:s5] =	ssyncset.done @!p1 $0x0  }
0x107: {  	s8 =	simm.s32 @!p1 $0x4000;
	s7 =	simm.s32 @!p1 $0x280;
	[sflag:s5] =	ssyncadd.s32 @!p1 $0xFFFFC400  }
0x108: {  	[spmem:s2] =	stream.indirect.scatter.add.f32 @!p1 [tilespmem:s8], [sflag:$0x2], $0x80, s7, s3, $0xb8;
	[tilespmem:$0x1F400] =	vst v63  }
0x109: {  	_ =	swait.ge @!p1 [sflag:s6], $0x3C00  }
0x10a: {  	[sflag:s6] =	ssyncset.done @!p1 $0x0  }
0x10b: {  	[sflag:s6] =	ssyncadd.s32 @!p1 $0xFFFFC400  }
0x10c: {  	s22 =	sand.u32 $0x180, s17;
	_ =	swait.ge @!p1 [sflag:s5], $0x3C00  }
0x10d: {  	s3 =	sxor.u32 $0x100, s22;
	[sflag:s5] =	ssyncset.done @!p1 $0x0  }
0x10e: {  	s3 =	sadd.s32 $0x180, s3;
	[sflag:s5] =	ssyncadd.s32 @!p1 $0xFFFFC400  }
0x10f: {  	[spmem:s2] =	stream.indirect.scatter.add.f32 [tilespmem:s29], [sflag:$0x2], $0x80, s3, s21, $0xb8;
	[tilespmem:$0x1F400] =	vst v63  }
0x110: {  	_ =	swait.ge [sflag:s31], $0x3C00  }
0x111: {  	[sflag:s31] =	ssyncset.done $0x0  }
0x112: {  	[sflag:s31] =	ssyncadd.s32 $0xFFFFC400  }
0x113: {  	[bflag:$0x0] =	sbarrier.arrive $0xFFFF  }
0x114: {  	s23 =	rddreg [dreg:$0xd]  }
0x115: {  	s24 =	rddreg [dreg:$0x11]  }
0x116: {  	[hbm:s23], [sflag:s15] =	dma.local [spmem:s24], $0x2700  }
0x117: {  	_ =	swait.ge [sflag:s28], $0x2700  }
0x118: {  	[sflag:s28] =	ssyncset.done $0x0  }
0x119: {  	s3 =	rddreg [dreg:$0xe];
	[sflag:s28] =	ssyncadd.s32 $0xFFFFD900  }
0x11a: {  	[hbm:s3], [sflag:s15] =	dma.local @!p0 [spmem:s25], $0x100  }
0x11b: {  	s3 =	simm.s32 @!p0 $0x4  }
0x11c: {  	_ =	swait.ge @!p0 [sflag:s3], $0x100  }
0x11d: {  	s0 =	sadd.s32 $0x1, s0;
	s26 =	rddreg [dreg:$0xf]  }
0x11e: {  	p1 =	sne.s32 s0, s26  }
.Ltmp1:
0x11f: {  	_ = 	snop;
	(pc) =	sbr.rel @p1 .LBB2_1-.Ltmp1, $3  }
0x120: {  	_ =	sdelay $0x1  }
0x121: {  	[sflag:s3] =	ssyncset.done @!p0 $0x0  }
0x122: {  	[sflag:s3] =	ssyncadd.s32 @!p0 $0xFFFFFF00  }
0x123: {  	_ =	sfence.sel $0x180000  }
0x124: {  	[bflag:$0x0] =	sbarrier.arrive $0xFFFF  }
0x125: {  	_ =	strace $0x9000004A  }
0x126: {  	s0 =	stileid.u32;
	[bflag:$0x2] =	sbarrier.arrive $0xFFFF  }
0x127: {  	p0 =	sne.s32 s0, $0x0;
	s0 =	rddreg [dreg:$0x3]  }
0x128: {  	s0 =	sadd.s32 @!p0 $0x100000, s0  }
0x129: {  	[sflag:s0] =	ssyncadd.tile.s32 @!p0 $0x1;
	_ =	shalt  }
.Lfunc_end2:
_tile_overlayer_lowered:
.L_overlay_start_2:
0x12a: {  	(tag) =	ssettag $0x2  }
0x12b: {  	s0 =	rddreg [dreg:$0x0];
	s2 =	stileid.u32  }
0x12c: {  	s1 =	rddreg [dreg:$0x1];
	p0 =	sne.s32 s2, $0x0  }
0x12d: {  	s3 =	rddreg [dreg:$0x2];
	[bflag:$0x3] =	sbarrier.arrive $0xFFFF;
	s2 =	simm.s32 @!p0 $0x1C04  }
0x12e: {  	[timem:s3], [sflag:s2] =	dma.local @!p0 [hbm:s0], s1  }
0x12f: {  	s0 =	simm.s32 @!p0 $0x4  }
0x130: {  	_ =	swait.ge @!p0 [sflag:s0], s1  }
0x131: {  	s1 =	ssub.s32 @!p0 $0x0, s1;
	[sflag:s0] =	ssyncset.done @!p0 $0x0  }
0x132: {  	[sflag:s0] =	ssyncadd.s32 @!p0 s1  }
0x133: {  	[bflag:$0x3] =	sbarrier.arrive $0xFFFF  }
0x134: {  	_ =	shalt  }

// kernel: kernel.14.cloned.1.call-start
scs
__scs_entry_jumppad:
0x0: {  	(pc) =	sbr.rel $0x88, $3  }
0x1: {  	(tag) =	ssettag $0x0;
	lr =	simm.s32 $0x1  }
0x2: {  	[smem:$0x3F96] =	sst lr;
	_ =	strace $0xD0000000  }
0x3: {  	_ = 	snop  }
0x4: {  	_ = 	snop  }
0x5: {  	_ = 	snop  }
0x6: {  	_ = 	snop  }
0x7: {  	_ = 	snop  }
__scs_overlays_trampoline_lowered:
0x8: {  	[smem:$0x3FA5] =	sst s0  }
0x9: {  	[smem:$0x3FA6] =	sst s1  }
0xa: {  	[smem:$0x3FA7] =	sst s2  }
0xb: {  	[smem:$0x3FA8] =	sst s3  }
0xc: {  	[smem:$0x3FA9] =	sst s4  }
0xd: {  	[smem:$0x3FAA] =	sst s5  }
0xe: {  	[smem:$0x3FAB] =	sst s6  }
0xf: {  	[smem:$0x3FAC] =	sst s7  }
0x10: {  	[smem:$0x3FAD] =	sst s8  }
0x11: {  	[smem:$0x3FAE] =	sst s9;
	s0 =	simm.s32 @!p0 $0x0  }
0x12: {  	s1 =	sld [smem:$0x3F94];
	s0 =	simm.s32 @p0 $0x1  }
0x13: {  	[smem:$0x3FAF] =	sst s0;
	s0 =	simm.s32 @!p1 $0x0  }
0x14: {  	s2 =	sld [smem:$0x3F93];
	s0 =	simm.s32 @p1 $0x1  }
0x15: {  	[smem:$0x3FB0] =	sst s0;
	s0 =	simm.s32 @!p2 $0x0  }
0x16: {  	s3 =	sld [smem:$0x3FDB];
	s0 =	simm.s32 @p2 $0x1  }
0x17: {  	s4 =	simm.s32 $0x1BF5;
	[smem:$0x3FB2] =	sst s0  }
0x18: {  	s0 =	sld [smem:$0x3F95];
	_ =	swait.ge [sflag:s4], $0x0  }
0x19: {  	s7 =	sld [smem:$0x3F96]  }
0x1a: {  	s8 =	sadd.s32 $0xFFFFE003, lr  }
0x1b: {  	s9 =	sadd.s32 $0xFFFFFEF7, lr;
	s5 =	simm.s32 $0xFFFFFFFF;
	p2 =	slt.u32 s8, $0xFFFFF086  }
0x1c: {  	p1 =	slt.u32 s9, $0xF7A;
	s5 =	simm.s32 @!p2 $0x0  }
0x1d: {  	s5 =	simm.s32 @p1 $0x1;
	p0 =	seq.s32 s7, s2  }
0x1e: {  	s7 =	smul.u32 @!p0 $0xF7A, s2;
	p2 =	seq.s32 @!p0 s5, $0x0  }
0x1f: {  	s9 =	smul.u32 $0xF7A, s1;
	s8 =	simm.s32 @!p0 $0x1BF5;
	p2 =	por !p2, p0  }
0x20: {  	[sflag:s8] =	ssyncset.s32 @!p0 $0xFFFFF086;
	s6 =	sadd.s32 @!p0 s3, s7;
	s7 =	simm.s32 @!p0 $0x108  }
0x21: {  	s3 =	sadd.s32 s3, s9;
	s6 =	sadd.s32 @!p0 $0x88, s6;
	s7 =	simm.s32 @p2 $0x1082  }
0x22: {  	[simem:s7], [sflag:s8] =	dma.local @!p0 [hbm:s6], $0xF7A  }
0x23: {  	s9 =	sor.u32 $0xD0000000, s2;
	s6 =	simm.s32 $0x108;
	_ =	swait.ge @!p0 [sflag:s8], $0x0  }
0x24: {  	s3 =	sadd.s32 $0x88, s3;
	s6 =	simm.s32 @!p1 $0x1082;
	[sflag:s4] =	ssyncset.s32 $0xFFFFF086  }
0x25: {  	[simem:s6], [sflag:s4] =	dma.local [hbm:s3], $0xF7A  }
0x26: {  	[smem:$0x3F96] =	sst s1;
	(tag) =	ssettag s2;
	_ =	strace s9  }
0x27: {  	s1 =	sld [smem:$0x3FA6]  }
0x28: {  	s2 =	sld [smem:$0x3FA7]  }
0x29: {  	s4 =	sld [smem:$0x3FA9]  }
0x2a: {  	p0 =	seq.s32 s5, $0x0;
	s5 =	sld [smem:$0x3FAA]  }
0x2b: {  	s6 =	sld [smem:$0x3FAB]  }
0x2c: {  	s7 =	sld [smem:$0x3FAC]  }
0x2d: {  	s3 =	simm.s32 $0x108;
	s8 =	sld [smem:$0x3FAD]  }
0x2e: {  	s3 =	simm.s32 @!p0 $0x1082;
	s9 =	sld [smem:$0x3FAE]  }
0x2f: {  	lr =	sadd.s32 s0, s3;
	s0 =	sld [smem:$0x3FA5]  }
0x30: {  	s3 =	sld [smem:$0x3FA8]  }
0x31: {  	[smem:$0x3FB1] =	sst s10  }
0x32: {  	s10 =	sld [smem:$0x3FAF];
	_ =	sdelay $0x3  }
0x33: {  	p0 =	seq.s32 s10, $0x1;
	s10 =	sld [smem:$0x3FB1];
	_ =	sdelay $0x3  }
0x34: {  	[smem:$0x3FB1] =	sst s10  }
0x35: {  	s10 =	sld [smem:$0x3FB0];
	_ =	sdelay $0x3  }
0x36: {  	p1 =	seq.s32 s10, $0x1;
	s10 =	sld [smem:$0x3FB1];
	_ =	sdelay $0x3  }
0x37: {  	[smem:$0x3FB1] =	sst s10  }
0x38: {  	s10 =	sld [smem:$0x3FB2]  }
0x39: {  	_ = 	snop;
	(pc) =	sbr.ind lr, $3  }
0x3a: {  	_ = 	snop  }
0x3b: {  	_ = 	snop  }
0x3c: {  	p2 =	seq.s32 s10, $0x1;
	s10 =	sld [smem:$0x3FB1]  }
0x3d: {  	_ =	shalt  }
0x3e: {  	_ =	shalt  }
0x3f: {  	_ =	shalt  }
0x40: {  	_ =	shalt  }
0x41: {  	_ =	shalt  }
0x42: {  	_ =	shalt  }
0x43: {  	_ =	shalt  }
0x44: {  	_ =	shalt  }
0x45: {  	_ =	shalt  }
0x46: {  	_ =	shalt  }
0x47: {  	_ =	shalt  }
0x48: {  	_ =	shalt  }
0x49: {  	_ =	shalt  }
0x4a: {  	_ =	shalt  }
0x4b: {  	_ =	shalt  }
0x4c: {  	_ =	shalt  }
0x4d: {  	_ =	shalt  }
0x4e: {  	_ =	shalt  }
0x4f: {  	_ =	shalt  }
0x50: {  	_ =	shalt  }
0x51: {  	_ =	shalt  }
0x52: {  	_ =	shalt  }
0x53: {  	_ =	shalt  }
0x54: {  	_ =	shalt  }
0x55: {  	_ =	shalt  }
0x56: {  	_ =	shalt  }
0x57: {  	_ =	shalt  }
0x58: {  	_ =	shalt  }
0x59: {  	_ =	shalt  }
0x5a: {  	_ =	shalt  }
0x5b: {  	_ =	shalt  }
0x5c: {  	_ =	shalt  }
0x5d: {  	_ =	shalt  }
0x5e: {  	_ =	shalt  }
0x5f: {  	_ =	shalt  }
0x60: {  	_ =	shalt  }
0x61: {  	_ =	shalt  }
0x62: {  	_ =	shalt  }
0x63: {  	_ =	shalt  }
0x64: {  	_ =	shalt  }
0x65: {  	_ =	shalt  }
0x66: {  	_ =	shalt  }
0x67: {  	_ =	shalt  }
0x68: {  	_ =	shalt  }
0x69: {  	_ =	shalt  }
0x6a: {  	_ =	shalt  }
0x6b: {  	_ =	shalt  }
0x6c: {  	_ =	shalt  }
0x6d: {  	_ =	shalt  }
0x6e: {  	_ =	shalt  }
0x6f: {  	_ =	shalt  }
0x70: {  	_ =	shalt  }
0x71: {  	_ =	shalt  }
0x72: {  	_ =	shalt  }
0x73: {  	_ =	shalt  }
0x74: {  	_ =	shalt  }
0x75: {  	_ =	shalt  }
0x76: {  	_ =	shalt  }
0x77: {  	_ =	shalt  }
0x78: {  	_ =	shalt  }
0x79: {  	_ =	shalt  }
0x7a: {  	_ =	shalt  }
0x7b: {  	_ =	shalt  }
0x7c: {  	_ =	shalt  }
0x7d: {  	_ =	shalt  }
0x7e: {  	_ =	shalt  }
0x7f: {  	_ =	shalt  }
0x80: {  	_ =	shalt  }
0x81: {  	_ =	shalt  }
0x82: {  	_ =	shalt  }
0x83: {  	_ =	shalt  }
0x84: {  	_ =	shalt  }
0x85: {  	_ =	shalt  }
0x86: {  	_ =	shalt  }
0x87: {  	_ =	shalt  }
.Lfunc_end0:
.L_simem_size_0:
called_computation.2_lowered:
.L_overlay_start_0:
0x88: {  	s2 =	sld [smem:$0x3FD9]  }
0x89: {  	s3 =	sld [smem:$0x3FFE];
	_ =	sdelay $0x1  }
0x8a: {  	s1 =	srdreg.scid  }
0x8b: {  	s0 =	sand.u32 $0x1, s1  }
0x8c: {  	s17 =	sshll.u32 s0, $0xA;
	s2 =	sadd.s32 s3, s2  }
0x8d: {  	s2 =	sadd.s32 s2, s17  }
0x8e: {  	[smem:$0x3FBD] =	sst s2  }
0x8f: {  	_ = 	snop  }
0x90: {  	s2 =	sld [smem:$0x3FD0];
	(tm) =	ssettm $0x1  }
0x91: {  	s18 =	sld [smem:$0x3FFB];
	_ =	sdelay $0x3  }
0x92: {  	_ =	strace s18  }
0x93: {  	s3 =	sld [smem:$0x3FFC];
	_ =	sdelay $0x3  }
0x94: {  	_ =	strace s3  }
0x95: {  	s3 =	sld [smem:$0x3FFD];
	_ =	sdelay $0x3  }
0x96: {  	_ =	strace s3  }
0x97: {  	_ =	strace $0x8FFFFFFF  }
0x98: {  	s19 =	sld [smem:$0x3FDB];
	_ =	sdelay $0x1  }
0x99: {  	s4 =	simm.s32 $_scs_section_size  }
0x9a: {  	s5 =	simm.s32 $_size__tile_overlayer_lowered;
	s6 =	simm.s32 $_tile_overlayer_lowered  }
0x9b: {  	s22 =	simm.s32 $0x1BFF;
	s21 =	sshll.u32 s6, $0x1;
	s3 =	sadd.s32 s4, s19  }
0x9c: {  	s7 =	simm.s32 $0x0;
	s20 =	sshll.u32 s5, $0x1;
	s5 =	sadd.s32 s21, s3  }
0x9d: {  	[timem:s7], [sflag:s22] =	dma.local [hbm:s5], s20  }
0x9e: {  	_ =	swait.ge [sflag:s22], s20  }
0x9f: {  	s4 =	ssub.s32 $0x0, s20;
	[sflag:s22] =	ssyncset.done $0x0  }
0xa0: {  	[sflag:s22] =	ssyncadd.s32 s4;
	_ =	sdelay $0x1  }
0xa1: {  	s23 =	simm.s32 $0x1B8B  }
0xa2: {  	_ =	swait.ge [sflag:s23], $0x1  }
0xa3: {  	[sflag:s23] =	ssyncset.done $0x0  }
0xa4: {  	s25 =	simm.s32 $0x1B8E;
	s24 =	sld [smem:$0x3FFE];
	[sflag:s23] =	ssyncadd.s32 $0xFFFFFFFF  }
0xa5: {  	s26 =	simm.s32 $execute0_lowered;
	[smem:$0x3FD2] =	sst s25  }
0xa6: {  	s5 =	sshll.u32 s26, $0x1;
	_ =	strace $0x8000004C;
	[dreg:$0x1] =	wrdreg $0xFFFFFFFF  }
0xa7: {  	s28 =	simm.s32 $_size_execute0_lowered;
	s3 =	sadd.s32 s3, s5;
	[dreg:$0x0] =	wrdreg $0x0  }
0xa8: {  	s5 =	sshll.u32 s28, $0x1;
	[dreg:$0x2] =	wrdreg s3  }
0xa9: {  	[dreg:$0x3] =	wrdreg s5  }
0xaa: {  	[dreg:$0x4] =	wrdreg $0xC0  }
0xab: {  	_ =	task [dreg:s7], $0x5FFFF  }
0xac: {  	[dreg:$0x1] =	wrdreg $0xFFFFFFFF  }
0xad: {  	[dreg:$0x0] =	wrdreg $0x60  }
0xae: {  	[dreg:$0x2] =	wrdreg s2  }
0xaf: {  	[dreg:$0x3] =	wrdreg s24  }
0xb0: {  	[dreg:$0x4] =	wrdreg $0xB8000  }
0xb1: {  	[dreg:$0x5] =	wrdreg $0x9  }
0xb2: {  	_ =	task.clear_ibuf [dreg:s7], $0x6FFFF;
	_ =	strace $0x9000004C  }
0xb3: {  	s29 =	simm.s32 $0x9;
	_ =	strace $0x8000004E  }
0xb4: {  	_ =	swait.ge [sflag:s29], $0x1  }
0xb5: {  	[sflag:s29] =	ssyncadd.s32 $0xFFFFFFFF  }
0xb6: {  	_ =	strace $0x9000004E  }
0xb7: {  	_ =	sfence  }
0xb8: {  	s30 =	sld [smem:$0x0];
	_ =	sdelay $0x2  }
0xb9: {  	s31 =	sshll.u32 s1, $0xD;
	s1 =	sshrl.u32 s1, $0x2  }
0xba: {  	s3 =	sand.u32 $0x4000, s31;
	s1 =	sadd.s32 s1, s30  }
0xbb: {  	s0 =	sor.u32 s3, s0;
	s1 =	sshll.u32 s1, $0x11  }
0xbc: {  	s0 =	sor.u32 s1, s0  }
0xbd: {  	s0 =	sadd.s32 $0x8F2B, s0  }
0xbe: {  	[sflag:s0] =	ssyncadd.remote.s32 $0x1  }
0xbf: {  	_ =	sfence.sel $0xFFFF  }
0xc0: {  	[dreg:$0x0] =	wrdreg $0xFFFFFFFF;
	(pc) =	sbr.abs _section_cstart, $3  }
0xc1: {  	[dreg:$0x1] =	wrdreg $0xFFFFFFFF  }
0xc2: {  	_ =	task.clear_ibuf [dreg:s7], $0x2FFFF;
	_ =	strace $0x9FFFFFFF  }
0xc3: {  	(tm) =	ssettm $0x7FFFFFFF  }
tec
execute0_lowered:
.L_overlay_start_1:
0x0: {  	(tag) =	ssettag $0x1  }
0x1: {  	s1 =	rddreg [dreg:$0x0]  }
0x2: {  	s0 =	rddreg [dreg:$0x1]  }
0x3: {  	s2 =	rddreg [dreg:$0x2];
	s3 =	srdreg.scid;
	s4 =	simm.s32 $0x0  }
0x4: {  	s17 =	stileid.u32;
	s20 =	simm.s32 $0x3;
	s21 =	simm.s32 $0x78  }
0x5: {  	s28 =	simm.s32 $0x4;
	s29 =	simm.s32 $0x7C00;
	s6 =	smul.u32 $0x2780, s17  }
0x6: {  	s30 =	simm.s32 $0x1;
	s31 =	simm.s32 $0x2;
	s25 =	smul.u32 $0x4F000, s17  }
0x7: {  	s3 =	sand.u32 $0x1, s3;
	[smem:$0x7FF] =	sst s4;
	s12 =	smul.u32 $0x4E000, s17  }
0x8: {  	s7 =	sadd.s32 $0x2E00, s0;
	s13 =	sadd.s32 $0xCC00, s0;
	s15 =	smul.u32 $0x2700, s17  }
0x9: {  	p0 =	sne.s32 s17, $0xF;
	s5 =	sshll.u32 s3, $0x4;
	s26 =	smul.u32 $0x27100, s3  }
0xa: {  	_ =	strace $0x8000004D;
	s9 =	ssub.s32 $0x2, s3;
	s16 =	smul.u32 $0x138800, s3  }
0xb: {  	s3 =	smul.u32 $0x4EC0, s3;
	s5 =	sor.u32 s17, s5;
	s6 =	sadd.s32 s6, s0  }
0xc: {  	s0 =	sadd.s32 $0x3E200, s0;
	s10 =	sshrl.u32 s9, $0x1;
	s8 =	smul.u32 $0x4EC, s5  }
0xd: {  	s11 =	sshrl.u32 s25, $0x2;
	s5 =	smul.u32 $0x2760, s5;
	s14 =	ssub.s32 s9, s10  }
0xe: {  	s19 =	sadd.s32 s11, s2;
	s6 =	sadd.s32 $0x16A00, s6;
	s16 =	sshrl.u32 s16, $0x3  }
0xf: {  	[dreg:$0xc] =	wrdreg s6;
	s25 =	sshrl.u32 s19, $0x3;
	s22 =	sadd.s32 s7, s8  }
0x10: {  	s23 =	sadd.s32 $0x78, s5;
	s8 =	sadd.s32 s13, s8;
	[dreg:$0x10] =	wrdreg s25  }
0x11: {  	s5 =	sshrl.u32 s5, $0x3;
	[dreg:$0x6] =	wrdreg s22;
	s24 =	sshrl.u32 s23, $0x3  }
0x12: {  	[dreg:$0x7] =	wrdreg s8;
	s5 =	sadd.s32 $0x1E, s5;
	s9 =	sadd.s32 s7, s24  }
0x13: {  	s22 =	sshrl.u32 s12, $0x2;
	s8 =	sadd.s32 s13, s24;
	[dreg:$0x8] =	wrdreg s9  }
0x14: {  	s23 =	smul.u32 $0x4EC, s17;
	s18 =	sadd.s32 s7, s5;
	[dreg:$0x9] =	wrdreg s8  }
0x15: {  	s5 =	sadd.s32 s13, s5;
	s6 =	sadd.s32 s22, s2;
	[dreg:$0xa] =	wrdreg s18  }
0x16: {  	s7 =	sadd.s32 s3, s7;
	s24 =	smax.u32 s14, $0x1;
	[dreg:$0xb] =	wrdreg s5  }
0x17: {  	s3 =	sadd.s32 s3, s13;
	s7 =	sadd.s32 s23, s7;
	[dreg:$0xf] =	wrdreg s24  }
0x18: {  	s8 =	sadd.s32 s15, s26;
	s3 =	sadd.s32 s23, s3;
	[dreg:$0x4] =	wrdreg s7  }
0x19: {  	s18 =	simm.s32 $0x100;
	s26 =	sshrl.u32 s6, $0x3;
	[dreg:$0x5] =	wrdreg s3  }
0x1a: {  	s8 =	sadd.s32 s0, s8;
	s0 =	sadd.s32 s0, s16;
	[dreg:$0x11] =	wrdreg s26  }
0x1b: {  	[dreg:$0xd] =	wrdreg s8;
	s8 =	sadd.s32 $0x138000, s2;
	s0 =	sadd.s32 $0x27000, s0  }
0x1c: {  	[dreg:$0xe] =	wrdreg s0;
	s25 =	sshrl.u32 @!p0 s8, $0x3;
	s0 =	simm.s32 $0x0  }
.LBB2_1:
0x1d: {  	s3 =	rddreg [dreg:$0x6]  }
0x1e: {  	[tilespmem:s4], [sflag:$0x3] =	stream.linear.gather [hbm4b:s3+s4], $0x78, $0x38;
	[tilespmem:$0x1F400] =	vst v63  }
0x1f: {  	s10 =	rddreg [dreg:$0x7];
	s5 =	simm.s32 $0x180  }
0x20: {  	[tilespmem:s5], [sflag:$0x3] =	stream.linear.gather [hbm4b:s10+s4], $0x78, $0x38;
	[tilespmem:$0x1F400] =	vst v63  }
0x21: {  	s11 =	rddreg [dreg:$0x8];
	s12 =	simm.s32 $0x80  }
0x22: {  	[tilespmem:s12], [sflag:$0x3] =	stream.linear.gather [hbm4b:s11+s4], $0x78, $0x38;
	[tilespmem:$0x1F400] =	vst v63  }
0x23: {  	s13 =	rddreg [dreg:$0x9];
	s6 =	simm.s32 $0x200  }
0x24: {  	[tilespmem:s6], [sflag:$0x3] =	stream.linear.gather [hbm4b:s13+s4], $0x78, $0x38;
	[tilespmem:$0x1F400] =	vst v63  }
0x25: {  	s14 =	rddreg [dreg:$0xa]  }
0x26: {  	[tilespmem:s18], [sflag:$0x3] =	stream.linear.gather [hbm4b:s14+s4], $0x78, $0x38;
	[tilespmem:$0x1F400] =	vst v63  }
0x27: {  	s15 =	rddreg [dreg:$0xb];
	s16 =	simm.s32 $0x280  }
0x28: {  	[tilespmem:s16], [sflag:$0x3] =	stream.linear.gather [hbm4b:s15+s4], $0x78, $0x38;
	[tilespmem:$0x1F400] =	vst v63  }
0x29: {  	_ =	swait.ge [sflag:s20], $0x78  }
0x2a: {  	[sflag:s20] =	ssyncset.done $0x0  }
0x2b: {  	[sflag:s20] =	ssyncadd.s32 $0xFFFFFF88  }
0x2c: {  	_ =	swait.ge [sflag:s20], $0x78  }
0x2d: {  	[sflag:s20] =	ssyncset.done $0x0  }
0x2e: {  	s17 =	simm.s32 $0x400;
	[sflag:s20] =	ssyncadd.s32 $0xFFFFFF88  }
0x2f: {  	[tilespmem:s17], [sflag:$0x1] =	stream.indirect.gather [hbm4b:s1+s21], $0x80, s4, s21, $0xb8;
	[tilespmem:$0x1F400] =	vst v63  }
0x30: {  	_ =	swait.ge [sflag:s20], $0x78  }
0x31: {  	[sflag:s20] =	ssyncset.done $0x0  }
0x32: {  	[sflag:s20] =	ssyncadd.s32 $0xFFFFFF88  }
0x33: {  	s19 =	simm.s32 $0x4000;
	s22 =	stileid.u32;
	_ =	swait.ge [sflag:s20], $0x78  }
0x34: {  	s3 =	sshll.u32 s22, $0x6;
	[sflag:s20] =	ssyncset.done $0x0;
	s23 =	rddreg [dreg:$0xc]  }
0x35: {  	s15 =	sor.u32 $0x1C04, s3;
	s24 =	rddreg [dreg:$0x10];
	[sflag:s20] =	ssyncadd.s32 $0xFFFFFF88  }
0x36: {  	[tilespmem:s19], [sflag:$0x1] =	stream.indirect.gather [hbm4b:s1+s21], $0x80, s12, s21, $0xb8;
	[tilespmem:$0x1F400] =	vst v63  }
0x37: {  	[spmem:s24], [sflag:s15] =	dma.local [hbm:s23], $0x2780  }
0x38: {  	_ =	swait.ge [sflag:s28], $0x2780  }
0x39: {  	p1 =	por $0x1, $0x1;
	[sflag:s28] =	ssyncset.done $0x0  }
0x3a: {  	p1 =	por p1, p1;
	[sflag:s28] =	ssyncadd.s32 $0xFFFFD880  }
0x3b: {  	s3 =	simm.s32 @!p1 $0x2;
	[bflag:$0x0] =	sbarrier.arrive $0xFFFF  }
0x3c: {  	_ =	swait.ge @!p1 [sflag:s3], $0x3C00  }
0x3d: {  	[sflag:s3] =	ssyncset.done @!p1 $0x0  }
0x3e: {  	[sflag:s3] =	ssyncadd.s32 @!p1 $0xFFFFC400  }
0x3f: {  	_ =	swait.ge [sflag:s20], $0x78  }
0x40: {  	[sflag:s20] =	ssyncset.done $0x0  }
0x41: {  	[sflag:s20] =	ssyncadd.s32 $0xFFFFFF88  }
0x42: {  	_ =	swait.ge [sflag:s20], $0x78  }
0x43: {  	[sflag:s20] =	ssyncset.done $0x0  }
0x44: {  	p1 =	por $0x1, $0x1;
	[sflag:s20] =	ssyncadd.s32 $0xFFFFFF88  }
0x45: {  	[tilespmem:s29], [sflag:$0x1] =	stream.indirect.gather [hbm4b:s1+s21], $0x80, s18, s21, $0xb8;
	[tilespmem:$0x1F400] =	vst v63  }
0x46: {  	s6 =	simm.s32 @p1 $0x400;
	s8 =	simm.s32 @p1 $0x180;
	_ =	swait.ge [sflag:s30], $0x3C00  }
0x47: {  	s7 =	simm.s32 @p1 $0x0;
	s8 =	sand.u32 @p1 $0x180, s8;
	s5 =	rddreg [dreg:$0x4]  }
0x48: {  	s3 =	rddreg [dreg:$0x5];
	[sflag:s30] =	ssyncset.done $0x0;
	s5 =	sadd.s32 @p1 $0x0, s5  }
0x49: {  	s3 =	sadd.s32 @p1 $0x0, s3;
	[sflag:s30] =	ssyncadd.s32 $0xFFFFC400;
	s17 =	sadd.s32 @p1 $0x2D, s5  }
0x4a: {  	[tilespmem:s7], [sflag:$0x3] =	stream.linear.gather @p1 [hbm4b:s17+s7], $0x78, $0x38;
	[tilespmem:$0x1F400] =	vst v63  }
0x4b: {  	s8 =	sadd.s32 @p1 $0x180, s8;
	s19 =	sadd.s32 @p1 $0x2D, s3;
	s17 =	sand.u32 @p1 $0x180, s4  }
0x4c: {  	[tilespmem:s8], [sflag:$0x3] =	stream.linear.gather @p1 [hbm4b:s19+s7], $0x78, $0x38;
	[tilespmem:$0x1F400] =	vst v63  }
0x4d: {  	s8 =	sadd.s32 @p1 $0x180, s17;
	s17 =	simm.s32 @p1 $0x78;
	s19 =	simm.s32 @p1 $0x2  }
0x4e: {  	[spmem:s2] =	stream.indirect.scatter.add.f32 @p1 [tilespmem:s6], [sflag:$0x2], $0x80, s8, s17, $0xb8;
	[tilespmem:$0x1F400] =	vst v63  }
0x4f: {  	_ =	swait.ge @p1 [sflag:s19], $0x3C00  }
0x50: {  	[sflag:s19] =	ssyncset.done @p1 $0x0  }
0x51: {  	s22 =	simm.s32 @p1 $0x3;
	[sflag:s19] =	ssyncadd.s32 @p1 $0xFFFFC400  }
0x52: {  	_ =	swait.ge @p1 [sflag:s22], $0x78  }
0x53: {  	[sflag:s22] =	ssyncset.done @p1 $0x0  }
0x54: {  	[sflag:s22] =	ssyncadd.s32 @p1 $0xFFFFFF88  }
0x55: {  	_ =	swait.ge @p1 [sflag:s22], $0x78  }
0x56: {  	[sflag:s22] =	ssyncset.done @p1 $0x0  }
0x57: {  	s26 =	simm.s32 @p1 $0x1;
	[sflag:s22] =	ssyncadd.s32 @p1 $0xFFFFFF88  }
0x58: {  	[tilespmem:s6], [sflag:$0x1] =	stream.indirect.gather @p1 [hbm4b:s1+s17], $0x80, s7, s17, $0xb8;
	[tilespmem:$0x1F400] =	vst v63  }
0x59: {  	_ =	swait.ge @p1 [sflag:s26], $0x3C00  }
0x5a: {  	[sflag:s26] =	ssyncset.done @p1 $0x0  }
0x5b: {  	s9 =	simm.s32 @p1 $0x80;
	s6 =	sadd.s32 @p1 $0x3C, s5;
	[sflag:s26] =	ssyncadd.s32 @p1 $0xFFFFC400  }
0x5c: {  	[tilespmem:s9], [sflag:$0x3] =	stream.linear.gather @p1 [hbm4b:s6+s7], $0x78, $0x38;
	[tilespmem:$0x1F400] =	vst v63  }
0x5d: {  	s6 =	sadd.s32 @p1 $0x3C, s3  }
0x5e: {  	[tilespmem:s8], [sflag:$0x3] =	stream.linear.gather @p1 [hbm4b:s6+s7], $0x78, $0x38;
	[tilespmem:$0x1F400] =	vst v63  }
0x5f: {  	s6 =	simm.s32 @p1 $0x80  }
0x60: {  	s6 =	sand.u32 @p1 $0x180, s6  }
0x61: {  	s8 =	simm.s32 @p1 $0x4000;
	s6 =	sadd.s32 @p1 $0x180, s6  }
0x62: {  	[spmem:s2] =	stream.indirect.scatter.add.f32 @p1 [tilespmem:s8], [sflag:$0x2], $0x80, s6, s17, $0xb8;
	[tilespmem:$0x1F400] =	vst v63  }
0x63: {  	_ =	swait.ge @p1 [sflag:s19], $0x3C00  }
0x64: {  	[sflag:s19] =	ssyncset.done @p1 $0x0  }
0x65: {  	[sflag:s19] =	ssyncadd.s32 @p1 $0xFFFFC400  }
0x66: {  	_ =	swait.ge @p1 [sflag:s22], $0x78  }
0x67: {  	[sflag:s22] =	ssyncset.done @p1 $0x0  }
0x68: {  	[sflag:s22] =	ssyncadd.s32 @p1 $0xFFFFFF88  }
0x69: {  	_ =	swait.ge @p1 [sflag:s22], $0x78  }
0x6a: {  	[sflag:s22] =	ssyncset.done @p1 $0x0  }
0x6b: {  	[sflag:s22] =	ssyncadd.s32 @p1 $0xFFFFFF88  }
0x6c: {  	[tilespmem:s8], [sflag:$0x1] =	stream.indirect.gather @p1 [hbm4b:s1+s17], $0x80, s9, s17, $0xb8;
	[tilespmem:$0x1F400] =	vst v63  }
0x6d: {  	_ =	swait.ge @p1 [sflag:s26], $0x3C00  }
0x6e: {  	s5 =	sadd.s32 @p1 $0x4B, s5;
	s6 =	simm.s32 @p1 $0x280;
	[sflag:s26] =	ssyncset.done @p1 $0x0  }
0x6f: {  	s6 =	sand.u32 @p1 $0x180, s6;
	s8 =	simm.s32 @p1 $0x100;
	[sflag:s26] =	ssyncadd.s32 @p1 $0xFFFFC400  }
0x70: {  	[tilespmem:s8], [sflag:$0x3] =	stream.linear.gather @p1 [hbm4b:s5+s7], $0x78, $0x38;
	[tilespmem:$0x1F400] =	vst v63  }
0x71: {  	s3 =	sadd.s32 @p1 $0x4B, s3;
	s5 =	sadd.s32 @p1 $0x180, s6;
	s6 =	simm.s32 @!p1 $0x2  }
0x72: {  	[tilespmem:s5], [sflag:$0x3] =	stream.linear.gather @p1 [hbm4b:s3+s7], $0x78, $0x38;
	[tilespmem:$0x1F400] =	vst v63  }
0x73: {  	s3 =	simm.s32 @!p1 $0x78;
	s5 =	simm.s32 @!p1 $0x200;
	s7 =	simm.s32 @!p1 $0x400  }
0x74: {  	[spmem:s2] =	stream.indirect.scatter.add.f32 @!p1 [tilespmem:s7], [sflag:$0x2], $0x80, s5, s3, $0xb8;
	[tilespmem:$0x1F400] =	vst v63  }
0x75: {  	_ =	swait.ge @!p1 [sflag:s6], $0x3C00  }
0x76: {  	[sflag:s6] =	ssyncset.done @!p1 $0x0  }
0x77: {  	s5 =	simm.s32 @!p1 $0x1;
	[sflag:s6] =	ssyncadd.s32 @!p1 $0xFFFFC400  }
0x78: {  	_ =	swait.ge @!p1 [sflag:s5], $0x3C00  }
0x79: {  	p2 =	por $0x0, $0x0;
	[sflag:s5] =	ssyncset.done @!p1 $0x0  }
0x7a: {  	s8 =	simm.s32 @!p1 $0x4000;
	s7 =	simm.s32 @!p1 $0x280;
	[sflag:s5] =	ssyncadd.s32 @!p1 $0xFFFFC400  }
0x7b: {  	[spmem:s2] =	stream.indirect.scatter.add.f32 @!p1 [tilespmem:s8], [sflag:$0x2], $0x80, s7, s3, $0xb8;
	[tilespmem:$0x1F400] =	vst v63  }
0x7c: {  	p2 =	por p2, p2;
	s19 =	simm.s32 $0x5A;
	_ =	swait.ge @!p1 [sflag:s6], $0x3C00  }
0x7d: {  	s22 =	simm.s32 $0x2D;
	s26 =	sand.u32 $0x180, s4;
	[sflag:s6] =	ssyncset.done @!p1 $0x0  }
0x7e: {  	s17 =	simm.s32 $0x180;
	[sflag:s6] =	ssyncadd.s32 @!p1 $0xFFFFC400;
	s6 =	sxor.u32 $0x100, s26  }
.LBB2_2:
0x7f: {  	_ =	swait.ge @!p1 [sflag:s5], $0x3C00  }
0x80: {  	[sflag:s5] =	ssyncset.done @!p1 $0x0  }
0x81: {  	s7 =	simm.s32 @!p2 $0x2;
	s24 =	sadd.s32 $0x180, s6;
	[sflag:s5] =	ssyncadd.s32 @!p1 $0xFFFFC400  }
0x82: {  	[spmem:s2] =	stream.indirect.scatter.add.f32 [tilespmem:s29], [sflag:$0x2], $0x80, s24, s21, $0xb8;
	[tilespmem:$0x1F400] =	vst v63  }
0x83: {  	_ =	swait.ge @!p2 [sflag:s7], $0x3C00  }
0x84: {  	[sflag:s7] =	ssyncset.done @!p2 $0x0  }
0x85: {  	[sflag:s7] =	ssyncadd.s32 @!p2 $0xFFFFC400  }
0x86: {  	_ =	swait.ge [sflag:s20], $0x78  }
0x87: {  	[sflag:s20] =	ssyncset.done $0x0  }
0x88: {  	[sflag:s20] =	ssyncadd.s32 $0xFFFFFF88  }
0x89: {  	_ =	swait.ge [sflag:s20], $0x78  }
0x8a: {  	[sflag:s20] =	ssyncset.done $0x0  }
0x8b: {  	[sflag:s20] =	ssyncadd.s32 $0xFFFFFF88  }
0x8c: {  	[tilespmem:s29], [sflag:$0x1] =	stream.indirect.gather [hbm4b:s1+s21], $0x80, s18, s21, $0xb8;
	[tilespmem:$0x1F400] =	vst v63  }
0x8d: {  	p1 =	sne.s32 s22, $0x4BF;
	_ =	swait.ge [sflag:s30], $0x3C00  }
0x8e: {  	s9 =	simm.s32 @p1 $0x400;
	s5 =	rddreg [dreg:$0x5]  }
0x8f: {  	s26 =	simm.s32 @p1 $0x0;
	s11 =	sadd.s32 @p1 $0x180, s17;
	s6 =	rddreg [dreg:$0x4]  }
0x90: {  	[sflag:s30] =	ssyncset.done $0x0;
	s12 =	sadd.s32 @p1 s22, s5;
	s6 =	sadd.s32 @p1 s22, s6  }
0x91: {  	[sflag:s30] =	ssyncadd.s32 $0xFFFFC400;
	s5 =	sand.u32 @p1 $0x180, s11;
	s11 =	sadd.s32 @p1 $0x2D, s6  }
0x92: {  	[tilespmem:s26], [sflag:$0x3] =	stream.linear.gather @p1 [hbm4b:s11+s26], $0x78, $0x38;
	[tilespmem:$0x1F400] =	vst v63  }
0x93: {  	s7 =	sand.u32 @p1 $0x180, s17;
	s22 =	sadd.s32 @p1 $0x180, s5;
	s16 =	sadd.s32 @p1 $0x2D, s12  }
0x94: {  	[tilespmem:s22], [sflag:$0x3] =	stream.linear.gather @p1 [hbm4b:s16+s26], $0x78, $0x38;
	[tilespmem:$0x1F400] =	vst v63  }
0x95: {  	s13 =	simm.s32 @p1 $0x2;
	s5 =	simm.s32 @p1 $0x78;
	s11 =	sadd.s32 @p1 $0x180, s7  }
0x96: {  	[spmem:s2] =	stream.indirect.scatter.add.f32 @p1 [tilespmem:s9], [sflag:$0x2], $0x80, s11, s5, $0xb8;
	[tilespmem:$0x1F400] =	vst v63  }
0x97: {  	_ =	swait.ge @p1 [sflag:s13], $0x3C00  }
0x98: {  	[sflag:s13] =	ssyncset.done @p1 $0x0  }
0x99: {  	s23 =	simm.s32 @p1 $0x3;
	[sflag:s13] =	ssyncadd.s32 @p1 $0xFFFFC400  }
0x9a: {  	_ =	swait.ge @p1 [sflag:s23], $0x78  }
0x9b: {  	[sflag:s23] =	ssyncset.done @p1 $0x0  }
0x9c: {  	[sflag:s23] =	ssyncadd.s32 @p1 $0xFFFFFF88  }
0x9d: {  	_ =	swait.ge @p1 [sflag:s23], $0x78  }
0x9e: {  	s3 =	smov.u32 s19;
	[sflag:s23] =	ssyncset.done @p1 $0x0  }
0x9f: {  	s22 =	smov.u32 s3;
	s3 =	simm.s32 @p1 $0x1;
	[sflag:s23] =	ssyncadd.s32 @p1 $0xFFFFFF88  }
0xa0: {  	[tilespmem:s9], [sflag:$0x1] =	stream.indirect.gather @p1 [hbm4b:s1+s5], $0x80, s26, s5, $0xb8;
	[tilespmem:$0x1F400] =	vst v63  }
0xa1: {  	_ =	swait.ge @p1 [sflag:s3], $0x3C00  }
0xa2: {  	s8 =	sadd.s32 @p1 $0x80, s17;
	s10 =	sadd.s32 @p1 $0x280, s17;
	[sflag:s3] =	ssyncset.done @p1 $0x0  }
0xa3: {  	s16 =	sadd.s32 @p1 $0x3C, s6;
	s9 =	simm.s32 @p1 $0x80;
	[sflag:s3] =	ssyncadd.s32 @p1 $0xFFFFC400  }
0xa4: {  	[tilespmem:s9], [sflag:$0x3] =	stream.linear.gather @p1 [hbm4b:s16+s26], $0x78, $0x38;
	[tilespmem:$0x1F400] =	vst v63  }
0xa5: {  	s14 =	sadd.s32 @p1 $0x3C, s12;
	s7 =	sand.u32 @p1 $0x180, s8;
	s8 =	sadd.s32 @p1 $0x4B, s6  }
0xa6: {  	[tilespmem:s11], [sflag:$0x3] =	stream.linear.gather @p1 [hbm4b:s14+s26], $0x78, $0x38;
	[tilespmem:$0x1F400] =	vst v63  }
0xa7: {  	s24 =	sadd.s32 @p1 $0x180, s7;
	s6 =	sand.u32 @p1 $0x180, s10;
	s10 =	simm.s32 @p1 $0x4000  }
0xa8: {  	[spmem:s2] =	stream.indirect.scatter.add.f32 @p1 [tilespmem:s10], [sflag:$0x2], $0x80, s24, s5, $0xb8;
	[tilespmem:$0x1F400] =	vst v63  }
0xa9: {  	_ =	swait.ge @p1 [sflag:s13], $0x3C00  }
0xaa: {  	[sflag:s13] =	ssyncset.done @p1 $0x0  }
0xab: {  	[sflag:s13] =	ssyncadd.s32 @p1 $0xFFFFC400  }
0xac: {  	_ =	swait.ge @p1 [sflag:s23], $0x78  }
0xad: {  	[sflag:s23] =	ssyncset.done @p1 $0x0  }
0xae: {  	[sflag:s23] =	ssyncadd.s32 @p1 $0xFFFFFF88  }
0xaf: {  	_ =	swait.ge @p1 [sflag:s23], $0x78  }
0xb0: {  	[sflag:s23] =	ssyncset.done @p1 $0x0  }
0xb1: {  	[sflag:s23] =	ssyncadd.s32 @p1 $0xFFFFFF88  }
0xb2: {  	[tilespmem:s10], [sflag:$0x1] =	stream.indirect.gather @p1 [hbm4b:s1+s5], $0x80, s9, s5, $0xb8;
	[tilespmem:$0x1F400] =	vst v63  }
0xb3: {  	_ =	swait.ge @p1 [sflag:s3], $0x3C00  }
0xb4: {  	[sflag:s3] =	ssyncset.done @p1 $0x0  }
0xb5: {  	s5 =	simm.s32 @p1 $0x100;
	[sflag:s3] =	ssyncadd.s32 @p1 $0xFFFFC400  }
0xb6: {  	[tilespmem:s5], [sflag:$0x3] =	stream.linear.gather @p1 [hbm4b:s8+s26], $0x78, $0x38;
	[tilespmem:$0x1F400] =	vst v63  }
0xb7: {  	s7 =	sadd.s32 @p1 $0x4B, s12;
	s6 =	sadd.s32 @p1 $0x180, s6;
	s9 =	simm.s32 @!p1 $0x400  }
0xb8: {  	[tilespmem:s6], [sflag:$0x3] =	stream.linear.gather @p1 [hbm4b:s7+s26], $0x78, $0x38;
	[tilespmem:$0x1F400] =	vst v63  }
0xb9: {  	s3 =	simm.s32 @!p1 $0x2;
	s8 =	simm.s32 @!p1 $0x78;
	s5 =	simm.s32 @!p1 $0x200  }
0xba: {  	[spmem:s2] =	stream.indirect.scatter.add.f32 @!p1 [tilespmem:s9], [sflag:$0x2], $0x80, s5, s8, $0xb8;
	[tilespmem:$0x1F400] =	vst v63  }
0xbb: {  	_ =	swait.ge @!p1 [sflag:s3], $0x3C00  }
0xbc: {  	[sflag:s3] =	ssyncset.done @!p1 $0x0  }
0xbd: {  	s5 =	simm.s32 @!p1 $0x1;
	[sflag:s3] =	ssyncadd.s32 @!p1 $0xFFFFC400  }
0xbe: {  	p4 =	seq.s32 s19, $0x0;
	s19 =	sadd.s32 $0x2D, s19;
	_ =	swait.ge @!p1 [sflag:s5], $0x3C00  }
0xbf: {  	p3 =	sne.s32 s19, $0x4EC;
	s6 =	simm.s32 @!p1 $0x280;
	[sflag:s5] =	ssyncset.done @!p1 $0x0  }
.Ltmp0:
0xc0: {  	s7 =	simm.s32 @!p1 $0x4000;
	[sflag:s5] =	ssyncadd.s32 @!p1 $0xFFFFC400;
	(pc) =	sbr.rel @p3 .LBB2_2-.Ltmp0, $4  }
0xc1: {  	[spmem:s2] =	stream.indirect.scatter.add.f32 @!p1 [tilespmem:s7], [sflag:$0x2], $0x80, s6, s8, $0xb8;
	[tilespmem:$0x1F400] =	vst v63  }
0xc2: {  	_ =	swait.ge @!p1 [sflag:s3], $0x3C00  }
0xc3: {  	p2 =	por p4, p4;
	s26 =	sand.u32 $0x180, s17;
	[sflag:s3] =	ssyncset.done @!p1 $0x0  }
0xc4: {  	s17 =	sadd.s32 $0x180, s17;
	s6 =	sxor.u32 $0x100, s26;
	[sflag:s3] =	ssyncadd.s32 @!p1 $0xFFFFC400  }
0xc5: {  	_ =	swait.ge @!p1 [sflag:s5], $0x3C00  }
0xc6: {  	[sflag:s5] =	ssyncset.done @!p1 $0x0  }
0xc7: {  	s3 =	simm.s32 @!p2 $0x2;
	s19 =	sadd.s32 $0x180, s6;
	[sflag:s5] =	ssyncadd.s32 @!p1 $0xFFFFC400  }
0xc8: {  	[spmem:s2] =	stream.indirect.scatter.add.f32 [tilespmem:s29], [sflag:$0x2], $0x80, s19, s21, $0xb8;
	[tilespmem:$0x1F400] =	vst v63  }
0xc9: {  	_ =	swait.ge @!p2 [sflag:s3], $0x3C00  }
0xca: {  	[sflag:s3] =	ssyncset.done @!p2 $0x0  }
0xcb: {  	[sflag:s3] =	ssyncadd.s32 @!p2 $0xFFFFC400  }
0xcc: {  	_ =	swait.ge [sflag:s20], $0x78  }
0xcd: {  	[sflag:s20] =	ssyncset.done $0x0  }
0xce: {  	[sflag:s20] =	ssyncadd.s32 $0xFFFFFF88  }
0xcf: {  	_ =	swait.ge [sflag:s20], $0x78  }
0xd0: {  	[sflag:s20] =	ssyncset.done $0x0  }
0xd1: {  	p1 =	sne.s32 s22, $0x4BF;
	[sflag:s20] =	ssyncadd.s32 $0xFFFFFF88  }
0xd2: {  	[tilespmem:s29], [sflag:$0x1] =	stream.indirect.gather [hbm4b:s1+s21], $0x80, s18, s21, $0xb8;
	[tilespmem:$0x1F400] =	vst v63  }
0xd3: {  	s6 =	simm.s32 @p1 $0x400;
	s8 =	sadd.s32 @p1 $0x180, s17;
	_ =	swait.ge [sflag:s30], $0x3C00  }
0xd4: {  	s7 =	simm.s32 @p1 $0x0;
	s8 =	sand.u32 @p1 $0x180, s8;
	s5 =	rddreg [dreg:$0x4]  }
0xd5: {  	s3 =	rddreg [dreg:$0x5];
	[sflag:s30] =	ssyncset.done $0x0;
	s5 =	sadd.s32 @p1 s22, s5  }
0xd6: {  	s3 =	sadd.s32 @p1 s22, s3;
	[sflag:s30] =	ssyncadd.s32 $0xFFFFC400;
	s9 =	sadd.s32 @p1 $0x2D, s5  }
0xd7: {  	[tilespmem:s7], [sflag:$0x3] =	stream.linear.gather @p1 [hbm4b:s9+s7], $0x78, $0x38;
	[tilespmem:$0x1F400] =	vst v63  }
0xd8: {  	s8 =	sadd.s32 @p1 $0x180, s8;
	s10 =	sadd.s32 @p1 $0x2D, s3;
	s9 =	sand.u32 @p1 $0x180, s17  }
0xd9: {  	[tilespmem:s8], [sflag:$0x3] =	stream.linear.gather @p1 [hbm4b:s10+s7], $0x78, $0x38;
	[tilespmem:$0x1F400] =	vst v63  }
0xda: {  	s8 =	sadd.s32 @p1 $0x180, s9;
	s9 =	simm.s32 @p1 $0x78;
	s10 =	simm.s32 @p1 $0x2  }
0xdb: {  	[spmem:s2] =	stream.indirect.scatter.add.f32 @p1 [tilespmem:s6], [sflag:$0x2], $0x80, s8, s9, $0xb8;
	[tilespmem:$0x1F400] =	vst v63  }
0xdc: {  	_ =	swait.ge @p1 [sflag:s10], $0x3C00  }
0xdd: {  	[sflag:s10] =	ssyncset.done @p1 $0x0  }
0xde: {  	s11 =	simm.s32 @p1 $0x3;
	[sflag:s10] =	ssyncadd.s32 @p1 $0xFFFFC400  }
0xdf: {  	_ =	swait.ge @p1 [sflag:s11], $0x78  }
0xe0: {  	[sflag:s11] =	ssyncset.done @p1 $0x0  }
0xe1: {  	[sflag:s11] =	ssyncadd.s32 @p1 $0xFFFFFF88  }
0xe2: {  	_ =	swait.ge @p1 [sflag:s11], $0x78  }
0xe3: {  	[sflag:s11] =	ssyncset.done @p1 $0x0  }
0xe4: {  	s12 =	simm.s32 @p1 $0x1;
	[sflag:s11] =	ssyncadd.s32 @p1 $0xFFFFFF88  }
0xe5: {  	[tilespmem:s6], [sflag:$0x1] =	stream.indirect.gather @p1 [hbm4b:s1+s9], $0x80, s7, s9, $0xb8;
	[tilespmem:$0x1F400] =	vst v63  }
0xe6: {  	_ =	swait.ge @p1 [sflag:s12], $0x3C00  }
0xe7: {  	[sflag:s12] =	ssyncset.done @p1 $0x0  }
0xe8: {  	s13 =	simm.s32 @p1 $0x80;
	s6 =	sadd.s32 @p1 $0x3C, s5;
	[sflag:s12] =	ssyncadd.s32 @p1 $0xFFFFC400  }
0xe9: {  	[tilespmem:s13], [sflag:$0x3] =	stream.linear.gather @p1 [hbm4b:s6+s7], $0x78, $0x38;
	[tilespmem:$0x1F400] =	vst v63  }
0xea: {  	s6 =	sadd.s32 @p1 $0x3C, s3  }
0xeb: {  	[tilespmem:s8], [sflag:$0x3] =	stream.linear.gather @p1 [hbm4b:s6+s7], $0x78, $0x38;
	[tilespmem:$0x1F400] =	vst v63  }
0xec: {  	s6 =	sadd.s32 @p1 $0x80, s17  }
0xed: {  	s6 =	sand.u32 @p1 $0x180, s6  }
0xee: {  	s8 =	simm.s32 @p1 $0x4000;
	s6 =	sadd.s32 @p1 $0x180, s6  }
0xef: {  	[spmem:s2] =	stream.indirect.scatter.add.f32 @p1 [tilespmem:s8], [sflag:$0x2], $0x80, s6, s9, $0xb8;
	[tilespmem:$0x1F400] =	vst v63  }
0xf0: {  	_ =	swait.ge @p1 [sflag:s10], $0x3C00  }
0xf1: {  	[sflag:s10] =	ssyncset.done @p1 $0x0  }
0xf2: {  	[sflag:s10] =	ssyncadd.s32 @p1 $0xFFFFC400  }
0xf3: {  	_ =	swait.ge @p1 [sflag:s11], $0x78  }
0xf4: {  	[sflag:s11] =	ssyncset.done @p1 $0x0  }
0xf5: {  	[sflag:s11] =	ssyncadd.s32 @p1 $0xFFFFFF88  }
0xf6: {  	_ =	swait.ge @p1 [sflag:s11], $0x78  }
0xf7: {  	[sflag:s11] =	ssyncset.done @p1 $0x0  }
0xf8: {  	[sflag:s11] =	ssyncadd.s32 @p1 $0xFFFFFF88  }
0xf9: {  	[tilespmem:s8], [sflag:$0x1] =	stream.indirect.gather @p1 [hbm4b:s1+s9], $0x80, s13, s9, $0xb8;
	[tilespmem:$0x1F400] =	vst v63  }
0xfa: {  	_ =	swait.ge @p1 [sflag:s12], $0x3C00  }
0xfb: {  	s5 =	sadd.s32 @p1 $0x4B, s5;
	s6 =	sadd.s32 @p1 $0x280, s17;
	[sflag:s12] =	ssyncset.done @p1 $0x0  }
0xfc: {  	s6 =	sand.u32 @p1 $0x180, s6;
	s8 =	simm.s32 @p1 $0x100;
	[sflag:s12] =	ssyncadd.s32 @p1 $0xFFFFC400  }
0xfd: {  	[tilespmem:s8], [sflag:$0x3] =	stream.linear.gather @p1 [hbm4b:s5+s7], $0x78, $0x38;
	[tilespmem:$0x1F400] =	vst v63  }
0xfe: {  	s3 =	sadd.s32 @p1 $0x4B, s3;
	s5 =	sadd.s32 @p1 $0x180, s6;
	s6 =	simm.s32 @!p1 $0x2  }
0xff: {  	[tilespmem:s5], [sflag:$0x3] =	stream.linear.gather @p1 [hbm4b:s3+s7], $0x78, $0x38;
	[tilespmem:$0x1F400] =	vst v63  }
0x100: {  	s3 =	simm.s32 @!p1 $0x78;
	s5 =	simm.s32 @!p1 $0x200;
	s7 =	simm.s32 @!p1 $0x400  }
0x101: {  	[spmem:s2] =	stream.indirect.scatter.add.f32 @!p1 [tilespmem:s7], [sflag:$0x2], $0x80, s5, s3, $0xb8;
	[tilespmem:$0x1F400] =	vst v63  }
0x102: {  	_ =	swait.ge @!p1 [sflag:s6], $0x3C00  }
0x103: {  	[sflag:s6] =	ssyncset.done @!p1 $0x0  }
0x104: {  	s5 =	simm.s32 @!p1 $0x1;
	[sflag:s6] =	ssyncadd.s32 @!p1 $0xFFFFC400  }
0x105: {  	_ =	swait.ge @!p1 [sflag:s5], $0x3C00  }
0x106: {  	[sflag:s5] =	ssyncset.done @!p1 $0x0  }
0x107: {  	s8 =	simm.s32 @!p1 $0x4000;
	s7 =	simm.s32 @!p1 $0x280;
	[sflag:s5] =	ssyncadd.s32 @!p1 $0xFFFFC400  }
0x108: {  	[spmem:s2] =	stream.indirect.scatter.add.f32 @!p1 [tilespmem:s8], [sflag:$0x2], $0x80, s7, s3, $0xb8;
	[tilespmem:$0x1F400] =	vst v63  }
0x109: {  	_ =	swait.ge @!p1 [sflag:s6], $0x3C00  }
0x10a: {  	[sflag:s6] =	ssyncset.done @!p1 $0x0  }
0x10b: {  	[sflag:s6] =	ssyncadd.s32 @!p1 $0xFFFFC400  }
0x10c: {  	s22 =	sand.u32 $0x180, s17;
	_ =	swait.ge @!p1 [sflag:s5], $0x3C00  }
0x10d: {  	s3 =	sxor.u32 $0x100, s22;
	[sflag:s5] =	ssyncset.done @!p1 $0x0  }
0x10e: {  	s3 =	sadd.s32 $0x180, s3;
	[sflag:s5] =	ssyncadd.s32 @!p1 $0xFFFFC400  }
0x10f: {  	[spmem:s2] =	stream.indirect.scatter.add.f32 [tilespmem:s29], [sflag:$0x2], $0x80, s3, s21, $0xb8;
	[tilespmem:$0x1F400] =	vst v63  }
0x110: {  	_ =	swait.ge [sflag:s31], $0x3C00  }
0x111: {  	[sflag:s31] =	ssyncset.done $0x0  }
0x112: {  	[sflag:s31] =	ssyncadd.s32 $0xFFFFC400  }
0x113: {  	[bflag:$0x0] =	sbarrier.arrive $0xFFFF  }
0x114: {  	s23 =	rddreg [dreg:$0xd]  }
0x115: {  	s24 =	rddreg [dreg:$0x11]  }
0x116: {  	[hbm:s23], [sflag:s15] =	dma.local [spmem:s24], $0x2700  }
0x117: {  	_ =	swait.ge [sflag:s28], $0x2700  }
0x118: {  	[sflag:s28] =	ssyncset.done $0x0  }
0x119: {  	s3 =	rddreg [dreg:$0xe];
	[sflag:s28] =	ssyncadd.s32 $0xFFFFD900  }
0x11a: {  	[hbm:s3], [sflag:s15] =	dma.local @!p0 [spmem:s25], $0x100  }
0x11b: {  	s3 =	simm.s32 @!p0 $0x4  }
0x11c: {  	_ =	swait.ge @!p0 [sflag:s3], $0x100  }
0x11d: {  	s0 =	sadd.s32 $0x1, s0;
	s26 =	rddreg [dreg:$0xf]  }
0x11e: {  	p1 =	sne.s32 s0, s26  }
.Ltmp1:
0x11f: {  	_ = 	snop;
	(pc) =	sbr.rel @p1 .LBB2_1-.Ltmp1, $3  }
0x120: {  	_ =	sdelay $0x1  }
0x121: {  	[sflag:s3] =	ssyncset.done @!p0 $0x0  }
0x122: {  	[sflag:s3] =	ssyncadd.s32 @!p0 $0xFFFFFF00  }
0x123: {  	_ =	sfence.sel $0x180000  }
0x124: {  	[bflag:$0x0] =	sbarrier.arrive $0xFFFF  }
0x125: {  	_ =	strace $0x9000004D  }
0x126: {  	s0 =	stileid.u32;
	[bflag:$0x2] =	sbarrier.arrive $0xFFFF  }
0x127: {  	p0 =	sne.s32 s0, $0x0;
	s0 =	rddreg [dreg:$0x3]  }
0x128: {  	s0 =	sadd.s32 @!p0 $0x100000, s0  }
0x129: {  	[sflag:s0] =	ssyncadd.tile.s32 @!p0 $0x1;
	_ =	shalt  }
.Lfunc_end2:
_tile_overlayer_lowered:
.L_overlay_start_2:
0x12a: {  	(tag) =	ssettag $0x2  }
0x12b: {  	s0 =	rddreg [dreg:$0x0];
	s2 =	stileid.u32  }
0x12c: {  	s1 =	rddreg [dreg:$0x1];
	p0 =	sne.s32 s2, $0x0  }
0x12d: {  	s3 =	rddreg [dreg:$0x2];
	[bflag:$0x3] =	sbarrier.arrive $0xFFFF;
	s2 =	simm.s32 @!p0 $0x1C04  }
0x12e: {  	[timem:s3], [sflag:s2] =	dma.local @!p0 [hbm:s0], s1  }
0x12f: {  	s0 =	simm.s32 @!p0 $0x4  }
0x130: {  	_ =	swait.ge @!p0 [sflag:s0], s1  }
0x131: {  	s1 =	ssub.s32 @!p0 $0x0, s1;
	[sflag:s0] =	ssyncset.done @!p0 $0x0  }
0x132: {  	[sflag:s0] =	ssyncadd.s32 @!p0 s1  }
0x133: {  	[bflag:$0x3] =	sbarrier.arrive $0xFFFF  }
0x134: {  	_ =	shalt  }

// kernel: kernel.8.cloned.1.call-start
scs
__scs_entry_jumppad:
0x0: {  	(pc) =	sbr.rel $0x88, $3  }
0x1: {  	(tag) =	ssettag $0x0;
	lr =	simm.s32 $0x1  }
0x2: {  	[smem:$0x3F96] =	sst lr;
	_ =	strace $0xD0000000  }
0x3: {  	_ = 	snop  }
0x4: {  	_ = 	snop  }
0x5: {  	_ = 	snop  }
0x6: {  	_ = 	snop  }
0x7: {  	_ = 	snop  }
__scs_overlays_trampoline_lowered:
0x8: {  	[smem:$0x3FA5] =	sst s0  }
0x9: {  	[smem:$0x3FA6] =	sst s1  }
0xa: {  	[smem:$0x3FA7] =	sst s2  }
0xb: {  	[smem:$0x3FA8] =	sst s3  }
0xc: {  	[smem:$0x3FA9] =	sst s4  }
0xd: {  	[smem:$0x3FAA] =	sst s5  }
0xe: {  	[smem:$0x3FAB] =	sst s6  }
0xf: {  	[smem:$0x3FAC] =	sst s7  }
0x10: {  	[smem:$0x3FAD] =	sst s8  }
0x11: {  	[smem:$0x3FAE] =	sst s9;
	s0 =	simm.s32 @!p0 $0x0  }
0x12: {  	s1 =	sld [smem:$0x3F94];
	s0 =	simm.s32 @p0 $0x1  }
0x13: {  	[smem:$0x3FAF] =	sst s0;
	s0 =	simm.s32 @!p1 $0x0  }
0x14: {  	s2 =	sld [smem:$0x3F93];
	s0 =	simm.s32 @p1 $0x1  }
0x15: {  	[smem:$0x3FB0] =	sst s0;
	s0 =	simm.s32 @!p2 $0x0  }
0x16: {  	s3 =	sld [smem:$0x3FDB];
	s0 =	simm.s32 @p2 $0x1  }
0x17: {  	s4 =	simm.s32 $0x1BF5;
	[smem:$0x3FB2] =	sst s0  }
0x18: {  	s0 =	sld [smem:$0x3F95];
	_ =	swait.ge [sflag:s4], $0x0  }
0x19: {  	s7 =	sld [smem:$0x3F96]  }
0x1a: {  	s8 =	sadd.s32 $0xFFFFE003, lr  }
0x1b: {  	s9 =	sadd.s32 $0xFFFFFEF7, lr;
	s5 =	simm.s32 $0xFFFFFFFF;
	p2 =	slt.u32 s8, $0xFFFFF086  }
0x1c: {  	p1 =	slt.u32 s9, $0xF7A;
	s5 =	simm.s32 @!p2 $0x0  }
0x1d: {  	s5 =	simm.s32 @p1 $0x1;
	p0 =	seq.s32 s7, s2  }
0x1e: {  	s7 =	smul.u32 @!p0 $0xF7A, s2;
	p2 =	seq.s32 @!p0 s5, $0x0  }
0x1f: {  	s9 =	smul.u32 $0xF7A, s1;
	s8 =	simm.s32 @!p0 $0x1BF5;
	p2 =	por !p2, p0  }
0x20: {  	[sflag:s8] =	ssyncset.s32 @!p0 $0xFFFFF086;
	s6 =	sadd.s32 @!p0 s3, s7;
	s7 =	simm.s32 @!p0 $0x108  }
0x21: {  	s3 =	sadd.s32 s3, s9;
	s6 =	sadd.s32 @!p0 $0x88, s6;
	s7 =	simm.s32 @p2 $0x1082  }
0x22: {  	[simem:s7], [sflag:s8] =	dma.local @!p0 [hbm:s6], $0xF7A  }
0x23: {  	s9 =	sor.u32 $0xD0000000, s2;
	s6 =	simm.s32 $0x108;
	_ =	swait.ge @!p0 [sflag:s8], $0x0  }
0x24: {  	s3 =	sadd.s32 $0x88, s3;
	s6 =	simm.s32 @!p1 $0x1082;
	[sflag:s4] =	ssyncset.s32 $0xFFFFF086  }
0x25: {  	[simem:s6], [sflag:s4] =	dma.local [hbm:s3], $0xF7A  }
0x26: {  	[smem:$0x3F96] =	sst s1;
	(tag) =	ssettag s2;
	_ =	strace s9  }
0x27: {  	s1 =	sld [smem:$0x3FA6]  }
0x28: {  	s2 =	sld [smem:$0x3FA7]  }
0x29: {  	s4 =	sld [smem:$0x3FA9]  }
0x2a: {  	p0 =	seq.s32 s5, $0x0;
	s5 =	sld [smem:$0x3FAA]  }
0x2b: {  	s6 =	sld [smem:$0x3FAB]  }
0x2c: {  	s7 =	sld [smem:$0x3FAC]  }
0x2d: {  	s3 =	simm.s32 $0x108;
	s8 =	sld [smem:$0x3FAD]  }
0x2e: {  	s3 =	simm.s32 @!p0 $0x1082;
	s9 =	sld [smem:$0x3FAE]  }
0x2f: {  	lr =	sadd.s32 s0, s3;
	s0 =	sld [smem:$0x3FA5]  }
0x30: {  	s3 =	sld [smem:$0x3FA8]  }
0x31: {  	[smem:$0x3FB1] =	sst s10  }
0x32: {  	s10 =	sld [smem:$0x3FAF];
	_ =	sdelay $0x3  }
0x33: {  	p0 =	seq.s32 s10, $0x1;
	s10 =	sld [smem:$0x3FB1];
	_ =	sdelay $0x3  }
0x34: {  	[smem:$0x3FB1] =	sst s10  }
0x35: {  	s10 =	sld [smem:$0x3FB0];
	_ =	sdelay $0x3  }
0x36: {  	p1 =	seq.s32 s10, $0x1;
	s10 =	sld [smem:$0x3FB1];
	_ =	sdelay $0x3  }
0x37: {  	[smem:$0x3FB1] =	sst s10  }
0x38: {  	s10 =	sld [smem:$0x3FB2]  }
0x39: {  	_ = 	snop;
	(pc) =	sbr.ind lr, $3  }
0x3a: {  	_ = 	snop  }
0x3b: {  	_ = 	snop  }
0x3c: {  	p2 =	seq.s32 s10, $0x1;
	s10 =	sld [smem:$0x3FB1]  }
0x3d: {  	_ =	shalt  }
0x3e: {  	_ =	shalt  }
0x3f: {  	_ =	shalt  }
0x40: {  	_ =	shalt  }
0x41: {  	_ =	shalt  }
0x42: {  	_ =	shalt  }
0x43: {  	_ =	shalt  }
0x44: {  	_ =	shalt  }
0x45: {  	_ =	shalt  }
0x46: {  	_ =	shalt  }
0x47: {  	_ =	shalt  }
0x48: {  	_ =	shalt  }
0x49: {  	_ =	shalt  }
0x4a: {  	_ =	shalt  }
0x4b: {  	_ =	shalt  }
0x4c: {  	_ =	shalt  }
0x4d: {  	_ =	shalt  }
0x4e: {  	_ =	shalt  }
0x4f: {  	_ =	shalt  }
0x50: {  	_ =	shalt  }
0x51: {  	_ =	shalt  }
0x52: {  	_ =	shalt  }
0x53: {  	_ =	shalt  }
0x54: {  	_ =	shalt  }
0x55: {  	_ =	shalt  }
0x56: {  	_ =	shalt  }
0x57: {  	_ =	shalt  }
0x58: {  	_ =	shalt  }
0x59: {  	_ =	shalt  }
0x5a: {  	_ =	shalt  }
0x5b: {  	_ =	shalt  }
0x5c: {  	_ =	shalt  }
0x5d: {  	_ =	shalt  }
0x5e: {  	_ =	shalt  }
0x5f: {  	_ =	shalt  }
0x60: {  	_ =	shalt  }
0x61: {  	_ =	shalt  }
0x62: {  	_ =	shalt  }
0x63: {  	_ =	shalt  }
0x64: {  	_ =	shalt  }
0x65: {  	_ =	shalt  }
0x66: {  	_ =	shalt  }
0x67: {  	_ =	shalt  }
0x68: {  	_ =	shalt  }
0x69: {  	_ =	shalt  }
0x6a: {  	_ =	shalt  }
0x6b: {  	_ =	shalt  }
0x6c: {  	_ =	shalt  }
0x6d: {  	_ =	shalt  }
0x6e: {  	_ =	shalt  }
0x6f: {  	_ =	shalt  }
0x70: {  	_ =	shalt  }
0x71: {  	_ =	shalt  }
0x72: {  	_ =	shalt  }
0x73: {  	_ =	shalt  }
0x74: {  	_ =	shalt  }
0x75: {  	_ =	shalt  }
0x76: {  	_ =	shalt  }
0x77: {  	_ =	shalt  }
0x78: {  	_ =	shalt  }
0x79: {  	_ =	shalt  }
0x7a: {  	_ =	shalt  }
0x7b: {  	_ =	shalt  }
0x7c: {  	_ =	shalt  }
0x7d: {  	_ =	shalt  }
0x7e: {  	_ =	shalt  }
0x7f: {  	_ =	shalt  }
0x80: {  	_ =	shalt  }
0x81: {  	_ =	shalt  }
0x82: {  	_ =	shalt  }
0x83: {  	_ =	shalt  }
0x84: {  	_ =	shalt  }
0x85: {  	_ =	shalt  }
0x86: {  	_ =	shalt  }
0x87: {  	_ =	shalt  }
.Lfunc_end0:
.L_simem_size_0:
called_computation_lowered:
.L_overlay_start_0:
0x88: {  	s2 =	sld [smem:$0x3FD9]  }
0x89: {  	s3 =	sld [smem:$0x3FFE];
	_ =	sdelay $0x1  }
0x8a: {  	s1 =	srdreg.scid  }
0x8b: {  	s0 =	sand.u32 $0x1, s1  }
0x8c: {  	s17 =	sshll.u32 s0, $0xA;
	s2 =	sadd.s32 s3, s2  }
0x8d: {  	s2 =	sadd.s32 s2, s17  }
0x8e: {  	[smem:$0x3FBD] =	sst s2  }
0x8f: {  	_ = 	snop  }
0x90: {  	s2 =	sld [smem:$0x3FC9];
	(tm) =	ssettm $0x1  }
0x91: {  	s18 =	sld [smem:$0x3FFB];
	_ =	sdelay $0x3  }
0x92: {  	_ =	strace s18  }
0x93: {  	s3 =	sld [smem:$0x3FFC];
	_ =	sdelay $0x3  }
0x94: {  	_ =	strace s3  }
0x95: {  	s3 =	sld [smem:$0x3FFD];
	_ =	sdelay $0x3  }
0x96: {  	_ =	strace s3  }
0x97: {  	_ =	strace $0x8FFFFFFF  }
0x98: {  	s19 =	sld [smem:$0x3FDB];
	_ =	sdelay $0x1  }
0x99: {  	s4 =	simm.s32 $_scs_section_size  }
0x9a: {  	s5 =	simm.s32 $_size__tile_overlayer_lowered;
	s6 =	simm.s32 $_tile_overlayer_lowered  }
0x9b: {  	s22 =	simm.s32 $0x1BFF;
	s21 =	sshll.u32 s6, $0x1;
	s3 =	sadd.s32 s4, s19  }
0x9c: {  	s7 =	simm.s32 $0x0;
	s20 =	sshll.u32 s5, $0x1;
	s5 =	sadd.s32 s21, s3  }
0x9d: {  	[timem:s7], [sflag:s22] =	dma.local [hbm:s5], s20  }
0x9e: {  	_ =	swait.ge [sflag:s22], s20  }
0x9f: {  	s4 =	ssub.s32 $0x0, s20;
	[sflag:s22] =	ssyncset.done $0x0  }
0xa0: {  	[sflag:s22] =	ssyncadd.s32 s4;
	_ =	sdelay $0x1  }
0xa1: {  	s23 =	simm.s32 $0x1B8B  }
0xa2: {  	_ =	swait.ge [sflag:s23], $0x1  }
0xa3: {  	[sflag:s23] =	ssyncset.done $0x0  }
0xa4: {  	s25 =	simm.s32 $0x1B8E;
	s24 =	sld [smem:$0x3FFE];
	[sflag:s23] =	ssyncadd.s32 $0xFFFFFFFF  }
0xa5: {  	s26 =	simm.s32 $execute0_lowered;
	[smem:$0x3FD2] =	sst s25  }
0xa6: {  	s5 =	sshll.u32 s26, $0x1;
	_ =	strace $0x80000046;
	[dreg:$0x1] =	wrdreg $0xFFFFFFFF  }
0xa7: {  	s28 =	simm.s32 $_size_execute0_lowered;
	s3 =	sadd.s32 s3, s5;
	[dreg:$0x0] =	wrdreg $0x0  }
0xa8: {  	s5 =	sshll.u32 s28, $0x1;
	[dreg:$0x2] =	wrdreg s3  }
0xa9: {  	[dreg:$0x3] =	wrdreg s5  }
0xaa: {  	[dreg:$0x4] =	wrdreg $0xC0  }
0xab: {  	_ =	task [dreg:s7], $0x5FFFF  }
0xac: {  	[dreg:$0x1] =	wrdreg $0xFFFFFFFF  }
0xad: {  	[dreg:$0x0] =	wrdreg $0x60  }
0xae: {  	[dreg:$0x2] =	wrdreg s2  }
0xaf: {  	[dreg:$0x3] =	wrdreg s24  }
0xb0: {  	[dreg:$0x4] =	wrdreg $0xB8000  }
0xb1: {  	[dreg:$0x5] =	wrdreg $0x9  }
0xb2: {  	_ =	task.clear_ibuf [dreg:s7], $0x6FFFF;
	_ =	strace $0x90000046  }
0xb3: {  	s29 =	simm.s32 $0x9;
	_ =	strace $0x80000048  }
0xb4: {  	_ =	swait.ge [sflag:s29], $0x1  }
0xb5: {  	[sflag:s29] =	ssyncadd.s32 $0xFFFFFFFF  }
0xb6: {  	_ =	strace $0x90000048  }
0xb7: {  	_ =	sfence  }
0xb8: {  	s30 =	sld [smem:$0x0];
	_ =	sdelay $0x2  }
0xb9: {  	s31 =	sshll.u32 s1, $0xD;
	s1 =	sshrl.u32 s1, $0x2  }
0xba: {  	s3 =	sand.u32 $0x4000, s31;
	s1 =	sadd.s32 s1, s30  }
0xbb: {  	s0 =	sor.u32 s3, s0;
	s1 =	sshll.u32 s1, $0x11  }
0xbc: {  	s0 =	sor.u32 s1, s0  }
0xbd: {  	s0 =	sadd.s32 $0x8F2B, s0  }
0xbe: {  	[sflag:s0] =	ssyncadd.remote.s32 $0x1  }
0xbf: {  	_ =	sfence.sel $0xFFFF  }
0xc0: {  	[dreg:$0x0] =	wrdreg $0xFFFFFFFF;
	(pc) =	sbr.abs _section_cstart, $3  }
0xc1: {  	[dreg:$0x1] =	wrdreg $0xFFFFFFFF  }
0xc2: {  	_ =	task.clear_ibuf [dreg:s7], $0x2FFFF;
	_ =	strace $0x9FFFFFFF  }
0xc3: {  	(tm) =	ssettm $0x7FFFFFFF  }
tec
execute0_lowered:
.L_overlay_start_1:
0x0: {  	(tag) =	ssettag $0x1  }
0x1: {  	s1 =	rddreg [dreg:$0x0]  }
0x2: {  	s0 =	rddreg [dreg:$0x1]  }
0x3: {  	s2 =	rddreg [dreg:$0x2];
	s3 =	srdreg.scid;
	s4 =	simm.s32 $0x0  }
0x4: {  	s17 =	stileid.u32;
	s20 =	simm.s32 $0x3;
	s21 =	simm.s32 $0x78  }
0x5: {  	s28 =	simm.s32 $0x4;
	s29 =	simm.s32 $0x7C00;
	s6 =	smul.u32 $0x2780, s17  }
0x6: {  	s30 =	simm.s32 $0x1;
	s31 =	simm.s32 $0x2;
	s25 =	smul.u32 $0x4F000, s17  }
0x7: {  	s3 =	sand.u32 $0x1, s3;
	[smem:$0x7FF] =	sst s4;
	s12 =	smul.u32 $0x4E000, s17  }
0x8: {  	s7 =	sadd.s32 $0x2E00, s0;
	s13 =	sadd.s32 $0xCC00, s0;
	s15 =	smul.u32 $0x2700, s17  }
0x9: {  	p0 =	sne.s32 s17, $0xF;
	s5 =	sshll.u32 s3, $0x4;
	s26 =	smul.u32 $0x27100, s3  }
0xa: {  	_ =	strace $0x80000047;
	s9 =	ssub.s32 $0x2, s3;
	s16 =	smul.u32 $0x138800, s3  }
0xb: {  	s3 =	smul.u32 $0x4EC0, s3;
	s5 =	sor.u32 s17, s5;
	s6 =	sadd.s32 s6, s0  }
0xc: {  	s0 =	sadd.s32 $0x3E200, s0;
	s10 =	sshrl.u32 s9, $0x1;
	s8 =	smul.u32 $0x4EC, s5  }
0xd: {  	s11 =	sshrl.u32 s25, $0x2;
	s5 =	smul.u32 $0x2760, s5;
	s14 =	ssub.s32 s9, s10  }
0xe: {  	s19 =	sadd.s32 s11, s2;
	s6 =	sadd.s32 $0x16A00, s6;
	s16 =	sshrl.u32 s16, $0x3  }
0xf: {  	[dreg:$0xc] =	wrdreg s6;
	s25 =	sshrl.u32 s19, $0x3;
	s22 =	sadd.s32 s7, s8  }
0x10: {  	s23 =	sadd.s32 $0x78, s5;
	s8 =	sadd.s32 s13, s8;
	[dreg:$0x10] =	wrdreg s25  }
0x11: {  	s5 =	sshrl.u32 s5, $0x3;
	[dreg:$0x6] =	wrdreg s22;
	s24 =	sshrl.u32 s23, $0x3  }
0x12: {  	[dreg:$0x7] =	wrdreg s8;
	s5 =	sadd.s32 $0x1E, s5;
	s9 =	sadd.s32 s7, s24  }
0x13: {  	s22 =	sshrl.u32 s12, $0x2;
	s8 =	sadd.s32 s13, s24;
	[dreg:$0x8] =	wrdreg s9  }
0x14: {  	s23 =	smul.u32 $0x4EC, s17;
	s18 =	sadd.s32 s7, s5;
	[dreg:$0x9] =	wrdreg s8  }
0x15: {  	s5 =	sadd.s32 s13, s5;
	s6 =	sadd.s32 s22, s2;
	[dreg:$0xa] =	wrdreg s18  }
0x16: {  	s7 =	sadd.s32 s3, s7;
	s24 =	smax.u32 s14, $0x1;
	[dreg:$0xb] =	wrdreg s5  }
0x17: {  	s3 =	sadd.s32 s3, s13;
	s7 =	sadd.s32 s23, s7;
	[dreg:$0xf] =	wrdreg s24  }
0x18: {  	s8 =	sadd.s32 s15, s26;
	s3 =	sadd.s32 s23, s3;
	[dreg:$0x4] =	wrdreg s7  }
0x19: {  	s18 =	simm.s32 $0x100;
	s26 =	sshrl.u32 s6, $0x3;
	[dreg:$0x5] =	wrdreg s3  }
0x1a: {  	s8 =	sadd.s32 s0, s8;
	s0 =	sadd.s32 s0, s16;
	[dreg:$0x11] =	wrdreg s26  }
0x1b: {  	[dreg:$0xd] =	wrdreg s8;
	s8 =	sadd.s32 $0x138000, s2;
	s0 =	sadd.s32 $0x27000, s0  }
0x1c: {  	[dreg:$0xe] =	wrdreg s0;
	s25 =	sshrl.u32 @!p0 s8, $0x3;
	s0 =	simm.s32 $0x0  }
.LBB2_1:
0x1d: {  	s3 =	rddreg [dreg:$0x6]  }
0x1e: {  	[tilespmem:s4], [sflag:$0x3] =	stream.linear.gather [hbm4b:s3+s4], $0x78, $0x38;
	[tilespmem:$0x1F400] =	vst v63  }
0x1f: {  	s10 =	rddreg [dreg:$0x7];
	s5 =	simm.s32 $0x180  }
0x20: {  	[tilespmem:s5], [sflag:$0x3] =	stream.linear.gather [hbm4b:s10+s4], $0x78, $0x38;
	[tilespmem:$0x1F400] =	vst v63  }
0x21: {  	s11 =	rddreg [dreg:$0x8];
	s12 =	simm.s32 $0x80  }
0x22: {  	[tilespmem:s12], [sflag:$0x3] =	stream.linear.gather [hbm4b:s11+s4], $0x78, $0x38;
	[tilespmem:$0x1F400] =	vst v63  }
0x23: {  	s13 =	rddreg [dreg:$0x9];
	s6 =	simm.s32 $0x200  }
0x24: {  	[tilespmem:s6], [sflag:$0x3] =	stream.linear.gather [hbm4b:s13+s4], $0x78, $0x38;
	[tilespmem:$0x1F400] =	vst v63  }
0x25: {  	s14 =	rddreg [dreg:$0xa]  }
0x26: {  	[tilespmem:s18], [sflag:$0x3] =	stream.linear.gather [hbm4b:s14+s4], $0x78, $0x38;
	[tilespmem:$0x1F400] =	vst v63  }
0x27: {  	s15 =	rddreg [dreg:$0xb];
	s16 =	simm.s32 $0x280  }
0x28: {  	[tilespmem:s16], [sflag:$0x3] =	stream.linear.gather [hbm4b:s15+s4], $0x78, $0x38;
	[tilespmem:$0x1F400] =	vst v63  }
0x29: {  	_ =	swait.ge [sflag:s20], $0x78  }
0x2a: {  	[sflag:s20] =	ssyncset.done $0x0  }
0x2b: {  	[sflag:s20] =	ssyncadd.s32 $0xFFFFFF88  }
0x2c: {  	_ =	swait.ge [sflag:s20], $0x78  }
0x2d: {  	[sflag:s20] =	ssyncset.done $0x0  }
0x2e: {  	s17 =	simm.s32 $0x400;
	[sflag:s20] =	ssyncadd.s32 $0xFFFFFF88  }
0x2f: {  	[tilespmem:s17], [sflag:$0x1] =	stream.indirect.gather [hbm4b:s1+s21], $0x80, s4, s21, $0xb8;
	[tilespmem:$0x1F400] =	vst v63  }
0x30: {  	_ =	swait.ge [sflag:s20], $0x78  }
0x31: {  	[sflag:s20] =	ssyncset.done $0x0  }
0x32: {  	[sflag:s20] =	ssyncadd.s32 $0xFFFFFF88  }
0x33: {  	s19 =	simm.s32 $0x4000;
	s22 =	stileid.u32;
	_ =	swait.ge [sflag:s20], $0x78  }
0x34: {  	s3 =	sshll.u32 s22, $0x6;
	[sflag:s20] =	ssyncset.done $0x0;
	s23 =	rddreg [dreg:$0xc]  }
0x35: {  	s15 =	sor.u32 $0x1C04, s3;
	s24 =	rddreg [dreg:$0x10];
	[sflag:s20] =	ssyncadd.s32 $0xFFFFFF88  }
0x36: {  	[tilespmem:s19], [sflag:$0x1] =	stream.indirect.gather [hbm4b:s1+s21], $0x80, s12, s21, $0xb8;
	[tilespmem:$0x1F400] =	vst v63  }
0x37: {  	[spmem:s24], [sflag:s15] =	dma.local [hbm:s23], $0x2780  }
0x38: {  	_ =	swait.ge [sflag:s28], $0x2780  }
0x39: {  	p1 =	por $0x1, $0x1;
	[sflag:s28] =	ssyncset.done $0x0  }
0x3a: {  	p1 =	por p1, p1;
	[sflag:s28] =	ssyncadd.s32 $0xFFFFD880  }
0x3b: {  	s3 =	simm.s32 @!p1 $0x2;
	[bflag:$0x0] =	sbarrier.arrive $0xFFFF  }
0x3c: {  	_ =	swait.ge @!p1 [sflag:s3], $0x3C00  }
0x3d: {  	[sflag:s3] =	ssyncset.done @!p1 $0x0  }
0x3e: {  	[sflag:s3] =	ssyncadd.s32 @!p1 $0xFFFFC400  }
0x3f: {  	_ =	swait.ge [sflag:s20], $0x78  }
0x40: {  	[sflag:s20] =	ssyncset.done $0x0  }
0x41: {  	[sflag:s20] =	ssyncadd.s32 $0xFFFFFF88  }
0x42: {  	_ =	swait.ge [sflag:s20], $0x78  }
0x43: {  	[sflag:s20] =	ssyncset.done $0x0  }
0x44: {  	p1 =	por $0x1, $0x1;
	[sflag:s20] =	ssyncadd.s32 $0xFFFFFF88  }
0x45: {  	[tilespmem:s29], [sflag:$0x1] =	stream.indirect.gather [hbm4b:s1+s21], $0x80, s18, s21, $0xb8;
	[tilespmem:$0x1F400] =	vst v63  }
0x46: {  	s6 =	simm.s32 @p1 $0x400;
	s8 =	simm.s32 @p1 $0x180;
	_ =	swait.ge [sflag:s30], $0x3C00  }
0x47: {  	s7 =	simm.s32 @p1 $0x0;
	s8 =	sand.u32 @p1 $0x180, s8;
	s5 =	rddreg [dreg:$0x4]  }
0x48: {  	s3 =	rddreg [dreg:$0x5];
	[sflag:s30] =	ssyncset.done $0x0;
	s5 =	sadd.s32 @p1 $0x0, s5  }
0x49: {  	s3 =	sadd.s32 @p1 $0x0, s3;
	[sflag:s30] =	ssyncadd.s32 $0xFFFFC400;
	s17 =	sadd.s32 @p1 $0x2D, s5  }
0x4a: {  	[tilespmem:s7], [sflag:$0x3] =	stream.linear.gather @p1 [hbm4b:s17+s7], $0x78, $0x38;
	[tilespmem:$0x1F400] =	vst v63  }
0x4b: {  	s8 =	sadd.s32 @p1 $0x180, s8;
	s19 =	sadd.s32 @p1 $0x2D, s3;
	s17 =	sand.u32 @p1 $0x180, s4  }
0x4c: {  	[tilespmem:s8], [sflag:$0x3] =	stream.linear.gather @p1 [hbm4b:s19+s7], $0x78, $0x38;
	[tilespmem:$0x1F400] =	vst v63  }
0x4d: {  	s8 =	sadd.s32 @p1 $0x180, s17;
	s17 =	simm.s32 @p1 $0x78;
	s19 =	simm.s32 @p1 $0x2  }
0x4e: {  	[spmem:s2] =	stream.indirect.scatter.add.f32 @p1 [tilespmem:s6], [sflag:$0x2], $0x80, s8, s17, $0xb8;
	[tilespmem:$0x1F400] =	vst v63  }
0x4f: {  	_ =	swait.ge @p1 [sflag:s19], $0x3C00  }
0x50: {  	[sflag:s19] =	ssyncset.done @p1 $0x0  }
0x51: {  	s22 =	simm.s32 @p1 $0x3;
	[sflag:s19] =	ssyncadd.s32 @p1 $0xFFFFC400  }
0x52: {  	_ =	swait.ge @p1 [sflag:s22], $0x78  }
0x53: {  	[sflag:s22] =	ssyncset.done @p1 $0x0  }
0x54: {  	[sflag:s22] =	ssyncadd.s32 @p1 $0xFFFFFF88  }
0x55: {  	_ =	swait.ge @p1 [sflag:s22], $0x78  }
0x56: {  	[sflag:s22] =	ssyncset.done @p1 $0x0  }
0x57: {  	s26 =	simm.s32 @p1 $0x1;
	[sflag:s22] =	ssyncadd.s32 @p1 $0xFFFFFF88  }
0x58: {  	[tilespmem:s6], [sflag:$0x1] =	stream.indirect.gather @p1 [hbm4b:s1+s17], $0x80, s7, s17, $0xb8;
	[tilespmem:$0x1F400] =	vst v63  }
0x59: {  	_ =	swait.ge @p1 [sflag:s26], $0x3C00  }
0x5a: {  	[sflag:s26] =	ssyncset.done @p1 $0x0  }
0x5b: {  	s9 =	simm.s32 @p1 $0x80;
	s6 =	sadd.s32 @p1 $0x3C, s5;
	[sflag:s26] =	ssyncadd.s32 @p1 $0xFFFFC400  }
0x5c: {  	[tilespmem:s9], [sflag:$0x3] =	stream.linear.gather @p1 [hbm4b:s6+s7], $0x78, $0x38;
	[tilespmem:$0x1F400] =	vst v63  }
0x5d: {  	s6 =	sadd.s32 @p1 $0x3C, s3  }
0x5e: {  	[tilespmem:s8], [sflag:$0x3] =	stream.linear.gather @p1 [hbm4b:s6+s7], $0x78, $0x38;
	[tilespmem:$0x1F400] =	vst v63  }
0x5f: {  	s6 =	simm.s32 @p1 $0x80  }
0x60: {  	s6 =	sand.u32 @p1 $0x180, s6  }
0x61: {  	s8 =	simm.s32 @p1 $0x4000;
	s6 =	sadd.s32 @p1 $0x180, s6  }
0x62: {  	[spmem:s2] =	stream.indirect.scatter.add.f32 @p1 [tilespmem:s8], [sflag:$0x2], $0x80, s6, s17, $0xb8;
	[tilespmem:$0x1F400] =	vst v63  }
0x63: {  	_ =	swait.ge @p1 [sflag:s19], $0x3C00  }
0x64: {  	[sflag:s19] =	ssyncset.done @p1 $0x0  }
0x65: {  	[sflag:s19] =	ssyncadd.s32 @p1 $0xFFFFC400  }
0x66: {  	_ =	swait.ge @p1 [sflag:s22], $0x78  }
0x67: {  	[sflag:s22] =	ssyncset.done @p1 $0x0  }
0x68: {  	[sflag:s22] =	ssyncadd.s32 @p1 $0xFFFFFF88  }
0x69: {  	_ =	swait.ge @p1 [sflag:s22], $0x78  }
0x6a: {  	[sflag:s22] =	ssyncset.done @p1 $0x0  }
0x6b: {  	[sflag:s22] =	ssyncadd.s32 @p1 $0xFFFFFF88  }
0x6c: {  	[tilespmem:s8], [sflag:$0x1] =	stream.indirect.gather @p1 [hbm4b:s1+s17], $0x80, s9, s17, $0xb8;
	[tilespmem:$0x1F400] =	vst v63  }
0x6d: {  	_ =	swait.ge @p1 [sflag:s26], $0x3C00  }
0x6e: {  	s5 =	sadd.s32 @p1 $0x4B, s5;
	s6 =	simm.s32 @p1 $0x280;
	[sflag:s26] =	ssyncset.done @p1 $0x0  }
0x6f: {  	s6 =	sand.u32 @p1 $0x180, s6;
	s8 =	simm.s32 @p1 $0x100;
	[sflag:s26] =	ssyncadd.s32 @p1 $0xFFFFC400  }
0x70: {  	[tilespmem:s8], [sflag:$0x3] =	stream.linear.gather @p1 [hbm4b:s5+s7], $0x78, $0x38;
	[tilespmem:$0x1F400] =	vst v63  }
0x71: {  	s3 =	sadd.s32 @p1 $0x4B, s3;
	s5 =	sadd.s32 @p1 $0x180, s6;
	s6 =	simm.s32 @!p1 $0x2  }
0x72: {  	[tilespmem:s5], [sflag:$0x3] =	stream.linear.gather @p1 [hbm4b:s3+s7], $0x78, $0x38;
	[tilespmem:$0x1F400] =	vst v63  }
0x73: {  	s3 =	simm.s32 @!p1 $0x78;
	s5 =	simm.s32 @!p1 $0x200;
	s7 =	simm.s32 @!p1 $0x400  }
0x74: {  	[spmem:s2] =	stream.indirect.scatter.add.f32 @!p1 [tilespmem:s7], [sflag:$0x2], $0x80, s5, s3, $0xb8;
	[tilespmem:$0x1F400] =	vst v63  }
0x75: {  	_ =	swait.ge @!p1 [sflag:s6], $0x3C00  }
0x76: {  	[sflag:s6] =	ssyncset.done @!p1 $0x0  }
0x77: {  	s5 =	simm.s32 @!p1 $0x1;
	[sflag:s6] =	ssyncadd.s32 @!p1 $0xFFFFC400  }
0x78: {  	_ =	swait.ge @!p1 [sflag:s5], $0x3C00  }
0x79: {  	p2 =	por $0x0, $0x0;
	[sflag:s5] =	ssyncset.done @!p1 $0x0  }
0x7a: {  	s8 =	simm.s32 @!p1 $0x4000;
	s7 =	simm.s32 @!p1 $0x280;
	[sflag:s5] =	ssyncadd.s32 @!p1 $0xFFFFC400  }
0x7b: {  	[spmem:s2] =	stream.indirect.scatter.add.f32 @!p1 [tilespmem:s8], [sflag:$0x2], $0x80, s7, s3, $0xb8;
	[tilespmem:$0x1F400] =	vst v63  }
0x7c: {  	p2 =	por p2, p2;
	s19 =	simm.s32 $0x5A;
	_ =	swait.ge @!p1 [sflag:s6], $0x3C00  }
0x7d: {  	s22 =	simm.s32 $0x2D;
	s26 =	sand.u32 $0x180, s4;
	[sflag:s6] =	ssyncset.done @!p1 $0x0  }
0x7e: {  	s17 =	simm.s32 $0x180;
	[sflag:s6] =	ssyncadd.s32 @!p1 $0xFFFFC400;
	s6 =	sxor.u32 $0x100, s26  }
.LBB2_2:
0x7f: {  	_ =	swait.ge @!p1 [sflag:s5], $0x3C00  }
0x80: {  	[sflag:s5] =	ssyncset.done @!p1 $0x0  }
0x81: {  	s7 =	simm.s32 @!p2 $0x2;
	s24 =	sadd.s32 $0x180, s6;
	[sflag:s5] =	ssyncadd.s32 @!p1 $0xFFFFC400  }
0x82: {  	[spmem:s2] =	stream.indirect.scatter.add.f32 [tilespmem:s29], [sflag:$0x2], $0x80, s24, s21, $0xb8;
	[tilespmem:$0x1F400] =	vst v63  }
0x83: {  	_ =	swait.ge @!p2 [sflag:s7], $0x3C00  }
0x84: {  	[sflag:s7] =	ssyncset.done @!p2 $0x0  }
0x85: {  	[sflag:s7] =	ssyncadd.s32 @!p2 $0xFFFFC400  }
0x86: {  	_ =	swait.ge [sflag:s20], $0x78  }
0x87: {  	[sflag:s20] =	ssyncset.done $0x0  }
0x88: {  	[sflag:s20] =	ssyncadd.s32 $0xFFFFFF88  }
0x89: {  	_ =	swait.ge [sflag:s20], $0x78  }
0x8a: {  	[sflag:s20] =	ssyncset.done $0x0  }
0x8b: {  	[sflag:s20] =	ssyncadd.s32 $0xFFFFFF88  }
0x8c: {  	[tilespmem:s29], [sflag:$0x1] =	stream.indirect.gather [hbm4b:s1+s21], $0x80, s18, s21, $0xb8;
	[tilespmem:$0x1F400] =	vst v63  }
0x8d: {  	p1 =	sne.s32 s22, $0x4BF;
	_ =	swait.ge [sflag:s30], $0x3C00  }
0x8e: {  	s9 =	simm.s32 @p1 $0x400;
	s5 =	rddreg [dreg:$0x5]  }
0x8f: {  	s26 =	simm.s32 @p1 $0x0;
	s11 =	sadd.s32 @p1 $0x180, s17;
	s6 =	rddreg [dreg:$0x4]  }
0x90: {  	[sflag:s30] =	ssyncset.done $0x0;
	s12 =	sadd.s32 @p1 s22, s5;
	s6 =	sadd.s32 @p1 s22, s6  }
0x91: {  	[sflag:s30] =	ssyncadd.s32 $0xFFFFC400;
	s5 =	sand.u32 @p1 $0x180, s11;
	s11 =	sadd.s32 @p1 $0x2D, s6  }
0x92: {  	[tilespmem:s26], [sflag:$0x3] =	stream.linear.gather @p1 [hbm4b:s11+s26], $0x78, $0x38;
	[tilespmem:$0x1F400] =	vst v63  }
0x93: {  	s7 =	sand.u32 @p1 $0x180, s17;
	s22 =	sadd.s32 @p1 $0x180, s5;
	s16 =	sadd.s32 @p1 $0x2D, s12  }
0x94: {  	[tilespmem:s22], [sflag:$0x3] =	stream.linear.gather @p1 [hbm4b:s16+s26], $0x78, $0x38;
	[tilespmem:$0x1F400] =	vst v63  }
0x95: {  	s13 =	simm.s32 @p1 $0x2;
	s5 =	simm.s32 @p1 $0x78;
	s11 =	sadd.s32 @p1 $0x180, s7  }
0x96: {  	[spmem:s2] =	stream.indirect.scatter.add.f32 @p1 [tilespmem:s9], [sflag:$0x2], $0x80, s11, s5, $0xb8;
	[tilespmem:$0x1F400] =	vst v63  }
0x97: {  	_ =	swait.ge @p1 [sflag:s13], $0x3C00  }
0x98: {  	[sflag:s13] =	ssyncset.done @p1 $0x0  }
0x99: {  	s23 =	simm.s32 @p1 $0x3;
	[sflag:s13] =	ssyncadd.s32 @p1 $0xFFFFC400  }
0x9a: {  	_ =	swait.ge @p1 [sflag:s23], $0x78  }
0x9b: {  	[sflag:s23] =	ssyncset.done @p1 $0x0  }
0x9c: {  	[sflag:s23] =	ssyncadd.s32 @p1 $0xFFFFFF88  }
0x9d: {  	_ =	swait.ge @p1 [sflag:s23], $0x78  }
0x9e: {  	s3 =	smov.u32 s19;
	[sflag:s23] =	ssyncset.done @p1 $0x0  }
0x9f: {  	s22 =	smov.u32 s3;
	s3 =	simm.s32 @p1 $0x1;
	[sflag:s23] =	ssyncadd.s32 @p1 $0xFFFFFF88  }
0xa0: {  	[tilespmem:s9], [sflag:$0x1] =	stream.indirect.gather @p1 [hbm4b:s1+s5], $0x80, s26, s5, $0xb8;
	[tilespmem:$0x1F400] =	vst v63  }
0xa1: {  	_ =	swait.ge @p1 [sflag:s3], $0x3C00  }
0xa2: {  	s8 =	sadd.s32 @p1 $0x80, s17;
	s10 =	sadd.s32 @p1 $0x280, s17;
	[sflag:s3] =	ssyncset.done @p1 $0x0  }
0xa3: {  	s16 =	sadd.s32 @p1 $0x3C, s6;
	s9 =	simm.s32 @p1 $0x80;
	[sflag:s3] =	ssyncadd.s32 @p1 $0xFFFFC400  }
0xa4: {  	[tilespmem:s9], [sflag:$0x3] =	stream.linear.gather @p1 [hbm4b:s16+s26], $0x78, $0x38;
	[tilespmem:$0x1F400] =	vst v63  }
0xa5: {  	s14 =	sadd.s32 @p1 $0x3C, s12;
	s7 =	sand.u32 @p1 $0x180, s8;
	s8 =	sadd.s32 @p1 $0x4B, s6  }
0xa6: {  	[tilespmem:s11], [sflag:$0x3] =	stream.linear.gather @p1 [hbm4b:s14+s26], $0x78, $0x38;
	[tilespmem:$0x1F400] =	vst v63  }
0xa7: {  	s24 =	sadd.s32 @p1 $0x180, s7;
	s6 =	sand.u32 @p1 $0x180, s10;
	s10 =	simm.s32 @p1 $0x4000  }
0xa8: {  	[spmem:s2] =	stream.indirect.scatter.add.f32 @p1 [tilespmem:s10], [sflag:$0x2], $0x80, s24, s5, $0xb8;
	[tilespmem:$0x1F400] =	vst v63  }
0xa9: {  	_ =	swait.ge @p1 [sflag:s13], $0x3C00  }
0xaa: {  	[sflag:s13] =	ssyncset.done @p1 $0x0  }
0xab: {  	[sflag:s13] =	ssyncadd.s32 @p1 $0xFFFFC400  }
0xac: {  	_ =	swait.ge @p1 [sflag:s23], $0x78  }
0xad: {  	[sflag:s23] =	ssyncset.done @p1 $0x0  }
0xae: {  	[sflag:s23] =	ssyncadd.s32 @p1 $0xFFFFFF88  }
0xaf: {  	_ =	swait.ge @p1 [sflag:s23], $0x78  }
0xb0: {  	[sflag:s23] =	ssyncset.done @p1 $0x0  }
0xb1: {  	[sflag:s23] =	ssyncadd.s32 @p1 $0xFFFFFF88  }
0xb2: {  	[tilespmem:s10], [sflag:$0x1] =	stream.indirect.gather @p1 [hbm4b:s1+s5], $0x80, s9, s5, $0xb8;
	[tilespmem:$0x1F400] =	vst v63  }
0xb3: {  	_ =	swait.ge @p1 [sflag:s3], $0x3C00  }
0xb4: {  	[sflag:s3] =	ssyncset.done @p1 $0x0  }
0xb5: {  	s5 =	simm.s32 @p1 $0x100;
	[sflag:s3] =	ssyncadd.s32 @p1 $0xFFFFC400  }
0xb6: {  	[tilespmem:s5], [sflag:$0x3] =	stream.linear.gather @p1 [hbm4b:s8+s26], $0x78, $0x38;
	[tilespmem:$0x1F400] =	vst v63  }
0xb7: {  	s7 =	sadd.s32 @p1 $0x4B, s12;
	s6 =	sadd.s32 @p1 $0x180, s6;
	s9 =	simm.s32 @!p1 $0x400  }
0xb8: {  	[tilespmem:s6], [sflag:$0x3] =	stream.linear.gather @p1 [hbm4b:s7+s26], $0x78, $0x38;
	[tilespmem:$0x1F400] =	vst v63  }
0xb9: {  	s3 =	simm.s32 @!p1 $0x2;
	s8 =	simm.s32 @!p1 $0x78;
	s5 =	simm.s32 @!p1 $0x200  }
0xba: {  	[spmem:s2] =	stream.indirect.scatter.add.f32 @!p1 [tilespmem:s9], [sflag:$0x2], $0x80, s5, s8, $0xb8;
	[tilespmem:$0x1F400] =	vst v63  }
0xbb: {  	_ =	swait.ge @!p1 [sflag:s3], $0x3C00  }
0xbc: {  	[sflag:s3] =	ssyncset.done @!p1 $0x0  }
0xbd: {  	s5 =	simm.s32 @!p1 $0x1;
	[sflag:s3] =	ssyncadd.s32 @!p1 $0xFFFFC400  }
0xbe: {  	p4 =	seq.s32 s19, $0x0;
	s19 =	sadd.s32 $0x2D, s19;
	_ =	swait.ge @!p1 [sflag:s5], $0x3C00  }
0xbf: {  	p3 =	sne.s32 s19, $0x4EC;
	s6 =	simm.s32 @!p1 $0x280;
	[sflag:s5] =	ssyncset.done @!p1 $0x0  }
.Ltmp0:
0xc0: {  	s7 =	simm.s32 @!p1 $0x4000;
	[sflag:s5] =	ssyncadd.s32 @!p1 $0xFFFFC400;
	(pc) =	sbr.rel @p3 .LBB2_2-.Ltmp0, $4  }
0xc1: {  	[spmem:s2] =	stream.indirect.scatter.add.f32 @!p1 [tilespmem:s7], [sflag:$0x2], $0x80, s6, s8, $0xb8;
	[tilespmem:$0x1F400] =	vst v63  }
0xc2: {  	_ =	swait.ge @!p1 [sflag:s3], $0x3C00  }
0xc3: {  	p2 =	por p4, p4;
	s26 =	sand.u32 $0x180, s17;
	[sflag:s3] =	ssyncset.done @!p1 $0x0  }
0xc4: {  	s17 =	sadd.s32 $0x180, s17;
	s6 =	sxor.u32 $0x100, s26;
	[sflag:s3] =	ssyncadd.s32 @!p1 $0xFFFFC400  }
0xc5: {  	_ =	swait.ge @!p1 [sflag:s5], $0x3C00  }
0xc6: {  	[sflag:s5] =	ssyncset.done @!p1 $0x0  }
0xc7: {  	s3 =	simm.s32 @!p2 $0x2;
	s19 =	sadd.s32 $0x180, s6;
	[sflag:s5] =	ssyncadd.s32 @!p1 $0xFFFFC400  }
0xc8: {  	[spmem:s2] =	stream.indirect.scatter.add.f32 [tilespmem:s29], [sflag:$0x2], $0x80, s19, s21, $0xb8;
	[tilespmem:$0x1F400] =	vst v63  }
0xc9: {  	_ =	swait.ge @!p2 [sflag:s3], $0x3C00  }
0xca: {  	[sflag:s3] =	ssyncset.done @!p2 $0x0  }
0xcb: {  	[sflag:s3] =	ssyncadd.s32 @!p2 $0xFFFFC400  }
0xcc: {  	_ =	swait.ge [sflag:s20], $0x78  }
0xcd: {  	[sflag:s20] =	ssyncset.done $0x0  }
0xce: {  	[sflag:s20] =	ssyncadd.s32 $0xFFFFFF88  }
0xcf: {  	_ =	swait.ge [sflag:s20], $0x78  }
0xd0: {  	[sflag:s20] =	ssyncset.done $0x0  }
0xd1: {  	p1 =	sne.s32 s22, $0x4BF;
	[sflag:s20] =	ssyncadd.s32 $0xFFFFFF88  }
0xd2: {  	[tilespmem:s29], [sflag:$0x1] =	stream.indirect.gather [hbm4b:s1+s21], $0x80, s18, s21, $0xb8;
	[tilespmem:$0x1F400] =	vst v63  }
0xd3: {  	s6 =	simm.s32 @p1 $0x400;
	s8 =	sadd.s32 @p1 $0x180, s17;
	_ =	swait.ge [sflag:s30], $0x3C00  }
0xd4: {  	s7 =	simm.s32 @p1 $0x0;
	s8 =	sand.u32 @p1 $0x180, s8;
	s5 =	rddreg [dreg:$0x4]  }
0xd5: {  	s3 =	rddreg [dreg:$0x5];
	[sflag:s30] =	ssyncset.done $0x0;
	s5 =	sadd.s32 @p1 s22, s5  }
0xd6: {  	s3 =	sadd.s32 @p1 s22, s3;
	[sflag:s30] =	ssyncadd.s32 $0xFFFFC400;
	s9 =	sadd.s32 @p1 $0x2D, s5  }
0xd7: {  	[tilespmem:s7], [sflag:$0x3] =	stream.linear.gather @p1 [hbm4b:s9+s7], $0x78, $0x38;
	[tilespmem:$0x1F400] =	vst v63  }
0xd8: {  	s8 =	sadd.s32 @p1 $0x180, s8;
	s10 =	sadd.s32 @p1 $0x2D, s3;
	s9 =	sand.u32 @p1 $0x180, s17  }
0xd9: {  	[tilespmem:s8], [sflag:$0x3] =	stream.linear.gather @p1 [hbm4b:s10+s7], $0x78, $0x38;
	[tilespmem:$0x1F400] =	vst v63  }
0xda: {  	s8 =	sadd.s32 @p1 $0x180, s9;
	s9 =	simm.s32 @p1 $0x78;
	s10 =	simm.s32 @p1 $0x2  }
0xdb: {  	[spmem:s2] =	stream.indirect.scatter.add.f32 @p1 [tilespmem:s6], [sflag:$0x2], $0x80, s8, s9, $0xb8;
	[tilespmem:$0x1F400] =	vst v63  }
0xdc: {  	_ =	swait.ge @p1 [sflag:s10], $0x3C00  }
0xdd: {  	[sflag:s10] =	ssyncset.done @p1 $0x0  }
0xde: {  	s11 =	simm.s32 @p1 $0x3;
	[sflag:s10] =	ssyncadd.s32 @p1 $0xFFFFC400  }
0xdf: {  	_ =	swait.ge @p1 [sflag:s11], $0x78  }
0xe0: {  	[sflag:s11] =	ssyncset.done @p1 $0x0  }
0xe1: {  	[sflag:s11] =	ssyncadd.s32 @p1 $0xFFFFFF88  }
0xe2: {  	_ =	swait.ge @p1 [sflag:s11], $0x78  }
0xe3: {  	[sflag:s11] =	ssyncset.done @p1 $0x0  }
0xe4: {  	s12 =	simm.s32 @p1 $0x1;
	[sflag:s11] =	ssyncadd.s32 @p1 $0xFFFFFF88  }
0xe5: {  	[tilespmem:s6], [sflag:$0x1] =	stream.indirect.gather @p1 [hbm4b:s1+s9], $0x80, s7, s9, $0xb8;
	[tilespmem:$0x1F400] =	vst v63  }
0xe6: {  	_ =	swait.ge @p1 [sflag:s12], $0x3C00  }
0xe7: {  	[sflag:s12] =	ssyncset.done @p1 $0x0  }
0xe8: {  	s13 =	simm.s32 @p1 $0x80;
	s6 =	sadd.s32 @p1 $0x3C, s5;
	[sflag:s12] =	ssyncadd.s32 @p1 $0xFFFFC400  }
0xe9: {  	[tilespmem:s13], [sflag:$0x3] =	stream.linear.gather @p1 [hbm4b:s6+s7], $0x78, $0x38;
	[tilespmem:$0x1F400] =	vst v63  }
0xea: {  	s6 =	sadd.s32 @p1 $0x3C, s3  }
0xeb: {  	[tilespmem:s8], [sflag:$0x3] =	stream.linear.gather @p1 [hbm4b:s6+s7], $0x78, $0x38;
	[tilespmem:$0x1F400] =	vst v63  }
0xec: {  	s6 =	sadd.s32 @p1 $0x80, s17  }
0xed: {  	s6 =	sand.u32 @p1 $0x180, s6  }
0xee: {  	s8 =	simm.s32 @p1 $0x4000;
	s6 =	sadd.s32 @p1 $0x180, s6  }
0xef: {  	[spmem:s2] =	stream.indirect.scatter.add.f32 @p1 [tilespmem:s8], [sflag:$0x2], $0x80, s6, s9, $0xb8;
	[tilespmem:$0x1F400] =	vst v63  }
0xf0: {  	_ =	swait.ge @p1 [sflag:s10], $0x3C00  }
0xf1: {  	[sflag:s10] =	ssyncset.done @p1 $0x0  }
0xf2: {  	[sflag:s10] =	ssyncadd.s32 @p1 $0xFFFFC400  }
0xf3: {  	_ =	swait.ge @p1 [sflag:s11], $0x78  }
0xf4: {  	[sflag:s11] =	ssyncset.done @p1 $0x0  }
0xf5: {  	[sflag:s11] =	ssyncadd.s32 @p1 $0xFFFFFF88  }
0xf6: {  	_ =	swait.ge @p1 [sflag:s11], $0x78  }
0xf7: {  	[sflag:s11] =	ssyncset.done @p1 $0x0  }
0xf8: {  	[sflag:s11] =	ssyncadd.s32 @p1 $0xFFFFFF88  }
0xf9: {  	[tilespmem:s8], [sflag:$0x1] =	stream.indirect.gather @p1 [hbm4b:s1+s9], $0x80, s13, s9, $0xb8;
	[tilespmem:$0x1F400] =	vst v63  }
0xfa: {  	_ =	swait.ge @p1 [sflag:s12], $0x3C00  }
0xfb: {  	s5 =	sadd.s32 @p1 $0x4B, s5;
	s6 =	sadd.s32 @p1 $0x280, s17;
	[sflag:s12] =	ssyncset.done @p1 $0x0  }
0xfc: {  	s6 =	sand.u32 @p1 $0x180, s6;
	s8 =	simm.s32 @p1 $0x100;
	[sflag:s12] =	ssyncadd.s32 @p1 $0xFFFFC400  }
0xfd: {  	[tilespmem:s8], [sflag:$0x3] =	stream.linear.gather @p1 [hbm4b:s5+s7], $0x78, $0x38;
	[tilespmem:$0x1F400] =	vst v63  }
0xfe: {  	s3 =	sadd.s32 @p1 $0x4B, s3;
	s5 =	sadd.s32 @p1 $0x180, s6;
	s6 =	simm.s32 @!p1 $0x2  }
0xff: {  	[tilespmem:s5], [sflag:$0x3] =	stream.linear.gather @p1 [hbm4b:s3+s7], $0x78, $0x38;
	[tilespmem:$0x1F400] =	vst v63  }
0x100: {  	s3 =	simm.s32 @!p1 $0x78;
	s5 =	simm.s32 @!p1 $0x200;
	s7 =	simm.s32 @!p1 $0x400  }
0x101: {  	[spmem:s2] =	stream.indirect.scatter.add.f32 @!p1 [tilespmem:s7], [sflag:$0x2], $0x80, s5, s3, $0xb8;
	[tilespmem:$0x1F400] =	vst v63  }
0x102: {  	_ =	swait.ge @!p1 [sflag:s6], $0x3C00  }
0x103: {  	[sflag:s6] =	ssyncset.done @!p1 $0x0  }
0x104: {  	s5 =	simm.s32 @!p1 $0x1;
	[sflag:s6] =	ssyncadd.s32 @!p1 $0xFFFFC400  }
0x105: {  	_ =	swait.ge @!p1 [sflag:s5], $0x3C00  }
0x106: {  	[sflag:s5] =	ssyncset.done @!p1 $0x0  }
0x107: {  	s8 =	simm.s32 @!p1 $0x4000;
	s7 =	simm.s32 @!p1 $0x280;
	[sflag:s5] =	ssyncadd.s32 @!p1 $0xFFFFC400  }
0x108: {  	[spmem:s2] =	stream.indirect.scatter.add.f32 @!p1 [tilespmem:s8], [sflag:$0x2], $0x80, s7, s3, $0xb8;
	[tilespmem:$0x1F400] =	vst v63  }
0x109: {  	_ =	swait.ge @!p1 [sflag:s6], $0x3C00  }
0x10a: {  	[sflag:s6] =	ssyncset.done @!p1 $0x0  }
0x10b: {  	[sflag:s6] =	ssyncadd.s32 @!p1 $0xFFFFC400  }
0x10c: {  	s22 =	sand.u32 $0x180, s17;
	_ =	swait.ge @!p1 [sflag:s5], $0x3C00  }
0x10d: {  	s3 =	sxor.u32 $0x100, s22;
	[sflag:s5] =	ssyncset.done @!p1 $0x0  }
0x10e: {  	s3 =	sadd.s32 $0x180, s3;
	[sflag:s5] =	ssyncadd.s32 @!p1 $0xFFFFC400  }
0x10f: {  	[spmem:s2] =	stream.indirect.scatter.add.f32 [tilespmem:s29], [sflag:$0x2], $0x80, s3, s21, $0xb8;
	[tilespmem:$0x1F400] =	vst v63  }
0x110: {  	_ =	swait.ge [sflag:s31], $0x3C00  }
0x111: {  	[sflag:s31] =	ssyncset.done $0x0  }
0x112: {  	[sflag:s31] =	ssyncadd.s32 $0xFFFFC400  }
0x113: {  	[bflag:$0x0] =	sbarrier.arrive $0xFFFF  }
0x114: {  	s23 =	rddreg [dreg:$0xd]  }
0x115: {  	s24 =	rddreg [dreg:$0x11]  }
0x116: {  	[hbm:s23], [sflag:s15] =	dma.local [spmem:s24], $0x2700  }
0x117: {  	_ =	swait.ge [sflag:s28], $0x2700  }
0x118: {  	[sflag:s28] =	ssyncset.done $0x0  }
0x119: {  	s3 =	rddreg [dreg:$0xe];
	[sflag:s28] =	ssyncadd.s32 $0xFFFFD900  }
0x11a: {  	[hbm:s3], [sflag:s15] =	dma.local @!p0 [spmem:s25], $0x100  }
0x11b: {  	s3 =	simm.s32 @!p0 $0x4  }
0x11c: {  	_ =	swait.ge @!p0 [sflag:s3], $0x100  }
0x11d: {  	s0 =	sadd.s32 $0x1, s0;
	s26 =	rddreg [dreg:$0xf]  }
0x11e: {  	p1 =	sne.s32 s0, s26  }
.Ltmp1:
0x11f: {  	_ = 	snop;
	(pc) =	sbr.rel @p1 .LBB2_1-.Ltmp1, $3  }
0x120: {  	_ =	sdelay $0x1  }
0x121: {  	[sflag:s3] =	ssyncset.done @!p0 $0x0  }
0x122: {  	[sflag:s3] =	ssyncadd.s32 @!p0 $0xFFFFFF00  }
0x123: {  	_ =	sfence.sel $0x180000  }
0x124: {  	[bflag:$0x0] =	sbarrier.arrive $0xFFFF  }
0x125: {  	_ =	strace $0x90000047  }
0x126: {  	s0 =	stileid.u32;
	[bflag:$0x2] =	sbarrier.arrive $0xFFFF  }
0x127: {  	p0 =	sne.s32 s0, $0x0;
	s0 =	rddreg [dreg:$0x3]  }
0x128: {  	s0 =	sadd.s32 @!p0 $0x100000, s0  }
0x129: {  	[sflag:s0] =	ssyncadd.tile.s32 @!p0 $0x1;
	_ =	shalt  }
.Lfunc_end2:
_tile_overlayer_lowered:
.L_overlay_start_2:
0x12a: {  	(tag) =	ssettag $0x2  }
0x12b: {  	s0 =	rddreg [dreg:$0x0];
	s2 =	stileid.u32  }
0x12c: {  	s1 =	rddreg [dreg:$0x1];
	p0 =	sne.s32 s2, $0x0  }
0x12d: {  	s3 =	rddreg [dreg:$0x2];
	[bflag:$0x3] =	sbarrier.arrive $0xFFFF;
	s2 =	simm.s32 @!p0 $0x1C04  }
0x12e: {  	[timem:s3], [sflag:s2] =	dma.local @!p0 [hbm:s0], s1  }
0x12f: {  	s0 =	simm.s32 @!p0 $0x4  }
0x130: {  	_ =	swait.ge @!p0 [sflag:s0], s1  }
0x131: {  	s1 =	ssub.s32 @!p0 $0x0, s1;
	[sflag:s0] =	ssyncset.done @!p0 $0x0  }
0x132: {  	[sflag:s0] =	ssyncadd.s32 @!p0 s1  }
0x133: {  	[bflag:$0x3] =	sbarrier.arrive $0xFFFF  }
0x134: {  	_ =	shalt  }

</sc_bundles>
